<compile_context>
chip_gen: v7x
topology: tpu7x:2x2x1
jax: 0.10.2.dev20260603
libtpu: 0.0.44.dev20260713+nightly
codegen_flags: <defaults>
</compile_context>

<pallas_src>
import functools

import jax
import jax.numpy as jnp
from jax import lax
from jax.experimental import pallas as pl
from jax.experimental.pallas import tpu as pltpu
from jax.experimental.pallas import tpu_sc as plsc

D_MODEL = 64
SEQ = 200
BATCH = 4096
ROWS = SEQ * BATCH
NC = 2
NS = 16
NW = NC * NS
PER_W = ROWS // NW
KC = 256
SPLIT = 2
IDXW = KC // SPLIT
NB = 4
NHALF = 2
NCH_H = PER_W // KC // NHALF
LANES = 16


def _emb_body(seq_hbm, p1_hbm, p2_hbm, wtab_hbm, ptab_hbm, out_hbm,
              idx_w, idx_p1, idx_p2, idx_out, b0, b1, b2, b3, sems):
    wid = lax.axis_index("s") * NC + lax.axis_index("c")
    bufs = [b0, b1, b2, b3]
    iota = lax.iota(jnp.int32, LANES)

    def drain(b):
        pltpu.make_async_copy(out_hbm.at[pl.ds(0, KC)], bufs[b],
                              sems.at[b]).wait()

    for h in range(NHALF):
        idxrow = (wid * NHALF + h) * NCH_H * SPLIT
        base = (wid * NHALF + h) * NCH_H * KC
        pltpu.sync_copy(seq_hbm.at[pl.ds(idxrow, NCH_H * SPLIT)], idx_w)
        pltpu.sync_copy(p1_hbm.at[pl.ds(idxrow, NCH_H * SPLIT)], idx_p1)
        pltpu.sync_copy(p2_hbm.at[pl.ds(idxrow, NCH_H * SPLIT)], idx_p2)

        def step(t, b):
            @pl.when((t >= 3) & (t < NCH_H + 3))
            def _():
                b3 = (b - 3) % NB
                drain(b3)
                tok0 = base + (t - 3) * KC
                for q in range(SPLIT):
                    for v in range(IDXW // LANES):
                        tok = tok0 + q * IDXW + v * LANES + iota
                        orow = ((tok & (BATCH - 1)) * SEQ) + (tok >> 12)
                        idx_out[b3 * SPLIT + q,
                                pl.ds(v * LANES, LANES)] = orow * 2
                for q in range(SPLIT):
                    pltpu.async_copy(
                        bufs[b3].at[pl.ds(q * IDXW, IDXW)],
                        out_hbm.at[idx_out.at[b3 * SPLIT + q]],
                        sems.at[b3])

            @pl.when((t >= 2) & (t < NCH_H + 2))
            def _():
                b2_ = (b - 2) % NB
                drain(b2_)
                for q in range(SPLIT):
                    pltpu.async_copy(
                        ptab_hbm.at[idx_p2.at[(t - 2) * SPLIT + q]],
                        bufs[b2_].at[pl.ds(q * IDXW, IDXW)],
                        sems.at[b2_], add=True)

            @pl.when((t >= 1) & (t < NCH_H + 1))
            def _():
                b1_ = (b - 1) % NB
                drain(b1_)
                for q in range(SPLIT):
                    pltpu.async_copy(
                        ptab_hbm.at[idx_p1.at[(t - 1) * SPLIT + q]],
                        bufs[b1_].at[pl.ds(q * IDXW, IDXW)],
                        sems.at[b1_], add=True)

            @pl.when(t < NCH_H)
            def _():
                @pl.when(t >= NB)
                def _():
                    drain(b)

                for q in range(SPLIT):
                    pltpu.async_copy(
                        wtab_hbm.at[idx_w.at[t * SPLIT + q]],
                        bufs[b].at[pl.ds(q * IDXW, IDXW)],
                        sems.at[b])

        def outer(g, _):
            for b in range(NB):
                step(g * NB + b, b)
            return 0

        lax.fori_loop(0, (NCH_H + 3 + NB - 1) // NB, outer, 0)

        for b in range(NB):
            drain(b)


@jax.jit
def _run(seq2d, p1_2d, p2_2d, wtab, ptab):
    mesh = plsc.VectorSubcoreMesh(
        core_axis_name="c", subcore_axis_name="s",
        num_cores=NC, num_subcores=NS)
    return pl.kernel(
        _emb_body,
        out_type=jax.ShapeDtypeStruct((2 * ROWS, D_MODEL), jnp.float32),
        mesh=mesh,
        scratch_types=[
            pltpu.VMEM((NCH_H * SPLIT, IDXW), jnp.int32),
            pltpu.VMEM((NCH_H * SPLIT, IDXW), jnp.int32),
            pltpu.VMEM((NCH_H * SPLIT, IDXW), jnp.int32),
            pltpu.VMEM((NB * SPLIT, IDXW), jnp.int32),
            pltpu.VMEM((KC, D_MODEL), jnp.float32),
            pltpu.VMEM((KC, D_MODEL), jnp.float32),
            pltpu.VMEM((KC, D_MODEL), jnp.float32),
            pltpu.VMEM((KC, D_MODEL), jnp.float32),
            pltpu.SemaphoreType.DMA((NB,)),
        ],
        compiler_params=pltpu.CompilerParams(use_tc_tiling_on_sc=False),
    )(seq2d, p1_2d, p2_2d, wtab, ptab)


def kernel(sentences_seq, position_to_entity1_batch, position_to_entity2_batch,
           word_embedding, position_embedding):
    seq2d = sentences_seq.reshape(ROWS // IDXW, IDXW).astype(jnp.int32)
    p1_2d = position_to_entity1_batch.reshape(ROWS // IDXW, IDXW).astype(jnp.int32)
    p2_2d = position_to_entity2_batch.reshape(ROWS // IDXW, IDXW).astype(jnp.int32)
    out = _run(seq2d, p1_2d, p2_2d,
               word_embedding.astype(jnp.float32),
               position_embedding.astype(jnp.float32))
    return out.reshape(BATCH, SEQ, 2 * D_MODEL)[:, :, :D_MODEL]

# --- scband reference (transcript-rebuilt; emitter-appended) ---
"""Pipeline reference for scband-embedding-52003464020362 (READ-ONLY COPY).

The authoritative reference and input builder live on the scoring server;
editing this copy changes nothing except your own understanding.
"""

import jax, jax.numpy as jnp
import numpy as np

D_MODEL = 64
VOCAB = 100000
MAX_LEN = 300
SEQ = 200
BATCH = 4096

def setup_inputs(seed: int = 0) -> dict:
    key = jax.random.key(seed)
    k1, k2, k3, k4, k5 = jax.random.split(key, 5)
    sentences_seq = jax.random.randint(k1, (SEQ, BATCH), 0, VOCAB, dtype=jnp.int64 if jax.config.jax_enable_x64 else jnp.int32)
    position_to_entity1_batch = jax.random.randint(k2, (SEQ, BATCH), 0, MAX_LEN * 2, dtype=sentences_seq.dtype)
    position_to_entity2_batch = jax.random.randint(k3, (SEQ, BATCH), 0, MAX_LEN * 2, dtype=sentences_seq.dtype)
    word_embedding = jax.random.normal(k4, (VOCAB, D_MODEL), dtype=jnp.float32)
    position_embedding = jax.random.normal(k5, (MAX_LEN * 2, D_MODEL), dtype=jnp.float32)
    return {
        'sentences_seq': sentences_seq,
        'position_to_entity1_batch': position_to_entity1_batch,
        'position_to_entity2_batch': position_to_entity2_batch,
        'word_embedding': word_embedding,
        'position_embedding': position_embedding,
    }

def reference(sentences_seq, position_to_entity1_batch, position_to_entity2_batch, word_embedding, position_embedding):
    # x = word_emb(seq.T) + pos_emb(p1.T) + pos_emb(p2.T); dropout p=0 is identity
    x = (jnp.take(word_embedding, sentences_seq.T, axis=0)
         + jnp.take(position_embedding, position_to_entity1_batch.T, axis=0)
         + jnp.take(position_embedding, position_to_entity2_batch.T, axis=0))
    return x

if __name__ == "__main__":
    import jax
    _d = setup_inputs()
    print(jax.jit(kernel)(*tuple(_d.values())))

</pallas_src>

<mosaic_0001>
#map = affine_map<(d0, d1) -> (0, 0)>
module attributes {stable_mosaic.version = 14 : i64} {
  func.func @_emb_body(%arg0: i32, %arg1: i32, %arg2: memref<6400x128xi32, #tpu.memory_space<hbm>>, %arg3: memref<6400x128xi32, #tpu.memory_space<hbm>>, %arg4: memref<6400x128xi32, #tpu.memory_space<hbm>>, %arg5: memref<100000x64xf32, #tpu.memory_space<hbm>>, %arg6: memref<600x64xf32, #tpu.memory_space<hbm>>, %arg7: memref<1638400x64xf32, #tpu.memory_space<hbm>>, %arg8: memref<100x128xi32, #tpu.memory_space<vmem>>, %arg9: memref<100x128xi32, #tpu.memory_space<vmem>>, %arg10: memref<100x128xi32, #tpu.memory_space<vmem>>, %arg11: memref<8x128xi32, #tpu.memory_space<vmem>>, %arg12: memref<256x64xf32, #tpu.memory_space<vmem>>, %arg13: memref<256x64xf32, #tpu.memory_space<vmem>>, %arg14: memref<256x64xf32, #tpu.memory_space<vmem>>, %arg15: memref<256x64xf32, #tpu.memory_space<vmem>>, %arg16: memref<4x!tpu.dma_semaphore, #tpu.memory_space<semaphore_mem>>) attributes {dimension_semantics = [#tpu.dimension_semantics<core_parallel>, #tpu.dimension_semantics<subcore_parallel>], iteration_bounds = array<i64: 2, 16>, scalar_prefetch = 0 : i64, scratch_operands = 9 : i64, tpu.core_type = #tpu.core_type<sc_vector_subcore>, window_params = [{transform_indices = #map}, {transform_indices = #map}, {transform_indices = #map}, {transform_indices = #map}, {transform_indices = #map}, {transform_indices = #map}]} {
    %mul3A = arith.constant 2 : i32
    %mul3A_0 = arith.muli %arg1, %mul3A : i32
    %add3A = arith.addi %mul3A_0, %arg0 : i32
    %iota3A = tpu.iota {dimensions = array<i32: 0>} : vector<16xi32>
    %mul3A_1 = arith.constant 2 : i32
    %mul3A_2 = arith.muli %add3A, %mul3A_1 : i32
    %add3A_3 = arith.constant 0 : i32
    %add3A_4 = arith.addi %mul3A_2, %add3A_3 : i32
    %mul3A_5 = arith.constant 50 : i32
    %mul3A_6 = arith.muli %add3A_4, %mul3A_5 : i32
    %mul3A_7 = arith.constant 2 : i32
    %mul3A_8 = arith.muli %mul3A_6, %mul3A_7 : i32
    %mul3A_9 = arith.constant 2 : i32
    %mul3A_10 = arith.muli %add3A, %mul3A_9 : i32
    %add3A_11 = arith.constant 0 : i32
    %add3A_12 = arith.addi %mul3A_10, %add3A_11 : i32
    %mul3A_13 = arith.constant 50 : i32
    %mul3A_14 = arith.muli %add3A_12, %mul3A_13 : i32
    %mul3A_15 = arith.constant 256 : i32
    %mul3A_16 = arith.muli %mul3A_14, %mul3A_15 : i32
    "tpu.region"() ({
      %run_scoped3A = tpu.sem_alloc : memref<!tpu.dma_semaphore, #tpu.memory_space<semaphore_mem>>
      %dma_start3A = arith.constant 0 : i32
      %dma_start3A_117 = tpu.memref_slice %arg2[%mul3A_8, %dma_start3A] : memref<6400x128xi32, #tpu.memory_space<hbm>> -> memref<100x128xi32, #tpu.memory_space<hbm>>
      %dma_start3A_118 = arith.constant 0 : i32
      %dma_start3A_119 = tpu.memref_slice %arg2[%mul3A_8, %dma_start3A_118] : memref<6400x128xi32, #tpu.memory_space<hbm>> -> memref<100x128xi32, #tpu.memory_space<hbm>>
      tpu.enqueue_dma source(%dma_start3A_119 : memref<100x128xi32, #tpu.memory_space<hbm>>) target(%arg8 : memref<100x128xi32, #tpu.memory_space<vmem>>) target_semaphore(%run_scoped3A : memref<!tpu.dma_semaphore, #tpu.memory_space<semaphore_mem>>)
      %dma_wait3A_120 = arith.constant 0 : i32
      %dma_wait3A_121 = tpu.memref_slice %arg2[%mul3A_8, %dma_wait3A_120] : memref<6400x128xi32, #tpu.memory_space<hbm>> -> memref<100x128xi32, #tpu.memory_space<hbm>>
      %dma_wait3A_122 = arith.constant 0 : i32
      %dma_wait3A_123 = tpu.memref_slice %arg2[%mul3A_8, %dma_wait3A_122] : memref<6400x128xi32, #tpu.memory_space<hbm>> -> memref<100x128xi32, #tpu.memory_space<hbm>>
      tpu.wait_dma2 semaphore(%run_scoped3A : memref<!tpu.dma_semaphore, #tpu.memory_space<semaphore_mem>>) src(%dma_wait3A_123 : memref<100x128xi32, #tpu.memory_space<hbm>>) dst(%arg8 : memref<100x128xi32, #tpu.memory_space<vmem>>)
      tpu.yield
    }) : () -> ()
    "tpu.region"() ({
      %run_scoped3A = tpu.sem_alloc : memref<!tpu.dma_semaphore, #tpu.memory_space<semaphore_mem>>
      %dma_start3A = arith.constant 0 : i32
      %dma_start3A_117 = tpu.memref_slice %arg3[%mul3A_8, %dma_start3A] : memref<6400x128xi32, #tpu.memory_space<hbm>> -> memref<100x128xi32, #tpu.memory_space<hbm>>
      %dma_start3A_118 = arith.constant 0 : i32
      %dma_start3A_119 = tpu.memref_slice %arg3[%mul3A_8, %dma_start3A_118] : memref<6400x128xi32, #tpu.memory_space<hbm>> -> memref<100x128xi32, #tpu.memory_space<hbm>>
      tpu.enqueue_dma source(%dma_start3A_119 : memref<100x128xi32, #tpu.memory_space<hbm>>) target(%arg9 : memref<100x128xi32, #tpu.memory_space<vmem>>) target_semaphore(%run_scoped3A : memref<!tpu.dma_semaphore, #tpu.memory_space<semaphore_mem>>)
      %dma_wait3A_120 = arith.constant 0 : i32
      %dma_wait3A_121 = tpu.memref_slice %arg3[%mul3A_8, %dma_wait3A_120] : memref<6400x128xi32, #tpu.memory_space<hbm>> -> memref<100x128xi32, #tpu.memory_space<hbm>>
      %dma_wait3A_122 = arith.constant 0 : i32
      %dma_wait3A_123 = tpu.memref_slice %arg3[%mul3A_8, %dma_wait3A_122] : memref<6400x128xi32, #tpu.memory_space<hbm>> -> memref<100x128xi32, #tpu.memory_space<hbm>>
      tpu.wait_dma2 semaphore(%run_scoped3A : memref<!tpu.dma_semaphore, #tpu.memory_space<semaphore_mem>>) src(%dma_wait3A_123 : memref<100x128xi32, #tpu.memory_space<hbm>>) dst(%arg9 : memref<100x128xi32, #tpu.memory_space<vmem>>)
      tpu.yield
    }) : () -> ()
    "tpu.region"() ({
      %run_scoped3A = tpu.sem_alloc : memref<!tpu.dma_semaphore, #tpu.memory_space<semaphore_mem>>
      %dma_start3A = arith.constant 0 : i32
      %dma_start3A_117 = tpu.memref_slice %arg4[%mul3A_8, %dma_start3A] : memref<6400x128xi32, #tpu.memory_space<hbm>> -> memref<100x128xi32, #tpu.memory_space<hbm>>
      %dma_start3A_118 = arith.constant 0 : i32
      %dma_start3A_119 = tpu.memref_slice %arg4[%mul3A_8, %dma_start3A_118] : memref<6400x128xi32, #tpu.memory_space<hbm>> -> memref<100x128xi32, #tpu.memory_space<hbm>>
      tpu.enqueue_dma source(%dma_start3A_119 : memref<100x128xi32, #tpu.memory_space<hbm>>) target(%arg10 : memref<100x128xi32, #tpu.memory_space<vmem>>) target_semaphore(%run_scoped3A : memref<!tpu.dma_semaphore, #tpu.memory_space<semaphore_mem>>)
      %dma_wait3A_120 = arith.constant 0 : i32
      %dma_wait3A_121 = tpu.memref_slice %arg4[%mul3A_8, %dma_wait3A_120] : memref<6400x128xi32, #tpu.memory_space<hbm>> -> memref<100x128xi32, #tpu.memory_space<hbm>>
      %dma_wait3A_122 = arith.constant 0 : i32
      %dma_wait3A_123 = tpu.memref_slice %arg4[%mul3A_8, %dma_wait3A_122] : memref<6400x128xi32, #tpu.memory_space<hbm>> -> memref<100x128xi32, #tpu.memory_space<hbm>>
      tpu.wait_dma2 semaphore(%run_scoped3A : memref<!tpu.dma_semaphore, #tpu.memory_space<semaphore_mem>>) src(%dma_wait3A_123 : memref<100x128xi32, #tpu.memory_space<hbm>>) dst(%arg10 : memref<100x128xi32, #tpu.memory_space<vmem>>)
      tpu.yield
    }) : () -> ()
    %scan3A = arith.constant 0 : i32
    %scan3A_17 = arith.constant 0 : i32
    %scan3A_18 = arith.constant 14 : i32
    %scan3A_19 = arith.addi %scan3A_17, %scan3A_18 : i32
    %scan3A_20 = arith.constant 1 : i32
    %scan3A_21 = scf.for %scan3A_117 = %scan3A_17 to %scan3A_19 step %scan3A_20 iter_args(%scan3A_118 = %scan3A) -> (i32)  : i32 {
      %mul3A_119 = arith.constant 4 : i32
      %mul3A_120 = arith.muli %scan3A_117, %mul3A_119 : i32
      %add3A_121 = arith.constant 0 : i32
      %add3A_122 = arith.addi %mul3A_120, %add3A_121 : i32
      %ge3A = arith.constant 3 : i32
      %ge3A_123 = arith.cmpi sge, %add3A_122, %ge3A : i32
      %lt3A = arith.constant 53 : i32
      %lt3A_124 = arith.cmpi slt, %add3A_122, %lt3A : i32
      %and3A = arith.andi %ge3A_123, %lt3A_124 : i1
      %convert_element_type3A = arith.extui %and3A : i1 to i32
      %cond3A = arith.constant 0 : i32
      %cond3A_125 = arith.cmpi ne, %convert_element_type3A, %cond3A : i32
      scf.if %cond3A_125 {
        %dma_wait3A_247 = arith.constant 1 : i32
        %dma_wait3A_248 = arith.constant 0 : i32
        %dma_wait3A_249 = arith.constant 0 : i32
        %dma_wait3A_250 = tpu.memref_slice %arg7[%dma_wait3A_248, %dma_wait3A_249] : memref<1638400x64xf32, #tpu.memory_space<hbm>> -> memref<256x64xf32, #tpu.memory_space<hbm>>
        %dma_wait3A_251 = tpu.memref_slice %arg16[%dma_wait3A_247] : memref<4x!tpu.dma_semaphore, #tpu.memory_space<semaphore_mem>> -> memref<1x!tpu.dma_semaphore, #tpu.memory_space<semaphore_mem>>
        %dma_wait3A_252 = tpu.memref_squeeze %dma_wait3A_251 : memref<1x!tpu.dma_semaphore, #tpu.memory_space<semaphore_mem>> -> memref<!tpu.dma_semaphore, #tpu.memory_space<semaphore_mem>>
        %dma_wait3A_253 = arith.constant 0 : i32
        %dma_wait3A_254 = arith.constant 0 : i32
        %dma_wait3A_255 = tpu.memref_slice %arg7[%dma_wait3A_253, %dma_wait3A_254] : memref<1638400x64xf32, #tpu.memory_space<hbm>> -> memref<256x64xf32, #tpu.memory_space<hbm>>
        tpu.wait_dma2 semaphore(%dma_wait3A_252 : memref<!tpu.dma_semaphore, #tpu.memory_space<semaphore_mem>>) src(%dma_wait3A_255 : memref<256x64xf32, #tpu.memory_space<hbm>>) dst(%arg13 : memref<256x64xf32, #tpu.memory_space<vmem>>)
        %sub3A = arith.constant 3 : i32
        %sub3A_256 = arith.subi %add3A_122, %sub3A : i32
        %mul3A_257 = arith.constant 256 : i32
        %mul3A_258 = arith.muli %sub3A_256, %mul3A_257 : i32
        %add3A_259 = arith.addi %mul3A_16, %mul3A_258 : i32
        %add3A_260 = arith.constant 0 : i32
        %add3A_261 = arith.addi %add3A_259, %add3A_260 : i32
        %add3A_262 = arith.constant 0 : i32
        %add3A_263 = arith.addi %add3A_261, %add3A_262 : i32
        %add3A_264 = vector.broadcast %add3A_263 : i32 to vector<16xi32>
        %add3A_265 = arith.addi %add3A_264, %iota3A : vector<16xi32>
        %and3A_266 = arith.constant 4095 : i32
        %and3A_267 = vector.broadcast %and3A_266 : i32 to vector<16xi32>
        %and3A_268 = arith.andi %add3A_265, %and3A_267 : vector<16xi32>
        %mul3A_269 = arith.constant 200 : i32
        %mul3A_270 = vector.broadcast %mul3A_269 : i32 to vector<16xi32>
        %mul3A_271 = arith.muli %and3A_268, %mul3A_270 : vector<16xi32>
        %shift_right_arithmetic3A = arith.constant 12 : i32
        %shift_right_arithmetic3A_272 = vector.broadcast %shift_right_arithmetic3A : i32 to vector<16xi32>
        %shift_right_arithmetic3A_273 = arith.shrsi %add3A_265, %shift_right_arithmetic3A_272 : vector<16xi32>
        %add3A_274 = arith.addi %mul3A_271, %shift_right_arithmetic3A_273 : vector<16xi32>
        %mul3A_275 = arith.constant 2 : i32
        %mul3A_276 = vector.broadcast %mul3A_275 : i32 to vector<16xi32>
        %mul3A_277 = arith.muli %add3A_274, %mul3A_276 : vector<16xi32>
        %swap3A = arith.constant 2 : i32
        %swap3A_278 = arith.index_cast %swap3A : i32 to index
        %swap3A_279 = arith.constant 0 : index
        %swap3A_280 = tpu.vector_load %arg11[%swap3A_278, %swap3A_279] {strides = array<i32>} : memref<8x128xi32, #tpu.memory_space<vmem>>, vector<1x16xi32>,
        %swap3A_281 = vector.shape_cast %swap3A_280 : vector<1x16xi32> to vector<16xi32>
        %swap3A_282 = vector.shape_cast %mul3A_277 : vector<16xi32> to vector<1x16xi32>
        tpu.vector_store %arg11[%swap3A_278, %swap3A_279], %swap3A_282 {strides = array<i32>} : memref<8x128xi32, #tpu.memory_space<vmem>>, vector<1x16xi32>,
        %add3A_283 = arith.constant 0 : i32
        %add3A_284 = arith.addi %add3A_259, %add3A_283 : i32
        %add3A_285 = arith.constant 16 : i32
        %add3A_286 = arith.addi %add3A_284, %add3A_285 : i32
        %add3A_287 = vector.broadcast %add3A_286 : i32 to vector<16xi32>
        %add3A_288 = arith.addi %add3A_287, %iota3A : vector<16xi32>
        %and3A_289 = arith.constant 4095 : i32
        %and3A_290 = vector.broadcast %and3A_289 : i32 to vector<16xi32>
        %and3A_291 = arith.andi %add3A_288, %and3A_290 : vector<16xi32>
        %mul3A_292 = arith.constant 200 : i32
        %mul3A_293 = vector.broadcast %mul3A_292 : i32 to vector<16xi32>
        %mul3A_294 = arith.muli %and3A_291, %mul3A_293 : vector<16xi32>
        %shift_right_arithmetic3A_295 = arith.constant 12 : i32
        %shift_right_arithmetic3A_296 = vector.broadcast %shift_right_arithmetic3A_295 : i32 to vector<16xi32>
        %shift_right_arithmetic3A_297 = arith.shrsi %add3A_288, %shift_right_arithmetic3A_296 : vector<16xi32>
        %add3A_298 = arith.addi %mul3A_294, %shift_right_arithmetic3A_297 : vector<16xi32>
        %mul3A_299 = arith.constant 2 : i32
        %mul3A_300 = vector.broadcast %mul3A_299 : i32 to vector<16xi32>
        %mul3A_301 = arith.muli %add3A_298, %mul3A_300 : vector<16xi32>
        %swap3A_302 = arith.constant 2 : i32
        %swap3A_303 = arith.index_cast %swap3A_302 : i32 to index
        %swap3A_304 = arith.constant 16 : index
        %swap3A_305 = tpu.vector_load %arg11[%swap3A_303, %swap3A_304] {strides = array<i32>} : memref<8x128xi32, #tpu.memory_space<vmem>>, vector<1x16xi32>,
        %swap3A_306 = vector.shape_cast %swap3A_305 : vector<1x16xi32> to vector<16xi32>
        %swap3A_307 = vector.shape_cast %mul3A_301 : vector<16xi32> to vector<1x16xi32>
        tpu.vector_store %arg11[%swap3A_303, %swap3A_304], %swap3A_307 {strides = array<i32>} : memref<8x128xi32, #tpu.memory_space<vmem>>, vector<1x16xi32>,
        %add3A_308 = arith.constant 0 : i32
        %add3A_309 = arith.addi %add3A_259, %add3A_308 : i32
        %add3A_310 = arith.constant 32 : i32
        %add3A_311 = arith.addi %add3A_309, %add3A_310 : i32
        %add3A_312 = vector.broadcast %add3A_311 : i32 to vector<16xi32>
        %add3A_313 = arith.addi %add3A_312, %iota3A : vector<16xi32>
        %and3A_314 = arith.constant 4095 : i32
        %and3A_315 = vector.broadcast %and3A_314 : i32 to vector<16xi32>
        %and3A_316 = arith.andi %add3A_313, %and3A_315 : vector<16xi32>
        %mul3A_317 = arith.constant 200 : i32
        %mul3A_318 = vector.broadcast %mul3A_317 : i32 to vector<16xi32>
        %mul3A_319 = arith.muli %and3A_316, %mul3A_318 : vector<16xi32>
        %shift_right_arithmetic3A_320 = arith.constant 12 : i32
        %shift_right_arithmetic3A_321 = vector.broadcast %shift_right_arithmetic3A_320 : i32 to vector<16xi32>
        %shift_right_arithmetic3A_322 = arith.shrsi %add3A_313, %shift_right_arithmetic3A_321 : vector<16xi32>
        %add3A_323 = arith.addi %mul3A_319, %shift_right_arithmetic3A_322 : vector<16xi32>
        %mul3A_324 = arith.constant 2 : i32
        %mul3A_325 = vector.broadcast %mul3A_324 : i32 to vector<16xi32>
        %mul3A_326 = arith.muli %add3A_323, %mul3A_325 : vector<16xi32>
        %swap3A_327 = arith.constant 2 : i32
        %swap3A_328 = arith.index_cast %swap3A_327 : i32 to index
        %swap3A_329 = arith.constant 32 : index
        %swap3A_330 = tpu.vector_load %arg11[%swap3A_328, %swap3A_329] {strides = array<i32>} : memref<8x128xi32, #tpu.memory_space<vmem>>, vector<1x16xi32>,
        %swap3A_331 = vector.shape_cast %swap3A_330 : vector<1x16xi32> to vector<16xi32>
        %swap3A_332 = vector.shape_cast %mul3A_326 : vector<16xi32> to vector<1x16xi32>
        tpu.vector_store %arg11[%swap3A_328, %swap3A_329], %swap3A_332 {strides = array<i32>} : memref<8x128xi32, #tpu.memory_space<vmem>>, vector<1x16xi32>,
        %add3A_333 = arith.constant 0 : i32
        %add3A_334 = arith.addi %add3A_259, %add3A_333 : i32
        %add3A_335 = arith.constant 48 : i32
        %add3A_336 = arith.addi %add3A_334, %add3A_335 : i32
        %add3A_337 = vector.broadcast %add3A_336 : i32 to vector<16xi32>
        %add3A_338 = arith.addi %add3A_337, %iota3A : vector<16xi32>
        %and3A_339 = arith.constant 4095 : i32
        %and3A_340 = vector.broadcast %and3A_339 : i32 to vector<16xi32>
        %and3A_341 = arith.andi %add3A_338, %and3A_340 : vector<16xi32>
        %mul3A_342 = arith.constant 200 : i32
        %mul3A_343 = vector.broadcast %mul3A_342 : i32 to vector<16xi32>
        %mul3A_344 = arith.muli %and3A_341, %mul3A_343 : vector<16xi32>
        %shift_right_arithmetic3A_345 = arith.constant 12 : i32
        %shift_right_arithmetic3A_346 = vector.broadcast %shift_right_arithmetic3A_345 : i32 to vector<16xi32>
        %shift_right_arithmetic3A_347 = arith.shrsi %add3A_338, %shift_right_arithmetic3A_346 : vector<16xi32>
        %add3A_348 = arith.addi %mul3A_344, %shift_right_arithmetic3A_347 : vector<16xi32>
        %mul3A_349 = arith.constant 2 : i32
        %mul3A_350 = vector.broadcast %mul3A_349 : i32 to vector<16xi32>
        %mul3A_351 = arith.muli %add3A_348, %mul3A_350 : vector<16xi32>
        %swap3A_352 = arith.constant 2 : i32
        %swap3A_353 = arith.index_cast %swap3A_352 : i32 to index
        %swap3A_354 = arith.constant 48 : index
        %swap3A_355 = tpu.vector_load %arg11[%swap3A_353, %swap3A_354] {strides = array<i32>} : memref<8x128xi32, #tpu.memory_space<vmem>>, vector<1x16xi32>,
        %swap3A_356 = vector.shape_cast %swap3A_355 : vector<1x16xi32> to vector<16xi32>
        %swap3A_357 = vector.shape_cast %mul3A_351 : vector<16xi32> to vector<1x16xi32>
        tpu.vector_store %arg11[%swap3A_353, %swap3A_354], %swap3A_357 {strides = array<i32>} : memref<8x128xi32, #tpu.memory_space<vmem>>, vector<1x16xi32>,
        %add3A_358 = arith.constant 0 : i32
        %add3A_359 = arith.addi %add3A_259, %add3A_358 : i32
        %add3A_360 = arith.constant 64 : i32
        %add3A_361 = arith.addi %add3A_359, %add3A_360 : i32
        %add3A_362 = vector.broadcast %add3A_361 : i32 to vector<16xi32>
        %add3A_363 = arith.addi %add3A_362, %iota3A : vector<16xi32>
        %and3A_364 = arith.constant 4095 : i32
        %and3A_365 = vector.broadcast %and3A_364 : i32 to vector<16xi32>
        %and3A_366 = arith.andi %add3A_363, %and3A_365 : vector<16xi32>
        %mul3A_367 = arith.constant 200 : i32
        %mul3A_368 = vector.broadcast %mul3A_367 : i32 to vector<16xi32>
        %mul3A_369 = arith.muli %and3A_366, %mul3A_368 : vector<16xi32>
        %shift_right_arithmetic3A_370 = arith.constant 12 : i32
        %shift_right_arithmetic3A_371 = vector.broadcast %shift_right_arithmetic3A_370 : i32 to vector<16xi32>
        %shift_right_arithmetic3A_372 = arith.shrsi %add3A_363, %shift_right_arithmetic3A_371 : vector<16xi32>
        %add3A_373 = arith.addi %mul3A_369, %shift_right_arithmetic3A_372 : vector<16xi32>
        %mul3A_374 = arith.constant 2 : i32
        %mul3A_375 = vector.broadcast %mul3A_374 : i32 to vector<16xi32>
        %mul3A_376 = arith.muli %add3A_373, %mul3A_375 : vector<16xi32>
        %swap3A_377 = arith.constant 2 : i32
        %swap3A_378 = arith.index_cast %swap3A_377 : i32 to index
        %swap3A_379 = arith.constant 64 : index
        %swap3A_380 = tpu.vector_load %arg11[%swap3A_378, %swap3A_379] {strides = array<i32>} : memref<8x128xi32, #tpu.memory_space<vmem>>, vector<1x16xi32>,
        %swap3A_381 = vector.shape_cast %swap3A_380 : vector<1x16xi32> to vector<16xi32>
        %swap3A_382 = vector.shape_cast %mul3A_376 : vector<16xi32> to vector<1x16xi32>
        tpu.vector_store %arg11[%swap3A_378, %swap3A_379], %swap3A_382 {strides = array<i32>} : memref<8x128xi32, #tpu.memory_space<vmem>>, vector<1x16xi32>,
        %add3A_383 = arith.constant 0 : i32
        %add3A_384 = arith.addi %add3A_259, %add3A_383 : i32
        %add3A_385 = arith.constant 80 : i32
        %add3A_386 = arith.addi %add3A_384, %add3A_385 : i32
        %add3A_387 = vector.broadcast %add3A_386 : i32 to vector<16xi32>
        %add3A_388 = arith.addi %add3A_387, %iota3A : vector<16xi32>
        %and3A_389 = arith.constant 4095 : i32
        %and3A_390 = vector.broadcast %and3A_389 : i32 to vector<16xi32>
        %and3A_391 = arith.andi %add3A_388, %and3A_390 : vector<16xi32>
        %mul3A_392 = arith.constant 200 : i32
        %mul3A_393 = vector.broadcast %mul3A_392 : i32 to vector<16xi32>
        %mul3A_394 = arith.muli %and3A_391, %mul3A_393 : vector<16xi32>
        %shift_right_arithmetic3A_395 = arith.constant 12 : i32
        %shift_right_arithmetic3A_396 = vector.broadcast %shift_right_arithmetic3A_395 : i32 to vector<16xi32>
        %shift_right_arithmetic3A_397 = arith.shrsi %add3A_388, %shift_right_arithmetic3A_396 : vector<16xi32>
        %add3A_398 = arith.addi %mul3A_394, %shift_right_arithmetic3A_397 : vector<16xi32>
        %mul3A_399 = arith.constant 2 : i32
        %mul3A_400 = vector.broadcast %mul3A_399 : i32 to vector<16xi32>
        %mul3A_401 = arith.muli %add3A_398, %mul3A_400 : vector<16xi32>
        %swap3A_402 = arith.constant 2 : i32
        %swap3A_403 = arith.index_cast %swap3A_402 : i32 to index
        %swap3A_404 = arith.constant 80 : index
        %swap3A_405 = tpu.vector_load %arg11[%swap3A_403, %swap3A_404] {strides = array<i32>} : memref<8x128xi32, #tpu.memory_space<vmem>>, vector<1x16xi32>,
        %swap3A_406 = vector.shape_cast %swap3A_405 : vector<1x16xi32> to vector<16xi32>
        %swap3A_407 = vector.shape_cast %mul3A_401 : vector<16xi32> to vector<1x16xi32>
        tpu.vector_store %arg11[%swap3A_403, %swap3A_404], %swap3A_407 {strides = array<i32>} : memref<8x128xi32, #tpu.memory_space<vmem>>, vector<1x16xi32>,
        %add3A_408 = arith.constant 0 : i32
        %add3A_409 = arith.addi %add3A_259, %add3A_408 : i32
        %add3A_410 = arith.constant 96 : i32
        %add3A_411 = arith.addi %add3A_409, %add3A_410 : i32
        %add3A_412 = vector.broadcast %add3A_411 : i32 to vector<16xi32>
        %add3A_413 = arith.addi %add3A_412, %iota3A : vector<16xi32>
        %and3A_414 = arith.constant 4095 : i32
        %and3A_415 = vector.broadcast %and3A_414 : i32 to vector<16xi32>
        %and3A_416 = arith.andi %add3A_413, %and3A_415 : vector<16xi32>
        %mul3A_417 = arith.constant 200 : i32
        %mul3A_418 = vector.broadcast %mul3A_417 : i32 to vector<16xi32>
        %mul3A_419 = arith.muli %and3A_416, %mul3A_418 : vector<16xi32>
        %shift_right_arithmetic3A_420 = arith.constant 12 : i32
        %shift_right_arithmetic3A_421 = vector.broadcast %shift_right_arithmetic3A_420 : i32 to vector<16xi32>
        %shift_right_arithmetic3A_422 = arith.shrsi %add3A_413, %shift_right_arithmetic3A_421 : vector<16xi32>
        %add3A_423 = arith.addi %mul3A_419, %shift_right_arithmetic3A_422 : vector<16xi32>
        %mul3A_424 = arith.constant 2 : i32
        %mul3A_425 = vector.broadcast %mul3A_424 : i32 to vector<16xi32>
        %mul3A_426 = arith.muli %add3A_423, %mul3A_425 : vector<16xi32>
        %swap3A_427 = arith.constant 2 : i32
        %swap3A_428 = arith.index_cast %swap3A_427 : i32 to index
        %swap3A_429 = arith.constant 96 : index
        %swap3A_430 = tpu.vector_load %arg11[%swap3A_428, %swap3A_429] {strides = array<i32>} : memref<8x128xi32, #tpu.memory_space<vmem>>, vector<1x16xi32>,
        %swap3A_431 = vector.shape_cast %swap3A_430 : vector<1x16xi32> to vector<16xi32>
        %swap3A_432 = vector.shape_cast %mul3A_426 : vector<16xi32> to vector<1x16xi32>
        tpu.vector_store %arg11[%swap3A_428, %swap3A_429], %swap3A_432 {strides = array<i32>} : memref<8x128xi32, #tpu.memory_space<vmem>>, vector<1x16xi32>,
        %add3A_433 = arith.constant 0 : i32
        %add3A_434 = arith.addi %add3A_259, %add3A_433 : i32
        %add3A_435 = arith.constant 112 : i32
        %add3A_436 = arith.addi %add3A_434, %add3A_435 : i32
        %add3A_437 = vector.broadcast %add3A_436 : i32 to vector<16xi32>
        %add3A_438 = arith.addi %add3A_437, %iota3A : vector<16xi32>
        %and3A_439 = arith.constant 4095 : i32
        %and3A_440 = vector.broadcast %and3A_439 : i32 to vector<16xi32>
        %and3A_441 = arith.andi %add3A_438, %and3A_440 : vector<16xi32>
        %mul3A_442 = arith.constant 200 : i32
        %mul3A_443 = vector.broadcast %mul3A_442 : i32 to vector<16xi32>
        %mul3A_444 = arith.muli %and3A_441, %mul3A_443 : vector<16xi32>
        %shift_right_arithmetic3A_445 = arith.constant 12 : i32
        %shift_right_arithmetic3A_446 = vector.broadcast %shift_right_arithmetic3A_445 : i32 to vector<16xi32>
        %shift_right_arithmetic3A_447 = arith.shrsi %add3A_438, %shift_right_arithmetic3A_446 : vector<16xi32>
        %add3A_448 = arith.addi %mul3A_444, %shift_right_arithmetic3A_447 : vector<16xi32>
        %mul3A_449 = arith.constant 2 : i32
        %mul3A_450 = vector.broadcast %mul3A_449 : i32 to vector<16xi32>
        %mul3A_451 = arith.muli %add3A_448, %mul3A_450 : vector<16xi32>
        %swap3A_452 = arith.constant 2 : i32
        %swap3A_453 = arith.index_cast %swap3A_452 : i32 to index
        %swap3A_454 = arith.constant 112 : index
        %swap3A_455 = tpu.vector_load %arg11[%swap3A_453, %swap3A_454] {strides = array<i32>} : memref<8x128xi32, #tpu.memory_space<vmem>>, vector<1x16xi32>,
        %swap3A_456 = vector.shape_cast %swap3A_455 : vector<1x16xi32> to vector<16xi32>
        %swap3A_457 = vector.shape_cast %mul3A_451 : vector<16xi32> to vector<1x16xi32>
        tpu.vector_store %arg11[%swap3A_453, %swap3A_454], %swap3A_457 {strides = array<i32>} : memref<8x128xi32, #tpu.memory_space<vmem>>, vector<1x16xi32>,
        %add3A_458 = arith.constant 128 : i32
        %add3A_459 = arith.addi %add3A_259, %add3A_458 : i32
        %add3A_460 = arith.constant 0 : i32
        %add3A_461 = arith.addi %add3A_459, %add3A_460 : i32
        %add3A_462 = vector.broadcast %add3A_461 : i32 to vector<16xi32>
        %add3A_463 = arith.addi %add3A_462, %iota3A : vector<16xi32>
        %and3A_464 = arith.constant 4095 : i32
        %and3A_465 = vector.broadcast %and3A_464 : i32 to vector<16xi32>
        %and3A_466 = arith.andi %add3A_463, %and3A_465 : vector<16xi32>
        %mul3A_467 = arith.constant 200 : i32
        %mul3A_468 = vector.broadcast %mul3A_467 : i32 to vector<16xi32>
        %mul3A_469 = arith.muli %and3A_466, %mul3A_468 : vector<16xi32>
        %shift_right_arithmetic3A_470 = arith.constant 12 : i32
        %shift_right_arithmetic3A_471 = vector.broadcast %shift_right_arithmetic3A_470 : i32 to vector<16xi32>
        %shift_right_arithmetic3A_472 = arith.shrsi %add3A_463, %shift_right_arithmetic3A_471 : vector<16xi32>
        %add3A_473 = arith.addi %mul3A_469, %shift_right_arithmetic3A_472 : vector<16xi32>
        %mul3A_474 = arith.constant 2 : i32
        %mul3A_475 = vector.broadcast %mul3A_474 : i32 to vector<16xi32>
        %mul3A_476 = arith.muli %add3A_473, %mul3A_475 : vector<16xi32>
        %swap3A_477 = arith.constant 3 : i32
        %swap3A_478 = arith.index_cast %swap3A_477 : i32 to index
        %swap3A_479 = arith.constant 0 : index
        %swap3A_480 = tpu.vector_load %arg11[%swap3A_478, %swap3A_479] {strides = array<i32>} : memref<8x128xi32, #tpu.memory_space<vmem>>, vector<1x16xi32>,
        %swap3A_481 = vector.shape_cast %swap3A_480 : vector<1x16xi32> to vector<16xi32>
        %swap3A_482 = vector.shape_cast %mul3A_476 : vector<16xi32> to vector<1x16xi32>
        tpu.vector_store %arg11[%swap3A_478, %swap3A_479], %swap3A_482 {strides = array<i32>} : memref<8x128xi32, #tpu.memory_space<vmem>>, vector<1x16xi32>,
        %add3A_483 = arith.constant 128 : i32
        %add3A_484 = arith.addi %add3A_259, %add3A_483 : i32
        %add3A_485 = arith.constant 16 : i32
        %add3A_486 = arith.addi %add3A_484, %add3A_485 : i32
        %add3A_487 = vector.broadcast %add3A_486 : i32 to vector<16xi32>
        %add3A_488 = arith.addi %add3A_487, %iota3A : vector<16xi32>
        %and3A_489 = arith.constant 4095 : i32
        %and3A_490 = vector.broadcast %and3A_489 : i32 to vector<16xi32>
        %and3A_491 = arith.andi %add3A_488, %and3A_490 : vector<16xi32>
        %mul3A_492 = arith.constant 200 : i32
        %mul3A_493 = vector.broadcast %mul3A_492 : i32 to vector<16xi32>
        %mul3A_494 = arith.muli %and3A_491, %mul3A_493 : vector<16xi32>
        %shift_right_arithmetic3A_495 = arith.constant 12 : i32
        %shift_right_arithmetic3A_496 = vector.broadcast %shift_right_arithmetic3A_495 : i32 to vector<16xi32>
        %shift_right_arithmetic3A_497 = arith.shrsi %add3A_488, %shift_right_arithmetic3A_496 : vector<16xi32>
        %add3A_498 = arith.addi %mul3A_494, %shift_right_arithmetic3A_497 : vector<16xi32>
        %mul3A_499 = arith.constant 2 : i32
        %mul3A_500 = vector.broadcast %mul3A_499 : i32 to vector<16xi32>
        %mul3A_501 = arith.muli %add3A_498, %mul3A_500 : vector<16xi32>
        %swap3A_502 = arith.constant 3 : i32
        %swap3A_503 = arith.index_cast %swap3A_502 : i32 to index
        %swap3A_504 = arith.constant 16 : index
        %swap3A_505 = tpu.vector_load %arg11[%swap3A_503, %swap3A_504] {strides = array<i32>} : memref<8x128xi32, #tpu.memory_space<vmem>>, vector<1x16xi32>,
        %swap3A_506 = vector.shape_cast %swap3A_505 : vector<1x16xi32> to vector<16xi32>
        %swap3A_507 = vector.shape_cast %mul3A_501 : vector<16xi32> to vector<1x16xi32>
        tpu.vector_store %arg11[%swap3A_503, %swap3A_504], %swap3A_507 {strides = array<i32>} : memref<8x128xi32, #tpu.memory_space<vmem>>, vector<1x16xi32>,
        %add3A_508 = arith.constant 128 : i32
        %add3A_509 = arith.addi %add3A_259, %add3A_508 : i32
        %add3A_510 = arith.constant 32 : i32
        %add3A_511 = arith.addi %add3A_509, %add3A_510 : i32
        %add3A_512 = vector.broadcast %add3A_511 : i32 to vector<16xi32>
        %add3A_513 = arith.addi %add3A_512, %iota3A : vector<16xi32>
        %and3A_514 = arith.constant 4095 : i32
        %and3A_515 = vector.broadcast %and3A_514 : i32 to vector<16xi32>
        %and3A_516 = arith.andi %add3A_513, %and3A_515 : vector<16xi32>
        %mul3A_517 = arith.constant 200 : i32
        %mul3A_518 = vector.broadcast %mul3A_517 : i32 to vector<16xi32>
        %mul3A_519 = arith.muli %and3A_516, %mul3A_518 : vector<16xi32>
        %shift_right_arithmetic3A_520 = arith.constant 12 : i32
        %shift_right_arithmetic3A_521 = vector.broadcast %shift_right_arithmetic3A_520 : i32 to vector<16xi32>
        %shift_right_arithmetic3A_522 = arith.shrsi %add3A_513, %shift_right_arithmetic3A_521 : vector<16xi32>
        %add3A_523 = arith.addi %mul3A_519, %shift_right_arithmetic3A_522 : vector<16xi32>
        %mul3A_524 = arith.constant 2 : i32
        %mul3A_525 = vector.broadcast %mul3A_524 : i32 to vector<16xi32>
        %mul3A_526 = arith.muli %add3A_523, %mul3A_525 : vector<16xi32>
        %swap3A_527 = arith.constant 3 : i32
        %swap3A_528 = arith.index_cast %swap3A_527 : i32 to index
        %swap3A_529 = arith.constant 32 : index
        %swap3A_530 = tpu.vector_load %arg11[%swap3A_528, %swap3A_529] {strides = array<i32>} : memref<8x128xi32, #tpu.memory_space<vmem>>, vector<1x16xi32>,
        %swap3A_531 = vector.shape_cast %swap3A_530 : vector<1x16xi32> to vector<16xi32>
        %swap3A_532 = vector.shape_cast %mul3A_526 : vector<16xi32> to vector<1x16xi32>
        tpu.vector_store %arg11[%swap3A_528, %swap3A_529], %swap3A_532 {strides = array<i32>} : memref<8x128xi32, #tpu.memory_space<vmem>>, vector<1x16xi32>,
        %add3A_533 = arith.constant 128 : i32
        %add3A_534 = arith.addi %add3A_259, %add3A_533 : i32
        %add3A_535 = arith.constant 48 : i32
        %add3A_536 = arith.addi %add3A_534, %add3A_535 : i32
        %add3A_537 = vector.broadcast %add3A_536 : i32 to vector<16xi32>
        %add3A_538 = arith.addi %add3A_537, %iota3A : vector<16xi32>
        %and3A_539 = arith.constant 4095 : i32
        %and3A_540 = vector.broadcast %and3A_539 : i32 to vector<16xi32>
        %and3A_541 = arith.andi %add3A_538, %and3A_540 : vector<16xi32>
        %mul3A_542 = arith.constant 200 : i32
        %mul3A_543 = vector.broadcast %mul3A_542 : i32 to vector<16xi32>
        %mul3A_544 = arith.muli %and3A_541, %mul3A_543 : vector<16xi32>
        %shift_right_arithmetic3A_545 = arith.constant 12 : i32
        %shift_right_arithmetic3A_546 = vector.broadcast %shift_right_arithmetic3A_545 : i32 to vector<16xi32>
        %shift_right_arithmetic3A_547 = arith.shrsi %add3A_538, %shift_right_arithmetic3A_546 : vector<16xi32>
        %add3A_548 = arith.addi %mul3A_544, %shift_right_arithmetic3A_547 : vector<16xi32>
        %mul3A_549 = arith.constant 2 : i32
        %mul3A_550 = vector.broadcast %mul3A_549 : i32 to vector<16xi32>
        %mul3A_551 = arith.muli %add3A_548, %mul3A_550 : vector<16xi32>
        %swap3A_552 = arith.constant 3 : i32
        %swap3A_553 = arith.index_cast %swap3A_552 : i32 to index
        %swap3A_554 = arith.constant 48 : index
        %swap3A_555 = tpu.vector_load %arg11[%swap3A_553, %swap3A_554] {strides = array<i32>} : memref<8x128xi32, #tpu.memory_space<vmem>>, vector<1x16xi32>,
        %swap3A_556 = vector.shape_cast %swap3A_555 : vector<1x16xi32> to vector<16xi32>
        %swap3A_557 = vector.shape_cast %mul3A_551 : vector<16xi32> to vector<1x16xi32>
        tpu.vector_store %arg11[%swap3A_553, %swap3A_554], %swap3A_557 {strides = array<i32>} : memref<8x128xi32, #tpu.memory_space<vmem>>, vector<1x16xi32>,
        %add3A_558 = arith.constant 128 : i32
        %add3A_559 = arith.addi %add3A_259, %add3A_558 : i32
        %add3A_560 = arith.constant 64 : i32
        %add3A_561 = arith.addi %add3A_559, %add3A_560 : i32
        %add3A_562 = vector.broadcast %add3A_561 : i32 to vector<16xi32>
        %add3A_563 = arith.addi %add3A_562, %iota3A : vector<16xi32>
        %and3A_564 = arith.constant 4095 : i32
        %and3A_565 = vector.broadcast %and3A_564 : i32 to vector<16xi32>
        %and3A_566 = arith.andi %add3A_563, %and3A_565 : vector<16xi32>
        %mul3A_567 = arith.constant 200 : i32
        %mul3A_568 = vector.broadcast %mul3A_567 : i32 to vector<16xi32>
        %mul3A_569 = arith.muli %and3A_566, %mul3A_568 : vector<16xi32>
        %shift_right_arithmetic3A_570 = arith.constant 12 : i32
        %shift_right_arithmetic3A_571 = vector.broadcast %shift_right_arithmetic3A_570 : i32 to vector<16xi32>
        %shift_right_arithmetic3A_572 = arith.shrsi %add3A_563, %shift_right_arithmetic3A_571 : vector<16xi32>
        %add3A_573 = arith.addi %mul3A_569, %shift_right_arithmetic3A_572 : vector<16xi32>
        %mul3A_574 = arith.constant 2 : i32
        %mul3A_575 = vector.broadcast %mul3A_574 : i32 to vector<16xi32>
        %mul3A_576 = arith.muli %add3A_573, %mul3A_575 : vector<16xi32>
        %swap3A_577 = arith.constant 3 : i32
        %swap3A_578 = arith.index_cast %swap3A_577 : i32 to index
        %swap3A_579 = arith.constant 64 : index
        %swap3A_580 = tpu.vector_load %arg11[%swap3A_578, %swap3A_579] {strides = array<i32>} : memref<8x128xi32, #tpu.memory_space<vmem>>, vector<1x16xi32>,
        %swap3A_581 = vector.shape_cast %swap3A_580 : vector<1x16xi32> to vector<16xi32>
        %swap3A_582 = vector.shape_cast %mul3A_576 : vector<16xi32> to vector<1x16xi32>
        tpu.vector_store %arg11[%swap3A_578, %swap3A_579], %swap3A_582 {strides = array<i32>} : memref<8x128xi32, #tpu.memory_space<vmem>>, vector<1x16xi32>,
        %add3A_583 = arith.constant 128 : i32
        %add3A_584 = arith.addi %add3A_259, %add3A_583 : i32
        %add3A_585 = arith.constant 80 : i32
        %add3A_586 = arith.addi %add3A_584, %add3A_585 : i32
        %add3A_587 = vector.broadcast %add3A_586 : i32 to vector<16xi32>
        %add3A_588 = arith.addi %add3A_587, %iota3A : vector<16xi32>
        %and3A_589 = arith.constant 4095 : i32
        %and3A_590 = vector.broadcast %and3A_589 : i32 to vector<16xi32>
        %and3A_591 = arith.andi %add3A_588, %and3A_590 : vector<16xi32>
        %mul3A_592 = arith.constant 200 : i32
        %mul3A_593 = vector.broadcast %mul3A_592 : i32 to vector<16xi32>
        %mul3A_594 = arith.muli %and3A_591, %mul3A_593 : vector<16xi32>
        %shift_right_arithmetic3A_595 = arith.constant 12 : i32
        %shift_right_arithmetic3A_596 = vector.broadcast %shift_right_arithmetic3A_595 : i32 to vector<16xi32>
        %shift_right_arithmetic3A_597 = arith.shrsi %add3A_588, %shift_right_arithmetic3A_596 : vector<16xi32>
        %add3A_598 = arith.addi %mul3A_594, %shift_right_arithmetic3A_597 : vector<16xi32>
        %mul3A_599 = arith.constant 2 : i32
        %mul3A_600 = vector.broadcast %mul3A_599 : i32 to vector<16xi32>
        %mul3A_601 = arith.muli %add3A_598, %mul3A_600 : vector<16xi32>
        %swap3A_602 = arith.constant 3 : i32
        %swap3A_603 = arith.index_cast %swap3A_602 : i32 to index
        %swap3A_604 = arith.constant 80 : index
        %swap3A_605 = tpu.vector_load %arg11[%swap3A_603, %swap3A_604] {strides = array<i32>} : memref<8x128xi32, #tpu.memory_space<vmem>>, vector<1x16xi32>,
        %swap3A_606 = vector.shape_cast %swap3A_605 : vector<1x16xi32> to vector<16xi32>
        %swap3A_607 = vector.shape_cast %mul3A_601 : vector<16xi32> to vector<1x16xi32>
        tpu.vector_store %arg11[%swap3A_603, %swap3A_604], %swap3A_607 {strides = array<i32>} : memref<8x128xi32, #tpu.memory_space<vmem>>, vector<1x16xi32>,
        %add3A_608 = arith.constant 128 : i32
        %add3A_609 = arith.addi %add3A_259, %add3A_608 : i32
        %add3A_610 = arith.constant 96 : i32
        %add3A_611 = arith.addi %add3A_609, %add3A_610 : i32
        %add3A_612 = vector.broadcast %add3A_611 : i32 to vector<16xi32>
        %add3A_613 = arith.addi %add3A_612, %iota3A : vector<16xi32>
        %and3A_614 = arith.constant 4095 : i32
        %and3A_615 = vector.broadcast %and3A_614 : i32 to vector<16xi32>
        %and3A_616 = arith.andi %add3A_613, %and3A_615 : vector<16xi32>
        %mul3A_617 = arith.constant 200 : i32
        %mul3A_618 = vector.broadcast %mul3A_617 : i32 to vector<16xi32>
        %mul3A_619 = arith.muli %and3A_616, %mul3A_618 : vector<16xi32>
        %shift_right_arithmetic3A_620 = arith.constant 12 : i32
        %shift_right_arithmetic3A_621 = vector.broadcast %shift_right_arithmetic3A_620 : i32 to vector<16xi32>
        %shift_right_arithmetic3A_622 = arith.shrsi %add3A_613, %shift_right_arithmetic3A_621 : vector<16xi32>
        %add3A_623 = arith.addi %mul3A_619, %shift_right_arithmetic3A_622 : vector<16xi32>
        %mul3A_624 = arith.constant 2 : i32
        %mul3A_625 = vector.broadcast %mul3A_624 : i32 to vector<16xi32>
        %mul3A_626 = arith.muli %add3A_623, %mul3A_625 : vector<16xi32>
        %swap3A_627 = arith.constant 3 : i32
        %swap3A_628 = arith.index_cast %swap3A_627 : i32 to index
        %swap3A_629 = arith.constant 96 : index
        %swap3A_630 = tpu.vector_load %arg11[%swap3A_628, %swap3A_629] {strides = array<i32>} : memref<8x128xi32, #tpu.memory_space<vmem>>, vector<1x16xi32>,
        %swap3A_631 = vector.shape_cast %swap3A_630 : vector<1x16xi32> to vector<16xi32>
        %swap3A_632 = vector.shape_cast %mul3A_626 : vector<16xi32> to vector<1x16xi32>
        tpu.vector_store %arg11[%swap3A_628, %swap3A_629], %swap3A_632 {strides = array<i32>} : memref<8x128xi32, #tpu.memory_space<vmem>>, vector<1x16xi32>,
        %add3A_633 = arith.constant 128 : i32
        %add3A_634 = arith.addi %add3A_259, %add3A_633 : i32
        %add3A_635 = arith.constant 112 : i32
        %add3A_636 = arith.addi %add3A_634, %add3A_635 : i32
        %add3A_637 = vector.broadcast %add3A_636 : i32 to vector<16xi32>
        %add3A_638 = arith.addi %add3A_637, %iota3A : vector<16xi32>
        %and3A_639 = arith.constant 4095 : i32
        %and3A_640 = vector.broadcast %and3A_639 : i32 to vector<16xi32>
        %and3A_641 = arith.andi %add3A_638, %and3A_640 : vector<16xi32>
        %mul3A_642 = arith.constant 200 : i32
        %mul3A_643 = vector.broadcast %mul3A_642 : i32 to vector<16xi32>
        %mul3A_644 = arith.muli %and3A_641, %mul3A_643 : vector<16xi32>
        %shift_right_arithmetic3A_645 = arith.constant 12 : i32
        %shift_right_arithmetic3A_646 = vector.broadcast %shift_right_arithmetic3A_645 : i32 to vector<16xi32>
        %shift_right_arithmetic3A_647 = arith.shrsi %add3A_638, %shift_right_arithmetic3A_646 : vector<16xi32>
        %add3A_648 = arith.addi %mul3A_644, %shift_right_arithmetic3A_647 : vector<16xi32>
        %mul3A_649 = arith.constant 2 : i32
        %mul3A_650 = vector.broadcast %mul3A_649 : i32 to vector<16xi32>
        %mul3A_651 = arith.muli %add3A_648, %mul3A_650 : vector<16xi32>
        %swap3A_652 = arith.constant 3 : i32
        %swap3A_653 = arith.index_cast %swap3A_652 : i32 to index
        %swap3A_654 = arith.constant 112 : index
        %swap3A_655 = tpu.vector_load %arg11[%swap3A_653, %swap3A_654] {strides = array<i32>} : memref<8x128xi32, #tpu.memory_space<vmem>>, vector<1x16xi32>,
        %swap3A_656 = vector.shape_cast %swap3A_655 : vector<1x16xi32> to vector<16xi32>
        %swap3A_657 = vector.shape_cast %mul3A_651 : vector<16xi32> to vector<1x16xi32>
        tpu.vector_store %arg11[%swap3A_653, %swap3A_654], %swap3A_657 {strides = array<i32>} : memref<8x128xi32, #tpu.memory_space<vmem>>, vector<1x16xi32>,
        %dma_start3A = arith.constant 2 : i32
        %dma_start3A_658 = arith.constant 1 : i32
        %dma_start3A_659 = arith.constant 0 : i32
        %dma_start3A_660 = arith.constant 0 : i32
        %dma_start3A_661 = tpu.memref_slice %arg13[%dma_start3A_659, %dma_start3A_660] : memref<256x64xf32, #tpu.memory_space<vmem>> -> memref<128x64xf32, #tpu.memory_space<vmem>>
        %dma_start3A_662 = arith.constant 0 : i32
        %dma_start3A_663 = tpu.memref_slice %arg11[%dma_start3A, %dma_start3A_662] : memref<8x128xi32, #tpu.memory_space<vmem>> -> memref<1x128xi32, #tpu.memory_space<vmem>>
        %dma_start3A_664 = tpu.memref_squeeze %dma_start3A_663 : memref<1x128xi32, #tpu.memory_space<vmem>> -> memref<128xi32, #tpu.memory_space<vmem>>
        %dma_start3A_665 = arith.constant 0 : i32
        %dma_start3A_666 = arith.constant 0 : i32
        %dma_start3A_667 = tpu.memref_slice %arg7[%dma_start3A_665, %dma_start3A_666] : memref<1638400x64xf32, #tpu.memory_space<hbm>> -> memref<1638400x64xf32, #tpu.memory_space<hbm>>
        %dma_start3A_668 = tpu.memref_slice %arg16[%dma_start3A_658] : memref<4x!tpu.dma_semaphore, #tpu.memory_space<semaphore_mem>> -> memref<1x!tpu.dma_semaphore, #tpu.memory_space<semaphore_mem>>
        %dma_start3A_669 = tpu.memref_squeeze %dma_start3A_668 : memref<1x!tpu.dma_semaphore, #tpu.memory_space<semaphore_mem>> -> memref<!tpu.dma_semaphore, #tpu.memory_space<semaphore_mem>>
        tpu.enqueue_indirect_dma source(%dma_start3A_661 : memref<128x64xf32, #tpu.memory_space<vmem>>) target(%dma_start3A_667 : memref<1638400x64xf32, #tpu.memory_space<hbm>>) offsets(%dma_start3A_664 : memref<128xi32, #tpu.memory_space<vmem>>) semaphore(%dma_start3A_669 : memref<!tpu.dma_semaphore, #tpu.memory_space<semaphore_mem>>)
        %dma_start3A_670 = arith.constant 3 : i32
        %dma_start3A_671 = arith.constant 1 : i32
        %dma_start3A_672 = arith.constant 128 : i32
        %dma_start3A_673 = arith.constant 0 : i32
        %dma_start3A_674 = tpu.memref_slice %arg13[%dma_start3A_672, %dma_start3A_673] : memref<256x64xf32, #tpu.memory_space<vmem>> -> memref<128x64xf32, #tpu.memory_space<vmem>>
        %dma_start3A_675 = arith.constant 0 : i32
        %dma_start3A_676 = tpu.memref_slice %arg11[%dma_start3A_670, %dma_start3A_675] : memref<8x128xi32, #tpu.memory_space<vmem>> -> memref<1x128xi32, #tpu.memory_space<vmem>>
        %dma_start3A_677 = tpu.memref_squeeze %dma_start3A_676 : memref<1x128xi32, #tpu.memory_space<vmem>> -> memref<128xi32, #tpu.memory_space<vmem>>
        %dma_start3A_678 = arith.constant 0 : i32
        %dma_start3A_679 = arith.constant 0 : i32
        %dma_start3A_680 = tpu.memref_slice %arg7[%dma_start3A_678, %dma_start3A_679] : memref<1638400x64xf32, #tpu.memory_space<hbm>> -> memref<1638400x64xf32, #tpu.memory_space<hbm>>
        %dma_start3A_681 = tpu.memref_slice %arg16[%dma_start3A_671] : memref<4x!tpu.dma_semaphore, #tpu.memory_space<semaphore_mem>> -> memref<1x!tpu.dma_semaphore, #tpu.memory_space<semaphore_mem>>
        %dma_start3A_682 = tpu.memref_squeeze %dma_start3A_681 : memref<1x!tpu.dma_semaphore, #tpu.memory_space<semaphore_mem>> -> memref<!tpu.dma_semaphore, #tpu.memory_space<semaphore_mem>>
        tpu.enqueue_indirect_dma source(%dma_start3A_674 : memref<128x64xf32, #tpu.memory_space<vmem>>) target(%dma_start3A_680 : memref<1638400x64xf32, #tpu.memory_space<hbm>>) offsets(%dma_start3A_677 : memref<128xi32, #tpu.memory_space<vmem>>) semaphore(%dma_start3A_682 : memref<!tpu.dma_semaphore, #tpu.memory_space<semaphore_mem>>)
      } else {
      }
      %ge3A_126 = arith.constant 2 : i32
      %ge3A_127 = arith.cmpi sge, %add3A_122, %ge3A_126 : i32
      %lt3A_128 = arith.constant 52 : i32
      %lt3A_129 = arith.cmpi slt, %add3A_122, %lt3A_128 : i32
      %and3A_130 = arith.andi %ge3A_127, %lt3A_129 : i1
      %convert_element_type3A_131 = arith.extui %and3A_130 : i1 to i32
      %cond3A_132 = arith.constant 0 : i32
      %cond3A_133 = arith.cmpi ne, %convert_element_type3A_131, %cond3A_132 : i32
      scf.if %cond3A_133 {
        %dma_wait3A_247 = arith.constant 2 : i32
        %dma_wait3A_248 = arith.constant 0 : i32
        %dma_wait3A_249 = arith.constant 0 : i32
        %dma_wait3A_250 = tpu.memref_slice %arg7[%dma_wait3A_248, %dma_wait3A_249] : memref<1638400x64xf32, #tpu.memory_space<hbm>> -> memref<256x64xf32, #tpu.memory_space<hbm>>
        %dma_wait3A_251 = tpu.memref_slice %arg16[%dma_wait3A_247] : memref<4x!tpu.dma_semaphore, #tpu.memory_space<semaphore_mem>> -> memref<1x!tpu.dma_semaphore, #tpu.memory_space<semaphore_mem>>
        %dma_wait3A_252 = tpu.memref_squeeze %dma_wait3A_251 : memref<1x!tpu.dma_semaphore, #tpu.memory_space<semaphore_mem>> -> memref<!tpu.dma_semaphore, #tpu.memory_space<semaphore_mem>>
        %dma_wait3A_253 = arith.constant 0 : i32
        %dma_wait3A_254 = arith.constant 0 : i32
        %dma_wait3A_255 = tpu.memref_slice %arg7[%dma_wait3A_253, %dma_wait3A_254] : memref<1638400x64xf32, #tpu.memory_space<hbm>> -> memref<256x64xf32, #tpu.memory_space<hbm>>
        tpu.wait_dma2 semaphore(%dma_wait3A_252 : memref<!tpu.dma_semaphore, #tpu.memory_space<semaphore_mem>>) src(%dma_wait3A_255 : memref<256x64xf32, #tpu.memory_space<hbm>>) dst(%arg14 : memref<256x64xf32, #tpu.memory_space<vmem>>)
        %sub3A = arith.constant 2 : i32
        %sub3A_256 = arith.subi %add3A_122, %sub3A : i32
        %mul3A_257 = arith.constant 2 : i32
        %mul3A_258 = arith.muli %sub3A_256, %mul3A_257 : i32
        %add3A_259 = arith.constant 0 : i32
        %add3A_260 = arith.addi %mul3A_258, %add3A_259 : i32
        %dma_start3A = arith.constant 2 : i32
        %dma_start3A_261 = arith.constant 0 : i32
        %dma_start3A_262 = arith.constant 0 : i32
        %dma_start3A_263 = tpu.memref_slice %arg14[%dma_start3A_261, %dma_start3A_262] : memref<256x64xf32, #tpu.memory_space<vmem>> -> memref<128x64xf32, #tpu.memory_space<vmem>>
        %dma_start3A_264 = arith.constant 0 : i32
        %dma_start3A_265 = tpu.memref_slice %arg10[%add3A_260, %dma_start3A_264] : memref<100x128xi32, #tpu.memory_space<vmem>> -> memref<1x128xi32, #tpu.memory_space<vmem>>
        %dma_start3A_266 = tpu.memref_squeeze %dma_start3A_265 : memref<1x128xi32, #tpu.memory_space<vmem>> -> memref<128xi32, #tpu.memory_space<vmem>>
        %dma_start3A_267 = arith.constant 0 : i32
        %dma_start3A_268 = arith.constant 0 : i32
        %dma_start3A_269 = tpu.memref_slice %arg6[%dma_start3A_267, %dma_start3A_268] : memref<600x64xf32, #tpu.memory_space<hbm>> -> memref<600x64xf32, #tpu.memory_space<hbm>>
        %dma_start3A_270 = tpu.memref_slice %arg16[%dma_start3A] : memref<4x!tpu.dma_semaphore, #tpu.memory_space<semaphore_mem>> -> memref<1x!tpu.dma_semaphore, #tpu.memory_space<semaphore_mem>>
        %dma_start3A_271 = tpu.memref_squeeze %dma_start3A_270 : memref<1x!tpu.dma_semaphore, #tpu.memory_space<semaphore_mem>> -> memref<!tpu.dma_semaphore, #tpu.memory_space<semaphore_mem>>
        tpu.enqueue_indirect_dma source(%dma_start3A_269 : memref<600x64xf32, #tpu.memory_space<hbm>>) target(%dma_start3A_263 : memref<128x64xf32, #tpu.memory_space<vmem>>) offsets(%dma_start3A_266 : memref<128xi32, #tpu.memory_space<vmem>>) semaphore(%dma_start3A_271 : memref<!tpu.dma_semaphore, #tpu.memory_space<semaphore_mem>>) {add = true}
        %sub3A_272 = arith.constant 2 : i32
        %sub3A_273 = arith.subi %add3A_122, %sub3A_272 : i32
        %mul3A_274 = arith.constant 2 : i32
        %mul3A_275 = arith.muli %sub3A_273, %mul3A_274 : i32
        %add3A_276 = arith.constant 1 : i32
        %add3A_277 = arith.addi %mul3A_275, %add3A_276 : i32
        %dma_start3A_278 = arith.constant 2 : i32
        %dma_start3A_279 = arith.constant 128 : i32
        %dma_start3A_280 = arith.constant 0 : i32
        %dma_start3A_281 = tpu.memref_slice %arg14[%dma_start3A_279, %dma_start3A_280] : memref<256x64xf32, #tpu.memory_space<vmem>> -> memref<128x64xf32, #tpu.memory_space<vmem>>
        %dma_start3A_282 = arith.constant 0 : i32
        %dma_start3A_283 = tpu.memref_slice %arg10[%add3A_277, %dma_start3A_282] : memref<100x128xi32, #tpu.memory_space<vmem>> -> memref<1x128xi32, #tpu.memory_space<vmem>>
        %dma_start3A_284 = tpu.memref_squeeze %dma_start3A_283 : memref<1x128xi32, #tpu.memory_space<vmem>> -> memref<128xi32, #tpu.memory_space<vmem>>
        %dma_start3A_285 = arith.constant 0 : i32
        %dma_start3A_286 = arith.constant 0 : i32
        %dma_start3A_287 = tpu.memref_slice %arg6[%dma_start3A_285, %dma_start3A_286] : memref<600x64xf32, #tpu.memory_space<hbm>> -> memref<600x64xf32, #tpu.memory_space<hbm>>
        %dma_start3A_288 = tpu.memref_slice %arg16[%dma_start3A_278] : memref<4x!tpu.dma_semaphore, #tpu.memory_space<semaphore_mem>> -> memref<1x!tpu.dma_semaphore, #tpu.memory_space<semaphore_mem>>
        %dma_start3A_289 = tpu.memref_squeeze %dma_start3A_288 : memref<1x!tpu.dma_semaphore, #tpu.memory_space<semaphore_mem>> -> memref<!tpu.dma_semaphore, #tpu.memory_space<semaphore_mem>>
        tpu.enqueue_indirect_dma source(%dma_start3A_287 : memref<600x64xf32, #tpu.memory_space<hbm>>) target(%dma_start3A_281 : memref<128x64xf32, #tpu.memory_space<vmem>>) offsets(%dma_start3A_284 : memref<128xi32, #tpu.memory_space<vmem>>) semaphore(%dma_start3A_289 : memref<!tpu.dma_semaphore, #tpu.memory_space<semaphore_mem>>) {add = true}
      } else {
      }
      %ge3A_134 = arith.constant 1 : i32
      %ge3A_135 = arith.cmpi sge, %add3A_122, %ge3A_134 : i32
      %lt3A_136 = arith.constant 51 : i32
      %lt3A_137 = arith.cmpi slt, %add3A_122, %lt3A_136 : i32
      %and3A_138 = arith.andi %ge3A_135, %lt3A_137 : i1
      %convert_element_type3A_139 = arith.extui %and3A_138 : i1 to i32
      %cond3A_140 = arith.constant 0 : i32
      %cond3A_141 = arith.cmpi ne, %convert_element_type3A_139, %cond3A_140 : i32
      scf.if %cond3A_141 {
        %dma_wait3A_247 = arith.constant 3 : i32
        %dma_wait3A_248 = arith.constant 0 : i32
        %dma_wait3A_249 = arith.constant 0 : i32
        %dma_wait3A_250 = tpu.memref_slice %arg7[%dma_wait3A_248, %dma_wait3A_249] : memref<1638400x64xf32, #tpu.memory_space<hbm>> -> memref<256x64xf32, #tpu.memory_space<hbm>>
        %dma_wait3A_251 = tpu.memref_slice %arg16[%dma_wait3A_247] : memref<4x!tpu.dma_semaphore, #tpu.memory_space<semaphore_mem>> -> memref<1x!tpu.dma_semaphore, #tpu.memory_space<semaphore_mem>>
        %dma_wait3A_252 = tpu.memref_squeeze %dma_wait3A_251 : memref<1x!tpu.dma_semaphore, #tpu.memory_space<semaphore_mem>> -> memref<!tpu.dma_semaphore, #tpu.memory_space<semaphore_mem>>
        %dma_wait3A_253 = arith.constant 0 : i32
        %dma_wait3A_254 = arith.constant 0 : i32
        %dma_wait3A_255 = tpu.memref_slice %arg7[%dma_wait3A_253, %dma_wait3A_254] : memref<1638400x64xf32, #tpu.memory_space<hbm>> -> memref<256x64xf32, #tpu.memory_space<hbm>>
        tpu.wait_dma2 semaphore(%dma_wait3A_252 : memref<!tpu.dma_semaphore, #tpu.memory_space<semaphore_mem>>) src(%dma_wait3A_255 : memref<256x64xf32, #tpu.memory_space<hbm>>) dst(%arg15 : memref<256x64xf32, #tpu.memory_space<vmem>>)
        %sub3A = arith.constant 1 : i32
        %sub3A_256 = arith.subi %add3A_122, %sub3A : i32
        %mul3A_257 = arith.constant 2 : i32
        %mul3A_258 = arith.muli %sub3A_256, %mul3A_257 : i32
        %add3A_259 = arith.constant 0 : i32
        %add3A_260 = arith.addi %mul3A_258, %add3A_259 : i32
        %dma_start3A = arith.constant 3 : i32
        %dma_start3A_261 = arith.constant 0 : i32
        %dma_start3A_262 = arith.constant 0 : i32
        %dma_start3A_263 = tpu.memref_slice %arg15[%dma_start3A_261, %dma_start3A_262] : memref<256x64xf32, #tpu.memory_space<vmem>> -> memref<128x64xf32, #tpu.memory_space<vmem>>
        %dma_start3A_264 = arith.constant 0 : i32
        %dma_start3A_265 = tpu.memref_slice %arg9[%add3A_260, %dma_start3A_264] : memref<100x128xi32, #tpu.memory_space<vmem>> -> memref<1x128xi32, #tpu.memory_space<vmem>>
        %dma_start3A_266 = tpu.memref_squeeze %dma_start3A_265 : memref<1x128xi32, #tpu.memory_space<vmem>> -> memref<128xi32, #tpu.memory_space<vmem>>
        %dma_start3A_267 = arith.constant 0 : i32
        %dma_start3A_268 = arith.constant 0 : i32
        %dma_start3A_269 = tpu.memref_slice %arg6[%dma_start3A_267, %dma_start3A_268] : memref<600x64xf32, #tpu.memory_space<hbm>> -> memref<600x64xf32, #tpu.memory_space<hbm>>
        %dma_start3A_270 = tpu.memref_slice %arg16[%dma_start3A] : memref<4x!tpu.dma_semaphore, #tpu.memory_space<semaphore_mem>> -> memref<1x!tpu.dma_semaphore, #tpu.memory_space<semaphore_mem>>
        %dma_start3A_271 = tpu.memref_squeeze %dma_start3A_270 : memref<1x!tpu.dma_semaphore, #tpu.memory_space<semaphore_mem>> -> memref<!tpu.dma_semaphore, #tpu.memory_space<semaphore_mem>>
        tpu.enqueue_indirect_dma source(%dma_start3A_269 : memref<600x64xf32, #tpu.memory_space<hbm>>) target(%dma_start3A_263 : memref<128x64xf32, #tpu.memory_space<vmem>>) offsets(%dma_start3A_266 : memref<128xi32, #tpu.memory_space<vmem>>) semaphore(%dma_start3A_271 : memref<!tpu.dma_semaphore, #tpu.memory_space<semaphore_mem>>) {add = true}
        %sub3A_272 = arith.constant 1 : i32
        %sub3A_273 = arith.subi %add3A_122, %sub3A_272 : i32
        %mul3A_274 = arith.constant 2 : i32
        %mul3A_275 = arith.muli %sub3A_273, %mul3A_274 : i32
        %add3A_276 = arith.constant 1 : i32
        %add3A_277 = arith.addi %mul3A_275, %add3A_276 : i32
        %dma_start3A_278 = arith.constant 3 : i32
        %dma_start3A_279 = arith.constant 128 : i32
        %dma_start3A_280 = arith.constant 0 : i32
        %dma_start3A_281 = tpu.memref_slice %arg15[%dma_start3A_279, %dma_start3A_280] : memref<256x64xf32, #tpu.memory_space<vmem>> -> memref<128x64xf32, #tpu.memory_space<vmem>>
        %dma_start3A_282 = arith.constant 0 : i32
        %dma_start3A_283 = tpu.memref_slice %arg9[%add3A_277, %dma_start3A_282] : memref<100x128xi32, #tpu.memory_space<vmem>> -> memref<1x128xi32, #tpu.memory_space<vmem>>
        %dma_start3A_284 = tpu.memref_squeeze %dma_start3A_283 : memref<1x128xi32, #tpu.memory_space<vmem>> -> memref<128xi32, #tpu.memory_space<vmem>>
        %dma_start3A_285 = arith.constant 0 : i32
        %dma_start3A_286 = arith.constant 0 : i32
        %dma_start3A_287 = tpu.memref_slice %arg6[%dma_start3A_285, %dma_start3A_286] : memref<600x64xf32, #tpu.memory_space<hbm>> -> memref<600x64xf32, #tpu.memory_space<hbm>>
        %dma_start3A_288 = tpu.memref_slice %arg16[%dma_start3A_278] : memref<4x!tpu.dma_semaphore, #tpu.memory_space<semaphore_mem>> -> memref<1x!tpu.dma_semaphore, #tpu.memory_space<semaphore_mem>>
        %dma_start3A_289 = tpu.memref_squeeze %dma_start3A_288 : memref<1x!tpu.dma_semaphore, #tpu.memory_space<semaphore_mem>> -> memref<!tpu.dma_semaphore, #tpu.memory_space<semaphore_mem>>
        tpu.enqueue_indirect_dma source(%dma_start3A_287 : memref<600x64xf32, #tpu.memory_space<hbm>>) target(%dma_start3A_281 : memref<128x64xf32, #tpu.memory_space<vmem>>) offsets(%dma_start3A_284 : memref<128xi32, #tpu.memory_space<vmem>>) semaphore(%dma_start3A_289 : memref<!tpu.dma_semaphore, #tpu.memory_space<semaphore_mem>>) {add = true}
      } else {
      }
      %lt3A_142 = arith.constant 50 : i32
      %lt3A_143 = arith.cmpi slt, %add3A_122, %lt3A_142 : i32
      %convert_element_type3A_144 = arith.extui %lt3A_143 : i1 to i32
      %cond3A_145 = arith.constant 0 : i32
      %cond3A_146 = arith.cmpi ne, %convert_element_type3A_144, %cond3A_145 : i32
      scf.if %cond3A_146 {
        %ge3A_247 = arith.constant 4 : i32
        %ge3A_248 = arith.cmpi sge, %add3A_122, %ge3A_247 : i32
        %convert_element_type3A_249 = arith.extui %ge3A_248 : i1 to i32
        %cond3A_250 = arith.constant 0 : i32
        %cond3A_251 = arith.cmpi ne, %convert_element_type3A_249, %cond3A_250 : i32
        scf.if %cond3A_251 {
          %dma_wait3A_283 = arith.constant 0 : i32
          %dma_wait3A_284 = arith.constant 0 : i32
          %dma_wait3A_285 = arith.constant 0 : i32
          %dma_wait3A_286 = tpu.memref_slice %arg7[%dma_wait3A_284, %dma_wait3A_285] : memref<1638400x64xf32, #tpu.memory_space<hbm>> -> memref<256x64xf32, #tpu.memory_space<hbm>>
          %dma_wait3A_287 = tpu.memref_slice %arg16[%dma_wait3A_283] : memref<4x!tpu.dma_semaphore, #tpu.memory_space<semaphore_mem>> -> memref<1x!tpu.dma_semaphore, #tpu.memory_space<semaphore_mem>>
          %dma_wait3A_288 = tpu.memref_squeeze %dma_wait3A_287 : memref<1x!tpu.dma_semaphore, #tpu.memory_space<semaphore_mem>> -> memref<!tpu.dma_semaphore, #tpu.memory_space<semaphore_mem>>
          %dma_wait3A_289 = arith.constant 0 : i32
          %dma_wait3A_290 = arith.constant 0 : i32
          %dma_wait3A_291 = tpu.memref_slice %arg7[%dma_wait3A_289, %dma_wait3A_290] : memref<1638400x64xf32, #tpu.memory_space<hbm>> -> memref<256x64xf32, #tpu.memory_space<hbm>>
          tpu.wait_dma2 semaphore(%dma_wait3A_288 : memref<!tpu.dma_semaphore, #tpu.memory_space<semaphore_mem>>) src(%dma_wait3A_291 : memref<256x64xf32, #tpu.memory_space<hbm>>) dst(%arg12 : memref<256x64xf32, #tpu.memory_space<vmem>>)
        } else {
        }
        %mul3A_252 = arith.constant 2 : i32
        %mul3A_253 = arith.muli %add3A_122, %mul3A_252 : i32
        %add3A_254 = arith.constant 0 : i32
        %add3A_255 = arith.addi %mul3A_253, %add3A_254 : i32
        %dma_start3A = arith.constant 0 : i32
        %dma_start3A_256 = arith.constant 0 : i32
        %dma_start3A_257 = arith.constant 0 : i32
        %dma_start3A_258 = tpu.memref_slice %arg12[%dma_start3A_256, %dma_start3A_257] : memref<256x64xf32, #tpu.memory_space<vmem>> -> memref<128x64xf32, #tpu.memory_space<vmem>>
        %dma_start3A_259 = arith.constant 0 : i32
        %dma_start3A_260 = tpu.memref_slice %arg8[%add3A_255, %dma_start3A_259] : memref<100x128xi32, #tpu.memory_space<vmem>> -> memref<1x128xi32, #tpu.memory_space<vmem>>
        %dma_start3A_261 = tpu.memref_squeeze %dma_start3A_260 : memref<1x128xi32, #tpu.memory_space<vmem>> -> memref<128xi32, #tpu.memory_space<vmem>>
        %dma_start3A_262 = arith.constant 0 : i32
        %dma_start3A_263 = arith.constant 0 : i32
        %dma_start3A_264 = tpu.memref_slice %arg5[%dma_start3A_262, %dma_start3A_263] : memref<100000x64xf32, #tpu.memory_space<hbm>> -> memref<100000x64xf32, #tpu.memory_space<hbm>>
        %dma_start3A_265 = tpu.memref_slice %arg16[%dma_start3A] : memref<4x!tpu.dma_semaphore, #tpu.memory_space<semaphore_mem>> -> memref<1x!tpu.dma_semaphore, #tpu.memory_space<semaphore_mem>>
        %dma_start3A_266 = tpu.memref_squeeze %dma_start3A_265 : memref<1x!tpu.dma_semaphore, #tpu.memory_space<semaphore_mem>> -> memref<!tpu.dma_semaphore, #tpu.memory_space<semaphore_mem>>
        tpu.enqueue_indirect_dma source(%dma_start3A_264 : memref<100000x64xf32, #tpu.memory_space<hbm>>) target(%dma_start3A_258 : memref<128x64xf32, #tpu.memory_space<vmem>>) offsets(%dma_start3A_261 : memref<128xi32, #tpu.memory_space<vmem>>) semaphore(%dma_start3A_266 : memref<!tpu.dma_semaphore, #tpu.memory_space<semaphore_mem>>)
        %mul3A_267 = arith.constant 2 : i32
        %mul3A_268 = arith.muli %add3A_122, %mul3A_267 : i32
        %add3A_269 = arith.constant 1 : i32
        %add3A_270 = arith.addi %mul3A_268, %add3A_269 : i32
        %dma_start3A_271 = arith.constant 0 : i32
        %dma_start3A_272 = arith.constant 128 : i32
        %dma_start3A_273 = arith.constant 0 : i32
        %dma_start3A_274 = tpu.memref_slice %arg12[%dma_start3A_272, %dma_start3A_273] : memref<256x64xf32, #tpu.memory_space<vmem>> -> memref<128x64xf32, #tpu.memory_space<vmem>>
        %dma_start3A_275 = arith.constant 0 : i32
        %dma_start3A_276 = tpu.memref_slice %arg8[%add3A_270, %dma_start3A_275] : memref<100x128xi32, #tpu.memory_space<vmem>> -> memref<1x128xi32, #tpu.memory_space<vmem>>
        %dma_start3A_277 = tpu.memref_squeeze %dma_start3A_276 : memref<1x128xi32, #tpu.memory_space<vmem>> -> memref<128xi32, #tpu.memory_space<vmem>>
        %dma_start3A_278 = arith.constant 0 : i32
        %dma_start3A_279 = arith.constant 0 : i32
        %dma_start3A_280 = tpu.memref_slice %arg5[%dma_start3A_278, %dma_start3A_279] : memref<100000x64xf32, #tpu.memory_space<hbm>> -> memref<100000x64xf32, #tpu.memory_space<hbm>>
        %dma_start3A_281 = tpu.memref_slice %arg16[%dma_start3A_271] : memref<4x!tpu.dma_semaphore, #tpu.memory_space<semaphore_mem>> -> memref<1x!tpu.dma_semaphore, #tpu.memory_space<semaphore_mem>>
        %dma_start3A_282 = tpu.memref_squeeze %dma_start3A_281 : memref<1x!tpu.dma_semaphore, #tpu.memory_space<semaphore_mem>> -> memref<!tpu.dma_semaphore, #tpu.memory_space<semaphore_mem>>
        tpu.enqueue_indirect_dma source(%dma_start3A_280 : memref<100000x64xf32, #tpu.memory_space<hbm>>) target(%dma_start3A_274 : memref<128x64xf32, #tpu.memory_space<vmem>>) offsets(%dma_start3A_277 : memref<128xi32, #tpu.memory_space<vmem>>) semaphore(%dma_start3A_282 : memref<!tpu.dma_semaphore, #tpu.memory_space<semaphore_mem>>)
      } else {
      }
      %mul3A_147 = arith.constant 4 : i32
      %mul3A_148 = arith.muli %scan3A_117, %mul3A_147 : i32
      %add3A_149 = arith.constant 1 : i32
      %add3A_150 = arith.addi %mul3A_148, %add3A_149 : i32
      %ge3A_151 = arith.constant 3 : i32
      %ge3A_152 = arith.cmpi sge, %add3A_150, %ge3A_151 : i32
      %lt3A_153 = arith.constant 53 : i32
      %lt3A_154 = arith.cmpi slt, %add3A_150, %lt3A_153 : i32
      %and3A_155 = arith.andi %ge3A_152, %lt3A_154 : i1
      %convert_element_type3A_156 = arith.extui %and3A_155 : i1 to i32
      %cond3A_157 = arith.constant 0 : i32
      %cond3A_158 = arith.cmpi ne, %convert_element_type3A_156, %cond3A_157 : i32
      scf.if %cond3A_158 {
        %dma_wait3A_247 = arith.constant 2 : i32
        %dma_wait3A_248 = arith.constant 0 : i32
        %dma_wait3A_249 = arith.constant 0 : i32
        %dma_wait3A_250 = tpu.memref_slice %arg7[%dma_wait3A_248, %dma_wait3A_249] : memref<1638400x64xf32, #tpu.memory_space<hbm>> -> memref<256x64xf32, #tpu.memory_space<hbm>>
        %dma_wait3A_251 = tpu.memref_slice %arg16[%dma_wait3A_247] : memref<4x!tpu.dma_semaphore, #tpu.memory_space<semaphore_mem>> -> memref<1x!tpu.dma_semaphore, #tpu.memory_space<semaphore_mem>>
        %dma_wait3A_252 = tpu.memref_squeeze %dma_wait3A_251 : memref<1x!tpu.dma_semaphore, #tpu.memory_space<semaphore_mem>> -> memref<!tpu.dma_semaphore, #tpu.memory_space<semaphore_mem>>
        %dma_wait3A_253 = arith.constant 0 : i32
        %dma_wait3A_254 = arith.constant 0 : i32
        %dma_wait3A_255 = tpu.memref_slice %arg7[%dma_wait3A_253, %dma_wait3A_254] : memref<1638400x64xf32, #tpu.memory_space<hbm>> -> memref<256x64xf32, #tpu.memory_space<hbm>>
        tpu.wait_dma2 semaphore(%dma_wait3A_252 : memref<!tpu.dma_semaphore, #tpu.memory_space<semaphore_mem>>) src(%dma_wait3A_255 : memref<256x64xf32, #tpu.memory_space<hbm>>) dst(%arg14 : memref<256x64xf32, #tpu.memory_space<vmem>>)
        %sub3A = arith.constant 3 : i32
        %sub3A_256 = arith.subi %add3A_150, %sub3A : i32
        %mul3A_257 = arith.constant 256 : i32
        %mul3A_258 = arith.muli %sub3A_256, %mul3A_257 : i32
        %add3A_259 = arith.addi %mul3A_16, %mul3A_258 : i32
        %add3A_260 = arith.constant 0 : i32
        %add3A_261 = arith.addi %add3A_259, %add3A_260 : i32
        %add3A_262 = arith.constant 0 : i32
        %add3A_263 = arith.addi %add3A_261, %add3A_262 : i32
        %add3A_264 = vector.broadcast %add3A_263 : i32 to vector<16xi32>
        %add3A_265 = arith.addi %add3A_264, %iota3A : vector<16xi32>
        %and3A_266 = arith.constant 4095 : i32
        %and3A_267 = vector.broadcast %and3A_266 : i32 to vector<16xi32>
        %and3A_268 = arith.andi %add3A_265, %and3A_267 : vector<16xi32>
        %mul3A_269 = arith.constant 200 : i32
        %mul3A_270 = vector.broadcast %mul3A_269 : i32 to vector<16xi32>
        %mul3A_271 = arith.muli %and3A_268, %mul3A_270 : vector<16xi32>
        %shift_right_arithmetic3A = arith.constant 12 : i32
        %shift_right_arithmetic3A_272 = vector.broadcast %shift_right_arithmetic3A : i32 to vector<16xi32>
        %shift_right_arithmetic3A_273 = arith.shrsi %add3A_265, %shift_right_arithmetic3A_272 : vector<16xi32>
        %add3A_274 = arith.addi %mul3A_271, %shift_right_arithmetic3A_273 : vector<16xi32>
        %mul3A_275 = arith.constant 2 : i32
        %mul3A_276 = vector.broadcast %mul3A_275 : i32 to vector<16xi32>
        %mul3A_277 = arith.muli %add3A_274, %mul3A_276 : vector<16xi32>
        %swap3A = arith.constant 4 : i32
        %swap3A_278 = arith.index_cast %swap3A : i32 to index
        %swap3A_279 = arith.constant 0 : index
        %swap3A_280 = tpu.vector_load %arg11[%swap3A_278, %swap3A_279] {strides = array<i32>} : memref<8x128xi32, #tpu.memory_space<vmem>>, vector<1x16xi32>,
        %swap3A_281 = vector.shape_cast %swap3A_280 : vector<1x16xi32> to vector<16xi32>
        %swap3A_282 = vector.shape_cast %mul3A_277 : vector<16xi32> to vector<1x16xi32>
        tpu.vector_store %arg11[%swap3A_278, %swap3A_279], %swap3A_282 {strides = array<i32>} : memref<8x128xi32, #tpu.memory_space<vmem>>, vector<1x16xi32>,
        %add3A_283 = arith.constant 0 : i32
        %add3A_284 = arith.addi %add3A_259, %add3A_283 : i32
        %add3A_285 = arith.constant 16 : i32
        %add3A_286 = arith.addi %add3A_284, %add3A_285 : i32
        %add3A_287 = vector.broadcast %add3A_286 : i32 to vector<16xi32>
        %add3A_288 = arith.addi %add3A_287, %iota3A : vector<16xi32>
        %and3A_289 = arith.constant 4095 : i32
        %and3A_290 = vector.broadcast %and3A_289 : i32 to vector<16xi32>
        %and3A_291 = arith.andi %add3A_288, %and3A_290 : vector<16xi32>
        %mul3A_292 = arith.constant 200 : i32
        %mul3A_293 = vector.broadcast %mul3A_292 : i32 to vector<16xi32>
        %mul3A_294 = arith.muli %and3A_291, %mul3A_293 : vector<16xi32>
        %shift_right_arithmetic3A_295 = arith.constant 12 : i32
        %shift_right_arithmetic3A_296 = vector.broadcast %shift_right_arithmetic3A_295 : i32 to vector<16xi32>
        %shift_right_arithmetic3A_297 = arith.shrsi %add3A_288, %shift_right_arithmetic3A_296 : vector<16xi32>
        %add3A_298 = arith.addi %mul3A_294, %shift_right_arithmetic3A_297 : vector<16xi32>
        %mul3A_299 = arith.constant 2 : i32
        %mul3A_300 = vector.broadcast %mul3A_299 : i32 to vector<16xi32>
        %mul3A_301 = arith.muli %add3A_298, %mul3A_300 : vector<16xi32>
        %swap3A_302 = arith.constant 4 : i32
        %swap3A_303 = arith.index_cast %swap3A_302 : i32 to index
        %swap3A_304 = arith.constant 16 : index
        %swap3A_305 = tpu.vector_load %arg11[%swap3A_303, %swap3A_304] {strides = array<i32>} : memref<8x128xi32, #tpu.memory_space<vmem>>, vector<1x16xi32>,
        %swap3A_306 = vector.shape_cast %swap3A_305 : vector<1x16xi32> to vector<16xi32>
        %swap3A_307 = vector.shape_cast %mul3A_301 : vector<16xi32> to vector<1x16xi32>
        tpu.vector_store %arg11[%swap3A_303, %swap3A_304], %swap3A_307 {strides = array<i32>} : memref<8x128xi32, #tpu.memory_space<vmem>>, vector<1x16xi32>,
        %add3A_308 = arith.constant 0 : i32
        %add3A_309 = arith.addi %add3A_259, %add3A_308 : i32
        %add3A_310 = arith.constant 32 : i32
        %add3A_311 = arith.addi %add3A_309, %add3A_310 : i32
        %add3A_312 = vector.broadcast %add3A_311 : i32 to vector<16xi32>
        %add3A_313 = arith.addi %add3A_312, %iota3A : vector<16xi32>
        %and3A_314 = arith.constant 4095 : i32
        %and3A_315 = vector.broadcast %and3A_314 : i32 to vector<16xi32>
        %and3A_316 = arith.andi %add3A_313, %and3A_315 : vector<16xi32>
        %mul3A_317 = arith.constant 200 : i32
        %mul3A_318 = vector.broadcast %mul3A_317 : i32 to vector<16xi32>
        %mul3A_319 = arith.muli %and3A_316, %mul3A_318 : vector<16xi32>
        %shift_right_arithmetic3A_320 = arith.constant 12 : i32
        %shift_right_arithmetic3A_321 = vector.broadcast %shift_right_arithmetic3A_320 : i32 to vector<16xi32>
        %shift_right_arithmetic3A_322 = arith.shrsi %add3A_313, %shift_right_arithmetic3A_321 : vector<16xi32>
        %add3A_323 = arith.addi %mul3A_319, %shift_right_arithmetic3A_322 : vector<16xi32>
        %mul3A_324 = arith.constant 2 : i32
        %mul3A_325 = vector.broadcast %mul3A_324 : i32 to vector<16xi32>
        %mul3A_326 = arith.muli %add3A_323, %mul3A_325 : vector<16xi32>
        %swap3A_327 = arith.constant 4 : i32
        %swap3A_328 = arith.index_cast %swap3A_327 : i32 to index
        %swap3A_329 = arith.constant 32 : index
        %swap3A_330 = tpu.vector_load %arg11[%swap3A_328, %swap3A_329] {strides = array<i32>} : memref<8x128xi32, #tpu.memory_space<vmem>>, vector<1x16xi32>,
        %swap3A_331 = vector.shape_cast %swap3A_330 : vector<1x16xi32> to vector<16xi32>
        %swap3A_332 = vector.shape_cast %mul3A_326 : vector<16xi32> to vector<1x16xi32>
        tpu.vector_store %arg11[%swap3A_328, %swap3A_329], %swap3A_332 {strides = array<i32>} : memref<8x128xi32, #tpu.memory_space<vmem>>, vector<1x16xi32>,
        %add3A_333 = arith.constant 0 : i32
        %add3A_334 = arith.addi %add3A_259, %add3A_333 : i32
        %add3A_335 = arith.constant 48 : i32
        %add3A_336 = arith.addi %add3A_334, %add3A_335 : i32
        %add3A_337 = vector.broadcast %add3A_336 : i32 to vector<16xi32>
        %add3A_338 = arith.addi %add3A_337, %iota3A : vector<16xi32>
        %and3A_339 = arith.constant 4095 : i32
        %and3A_340 = vector.broadcast %and3A_339 : i32 to vector<16xi32>
        %and3A_341 = arith.andi %add3A_338, %and3A_340 : vector<16xi32>
        %mul3A_342 = arith.constant 200 : i32
        %mul3A_343 = vector.broadcast %mul3A_342 : i32 to vector<16xi32>
        %mul3A_344 = arith.muli %and3A_341, %mul3A_343 : vector<16xi32>
        %shift_right_arithmetic3A_345 = arith.constant 12 : i32
        %shift_right_arithmetic3A_346 = vector.broadcast %shift_right_arithmetic3A_345 : i32 to vector<16xi32>
        %shift_right_arithmetic3A_347 = arith.shrsi %add3A_338, %shift_right_arithmetic3A_346 : vector<16xi32>
        %add3A_348 = arith.addi %mul3A_344, %shift_right_arithmetic3A_347 : vector<16xi32>
        %mul3A_349 = arith.constant 2 : i32
        %mul3A_350 = vector.broadcast %mul3A_349 : i32 to vector<16xi32>
        %mul3A_351 = arith.muli %add3A_348, %mul3A_350 : vector<16xi32>
        %swap3A_352 = arith.constant 4 : i32
        %swap3A_353 = arith.index_cast %swap3A_352 : i32 to index
        %swap3A_354 = arith.constant 48 : index
        %swap3A_355 = tpu.vector_load %arg11[%swap3A_353, %swap3A_354] {strides = array<i32>} : memref<8x128xi32, #tpu.memory_space<vmem>>, vector<1x16xi32>,
        %swap3A_356 = vector.shape_cast %swap3A_355 : vector<1x16xi32> to vector<16xi32>
        %swap3A_357 = vector.shape_cast %mul3A_351 : vector<16xi32> to vector<1x16xi32>
        tpu.vector_store %arg11[%swap3A_353, %swap3A_354], %swap3A_357 {strides = array<i32>} : memref<8x128xi32, #tpu.memory_space<vmem>>, vector<1x16xi32>,
        %add3A_358 = arith.constant 0 : i32
        %add3A_359 = arith.addi %add3A_259, %add3A_358 : i32
        %add3A_360 = arith.constant 64 : i32
        %add3A_361 = arith.addi %add3A_359, %add3A_360 : i32
        %add3A_362 = vector.broadcast %add3A_361 : i32 to vector<16xi32>
        %add3A_363 = arith.addi %add3A_362, %iota3A : vector<16xi32>
        %and3A_364 = arith.constant 4095 : i32
        %and3A_365 = vector.broadcast %and3A_364 : i32 to vector<16xi32>
        %and3A_366 = arith.andi %add3A_363, %and3A_365 : vector<16xi32>
        %mul3A_367 = arith.constant 200 : i32
        %mul3A_368 = vector.broadcast %mul3A_367 : i32 to vector<16xi32>
        %mul3A_369 = arith.muli %and3A_366, %mul3A_368 : vector<16xi32>
        %shift_right_arithmetic3A_370 = arith.constant 12 : i32
        %shift_right_arithmetic3A_371 = vector.broadcast %shift_right_arithmetic3A_370 : i32 to vector<16xi32>
        %shift_right_arithmetic3A_372 = arith.shrsi %add3A_363, %shift_right_arithmetic3A_371 : vector<16xi32>
        %add3A_373 = arith.addi %mul3A_369, %shift_right_arithmetic3A_372 : vector<16xi32>
        %mul3A_374 = arith.constant 2 : i32
        %mul3A_375 = vector.broadcast %mul3A_374 : i32 to vector<16xi32>
        %mul3A_376 = arith.muli %add3A_373, %mul3A_375 : vector<16xi32>
        %swap3A_377 = arith.constant 4 : i32
        %swap3A_378 = arith.index_cast %swap3A_377 : i32 to index
        %swap3A_379 = arith.constant 64 : index
        %swap3A_380 = tpu.vector_load %arg11[%swap3A_378, %swap3A_379] {strides = array<i32>} : memref<8x128xi32, #tpu.memory_space<vmem>>, vector<1x16xi32>,
        %swap3A_381 = vector.shape_cast %swap3A_380 : vector<1x16xi32> to vector<16xi32>
        %swap3A_382 = vector.shape_cast %mul3A_376 : vector<16xi32> to vector<1x16xi32>
        tpu.vector_store %arg11[%swap3A_378, %swap3A_379], %swap3A_382 {strides = array<i32>} : memref<8x128xi32, #tpu.memory_space<vmem>>, vector<1x16xi32>,
        %add3A_383 = arith.constant 0 : i32
        %add3A_384 = arith.addi %add3A_259, %add3A_383 : i32
        %add3A_385 = arith.constant 80 : i32
        %add3A_386 = arith.addi %add3A_384, %add3A_385 : i32
        %add3A_387 = vector.broadcast %add3A_386 : i32 to vector<16xi32>
        %add3A_388 = arith.addi %add3A_387, %iota3A : vector<16xi32>
        %and3A_389 = arith.constant 4095 : i32
        %and3A_390 = vector.broadcast %and3A_389 : i32 to vector<16xi32>
        %and3A_391 = arith.andi %add3A_388, %and3A_390 : vector<16xi32>
        %mul3A_392 = arith.constant 200 : i32
        %mul3A_393 = vector.broadcast %mul3A_392 : i32 to vector<16xi32>
        %mul3A_394 = arith.muli %and3A_391, %mul3A_393 : vector<16xi32>
        %shift_right_arithmetic3A_395 = arith.constant 12 : i32
        %shift_right_arithmetic3A_396 = vector.broadcast %shift_right_arithmetic3A_395 : i32 to vector<16xi32>
        %shift_right_arithmetic3A_397 = arith.shrsi %add3A_388, %shift_right_arithmetic3A_396 : vector<16xi32>
        %add3A_398 = arith.addi %mul3A_394, %shift_right_arithmetic3A_397 : vector<16xi32>
        %mul3A_399 = arith.constant 2 : i32
        %mul3A_400 = vector.broadcast %mul3A_399 : i32 to vector<16xi32>
        %mul3A_401 = arith.muli %add3A_398, %mul3A_400 : vector<16xi32>
        %swap3A_402 = arith.constant 4 : i32
        %swap3A_403 = arith.index_cast %swap3A_402 : i32 to index
        %swap3A_404 = arith.constant 80 : index
        %swap3A_405 = tpu.vector_load %arg11[%swap3A_403, %swap3A_404] {strides = array<i32>} : memref<8x128xi32, #tpu.memory_space<vmem>>, vector<1x16xi32>,
        %swap3A_406 = vector.shape_cast %swap3A_405 : vector<1x16xi32> to vector<16xi32>
        %swap3A_407 = vector.shape_cast %mul3A_401 : vector<16xi32> to vector<1x16xi32>
        tpu.vector_store %arg11[%swap3A_403, %swap3A_404], %swap3A_407 {strides = array<i32>} : memref<8x128xi32, #tpu.memory_space<vmem>>, vector<1x16xi32>,
        %add3A_408 = arith.constant 0 : i32
        %add3A_409 = arith.addi %add3A_259, %add3A_408 : i32
        %add3A_410 = arith.constant 96 : i32
        %add3A_411 = arith.addi %add3A_409, %add3A_410 : i32
        %add3A_412 = vector.broadcast %add3A_411 : i32 to vector<16xi32>
        %add3A_413 = arith.addi %add3A_412, %iota3A : vector<16xi32>
        %and3A_414 = arith.constant 4095 : i32
        %and3A_415 = vector.broadcast %and3A_414 : i32 to vector<16xi32>
        %and3A_416 = arith.andi %add3A_413, %and3A_415 : vector<16xi32>
        %mul3A_417 = arith.constant 200 : i32
        %mul3A_418 = vector.broadcast %mul3A_417 : i32 to vector<16xi32>
        %mul3A_419 = arith.muli %and3A_416, %mul3A_418 : vector<16xi32>
        %shift_right_arithmetic3A_420 = arith.constant 12 : i32
        %shift_right_arithmetic3A_421 = vector.broadcast %shift_right_arithmetic3A_420 : i32 to vector<16xi32>
        %shift_right_arithmetic3A_422 = arith.shrsi %add3A_413, %shift_right_arithmetic3A_421 : vector<16xi32>
        %add3A_423 = arith.addi %mul3A_419, %shift_right_arithmetic3A_422 : vector<16xi32>
        %mul3A_424 = arith.constant 2 : i32
        %mul3A_425 = vector.broadcast %mul3A_424 : i32 to vector<16xi32>
        %mul3A_426 = arith.muli %add3A_423, %mul3A_425 : vector<16xi32>
        %swap3A_427 = arith.constant 4 : i32
        %swap3A_428 = arith.index_cast %swap3A_427 : i32 to index
        %swap3A_429 = arith.constant 96 : index
        %swap3A_430 = tpu.vector_load %arg11[%swap3A_428, %swap3A_429] {strides = array<i32>} : memref<8x128xi32, #tpu.memory_space<vmem>>, vector<1x16xi32>,
        %swap3A_431 = vector.shape_cast %swap3A_430 : vector<1x16xi32> to vector<16xi32>
        %swap3A_432 = vector.shape_cast %mul3A_426 : vector<16xi32> to vector<1x16xi32>
        tpu.vector_store %arg11[%swap3A_428, %swap3A_429], %swap3A_432 {strides = array<i32>} : memref<8x128xi32, #tpu.memory_space<vmem>>, vector<1x16xi32>,
        %add3A_433 = arith.constant 0 : i32
        %add3A_434 = arith.addi %add3A_259, %add3A_433 : i32
        %add3A_435 = arith.constant 112 : i32
        %add3A_436 = arith.addi %add3A_434, %add3A_435 : i32
        %add3A_437 = vector.broadcast %add3A_436 : i32 to vector<16xi32>
        %add3A_438 = arith.addi %add3A_437, %iota3A : vector<16xi32>
        %and3A_439 = arith.constant 4095 : i32
        %and3A_440 = vector.broadcast %and3A_439 : i32 to vector<16xi32>
        %and3A_441 = arith.andi %add3A_438, %and3A_440 : vector<16xi32>
        %mul3A_442 = arith.constant 200 : i32
        %mul3A_443 = vector.broadcast %mul3A_442 : i32 to vector<16xi32>
        %mul3A_444 = arith.muli %and3A_441, %mul3A_443 : vector<16xi32>
        %shift_right_arithmetic3A_445 = arith.constant 12 : i32
        %shift_right_arithmetic3A_446 = vector.broadcast %shift_right_arithmetic3A_445 : i32 to vector<16xi32>
        %shift_right_arithmetic3A_447 = arith.shrsi %add3A_438, %shift_right_arithmetic3A_446 : vector<16xi32>
        %add3A_448 = arith.addi %mul3A_444, %shift_right_arithmetic3A_447 : vector<16xi32>
        %mul3A_449 = arith.constant 2 : i32
        %mul3A_450 = vector.broadcast %mul3A_449 : i32 to vector<16xi32>
        %mul3A_451 = arith.muli %add3A_448, %mul3A_450 : vector<16xi32>
        %swap3A_452 = arith.constant 4 : i32
        %swap3A_453 = arith.index_cast %swap3A_452 : i32 to index
        %swap3A_454 = arith.constant 112 : index
        %swap3A_455 = tpu.vector_load %arg11[%swap3A_453, %swap3A_454] {strides = array<i32>} : memref<8x128xi32, #tpu.memory_space<vmem>>, vector<1x16xi32>,
        %swap3A_456 = vector.shape_cast %swap3A_455 : vector<1x16xi32> to vector<16xi32>
        %swap3A_457 = vector.shape_cast %mul3A_451 : vector<16xi32> to vector<1x16xi32>
        tpu.vector_store %arg11[%swap3A_453, %swap3A_454], %swap3A_457 {strides = array<i32>} : memref<8x128xi32, #tpu.memory_space<vmem>>, vector<1x16xi32>,
        %add3A_458 = arith.constant 128 : i32
        %add3A_459 = arith.addi %add3A_259, %add3A_458 : i32
        %add3A_460 = arith.constant 0 : i32
        %add3A_461 = arith.addi %add3A_459, %add3A_460 : i32
        %add3A_462 = vector.broadcast %add3A_461 : i32 to vector<16xi32>
        %add3A_463 = arith.addi %add3A_462, %iota3A : vector<16xi32>
        %and3A_464 = arith.constant 4095 : i32
        %and3A_465 = vector.broadcast %and3A_464 : i32 to vector<16xi32>
        %and3A_466 = arith.andi %add3A_463, %and3A_465 : vector<16xi32>
        %mul3A_467 = arith.constant 200 : i32
        %mul3A_468 = vector.broadcast %mul3A_467 : i32 to vector<16xi32>
        %mul3A_469 = arith.muli %and3A_466, %mul3A_468 : vector<16xi32>
        %shift_right_arithmetic3A_470 = arith.constant 12 : i32
        %shift_right_arithmetic3A_471 = vector.broadcast %shift_right_arithmetic3A_470 : i32 to vector<16xi32>
        %shift_right_arithmetic3A_472 = arith.shrsi %add3A_463, %shift_right_arithmetic3A_471 : vector<16xi32>
        %add3A_473 = arith.addi %mul3A_469, %shift_right_arithmetic3A_472 : vector<16xi32>
        %mul3A_474 = arith.constant 2 : i32
        %mul3A_475 = vector.broadcast %mul3A_474 : i32 to vector<16xi32>
        %mul3A_476 = arith.muli %add3A_473, %mul3A_475 : vector<16xi32>
        %swap3A_477 = arith.constant 5 : i32
        %swap3A_478 = arith.index_cast %swap3A_477 : i32 to index
        %swap3A_479 = arith.constant 0 : index
        %swap3A_480 = tpu.vector_load %arg11[%swap3A_478, %swap3A_479] {strides = array<i32>} : memref<8x128xi32, #tpu.memory_space<vmem>>, vector<1x16xi32>,
        %swap3A_481 = vector.shape_cast %swap3A_480 : vector<1x16xi32> to vector<16xi32>
        %swap3A_482 = vector.shape_cast %mul3A_476 : vector<16xi32> to vector<1x16xi32>
        tpu.vector_store %arg11[%swap3A_478, %swap3A_479], %swap3A_482 {strides = array<i32>} : memref<8x128xi32, #tpu.memory_space<vmem>>, vector<1x16xi32>,
        %add3A_483 = arith.constant 128 : i32
        %add3A_484 = arith.addi %add3A_259, %add3A_483 : i32
        %add3A_485 = arith.constant 16 : i32
        %add3A_486 = arith.addi %add3A_484, %add3A_485 : i32
        %add3A_487 = vector.broadcast %add3A_486 : i32 to vector<16xi32>
        %add3A_488 = arith.addi %add3A_487, %iota3A : vector<16xi32>
        %and3A_489 = arith.constant 4095 : i32
        %and3A_490 = vector.broadcast %and3A_489 : i32 to vector<16xi32>
        %and3A_491 = arith.andi %add3A_488, %and3A_490 : vector<16xi32>
        %mul3A_492 = arith.constant 200 : i32
        %mul3A_493 = vector.broadcast %mul3A_492 : i32 to vector<16xi32>
        %mul3A_494 = arith.muli %and3A_491, %mul3A_493 : vector<16xi32>
        %shift_right_arithmetic3A_495 = arith.constant 12 : i32
        %shift_right_arithmetic3A_496 = vector.broadcast %shift_right_arithmetic3A_495 : i32 to vector<16xi32>
        %shift_right_arithmetic3A_497 = arith.shrsi %add3A_488, %shift_right_arithmetic3A_496 : vector<16xi32>
        %add3A_498 = arith.addi %mul3A_494, %shift_right_arithmetic3A_497 : vector<16xi32>
        %mul3A_499 = arith.constant 2 : i32
        %mul3A_500 = vector.broadcast %mul3A_499 : i32 to vector<16xi32>
        %mul3A_501 = arith.muli %add3A_498, %mul3A_500 : vector<16xi32>
        %swap3A_502 = arith.constant 5 : i32
        %swap3A_503 = arith.index_cast %swap3A_502 : i32 to index
        %swap3A_504 = arith.constant 16 : index
        %swap3A_505 = tpu.vector_load %arg11[%swap3A_503, %swap3A_504] {strides = array<i32>} : memref<8x128xi32, #tpu.memory_space<vmem>>, vector<1x16xi32>,
        %swap3A_506 = vector.shape_cast %swap3A_505 : vector<1x16xi32> to vector<16xi32>
        %swap3A_507 = vector.shape_cast %mul3A_501 : vector<16xi32> to vector<1x16xi32>
        tpu.vector_store %arg11[%swap3A_503, %swap3A_504], %swap3A_507 {strides = array<i32>} : memref<8x128xi32, #tpu.memory_space<vmem>>, vector<1x16xi32>,
        %add3A_508 = arith.constant 128 : i32
        %add3A_509 = arith.addi %add3A_259, %add3A_508 : i32
        %add3A_510 = arith.constant 32 : i32
        %add3A_511 = arith.addi %add3A_509, %add3A_510 : i32
        %add3A_512 = vector.broadcast %add3A_511 : i32 to vector<16xi32>
        %add3A_513 = arith.addi %add3A_512, %iota3A : vector<16xi32>
        %and3A_514 = arith.constant 4095 : i32
        %and3A_515 = vector.broadcast %and3A_514 : i32 to vector<16xi32>
        %and3A_516 = arith.andi %add3A_513, %and3A_515 : vector<16xi32>
        %mul3A_517 = arith.constant 200 : i32
        %mul3A_518 = vector.broadcast %mul3A_517 : i32 to vector<16xi32>
        %mul3A_519 = arith.muli %and3A_516, %mul3A_518 : vector<16xi32>
        %shift_right_arithmetic3A_520 = arith.constant 12 : i32
        %shift_right_arithmetic3A_521 = vector.broadcast %shift_right_arithmetic3A_520 : i32 to vector<16xi32>
        %shift_right_arithmetic3A_522 = arith.shrsi %add3A_513, %shift_right_arithmetic3A_521 : vector<16xi32>
        %add3A_523 = arith.addi %mul3A_519, %shift_right_arithmetic3A_522 : vector<16xi32>
        %mul3A_524 = arith.constant 2 : i32
        %mul3A_525 = vector.broadcast %mul3A_524 : i32 to vector<16xi32>
        %mul3A_526 = arith.muli %add3A_523, %mul3A_525 : vector<16xi32>
        %swap3A_527 = arith.constant 5 : i32
        %swap3A_528 = arith.index_cast %swap3A_527 : i32 to index
        %swap3A_529 = arith.constant 32 : index
        %swap3A_530 = tpu.vector_load %arg11[%swap3A_528, %swap3A_529] {strides = array<i32>} : memref<8x128xi32, #tpu.memory_space<vmem>>, vector<1x16xi32>,
        %swap3A_531 = vector.shape_cast %swap3A_530 : vector<1x16xi32> to vector<16xi32>
        %swap3A_532 = vector.shape_cast %mul3A_526 : vector<16xi32> to vector<1x16xi32>
        tpu.vector_store %arg11[%swap3A_528, %swap3A_529], %swap3A_532 {strides = array<i32>} : memref<8x128xi32, #tpu.memory_space<vmem>>, vector<1x16xi32>,
        %add3A_533 = arith.constant 128 : i32
        %add3A_534 = arith.addi %add3A_259, %add3A_533 : i32
        %add3A_535 = arith.constant 48 : i32
        %add3A_536 = arith.addi %add3A_534, %add3A_535 : i32
        %add3A_537 = vector.broadcast %add3A_536 : i32 to vector<16xi32>
        %add3A_538 = arith.addi %add3A_537, %iota3A : vector<16xi32>
        %and3A_539 = arith.constant 4095 : i32
        %and3A_540 = vector.broadcast %and3A_539 : i32 to vector<16xi32>
        %and3A_541 = arith.andi %add3A_538, %and3A_540 : vector<16xi32>
        %mul3A_542 = arith.constant 200 : i32
        %mul3A_543 = vector.broadcast %mul3A_542 : i32 to vector<16xi32>
        %mul3A_544 = arith.muli %and3A_541, %mul3A_543 : vector<16xi32>
        %shift_right_arithmetic3A_545 = arith.constant 12 : i32
        %shift_right_arithmetic3A_546 = vector.broadcast %shift_right_arithmetic3A_545 : i32 to vector<16xi32>
        %shift_right_arithmetic3A_547 = arith.shrsi %add3A_538, %shift_right_arithmetic3A_546 : vector<16xi32>
        %add3A_548 = arith.addi %mul3A_544, %shift_right_arithmetic3A_547 : vector<16xi32>
        %mul3A_549 = arith.constant 2 : i32
        %mul3A_550 = vector.broadcast %mul3A_549 : i32 to vector<16xi32>
        %mul3A_551 = arith.muli %add3A_548, %mul3A_550 : vector<16xi32>
        %swap3A_552 = arith.constant 5 : i32
        %swap3A_553 = arith.index_cast %swap3A_552 : i32 to index
        %swap3A_554 = arith.constant 48 : index
        %swap3A_555 = tpu.vector_load %arg11[%swap3A_553, %swap3A_554] {strides = array<i32>} : memref<8x128xi32, #tpu.memory_space<vmem>>, vector<1x16xi32>,
        %swap3A_556 = vector.shape_cast %swap3A_555 : vector<1x16xi32> to vector<16xi32>
        %swap3A_557 = vector.shape_cast %mul3A_551 : vector<16xi32> to vector<1x16xi32>
        tpu.vector_store %arg11[%swap3A_553, %swap3A_554], %swap3A_557 {strides = array<i32>} : memref<8x128xi32, #tpu.memory_space<vmem>>, vector<1x16xi32>,
        %add3A_558 = arith.constant 128 : i32
        %add3A_559 = arith.addi %add3A_259, %add3A_558 : i32
        %add3A_560 = arith.constant 64 : i32
        %add3A_561 = arith.addi %add3A_559, %add3A_560 : i32
        %add3A_562 = vector.broadcast %add3A_561 : i32 to vector<16xi32>
        %add3A_563 = arith.addi %add3A_562, %iota3A : vector<16xi32>
        %and3A_564 = arith.constant 4095 : i32
        %and3A_565 = vector.broadcast %and3A_564 : i32 to vector<16xi32>
        %and3A_566 = arith.andi %add3A_563, %and3A_565 : vector<16xi32>
        %mul3A_567 = arith.constant 200 : i32
        %mul3A_568 = vector.broadcast %mul3A_567 : i32 to vector<16xi32>
        %mul3A_569 = arith.muli %and3A_566, %mul3A_568 : vector<16xi32>
        %shift_right_arithmetic3A_570 = arith.constant 12 : i32
        %shift_right_arithmetic3A_571 = vector.broadcast %shift_right_arithmetic3A_570 : i32 to vector<16xi32>
        %shift_right_arithmetic3A_572 = arith.shrsi %add3A_563, %shift_right_arithmetic3A_571 : vector<16xi32>
        %add3A_573 = arith.addi %mul3A_569, %shift_right_arithmetic3A_572 : vector<16xi32>
        %mul3A_574 = arith.constant 2 : i32
        %mul3A_575 = vector.broadcast %mul3A_574 : i32 to vector<16xi32>
        %mul3A_576 = arith.muli %add3A_573, %mul3A_575 : vector<16xi32>
        %swap3A_577 = arith.constant 5 : i32
        %swap3A_578 = arith.index_cast %swap3A_577 : i32 to index
        %swap3A_579 = arith.constant 64 : index
        %swap3A_580 = tpu.vector_load %arg11[%swap3A_578, %swap3A_579] {strides = array<i32>} : memref<8x128xi32, #tpu.memory_space<vmem>>, vector<1x16xi32>,
        %swap3A_581 = vector.shape_cast %swap3A_580 : vector<1x16xi32> to vector<16xi32>
        %swap3A_582 = vector.shape_cast %mul3A_576 : vector<16xi32> to vector<1x16xi32>
        tpu.vector_store %arg11[%swap3A_578, %swap3A_579], %swap3A_582 {strides = array<i32>} : memref<8x128xi32, #tpu.memory_space<vmem>>, vector<1x16xi32>,
        %add3A_583 = arith.constant 128 : i32
        %add3A_584 = arith.addi %add3A_259, %add3A_583 : i32
        %add3A_585 = arith.constant 80 : i32
        %add3A_586 = arith.addi %add3A_584, %add3A_585 : i32
        %add3A_587 = vector.broadcast %add3A_586 : i32 to vector<16xi32>
        %add3A_588 = arith.addi %add3A_587, %iota3A : vector<16xi32>
        %and3A_589 = arith.constant 4095 : i32
        %and3A_590 = vector.broadcast %and3A_589 : i32 to vector<16xi32>
        %and3A_591 = arith.andi %add3A_588, %and3A_590 : vector<16xi32>
        %mul3A_592 = arith.constant 200 : i32
        %mul3A_593 = vector.broadcast %mul3A_592 : i32 to vector<16xi32>
        %mul3A_594 = arith.muli %and3A_591, %mul3A_593 : vector<16xi32>
        %shift_right_arithmetic3A_595 = arith.constant 12 : i32
        %shift_right_arithmetic3A_596 = vector.broadcast %shift_right_arithmetic3A_595 : i32 to vector<16xi32>
        %shift_right_arithmetic3A_597 = arith.shrsi %add3A_588, %shift_right_arithmetic3A_596 : vector<16xi32>
        %add3A_598 = arith.addi %mul3A_594, %shift_right_arithmetic3A_597 : vector<16xi32>
        %mul3A_599 = arith.constant 2 : i32
        %mul3A_600 = vector.broadcast %mul3A_599 : i32 to vector<16xi32>
        %mul3A_601 = arith.muli %add3A_598, %mul3A_600 : vector<16xi32>
        %swap3A_602 = arith.constant 5 : i32
        %swap3A_603 = arith.index_cast %swap3A_602 : i32 to index
        %swap3A_604 = arith.constant 80 : index
        %swap3A_605 = tpu.vector_load %arg11[%swap3A_603, %swap3A_604] {strides = array<i32>} : memref<8x128xi32, #tpu.memory_space<vmem>>, vector<1x16xi32>,
        %swap3A_606 = vector.shape_cast %swap3A_605 : vector<1x16xi32> to vector<16xi32>
        %swap3A_607 = vector.shape_cast %mul3A_601 : vector<16xi32> to vector<1x16xi32>
        tpu.vector_store %arg11[%swap3A_603, %swap3A_604], %swap3A_607 {strides = array<i32>} : memref<8x128xi32, #tpu.memory_space<vmem>>, vector<1x16xi32>,
        %add3A_608 = arith.constant 128 : i32
        %add3A_609 = arith.addi %add3A_259, %add3A_608 : i32
        %add3A_610 = arith.constant 96 : i32
        %add3A_611 = arith.addi %add3A_609, %add3A_610 : i32
        %add3A_612 = vector.broadcast %add3A_611 : i32 to vector<16xi32>
        %add3A_613 = arith.addi %add3A_612, %iota3A : vector<16xi32>
        %and3A_614 = arith.constant 4095 : i32
        %and3A_615 = vector.broadcast %and3A_614 : i32 to vector<16xi32>
        %and3A_616 = arith.andi %add3A_613, %and3A_615 : vector<16xi32>
        %mul3A_617 = arith.constant 200 : i32
        %mul3A_618 = vector.broadcast %mul3A_617 : i32 to vector<16xi32>
        %mul3A_619 = arith.muli %and3A_616, %mul3A_618 : vector<16xi32>
        %shift_right_arithmetic3A_620 = arith.constant 12 : i32
        %shift_right_arithmetic3A_621 = vector.broadcast %shift_right_arithmetic3A_620 : i32 to vector<16xi32>
        %shift_right_arithmetic3A_622 = arith.shrsi %add3A_613, %shift_right_arithmetic3A_621 : vector<16xi32>
        %add3A_623 = arith.addi %mul3A_619, %shift_right_arithmetic3A_622 : vector<16xi32>
        %mul3A_624 = arith.constant 2 : i32
        %mul3A_625 = vector.broadcast %mul3A_624 : i32 to vector<16xi32>
        %mul3A_626 = arith.muli %add3A_623, %mul3A_625 : vector<16xi32>
        %swap3A_627 = arith.constant 5 : i32
        %swap3A_628 = arith.index_cast %swap3A_627 : i32 to index
        %swap3A_629 = arith.constant 96 : index
        %swap3A_630 = tpu.vector_load %arg11[%swap3A_628, %swap3A_629] {strides = array<i32>} : memref<8x128xi32, #tpu.memory_space<vmem>>, vector<1x16xi32>,
        %swap3A_631 = vector.shape_cast %swap3A_630 : vector<1x16xi32> to vector<16xi32>
        %swap3A_632 = vector.shape_cast %mul3A_626 : vector<16xi32> to vector<1x16xi32>
        tpu.vector_store %arg11[%swap3A_628, %swap3A_629], %swap3A_632 {strides = array<i32>} : memref<8x128xi32, #tpu.memory_space<vmem>>, vector<1x16xi32>,
        %add3A_633 = arith.constant 128 : i32
        %add3A_634 = arith.addi %add3A_259, %add3A_633 : i32
        %add3A_635 = arith.constant 112 : i32
        %add3A_636 = arith.addi %add3A_634, %add3A_635 : i32
        %add3A_637 = vector.broadcast %add3A_636 : i32 to vector<16xi32>
        %add3A_638 = arith.addi %add3A_637, %iota3A : vector<16xi32>
        %and3A_639 = arith.constant 4095 : i32
        %and3A_640 = vector.broadcast %and3A_639 : i32 to vector<16xi32>
        %and3A_641 = arith.andi %add3A_638, %and3A_640 : vector<16xi32>
        %mul3A_642 = arith.constant 200 : i32
        %mul3A_643 = vector.broadcast %mul3A_642 : i32 to vector<16xi32>
        %mul3A_644 = arith.muli %and3A_641, %mul3A_643 : vector<16xi32>
        %shift_right_arithmetic3A_645 = arith.constant 12 : i32
        %shift_right_arithmetic3A_646 = vector.broadcast %shift_right_arithmetic3A_645 : i32 to vector<16xi32>
        %shift_right_arithmetic3A_647 = arith.shrsi %add3A_638, %shift_right_arithmetic3A_646 : vector<16xi32>
        %add3A_648 = arith.addi %mul3A_644, %shift_right_arithmetic3A_647 : vector<16xi32>
        %mul3A_649 = arith.constant 2 : i32
        %mul3A_650 = vector.broadcast %mul3A_649 : i32 to vector<16xi32>
        %mul3A_651 = arith.muli %add3A_648, %mul3A_650 : vector<16xi32>
        %swap3A_652 = arith.constant 5 : i32
        %swap3A_653 = arith.index_cast %swap3A_652 : i32 to index
        %swap3A_654 = arith.constant 112 : index
        %swap3A_655 = tpu.vector_load %arg11[%swap3A_653, %swap3A_654] {strides = array<i32>} : memref<8x128xi32, #tpu.memory_space<vmem>>, vector<1x16xi32>,
        %swap3A_656 = vector.shape_cast %swap3A_655 : vector<1x16xi32> to vector<16xi32>
        %swap3A_657 = vector.shape_cast %mul3A_651 : vector<16xi32> to vector<1x16xi32>
        tpu.vector_store %arg11[%swap3A_653, %swap3A_654], %swap3A_657 {strides = array<i32>} : memref<8x128xi32, #tpu.memory_space<vmem>>, vector<1x16xi32>,
        %dma_start3A = arith.constant 4 : i32
        %dma_start3A_658 = arith.constant 2 : i32
        %dma_start3A_659 = arith.constant 0 : i32
        %dma_start3A_660 = arith.constant 0 : i32
        %dma_start3A_661 = tpu.memref_slice %arg14[%dma_start3A_659, %dma_start3A_660] : memref<256x64xf32, #tpu.memory_space<vmem>> -> memref<128x64xf32, #tpu.memory_space<vmem>>
        %dma_start3A_662 = arith.constant 0 : i32
        %dma_start3A_663 = tpu.memref_slice %arg11[%dma_start3A, %dma_start3A_662] : memref<8x128xi32, #tpu.memory_space<vmem>> -> memref<1x128xi32, #tpu.memory_space<vmem>>
        %dma_start3A_664 = tpu.memref_squeeze %dma_start3A_663 : memref<1x128xi32, #tpu.memory_space<vmem>> -> memref<128xi32, #tpu.memory_space<vmem>>
        %dma_start3A_665 = arith.constant 0 : i32
        %dma_start3A_666 = arith.constant 0 : i32
        %dma_start3A_667 = tpu.memref_slice %arg7[%dma_start3A_665, %dma_start3A_666] : memref<1638400x64xf32, #tpu.memory_space<hbm>> -> memref<1638400x64xf32, #tpu.memory_space<hbm>>
        %dma_start3A_668 = tpu.memref_slice %arg16[%dma_start3A_658] : memref<4x!tpu.dma_semaphore, #tpu.memory_space<semaphore_mem>> -> memref<1x!tpu.dma_semaphore, #tpu.memory_space<semaphore_mem>>
        %dma_start3A_669 = tpu.memref_squeeze %dma_start3A_668 : memref<1x!tpu.dma_semaphore, #tpu.memory_space<semaphore_mem>> -> memref<!tpu.dma_semaphore, #tpu.memory_space<semaphore_mem>>
        tpu.enqueue_indirect_dma source(%dma_start3A_661 : memref<128x64xf32, #tpu.memory_space<vmem>>) target(%dma_start3A_667 : memref<1638400x64xf32, #tpu.memory_space<hbm>>) offsets(%dma_start3A_664 : memref<128xi32, #tpu.memory_space<vmem>>) semaphore(%dma_start3A_669 : memref<!tpu.dma_semaphore, #tpu.memory_space<semaphore_mem>>)
        %dma_start3A_670 = arith.constant 5 : i32
        %dma_start3A_671 = arith.constant 2 : i32
        %dma_start3A_672 = arith.constant 128 : i32
        %dma_start3A_673 = arith.constant 0 : i32
        %dma_start3A_674 = tpu.memref_slice %arg14[%dma_start3A_672, %dma_start3A_673] : memref<256x64xf32, #tpu.memory_space<vmem>> -> memref<128x64xf32, #tpu.memory_space<vmem>>
        %dma_start3A_675 = arith.constant 0 : i32
        %dma_start3A_676 = tpu.memref_slice %arg11[%dma_start3A_670, %dma_start3A_675] : memref<8x128xi32, #tpu.memory_space<vmem>> -> memref<1x128xi32, #tpu.memory_space<vmem>>
        %dma_start3A_677 = tpu.memref_squeeze %dma_start3A_676 : memref<1x128xi32, #tpu.memory_space<vmem>> -> memref<128xi32, #tpu.memory_space<vmem>>
        %dma_start3A_678 = arith.constant 0 : i32
        %dma_start3A_679 = arith.constant 0 : i32
        %dma_start3A_680 = tpu.memref_slice %arg7[%dma_start3A_678, %dma_start3A_679] : memref<1638400x64xf32, #tpu.memory_space<hbm>> -> memref<1638400x64xf32, #tpu.memory_space<hbm>>
        %dma_start3A_681 = tpu.memref_slice %arg16[%dma_start3A_671] : memref<4x!tpu.dma_semaphore, #tpu.memory_space<semaphore_mem>> -> memref<1x!tpu.dma_semaphore, #tpu.memory_space<semaphore_mem>>
        %dma_start3A_682 = tpu.memref_squeeze %dma_start3A_681 : memref<1x!tpu.dma_semaphore, #tpu.memory_space<semaphore_mem>> -> memref<!tpu.dma_semaphore, #tpu.memory_space<semaphore_mem>>
        tpu.enqueue_indirect_dma source(%dma_start3A_674 : memref<128x64xf32, #tpu.memory_space<vmem>>) target(%dma_start3A_680 : memref<1638400x64xf32, #tpu.memory_space<hbm>>) offsets(%dma_start3A_677 : memref<128xi32, #tpu.memory_space<vmem>>) semaphore(%dma_start3A_682 : memref<!tpu.dma_semaphore, #tpu.memory_space<semaphore_mem>>)
      } else {
      }
      %ge3A_159 = arith.constant 2 : i32
      %ge3A_160 = arith.cmpi sge, %add3A_150, %ge3A_159 : i32
      %lt3A_161 = arith.constant 52 : i32
      %lt3A_162 = arith.cmpi slt, %add3A_150, %lt3A_161 : i32
      %and3A_163 = arith.andi %ge3A_160, %lt3A_162 : i1
      %convert_element_type3A_164 = arith.extui %and3A_163 : i1 to i32
      %cond3A_165 = arith.constant 0 : i32
      %cond3A_166 = arith.cmpi ne, %convert_element_type3A_164, %cond3A_165 : i32
      scf.if %cond3A_166 {
        %dma_wait3A_247 = arith.constant 3 : i32
        %dma_wait3A_248 = arith.constant 0 : i32
        %dma_wait3A_249 = arith.constant 0 : i32
        %dma_wait3A_250 = tpu.memref_slice %arg7[%dma_wait3A_248, %dma_wait3A_249] : memref<1638400x64xf32, #tpu.memory_space<hbm>> -> memref<256x64xf32, #tpu.memory_space<hbm>>
        %dma_wait3A_251 = tpu.memref_slice %arg16[%dma_wait3A_247] : memref<4x!tpu.dma_semaphore, #tpu.memory_space<semaphore_mem>> -> memref<1x!tpu.dma_semaphore, #tpu.memory_space<semaphore_mem>>
        %dma_wait3A_252 = tpu.memref_squeeze %dma_wait3A_251 : memref<1x!tpu.dma_semaphore, #tpu.memory_space<semaphore_mem>> -> memref<!tpu.dma_semaphore, #tpu.memory_space<semaphore_mem>>
        %dma_wait3A_253 = arith.constant 0 : i32
        %dma_wait3A_254 = arith.constant 0 : i32
        %dma_wait3A_255 = tpu.memref_slice %arg7[%dma_wait3A_253, %dma_wait3A_254] : memref<1638400x64xf32, #tpu.memory_space<hbm>> -> memref<256x64xf32, #tpu.memory_space<hbm>>
        tpu.wait_dma2 semaphore(%dma_wait3A_252 : memref<!tpu.dma_semaphore, #tpu.memory_space<semaphore_mem>>) src(%dma_wait3A_255 : memref<256x64xf32, #tpu.memory_space<hbm>>) dst(%arg15 : memref<256x64xf32, #tpu.memory_space<vmem>>)
        %sub3A = arith.constant 2 : i32
        %sub3A_256 = arith.subi %add3A_150, %sub3A : i32
        %mul3A_257 = arith.constant 2 : i32
        %mul3A_258 = arith.muli %sub3A_256, %mul3A_257 : i32
        %add3A_259 = arith.constant 0 : i32
        %add3A_260 = arith.addi %mul3A_258, %add3A_259 : i32
        %dma_start3A = arith.constant 3 : i32
        %dma_start3A_261 = arith.constant 0 : i32
        %dma_start3A_262 = arith.constant 0 : i32
        %dma_start3A_263 = tpu.memref_slice %arg15[%dma_start3A_261, %dma_start3A_262] : memref<256x64xf32, #tpu.memory_space<vmem>> -> memref<128x64xf32, #tpu.memory_space<vmem>>
        %dma_start3A_264 = arith.constant 0 : i32
        %dma_start3A_265 = tpu.memref_slice %arg10[%add3A_260, %dma_start3A_264] : memref<100x128xi32, #tpu.memory_space<vmem>> -> memref<1x128xi32, #tpu.memory_space<vmem>>
        %dma_start3A_266 = tpu.memref_squeeze %dma_start3A_265 : memref<1x128xi32, #tpu.memory_space<vmem>> -> memref<128xi32, #tpu.memory_space<vmem>>
        %dma_start3A_267 = arith.constant 0 : i32
        %dma_start3A_268 = arith.constant 0 : i32
        %dma_start3A_269 = tpu.memref_slice %arg6[%dma_start3A_267, %dma_start3A_268] : memref<600x64xf32, #tpu.memory_space<hbm>> -> memref<600x64xf32, #tpu.memory_space<hbm>>
        %dma_start3A_270 = tpu.memref_slice %arg16[%dma_start3A] : memref<4x!tpu.dma_semaphore, #tpu.memory_space<semaphore_mem>> -> memref<1x!tpu.dma_semaphore, #tpu.memory_space<semaphore_mem>>
        %dma_start3A_271 = tpu.memref_squeeze %dma_start3A_270 : memref<1x!tpu.dma_semaphore, #tpu.memory_space<semaphore_mem>> -> memref<!tpu.dma_semaphore, #tpu.memory_space<semaphore_mem>>
        tpu.enqueue_indirect_dma source(%dma_start3A_269 : memref<600x64xf32, #tpu.memory_space<hbm>>) target(%dma_start3A_263 : memref<128x64xf32, #tpu.memory_space<vmem>>) offsets(%dma_start3A_266 : memref<128xi32, #tpu.memory_space<vmem>>) semaphore(%dma_start3A_271 : memref<!tpu.dma_semaphore, #tpu.memory_space<semaphore_mem>>) {add = true}
        %sub3A_272 = arith.constant 2 : i32
        %sub3A_273 = arith.subi %add3A_150, %sub3A_272 : i32
        %mul3A_274 = arith.constant 2 : i32
        %mul3A_275 = arith.muli %sub3A_273, %mul3A_274 : i32
        %add3A_276 = arith.constant 1 : i32
        %add3A_277 = arith.addi %mul3A_275, %add3A_276 : i32
        %dma_start3A_278 = arith.constant 3 : i32
        %dma_start3A_279 = arith.constant 128 : i32
        %dma_start3A_280 = arith.constant 0 : i32
        %dma_start3A_281 = tpu.memref_slice %arg15[%dma_start3A_279, %dma_start3A_280] : memref<256x64xf32, #tpu.memory_space<vmem>> -> memref<128x64xf32, #tpu.memory_space<vmem>>
        %dma_start3A_282 = arith.constant 0 : i32
        %dma_start3A_283 = tpu.memref_slice %arg10[%add3A_277, %dma_start3A_282] : memref<100x128xi32, #tpu.memory_space<vmem>> -> memref<1x128xi32, #tpu.memory_space<vmem>>
        %dma_start3A_284 = tpu.memref_squeeze %dma_start3A_283 : memref<1x128xi32, #tpu.memory_space<vmem>> -> memref<128xi32, #tpu.memory_space<vmem>>
        %dma_start3A_285 = arith.constant 0 : i32
        %dma_start3A_286 = arith.constant 0 : i32
        %dma_start3A_287 = tpu.memref_slice %arg6[%dma_start3A_285, %dma_start3A_286] : memref<600x64xf32, #tpu.memory_space<hbm>> -> memref<600x64xf32, #tpu.memory_space<hbm>>
        %dma_start3A_288 = tpu.memref_slice %arg16[%dma_start3A_278] : memref<4x!tpu.dma_semaphore, #tpu.memory_space<semaphore_mem>> -> memref<1x!tpu.dma_semaphore, #tpu.memory_space<semaphore_mem>>
        %dma_start3A_289 = tpu.memref_squeeze %dma_start3A_288 : memref<1x!tpu.dma_semaphore, #tpu.memory_space<semaphore_mem>> -> memref<!tpu.dma_semaphore, #tpu.memory_space<semaphore_mem>>
        tpu.enqueue_indirect_dma source(%dma_start3A_287 : memref<600x64xf32, #tpu.memory_space<hbm>>) target(%dma_start3A_281 : memref<128x64xf32, #tpu.memory_space<vmem>>) offsets(%dma_start3A_284 : memref<128xi32, #tpu.memory_space<vmem>>) semaphore(%dma_start3A_289 : memref<!tpu.dma_semaphore, #tpu.memory_space<semaphore_mem>>) {add = true}
      } else {
      }
      %ge3A_167 = arith.constant 1 : i32
      %ge3A_168 = arith.cmpi sge, %add3A_150, %ge3A_167 : i32
      %lt3A_169 = arith.constant 51 : i32
      %lt3A_170 = arith.cmpi slt, %add3A_150, %lt3A_169 : i32
      %and3A_171 = arith.andi %ge3A_168, %lt3A_170 : i1
      %convert_element_type3A_172 = arith.extui %and3A_171 : i1 to i32
      %cond3A_173 = arith.constant 0 : i32
      %cond3A_174 = arith.cmpi ne, %convert_element_type3A_172, %cond3A_173 : i32
      scf.if %cond3A_174 {
        %dma_wait3A_247 = arith.constant 0 : i32
        %dma_wait3A_248 = arith.constant 0 : i32
        %dma_wait3A_249 = arith.constant 0 : i32
        %dma_wait3A_250 = tpu.memref_slice %arg7[%dma_wait3A_248, %dma_wait3A_249] : memref<1638400x64xf32, #tpu.memory_space<hbm>> -> memref<256x64xf32, #tpu.memory_space<hbm>>
        %dma_wait3A_251 = tpu.memref_slice %arg16[%dma_wait3A_247] : memref<4x!tpu.dma_semaphore, #tpu.memory_space<semaphore_mem>> -> memref<1x!tpu.dma_semaphore, #tpu.memory_space<semaphore_mem>>
        %dma_wait3A_252 = tpu.memref_squeeze %dma_wait3A_251 : memref<1x!tpu.dma_semaphore, #tpu.memory_space<semaphore_mem>> -> memref<!tpu.dma_semaphore, #tpu.memory_space<semaphore_mem>>
        %dma_wait3A_253 = arith.constant 0 : i32
        %dma_wait3A_254 = arith.constant 0 : i32
        %dma_wait3A_255 = tpu.memref_slice %arg7[%dma_wait3A_253, %dma_wait3A_254] : memref<1638400x64xf32, #tpu.memory_space<hbm>> -> memref<256x64xf32, #tpu.memory_space<hbm>>
        tpu.wait_dma2 semaphore(%dma_wait3A_252 : memref<!tpu.dma_semaphore, #tpu.memory_space<semaphore_mem>>) src(%dma_wait3A_255 : memref<256x64xf32, #tpu.memory_space<hbm>>) dst(%arg12 : memref<256x64xf32, #tpu.memory_space<vmem>>)
        %sub3A = arith.constant 1 : i32
        %sub3A_256 = arith.subi %add3A_150, %sub3A : i32
        %mul3A_257 = arith.constant 2 : i32
        %mul3A_258 = arith.muli %sub3A_256, %mul3A_257 : i32
        %add3A_259 = arith.constant 0 : i32
        %add3A_260 = arith.addi %mul3A_258, %add3A_259 : i32
        %dma_start3A = arith.constant 0 : i32
        %dma_start3A_261 = arith.constant 0 : i32
        %dma_start3A_262 = arith.constant 0 : i32
        %dma_start3A_263 = tpu.memref_slice %arg12[%dma_start3A_261, %dma_start3A_262] : memref<256x64xf32, #tpu.memory_space<vmem>> -> memref<128x64xf32, #tpu.memory_space<vmem>>
        %dma_start3A_264 = arith.constant 0 : i32
        %dma_start3A_265 = tpu.memref_slice %arg9[%add3A_260, %dma_start3A_264] : memref<100x128xi32, #tpu.memory_space<vmem>> -> memref<1x128xi32, #tpu.memory_space<vmem>>
        %dma_start3A_266 = tpu.memref_squeeze %dma_start3A_265 : memref<1x128xi32, #tpu.memory_space<vmem>> -> memref<128xi32, #tpu.memory_space<vmem>>
        %dma_start3A_267 = arith.constant 0 : i32
        %dma_start3A_268 = arith.constant 0 : i32
        %dma_start3A_269 = tpu.memref_slice %arg6[%dma_start3A_267, %dma_start3A_268] : memref<600x64xf32, #tpu.memory_space<hbm>> -> memref<600x64xf32, #tpu.memory_space<hbm>>
        %dma_start3A_270 = tpu.memref_slice %arg16[%dma_start3A] : memref<4x!tpu.dma_semaphore, #tpu.memory_space<semaphore_mem>> -> memref<1x!tpu.dma_semaphore, #tpu.memory_space<semaphore_mem>>
        %dma_start3A_271 = tpu.memref_squeeze %dma_start3A_270 : memref<1x!tpu.dma_semaphore, #tpu.memory_space<semaphore_mem>> -> memref<!tpu.dma_semaphore, #tpu.memory_space<semaphore_mem>>
        tpu.enqueue_indirect_dma source(%dma_start3A_269 : memref<600x64xf32, #tpu.memory_space<hbm>>) target(%dma_start3A_263 : memref<128x64xf32, #tpu.memory_space<vmem>>) offsets(%dma_start3A_266 : memref<128xi32, #tpu.memory_space<vmem>>) semaphore(%dma_start3A_271 : memref<!tpu.dma_semaphore, #tpu.memory_space<semaphore_mem>>) {add = true}
        %sub3A_272 = arith.constant 1 : i32
        %sub3A_273 = arith.subi %add3A_150, %sub3A_272 : i32
        %mul3A_274 = arith.constant 2 : i32
        %mul3A_275 = arith.muli %sub3A_273, %mul3A_274 : i32
        %add3A_276 = arith.constant 1 : i32
        %add3A_277 = arith.addi %mul3A_275, %add3A_276 : i32
        %dma_start3A_278 = arith.constant 0 : i32
        %dma_start3A_279 = arith.constant 128 : i32
        %dma_start3A_280 = arith.constant 0 : i32
        %dma_start3A_281 = tpu.memref_slice %arg12[%dma_start3A_279, %dma_start3A_280] : memref<256x64xf32, #tpu.memory_space<vmem>> -> memref<128x64xf32, #tpu.memory_space<vmem>>
        %dma_start3A_282 = arith.constant 0 : i32
        %dma_start3A_283 = tpu.memref_slice %arg9[%add3A_277, %dma_start3A_282] : memref<100x128xi32, #tpu.memory_space<vmem>> -> memref<1x128xi32, #tpu.memory_space<vmem>>
        %dma_start3A_284 = tpu.memref_squeeze %dma_start3A_283 : memref<1x128xi32, #tpu.memory_space<vmem>> -> memref<128xi32, #tpu.memory_space<vmem>>
        %dma_start3A_285 = arith.constant 0 : i32
        %dma_start3A_286 = arith.constant 0 : i32
        %dma_start3A_287 = tpu.memref_slice %arg6[%dma_start3A_285, %dma_start3A_286] : memref<600x64xf32, #tpu.memory_space<hbm>> -> memref<600x64xf32, #tpu.memory_space<hbm>>
        %dma_start3A_288 = tpu.memref_slice %arg16[%dma_start3A_278] : memref<4x!tpu.dma_semaphore, #tpu.memory_space<semaphore_mem>> -> memref<1x!tpu.dma_semaphore, #tpu.memory_space<semaphore_mem>>
        %dma_start3A_289 = tpu.memref_squeeze %dma_start3A_288 : memref<1x!tpu.dma_semaphore, #tpu.memory_space<semaphore_mem>> -> memref<!tpu.dma_semaphore, #tpu.memory_space<semaphore_mem>>
        tpu.enqueue_indirect_dma source(%dma_start3A_287 : memref<600x64xf32, #tpu.memory_space<hbm>>) target(%dma_start3A_281 : memref<128x64xf32, #tpu.memory_space<vmem>>) offsets(%dma_start3A_284 : memref<128xi32, #tpu.memory_space<vmem>>) semaphore(%dma_start3A_289 : memref<!tpu.dma_semaphore, #tpu.memory_space<semaphore_mem>>) {add = true}
      } else {
      }
      %lt3A_175 = arith.constant 50 : i32
      %lt3A_176 = arith.cmpi slt, %add3A_150, %lt3A_175 : i32
      %convert_element_type3A_177 = arith.extui %lt3A_176 : i1 to i32
      %cond3A_178 = arith.constant 0 : i32
      %cond3A_179 = arith.cmpi ne, %convert_element_type3A_177, %cond3A_178 : i32
      scf.if %cond3A_179 {
        %ge3A_247 = arith.constant 4 : i32
        %ge3A_248 = arith.cmpi sge, %add3A_150, %ge3A_247 : i32
        %convert_element_type3A_249 = arith.extui %ge3A_248 : i1 to i32
        %cond3A_250 = arith.constant 0 : i32
        %cond3A_251 = arith.cmpi ne, %convert_element_type3A_249, %cond3A_250 : i32
        scf.if %cond3A_251 {
          %dma_wait3A_283 = arith.constant 1 : i32
          %dma_wait3A_284 = arith.constant 0 : i32
          %dma_wait3A_285 = arith.constant 0 : i32
          %dma_wait3A_286 = tpu.memref_slice %arg7[%dma_wait3A_284, %dma_wait3A_285] : memref<1638400x64xf32, #tpu.memory_space<hbm>> -> memref<256x64xf32, #tpu.memory_space<hbm>>
          %dma_wait3A_287 = tpu.memref_slice %arg16[%dma_wait3A_283] : memref<4x!tpu.dma_semaphore, #tpu.memory_space<semaphore_mem>> -> memref<1x!tpu.dma_semaphore, #tpu.memory_space<semaphore_mem>>
          %dma_wait3A_288 = tpu.memref_squeeze %dma_wait3A_287 : memref<1x!tpu.dma_semaphore, #tpu.memory_space<semaphore_mem>> -> memref<!tpu.dma_semaphore, #tpu.memory_space<semaphore_mem>>
          %dma_wait3A_289 = arith.constant 0 : i32
          %dma_wait3A_290 = arith.constant 0 : i32
          %dma_wait3A_291 = tpu.memref_slice %arg7[%dma_wait3A_289, %dma_wait3A_290] : memref<1638400x64xf32, #tpu.memory_space<hbm>> -> memref<256x64xf32, #tpu.memory_space<hbm>>
          tpu.wait_dma2 semaphore(%dma_wait3A_288 : memref<!tpu.dma_semaphore, #tpu.memory_space<semaphore_mem>>) src(%dma_wait3A_291 : memref<256x64xf32, #tpu.memory_space<hbm>>) dst(%arg13 : memref<256x64xf32, #tpu.memory_space<vmem>>)
        } else {
        }
        %mul3A_252 = arith.constant 2 : i32
        %mul3A_253 = arith.muli %add3A_150, %mul3A_252 : i32
        %add3A_254 = arith.constant 0 : i32
        %add3A_255 = arith.addi %mul3A_253, %add3A_254 : i32
        %dma_start3A = arith.constant 1 : i32
        %dma_start3A_256 = arith.constant 0 : i32
        %dma_start3A_257 = arith.constant 0 : i32
        %dma_start3A_258 = tpu.memref_slice %arg13[%dma_start3A_256, %dma_start3A_257] : memref<256x64xf32, #tpu.memory_space<vmem>> -> memref<128x64xf32, #tpu.memory_space<vmem>>
        %dma_start3A_259 = arith.constant 0 : i32
        %dma_start3A_260 = tpu.memref_slice %arg8[%add3A_255, %dma_start3A_259] : memref<100x128xi32, #tpu.memory_space<vmem>> -> memref<1x128xi32, #tpu.memory_space<vmem>>
        %dma_start3A_261 = tpu.memref_squeeze %dma_start3A_260 : memref<1x128xi32, #tpu.memory_space<vmem>> -> memref<128xi32, #tpu.memory_space<vmem>>
        %dma_start3A_262 = arith.constant 0 : i32
        %dma_start3A_263 = arith.constant 0 : i32
        %dma_start3A_264 = tpu.memref_slice %arg5[%dma_start3A_262, %dma_start3A_263] : memref<100000x64xf32, #tpu.memory_space<hbm>> -> memref<100000x64xf32, #tpu.memory_space<hbm>>
        %dma_start3A_265 = tpu.memref_slice %arg16[%dma_start3A] : memref<4x!tpu.dma_semaphore, #tpu.memory_space<semaphore_mem>> -> memref<1x!tpu.dma_semaphore, #tpu.memory_space<semaphore_mem>>
        %dma_start3A_266 = tpu.memref_squeeze %dma_start3A_265 : memref<1x!tpu.dma_semaphore, #tpu.memory_space<semaphore_mem>> -> memref<!tpu.dma_semaphore, #tpu.memory_space<semaphore_mem>>
        tpu.enqueue_indirect_dma source(%dma_start3A_264 : memref<100000x64xf32, #tpu.memory_space<hbm>>) target(%dma_start3A_258 : memref<128x64xf32, #tpu.memory_space<vmem>>) offsets(%dma_start3A_261 : memref<128xi32, #tpu.memory_space<vmem>>) semaphore(%dma_start3A_266 : memref<!tpu.dma_semaphore, #tpu.memory_space<semaphore_mem>>)
        %mul3A_267 = arith.constant 2 : i32
        %mul3A_268 = arith.muli %add3A_150, %mul3A_267 : i32
        %add3A_269 = arith.constant 1 : i32
        %add3A_270 = arith.addi %mul3A_268, %add3A_269 : i32
        %dma_start3A_271 = arith.constant 1 : i32
        %dma_start3A_272 = arith.constant 128 : i32
        %dma_start3A_273 = arith.constant 0 : i32
        %dma_start3A_274 = tpu.memref_slice %arg13[%dma_start3A_272, %dma_start3A_273] : memref<256x64xf32, #tpu.memory_space<vmem>> -> memref<128x64xf32, #tpu.memory_space<vmem>>
        %dma_start3A_275 = arith.constant 0 : i32
        %dma_start3A_276 = tpu.memref_slice %arg8[%add3A_270, %dma_start3A_275] : memref<100x128xi32, #tpu.memory_space<vmem>> -> memref<1x128xi32, #tpu.memory_space<vmem>>
        %dma_start3A_277 = tpu.memref_squeeze %dma_start3A_276 : memref<1x128xi32, #tpu.memory_space<vmem>> -> memref<128xi32, #tpu.memory_space<vmem>>
        %dma_start3A_278 = arith.constant 0 : i32
        %dma_start3A_279 = arith.constant 0 : i32
        %dma_start3A_280 = tpu.memref_slice %arg5[%dma_start3A_278, %dma_start3A_279] : memref<100000x64xf32, #tpu.memory_space<hbm>> -> memref<100000x64xf32, #tpu.memory_space<hbm>>
        %dma_start3A_281 = tpu.memref_slice %arg16[%dma_start3A_271] : memref<4x!tpu.dma_semaphore, #tpu.memory_space<semaphore_mem>> -> memref<1x!tpu.dma_semaphore, #tpu.memory_space<semaphore_mem>>
        %dma_start3A_282 = tpu.memref_squeeze %dma_start3A_281 : memref<1x!tpu.dma_semaphore, #tpu.memory_space<semaphore_mem>> -> memref<!tpu.dma_semaphore, #tpu.memory_space<semaphore_mem>>
        tpu.enqueue_indirect_dma source(%dma_start3A_280 : memref<100000x64xf32, #tpu.memory_space<hbm>>) target(%dma_start3A_274 : memref<128x64xf32, #tpu.memory_space<vmem>>) offsets(%dma_start3A_277 : memref<128xi32, #tpu.memory_space<vmem>>) semaphore(%dma_start3A_282 : memref<!tpu.dma_semaphore, #tpu.memory_space<semaphore_mem>>)
      } else {
      }
      %mul3A_180 = arith.constant 4 : i32
      %mul3A_181 = arith.muli %scan3A_117, %mul3A_180 : i32
      %add3A_182 = arith.constant 2 : i32
      %add3A_183 = arith.addi %mul3A_181, %add3A_182 : i32
      %ge3A_184 = arith.constant 3 : i32
      %ge3A_185 = arith.cmpi sge, %add3A_183, %ge3A_184 : i32
      %lt3A_186 = arith.constant 53 : i32
      %lt3A_187 = arith.cmpi slt, %add3A_183, %lt3A_186 : i32
      %and3A_188 = arith.andi %ge3A_185, %lt3A_187 : i1
      %convert_element_type3A_189 = arith.extui %and3A_188 : i1 to i32
      %cond3A_190 = arith.constant 0 : i32
      %cond3A_191 = arith.cmpi ne, %convert_element_type3A_189, %cond3A_190 : i32
      scf.if %cond3A_191 {
        %dma_wait3A_247 = arith.constant 3 : i32
        %dma_wait3A_248 = arith.constant 0 : i32
        %dma_wait3A_249 = arith.constant 0 : i32
        %dma_wait3A_250 = tpu.memref_slice %arg7[%dma_wait3A_248, %dma_wait3A_249] : memref<1638400x64xf32, #tpu.memory_space<hbm>> -> memref<256x64xf32, #tpu.memory_space<hbm>>
        %dma_wait3A_251 = tpu.memref_slice %arg16[%dma_wait3A_247] : memref<4x!tpu.dma_semaphore, #tpu.memory_space<semaphore_mem>> -> memref<1x!tpu.dma_semaphore, #tpu.memory_space<semaphore_mem>>
        %dma_wait3A_252 = tpu.memref_squeeze %dma_wait3A_251 : memref<1x!tpu.dma_semaphore, #tpu.memory_space<semaphore_mem>> -> memref<!tpu.dma_semaphore, #tpu.memory_space<semaphore_mem>>
        %dma_wait3A_253 = arith.constant 0 : i32
        %dma_wait3A_254 = arith.constant 0 : i32
        %dma_wait3A_255 = tpu.memref_slice %arg7[%dma_wait3A_253, %dma_wait3A_254] : memref<1638400x64xf32, #tpu.memory_space<hbm>> -> memref<256x64xf32, #tpu.memory_space<hbm>>
        tpu.wait_dma2 semaphore(%dma_wait3A_252 : memref<!tpu.dma_semaphore, #tpu.memory_space<semaphore_mem>>) src(%dma_wait3A_255 : memref<256x64xf32, #tpu.memory_space<hbm>>) dst(%arg15 : memref<256x64xf32, #tpu.memory_space<vmem>>)
        %sub3A = arith.constant 3 : i32
        %sub3A_256 = arith.subi %add3A_183, %sub3A : i32
        %mul3A_257 = arith.constant 256 : i32
        %mul3A_258 = arith.muli %sub3A_256, %mul3A_257 : i32
        %add3A_259 = arith.addi %mul3A_16, %mul3A_258 : i32
        %add3A_260 = arith.constant 0 : i32
        %add3A_261 = arith.addi %add3A_259, %add3A_260 : i32
        %add3A_262 = arith.constant 0 : i32
        %add3A_263 = arith.addi %add3A_261, %add3A_262 : i32
        %add3A_264 = vector.broadcast %add3A_263 : i32 to vector<16xi32>
        %add3A_265 = arith.addi %add3A_264, %iota3A : vector<16xi32>
        %and3A_266 = arith.constant 4095 : i32
        %and3A_267 = vector.broadcast %and3A_266 : i32 to vector<16xi32>
        %and3A_268 = arith.andi %add3A_265, %and3A_267 : vector<16xi32>
        %mul3A_269 = arith.constant 200 : i32
        %mul3A_270 = vector.broadcast %mul3A_269 : i32 to vector<16xi32>
        %mul3A_271 = arith.muli %and3A_268, %mul3A_270 : vector<16xi32>
        %shift_right_arithmetic3A = arith.constant 12 : i32
        %shift_right_arithmetic3A_272 = vector.broadcast %shift_right_arithmetic3A : i32 to vector<16xi32>
        %shift_right_arithmetic3A_273 = arith.shrsi %add3A_265, %shift_right_arithmetic3A_272 : vector<16xi32>
        %add3A_274 = arith.addi %mul3A_271, %shift_right_arithmetic3A_273 : vector<16xi32>
        %mul3A_275 = arith.constant 2 : i32
        %mul3A_276 = vector.broadcast %mul3A_275 : i32 to vector<16xi32>
        %mul3A_277 = arith.muli %add3A_274, %mul3A_276 : vector<16xi32>
        %swap3A = arith.constant 6 : i32
        %swap3A_278 = arith.index_cast %swap3A : i32 to index
        %swap3A_279 = arith.constant 0 : index
        %swap3A_280 = tpu.vector_load %arg11[%swap3A_278, %swap3A_279] {strides = array<i32>} : memref<8x128xi32, #tpu.memory_space<vmem>>, vector<1x16xi32>,
        %swap3A_281 = vector.shape_cast %swap3A_280 : vector<1x16xi32> to vector<16xi32>
        %swap3A_282 = vector.shape_cast %mul3A_277 : vector<16xi32> to vector<1x16xi32>
        tpu.vector_store %arg11[%swap3A_278, %swap3A_279], %swap3A_282 {strides = array<i32>} : memref<8x128xi32, #tpu.memory_space<vmem>>, vector<1x16xi32>,
        %add3A_283 = arith.constant 0 : i32
        %add3A_284 = arith.addi %add3A_259, %add3A_283 : i32
        %add3A_285 = arith.constant 16 : i32
        %add3A_286 = arith.addi %add3A_284, %add3A_285 : i32
        %add3A_287 = vector.broadcast %add3A_286 : i32 to vector<16xi32>
        %add3A_288 = arith.addi %add3A_287, %iota3A : vector<16xi32>
        %and3A_289 = arith.constant 4095 : i32
        %and3A_290 = vector.broadcast %and3A_289 : i32 to vector<16xi32>
        %and3A_291 = arith.andi %add3A_288, %and3A_290 : vector<16xi32>
        %mul3A_292 = arith.constant 200 : i32
        %mul3A_293 = vector.broadcast %mul3A_292 : i32 to vector<16xi32>
        %mul3A_294 = arith.muli %and3A_291, %mul3A_293 : vector<16xi32>
        %shift_right_arithmetic3A_295 = arith.constant 12 : i32
        %shift_right_arithmetic3A_296 = vector.broadcast %shift_right_arithmetic3A_295 : i32 to vector<16xi32>
        %shift_right_arithmetic3A_297 = arith.shrsi %add3A_288, %shift_right_arithmetic3A_296 : vector<16xi32>
        %add3A_298 = arith.addi %mul3A_294, %shift_right_arithmetic3A_297 : vector<16xi32>
        %mul3A_299 = arith.constant 2 : i32
        %mul3A_300 = vector.broadcast %mul3A_299 : i32 to vector<16xi32>
        %mul3A_301 = arith.muli %add3A_298, %mul3A_300 : vector<16xi32>
        %swap3A_302 = arith.constant 6 : i32
        %swap3A_303 = arith.index_cast %swap3A_302 : i32 to index
        %swap3A_304 = arith.constant 16 : index
        %swap3A_305 = tpu.vector_load %arg11[%swap3A_303, %swap3A_304] {strides = array<i32>} : memref<8x128xi32, #tpu.memory_space<vmem>>, vector<1x16xi32>,
        %swap3A_306 = vector.shape_cast %swap3A_305 : vector<1x16xi32> to vector<16xi32>
        %swap3A_307 = vector.shape_cast %mul3A_301 : vector<16xi32> to vector<1x16xi32>
        tpu.vector_store %arg11[%swap3A_303, %swap3A_304], %swap3A_307 {strides = array<i32>} : memref<8x128xi32, #tpu.memory_space<vmem>>, vector<1x16xi32>,
        %add3A_308 = arith.constant 0 : i32
        %add3A_309 = arith.addi %add3A_259, %add3A_308 : i32
        %add3A_310 = arith.constant 32 : i32
        %add3A_311 = arith.addi %add3A_309, %add3A_310 : i32
        %add3A_312 = vector.broadcast %add3A_311 : i32 to vector<16xi32>
        %add3A_313 = arith.addi %add3A_312, %iota3A : vector<16xi32>
        %and3A_314 = arith.constant 4095 : i32
        %and3A_315 = vector.broadcast %and3A_314 : i32 to vector<16xi32>
        %and3A_316 = arith.andi %add3A_313, %and3A_315 : vector<16xi32>
        %mul3A_317 = arith.constant 200 : i32
        %mul3A_318 = vector.broadcast %mul3A_317 : i32 to vector<16xi32>
        %mul3A_319 = arith.muli %and3A_316, %mul3A_318 : vector<16xi32>
        %shift_right_arithmetic3A_320 = arith.constant 12 : i32
        %shift_right_arithmetic3A_321 = vector.broadcast %shift_right_arithmetic3A_320 : i32 to vector<16xi32>
        %shift_right_arithmetic3A_322 = arith.shrsi %add3A_313, %shift_right_arithmetic3A_321 : vector<16xi32>
        %add3A_323 = arith.addi %mul3A_319, %shift_right_arithmetic3A_322 : vector<16xi32>
        %mul3A_324 = arith.constant 2 : i32
        %mul3A_325 = vector.broadcast %mul3A_324 : i32 to vector<16xi32>
        %mul3A_326 = arith.muli %add3A_323, %mul3A_325 : vector<16xi32>
        %swap3A_327 = arith.constant 6 : i32
        %swap3A_328 = arith.index_cast %swap3A_327 : i32 to index
        %swap3A_329 = arith.constant 32 : index
        %swap3A_330 = tpu.vector_load %arg11[%swap3A_328, %swap3A_329] {strides = array<i32>} : memref<8x128xi32, #tpu.memory_space<vmem>>, vector<1x16xi32>,
        %swap3A_331 = vector.shape_cast %swap3A_330 : vector<1x16xi32> to vector<16xi32>
        %swap3A_332 = vector.shape_cast %mul3A_326 : vector<16xi32> to vector<1x16xi32>
        tpu.vector_store %arg11[%swap3A_328, %swap3A_329], %swap3A_332 {strides = array<i32>} : memref<8x128xi32, #tpu.memory_space<vmem>>, vector<1x16xi32>,
        %add3A_333 = arith.constant 0 : i32
        %add3A_334 = arith.addi %add3A_259, %add3A_333 : i32
        %add3A_335 = arith.constant 48 : i32
        %add3A_336 = arith.addi %add3A_334, %add3A_335 : i32
        %add3A_337 = vector.broadcast %add3A_336 : i32 to vector<16xi32>
        %add3A_338 = arith.addi %add3A_337, %iota3A : vector<16xi32>
        %and3A_339 = arith.constant 4095 : i32
        %and3A_340 = vector.broadcast %and3A_339 : i32 to vector<16xi32>
        %and3A_341 = arith.andi %add3A_338, %and3A_340 : vector<16xi32>
        %mul3A_342 = arith.constant 200 : i32
        %mul3A_343 = vector.broadcast %mul3A_342 : i32 to vector<16xi32>
        %mul3A_344 = arith.muli %and3A_341, %mul3A_343 : vector<16xi32>
        %shift_right_arithmetic3A_345 = arith.constant 12 : i32
        %shift_right_arithmetic3A_346 = vector.broadcast %shift_right_arithmetic3A_345 : i32 to vector<16xi32>
        %shift_right_arithmetic3A_347 = arith.shrsi %add3A_338, %shift_right_arithmetic3A_346 : vector<16xi32>
        %add3A_348 = arith.addi %mul3A_344, %shift_right_arithmetic3A_347 : vector<16xi32>
        %mul3A_349 = arith.constant 2 : i32
        %mul3A_350 = vector.broadcast %mul3A_349 : i32 to vector<16xi32>
        %mul3A_351 = arith.muli %add3A_348, %mul3A_350 : vector<16xi32>
        %swap3A_352 = arith.constant 6 : i32
        %swap3A_353 = arith.index_cast %swap3A_352 : i32 to index
        %swap3A_354 = arith.constant 48 : index
        %swap3A_355 = tpu.vector_load %arg11[%swap3A_353, %swap3A_354] {strides = array<i32>} : memref<8x128xi32, #tpu.memory_space<vmem>>, vector<1x16xi32>,
        %swap3A_356 = vector.shape_cast %swap3A_355 : vector<1x16xi32> to vector<16xi32>
        %swap3A_357 = vector.shape_cast %mul3A_351 : vector<16xi32> to vector<1x16xi32>
        tpu.vector_store %arg11[%swap3A_353, %swap3A_354], %swap3A_357 {strides = array<i32>} : memref<8x128xi32, #tpu.memory_space<vmem>>, vector<1x16xi32>,
        %add3A_358 = arith.constant 0 : i32
        %add3A_359 = arith.addi %add3A_259, %add3A_358 : i32
        %add3A_360 = arith.constant 64 : i32
        %add3A_361 = arith.addi %add3A_359, %add3A_360 : i32
        %add3A_362 = vector.broadcast %add3A_361 : i32 to vector<16xi32>
        %add3A_363 = arith.addi %add3A_362, %iota3A : vector<16xi32>
        %and3A_364 = arith.constant 4095 : i32
        %and3A_365 = vector.broadcast %and3A_364 : i32 to vector<16xi32>
        %and3A_366 = arith.andi %add3A_363, %and3A_365 : vector<16xi32>
        %mul3A_367 = arith.constant 200 : i32
        %mul3A_368 = vector.broadcast %mul3A_367 : i32 to vector<16xi32>
        %mul3A_369 = arith.muli %and3A_366, %mul3A_368 : vector<16xi32>
        %shift_right_arithmetic3A_370 = arith.constant 12 : i32
        %shift_right_arithmetic3A_371 = vector.broadcast %shift_right_arithmetic3A_370 : i32 to vector<16xi32>
        %shift_right_arithmetic3A_372 = arith.shrsi %add3A_363, %shift_right_arithmetic3A_371 : vector<16xi32>
        %add3A_373 = arith.addi %mul3A_369, %shift_right_arithmetic3A_372 : vector<16xi32>
        %mul3A_374 = arith.constant 2 : i32
        %mul3A_375 = vector.broadcast %mul3A_374 : i32 to vector<16xi32>
        %mul3A_376 = arith.muli %add3A_373, %mul3A_375 : vector<16xi32>
        %swap3A_377 = arith.constant 6 : i32
        %swap3A_378 = arith.index_cast %swap3A_377 : i32 to index
        %swap3A_379 = arith.constant 64 : index
        %swap3A_380 = tpu.vector_load %arg11[%swap3A_378, %swap3A_379] {strides = array<i32>} : memref<8x128xi32, #tpu.memory_space<vmem>>, vector<1x16xi32>,
        %swap3A_381 = vector.shape_cast %swap3A_380 : vector<1x16xi32> to vector<16xi32>
        %swap3A_382 = vector.shape_cast %mul3A_376 : vector<16xi32> to vector<1x16xi32>
        tpu.vector_store %arg11[%swap3A_378, %swap3A_379], %swap3A_382 {strides = array<i32>} : memref<8x128xi32, #tpu.memory_space<vmem>>, vector<1x16xi32>,
        %add3A_383 = arith.constant 0 : i32
        %add3A_384 = arith.addi %add3A_259, %add3A_383 : i32
        %add3A_385 = arith.constant 80 : i32
        %add3A_386 = arith.addi %add3A_384, %add3A_385 : i32
        %add3A_387 = vector.broadcast %add3A_386 : i32 to vector<16xi32>
        %add3A_388 = arith.addi %add3A_387, %iota3A : vector<16xi32>
        %and3A_389 = arith.constant 4095 : i32
        %and3A_390 = vector.broadcast %and3A_389 : i32 to vector<16xi32>
        %and3A_391 = arith.andi %add3A_388, %and3A_390 : vector<16xi32>
        %mul3A_392 = arith.constant 200 : i32
        %mul3A_393 = vector.broadcast %mul3A_392 : i32 to vector<16xi32>
        %mul3A_394 = arith.muli %and3A_391, %mul3A_393 : vector<16xi32>
        %shift_right_arithmetic3A_395 = arith.constant 12 : i32
        %shift_right_arithmetic3A_396 = vector.broadcast %shift_right_arithmetic3A_395 : i32 to vector<16xi32>
        %shift_right_arithmetic3A_397 = arith.shrsi %add3A_388, %shift_right_arithmetic3A_396 : vector<16xi32>
        %add3A_398 = arith.addi %mul3A_394, %shift_right_arithmetic3A_397 : vector<16xi32>
        %mul3A_399 = arith.constant 2 : i32
        %mul3A_400 = vector.broadcast %mul3A_399 : i32 to vector<16xi32>
        %mul3A_401 = arith.muli %add3A_398, %mul3A_400 : vector<16xi32>
        %swap3A_402 = arith.constant 6 : i32
        %swap3A_403 = arith.index_cast %swap3A_402 : i32 to index
        %swap3A_404 = arith.constant 80 : index
        %swap3A_405 = tpu.vector_load %arg11[%swap3A_403, %swap3A_404] {strides = array<i32>} : memref<8x128xi32, #tpu.memory_space<vmem>>, vector<1x16xi32>,
        %swap3A_406 = vector.shape_cast %swap3A_405 : vector<1x16xi32> to vector<16xi32>
        %swap3A_407 = vector.shape_cast %mul3A_401 : vector<16xi32> to vector<1x16xi32>
        tpu.vector_store %arg11[%swap3A_403, %swap3A_404], %swap3A_407 {strides = array<i32>} : memref<8x128xi32, #tpu.memory_space<vmem>>, vector<1x16xi32>,
        %add3A_408 = arith.constant 0 : i32
        %add3A_409 = arith.addi %add3A_259, %add3A_408 : i32
        %add3A_410 = arith.constant 96 : i32
        %add3A_411 = arith.addi %add3A_409, %add3A_410 : i32
        %add3A_412 = vector.broadcast %add3A_411 : i32 to vector<16xi32>
        %add3A_413 = arith.addi %add3A_412, %iota3A : vector<16xi32>
        %and3A_414 = arith.constant 4095 : i32
        %and3A_415 = vector.broadcast %and3A_414 : i32 to vector<16xi32>
        %and3A_416 = arith.andi %add3A_413, %and3A_415 : vector<16xi32>
        %mul3A_417 = arith.constant 200 : i32
        %mul3A_418 = vector.broadcast %mul3A_417 : i32 to vector<16xi32>
        %mul3A_419 = arith.muli %and3A_416, %mul3A_418 : vector<16xi32>
        %shift_right_arithmetic3A_420 = arith.constant 12 : i32
        %shift_right_arithmetic3A_421 = vector.broadcast %shift_right_arithmetic3A_420 : i32 to vector<16xi32>
        %shift_right_arithmetic3A_422 = arith.shrsi %add3A_413, %shift_right_arithmetic3A_421 : vector<16xi32>
        %add3A_423 = arith.addi %mul3A_419, %shift_right_arithmetic3A_422 : vector<16xi32>
        %mul3A_424 = arith.constant 2 : i32
        %mul3A_425 = vector.broadcast %mul3A_424 : i32 to vector<16xi32>
        %mul3A_426 = arith.muli %add3A_423, %mul3A_425 : vector<16xi32>
        %swap3A_427 = arith.constant 6 : i32
        %swap3A_428 = arith.index_cast %swap3A_427 : i32 to index
        %swap3A_429 = arith.constant 96 : index
        %swap3A_430 = tpu.vector_load %arg11[%swap3A_428, %swap3A_429] {strides = array<i32>} : memref<8x128xi32, #tpu.memory_space<vmem>>, vector<1x16xi32>,
        %swap3A_431 = vector.shape_cast %swap3A_430 : vector<1x16xi32> to vector<16xi32>
        %swap3A_432 = vector.shape_cast %mul3A_426 : vector<16xi32> to vector<1x16xi32>
        tpu.vector_store %arg11[%swap3A_428, %swap3A_429], %swap3A_432 {strides = array<i32>} : memref<8x128xi32, #tpu.memory_space<vmem>>, vector<1x16xi32>,
        %add3A_433 = arith.constant 0 : i32
        %add3A_434 = arith.addi %add3A_259, %add3A_433 : i32
        %add3A_435 = arith.constant 112 : i32
        %add3A_436 = arith.addi %add3A_434, %add3A_435 : i32
        %add3A_437 = vector.broadcast %add3A_436 : i32 to vector<16xi32>
        %add3A_438 = arith.addi %add3A_437, %iota3A : vector<16xi32>
        %and3A_439 = arith.constant 4095 : i32
        %and3A_440 = vector.broadcast %and3A_439 : i32 to vector<16xi32>
        %and3A_441 = arith.andi %add3A_438, %and3A_440 : vector<16xi32>
        %mul3A_442 = arith.constant 200 : i32
        %mul3A_443 = vector.broadcast %mul3A_442 : i32 to vector<16xi32>
        %mul3A_444 = arith.muli %and3A_441, %mul3A_443 : vector<16xi32>
        %shift_right_arithmetic3A_445 = arith.constant 12 : i32
        %shift_right_arithmetic3A_446 = vector.broadcast %shift_right_arithmetic3A_445 : i32 to vector<16xi32>
        %shift_right_arithmetic3A_447 = arith.shrsi %add3A_438, %shift_right_arithmetic3A_446 : vector<16xi32>
        %add3A_448 = arith.addi %mul3A_444, %shift_right_arithmetic3A_447 : vector<16xi32>
        %mul3A_449 = arith.constant 2 : i32
        %mul3A_450 = vector.broadcast %mul3A_449 : i32 to vector<16xi32>
        %mul3A_451 = arith.muli %add3A_448, %mul3A_450 : vector<16xi32>
        %swap3A_452 = arith.constant 6 : i32
        %swap3A_453 = arith.index_cast %swap3A_452 : i32 to index
        %swap3A_454 = arith.constant 112 : index
        %swap3A_455 = tpu.vector_load %arg11[%swap3A_453, %swap3A_454] {strides = array<i32>} : memref<8x128xi32, #tpu.memory_space<vmem>>, vector<1x16xi32>,
        %swap3A_456 = vector.shape_cast %swap3A_455 : vector<1x16xi32> to vector<16xi32>
        %swap3A_457 = vector.shape_cast %mul3A_451 : vector<16xi32> to vector<1x16xi32>
        tpu.vector_store %arg11[%swap3A_453, %swap3A_454], %swap3A_457 {strides = array<i32>} : memref<8x128xi32, #tpu.memory_space<vmem>>, vector<1x16xi32>,
        %add3A_458 = arith.constant 128 : i32
        %add3A_459 = arith.addi %add3A_259, %add3A_458 : i32
        %add3A_460 = arith.constant 0 : i32
        %add3A_461 = arith.addi %add3A_459, %add3A_460 : i32
        %add3A_462 = vector.broadcast %add3A_461 : i32 to vector<16xi32>
        %add3A_463 = arith.addi %add3A_462, %iota3A : vector<16xi32>
        %and3A_464 = arith.constant 4095 : i32
        %and3A_465 = vector.broadcast %and3A_464 : i32 to vector<16xi32>
        %and3A_466 = arith.andi %add3A_463, %and3A_465 : vector<16xi32>
        %mul3A_467 = arith.constant 200 : i32
        %mul3A_468 = vector.broadcast %mul3A_467 : i32 to vector<16xi32>
        %mul3A_469 = arith.muli %and3A_466, %mul3A_468 : vector<16xi32>
        %shift_right_arithmetic3A_470 = arith.constant 12 : i32
        %shift_right_arithmetic3A_471 = vector.broadcast %shift_right_arithmetic3A_470 : i32 to vector<16xi32>
        %shift_right_arithmetic3A_472 = arith.shrsi %add3A_463, %shift_right_arithmetic3A_471 : vector<16xi32>
        %add3A_473 = arith.addi %mul3A_469, %shift_right_arithmetic3A_472 : vector<16xi32>
        %mul3A_474 = arith.constant 2 : i32
        %mul3A_475 = vector.broadcast %mul3A_474 : i32 to vector<16xi32>
        %mul3A_476 = arith.muli %add3A_473, %mul3A_475 : vector<16xi32>
        %swap3A_477 = arith.constant 7 : i32
        %swap3A_478 = arith.index_cast %swap3A_477 : i32 to index
        %swap3A_479 = arith.constant 0 : index
        %swap3A_480 = tpu.vector_load %arg11[%swap3A_478, %swap3A_479] {strides = array<i32>} : memref<8x128xi32, #tpu.memory_space<vmem>>, vector<1x16xi32>,
        %swap3A_481 = vector.shape_cast %swap3A_480 : vector<1x16xi32> to vector<16xi32>
        %swap3A_482 = vector.shape_cast %mul3A_476 : vector<16xi32> to vector<1x16xi32>
        tpu.vector_store %arg11[%swap3A_478, %swap3A_479], %swap3A_482 {strides = array<i32>} : memref<8x128xi32, #tpu.memory_space<vmem>>, vector<1x16xi32>,
        %add3A_483 = arith.constant 128 : i32
        %add3A_484 = arith.addi %add3A_259, %add3A_483 : i32
        %add3A_485 = arith.constant 16 : i32
        %add3A_486 = arith.addi %add3A_484, %add3A_485 : i32
        %add3A_487 = vector.broadcast %add3A_486 : i32 to vector<16xi32>
        %add3A_488 = arith.addi %add3A_487, %iota3A : vector<16xi32>
        %and3A_489 = arith.constant 4095 : i32
        %and3A_490 = vector.broadcast %and3A_489 : i32 to vector<16xi32>
        %and3A_491 = arith.andi %add3A_488, %and3A_490 : vector<16xi32>
        %mul3A_492 = arith.constant 200 : i32
        %mul3A_493 = vector.broadcast %mul3A_492 : i32 to vector<16xi32>
        %mul3A_494 = arith.muli %and3A_491, %mul3A_493 : vector<16xi32>
        %shift_right_arithmetic3A_495 = arith.constant 12 : i32
        %shift_right_arithmetic3A_496 = vector.broadcast %shift_right_arithmetic3A_495 : i32 to vector<16xi32>
        %shift_right_arithmetic3A_497 = arith.shrsi %add3A_488, %shift_right_arithmetic3A_496 : vector<16xi32>
        %add3A_498 = arith.addi %mul3A_494, %shift_right_arithmetic3A_497 : vector<16xi32>
        %mul3A_499 = arith.constant 2 : i32
        %mul3A_500 = vector.broadcast %mul3A_499 : i32 to vector<16xi32>
        %mul3A_501 = arith.muli %add3A_498, %mul3A_500 : vector<16xi32>
        %swap3A_502 = arith.constant 7 : i32
        %swap3A_503 = arith.index_cast %swap3A_502 : i32 to index
        %swap3A_504 = arith.constant 16 : index
        %swap3A_505 = tpu.vector_load %arg11[%swap3A_503, %swap3A_504] {strides = array<i32>} : memref<8x128xi32, #tpu.memory_space<vmem>>, vector<1x16xi32>,
        %swap3A_506 = vector.shape_cast %swap3A_505 : vector<1x16xi32> to vector<16xi32>
        %swap3A_507 = vector.shape_cast %mul3A_501 : vector<16xi32> to vector<1x16xi32>
        tpu.vector_store %arg11[%swap3A_503, %swap3A_504], %swap3A_507 {strides = array<i32>} : memref<8x128xi32, #tpu.memory_space<vmem>>, vector<1x16xi32>,
        %add3A_508 = arith.constant 128 : i32
        %add3A_509 = arith.addi %add3A_259, %add3A_508 : i32
        %add3A_510 = arith.constant 32 : i32
        %add3A_511 = arith.addi %add3A_509, %add3A_510 : i32
        %add3A_512 = vector.broadcast %add3A_511 : i32 to vector<16xi32>
        %add3A_513 = arith.addi %add3A_512, %iota3A : vector<16xi32>
        %and3A_514 = arith.constant 4095 : i32
        %and3A_515 = vector.broadcast %and3A_514 : i32 to vector<16xi32>
        %and3A_516 = arith.andi %add3A_513, %and3A_515 : vector<16xi32>
        %mul3A_517 = arith.constant 200 : i32
        %mul3A_518 = vector.broadcast %mul3A_517 : i32 to vector<16xi32>
        %mul3A_519 = arith.muli %and3A_516, %mul3A_518 : vector<16xi32>
        %shift_right_arithmetic3A_520 = arith.constant 12 : i32
        %shift_right_arithmetic3A_521 = vector.broadcast %shift_right_arithmetic3A_520 : i32 to vector<16xi32>
        %shift_right_arithmetic3A_522 = arith.shrsi %add3A_513, %shift_right_arithmetic3A_521 : vector<16xi32>
        %add3A_523 = arith.addi %mul3A_519, %shift_right_arithmetic3A_522 : vector<16xi32>
        %mul3A_524 = arith.constant 2 : i32
        %mul3A_525 = vector.broadcast %mul3A_524 : i32 to vector<16xi32>
        %mul3A_526 = arith.muli %add3A_523, %mul3A_525 : vector<16xi32>
        %swap3A_527 = arith.constant 7 : i32
        %swap3A_528 = arith.index_cast %swap3A_527 : i32 to index
        %swap3A_529 = arith.constant 32 : index
        %swap3A_530 = tpu.vector_load %arg11[%swap3A_528, %swap3A_529] {strides = array<i32>} : memref<8x128xi32, #tpu.memory_space<vmem>>, vector<1x16xi32>,
        %swap3A_531 = vector.shape_cast %swap3A_530 : vector<1x16xi32> to vector<16xi32>
        %swap3A_532 = vector.shape_cast %mul3A_526 : vector<16xi32> to vector<1x16xi32>
        tpu.vector_store %arg11[%swap3A_528, %swap3A_529], %swap3A_532 {strides = array<i32>} : memref<8x128xi32, #tpu.memory_space<vmem>>, vector<1x16xi32>,
        %add3A_533 = arith.constant 128 : i32
        %add3A_534 = arith.addi %add3A_259, %add3A_533 : i32
        %add3A_535 = arith.constant 48 : i32
        %add3A_536 = arith.addi %add3A_534, %add3A_535 : i32
        %add3A_537 = vector.broadcast %add3A_536 : i32 to vector<16xi32>
        %add3A_538 = arith.addi %add3A_537, %iota3A : vector<16xi32>
        %and3A_539 = arith.constant 4095 : i32
        %and3A_540 = vector.broadcast %and3A_539 : i32 to vector<16xi32>
        %and3A_541 = arith.andi %add3A_538, %and3A_540 : vector<16xi32>
        %mul3A_542 = arith.constant 200 : i32
        %mul3A_543 = vector.broadcast %mul3A_542 : i32 to vector<16xi32>
        %mul3A_544 = arith.muli %and3A_541, %mul3A_543 : vector<16xi32>
        %shift_right_arithmetic3A_545 = arith.constant 12 : i32
        %shift_right_arithmetic3A_546 = vector.broadcast %shift_right_arithmetic3A_545 : i32 to vector<16xi32>
        %shift_right_arithmetic3A_547 = arith.shrsi %add3A_538, %shift_right_arithmetic3A_546 : vector<16xi32>
        %add3A_548 = arith.addi %mul3A_544, %shift_right_arithmetic3A_547 : vector<16xi32>
        %mul3A_549 = arith.constant 2 : i32
        %mul3A_550 = vector.broadcast %mul3A_549 : i32 to vector<16xi32>
        %mul3A_551 = arith.muli %add3A_548, %mul3A_550 : vector<16xi32>
        %swap3A_552 = arith.constant 7 : i32
        %swap3A_553 = arith.index_cast %swap3A_552 : i32 to index
        %swap3A_554 = arith.constant 48 : index
        %swap3A_555 = tpu.vector_load %arg11[%swap3A_553, %swap3A_554] {strides = array<i32>} : memref<8x128xi32, #tpu.memory_space<vmem>>, vector<1x16xi32>,
        %swap3A_556 = vector.shape_cast %swap3A_555 : vector<1x16xi32> to vector<16xi32>
        %swap3A_557 = vector.shape_cast %mul3A_551 : vector<16xi32> to vector<1x16xi32>
        tpu.vector_store %arg11[%swap3A_553, %swap3A_554], %swap3A_557 {strides = array<i32>} : memref<8x128xi32, #tpu.memory_space<vmem>>, vector<1x16xi32>,
        %add3A_558 = arith.constant 128 : i32
        %add3A_559 = arith.addi %add3A_259, %add3A_558 : i32
        %add3A_560 = arith.constant 64 : i32
        %add3A_561 = arith.addi %add3A_559, %add3A_560 : i32
        %add3A_562 = vector.broadcast %add3A_561 : i32 to vector<16xi32>
        %add3A_563 = arith.addi %add3A_562, %iota3A : vector<16xi32>
        %and3A_564 = arith.constant 4095 : i32
        %and3A_565 = vector.broadcast %and3A_564 : i32 to vector<16xi32>
        %and3A_566 = arith.andi %add3A_563, %and3A_565 : vector<16xi32>
        %mul3A_567 = arith.constant 200 : i32
        %mul3A_568 = vector.broadcast %mul3A_567 : i32 to vector<16xi32>
        %mul3A_569 = arith.muli %and3A_566, %mul3A_568 : vector<16xi32>
        %shift_right_arithmetic3A_570 = arith.constant 12 : i32
        %shift_right_arithmetic3A_571 = vector.broadcast %shift_right_arithmetic3A_570 : i32 to vector<16xi32>
        %shift_right_arithmetic3A_572 = arith.shrsi %add3A_563, %shift_right_arithmetic3A_571 : vector<16xi32>
        %add3A_573 = arith.addi %mul3A_569, %shift_right_arithmetic3A_572 : vector<16xi32>
        %mul3A_574 = arith.constant 2 : i32
        %mul3A_575 = vector.broadcast %mul3A_574 : i32 to vector<16xi32>
        %mul3A_576 = arith.muli %add3A_573, %mul3A_575 : vector<16xi32>
        %swap3A_577 = arith.constant 7 : i32
        %swap3A_578 = arith.index_cast %swap3A_577 : i32 to index
        %swap3A_579 = arith.constant 64 : index
        %swap3A_580 = tpu.vector_load %arg11[%swap3A_578, %swap3A_579] {strides = array<i32>} : memref<8x128xi32, #tpu.memory_space<vmem>>, vector<1x16xi32>,
        %swap3A_581 = vector.shape_cast %swap3A_580 : vector<1x16xi32> to vector<16xi32>
        %swap3A_582 = vector.shape_cast %mul3A_576 : vector<16xi32> to vector<1x16xi32>
        tpu.vector_store %arg11[%swap3A_578, %swap3A_579], %swap3A_582 {strides = array<i32>} : memref<8x128xi32, #tpu.memory_space<vmem>>, vector<1x16xi32>,
        %add3A_583 = arith.constant 128 : i32
        %add3A_584 = arith.addi %add3A_259, %add3A_583 : i32
        %add3A_585 = arith.constant 80 : i32
        %add3A_586 = arith.addi %add3A_584, %add3A_585 : i32
        %add3A_587 = vector.broadcast %add3A_586 : i32 to vector<16xi32>
        %add3A_588 = arith.addi %add3A_587, %iota3A : vector<16xi32>
        %and3A_589 = arith.constant 4095 : i32
        %and3A_590 = vector.broadcast %and3A_589 : i32 to vector<16xi32>
        %and3A_591 = arith.andi %add3A_588, %and3A_590 : vector<16xi32>
        %mul3A_592 = arith.constant 200 : i32
        %mul3A_593 = vector.broadcast %mul3A_592 : i32 to vector<16xi32>
        %mul3A_594 = arith.muli %and3A_591, %mul3A_593 : vector<16xi32>
        %shift_right_arithmetic3A_595 = arith.constant 12 : i32
        %shift_right_arithmetic3A_596 = vector.broadcast %shift_right_arithmetic3A_595 : i32 to vector<16xi32>
        %shift_right_arithmetic3A_597 = arith.shrsi %add3A_588, %shift_right_arithmetic3A_596 : vector<16xi32>
        %add3A_598 = arith.addi %mul3A_594, %shift_right_arithmetic3A_597 : vector<16xi32>
        %mul3A_599 = arith.constant 2 : i32
        %mul3A_600 = vector.broadcast %mul3A_599 : i32 to vector<16xi32>
        %mul3A_601 = arith.muli %add3A_598, %mul3A_600 : vector<16xi32>
        %swap3A_602 = arith.constant 7 : i32
        %swap3A_603 = arith.index_cast %swap3A_602 : i32 to index
        %swap3A_604 = arith.constant 80 : index
        %swap3A_605 = tpu.vector_load %arg11[%swap3A_603, %swap3A_604] {strides = array<i32>} : memref<8x128xi32, #tpu.memory_space<vmem>>, vector<1x16xi32>,
        %swap3A_606 = vector.shape_cast %swap3A_605 : vector<1x16xi32> to vector<16xi32>
        %swap3A_607 = vector.shape_cast %mul3A_601 : vector<16xi32> to vector<1x16xi32>
        tpu.vector_store %arg11[%swap3A_603, %swap3A_604], %swap3A_607 {strides = array<i32>} : memref<8x128xi32, #tpu.memory_space<vmem>>, vector<1x16xi32>,
        %add3A_608 = arith.constant 128 : i32
        %add3A_609 = arith.addi %add3A_259, %add3A_608 : i32
        %add3A_610 = arith.constant 96 : i32
        %add3A_611 = arith.addi %add3A_609, %add3A_610 : i32
        %add3A_612 = vector.broadcast %add3A_611 : i32 to vector<16xi32>
        %add3A_613 = arith.addi %add3A_612, %iota3A : vector<16xi32>
        %and3A_614 = arith.constant 4095 : i32
        %and3A_615 = vector.broadcast %and3A_614 : i32 to vector<16xi32>
        %and3A_616 = arith.andi %add3A_613, %and3A_615 : vector<16xi32>
        %mul3A_617 = arith.constant 200 : i32
        %mul3A_618 = vector.broadcast %mul3A_617 : i32 to vector<16xi32>
        %mul3A_619 = arith.muli %and3A_616, %mul3A_618 : vector<16xi32>
        %shift_right_arithmetic3A_620 = arith.constant 12 : i32
        %shift_right_arithmetic3A_621 = vector.broadcast %shift_right_arithmetic3A_620 : i32 to vector<16xi32>
        %shift_right_arithmetic3A_622 = arith.shrsi %add3A_613, %shift_right_arithmetic3A_621 : vector<16xi32>
        %add3A_623 = arith.addi %mul3A_619, %shift_right_arithmetic3A_622 : vector<16xi32>
        %mul3A_624 = arith.constant 2 : i32
        %mul3A_625 = vector.broadcast %mul3A_624 : i32 to vector<16xi32>
        %mul3A_626 = arith.muli %add3A_623, %mul3A_625 : vector<16xi32>
        %swap3A_627 = arith.constant 7 : i32
        %swap3A_628 = arith.index_cast %swap3A_627 : i32 to index
        %swap3A_629 = arith.constant 96 : index
        %swap3A_630 = tpu.vector_load %arg11[%swap3A_628, %swap3A_629] {strides = array<i32>} : memref<8x128xi32, #tpu.memory_space<vmem>>, vector<1x16xi32>,
        %swap3A_631 = vector.shape_cast %swap3A_630 : vector<1x16xi32> to vector<16xi32>
        %swap3A_632 = vector.shape_cast %mul3A_626 : vector<16xi32> to vector<1x16xi32>
        tpu.vector_store %arg11[%swap3A_628, %swap3A_629], %swap3A_632 {strides = array<i32>} : memref<8x128xi32, #tpu.memory_space<vmem>>, vector<1x16xi32>,
        %add3A_633 = arith.constant 128 : i32
        %add3A_634 = arith.addi %add3A_259, %add3A_633 : i32
        %add3A_635 = arith.constant 112 : i32
        %add3A_636 = arith.addi %add3A_634, %add3A_635 : i32
        %add3A_637 = vector.broadcast %add3A_636 : i32 to vector<16xi32>
        %add3A_638 = arith.addi %add3A_637, %iota3A : vector<16xi32>
        %and3A_639 = arith.constant 4095 : i32
        %and3A_640 = vector.broadcast %and3A_639 : i32 to vector<16xi32>
        %and3A_641 = arith.andi %add3A_638, %and3A_640 : vector<16xi32>
        %mul3A_642 = arith.constant 200 : i32
        %mul3A_643 = vector.broadcast %mul3A_642 : i32 to vector<16xi32>
        %mul3A_644 = arith.muli %and3A_641, %mul3A_643 : vector<16xi32>
        %shift_right_arithmetic3A_645 = arith.constant 12 : i32
        %shift_right_arithmetic3A_646 = vector.broadcast %shift_right_arithmetic3A_645 : i32 to vector<16xi32>
        %shift_right_arithmetic3A_647 = arith.shrsi %add3A_638, %shift_right_arithmetic3A_646 : vector<16xi32>
        %add3A_648 = arith.addi %mul3A_644, %shift_right_arithmetic3A_647 : vector<16xi32>
        %mul3A_649 = arith.constant 2 : i32
        %mul3A_650 = vector.broadcast %mul3A_649 : i32 to vector<16xi32>
        %mul3A_651 = arith.muli %add3A_648, %mul3A_650 : vector<16xi32>
        %swap3A_652 = arith.constant 7 : i32
        %swap3A_653 = arith.index_cast %swap3A_652 : i32 to index
        %swap3A_654 = arith.constant 112 : index
        %swap3A_655 = tpu.vector_load %arg11[%swap3A_653, %swap3A_654] {strides = array<i32>} : memref<8x128xi32, #tpu.memory_space<vmem>>, vector<1x16xi32>,
        %swap3A_656 = vector.shape_cast %swap3A_655 : vector<1x16xi32> to vector<16xi32>
        %swap3A_657 = vector.shape_cast %mul3A_651 : vector<16xi32> to vector<1x16xi32>
        tpu.vector_store %arg11[%swap3A_653, %swap3A_654], %swap3A_657 {strides = array<i32>} : memref<8x128xi32, #tpu.memory_space<vmem>>, vector<1x16xi32>,
        %dma_start3A = arith.constant 6 : i32
        %dma_start3A_658 = arith.constant 3 : i32
        %dma_start3A_659 = arith.constant 0 : i32
        %dma_start3A_660 = arith.constant 0 : i32
        %dma_start3A_661 = tpu.memref_slice %arg15[%dma_start3A_659, %dma_start3A_660] : memref<256x64xf32, #tpu.memory_space<vmem>> -> memref<128x64xf32, #tpu.memory_space<vmem>>
        %dma_start3A_662 = arith.constant 0 : i32
        %dma_start3A_663 = tpu.memref_slice %arg11[%dma_start3A, %dma_start3A_662] : memref<8x128xi32, #tpu.memory_space<vmem>> -> memref<1x128xi32, #tpu.memory_space<vmem>>
        %dma_start3A_664 = tpu.memref_squeeze %dma_start3A_663 : memref<1x128xi32, #tpu.memory_space<vmem>> -> memref<128xi32, #tpu.memory_space<vmem>>
        %dma_start3A_665 = arith.constant 0 : i32
        %dma_start3A_666 = arith.constant 0 : i32
        %dma_start3A_667 = tpu.memref_slice %arg7[%dma_start3A_665, %dma_start3A_666] : memref<1638400x64xf32, #tpu.memory_space<hbm>> -> memref<1638400x64xf32, #tpu.memory_space<hbm>>
        %dma_start3A_668 = tpu.memref_slice %arg16[%dma_start3A_658] : memref<4x!tpu.dma_semaphore, #tpu.memory_space<semaphore_mem>> -> memref<1x!tpu.dma_semaphore, #tpu.memory_space<semaphore_mem>>
        %dma_start3A_669 = tpu.memref_squeeze %dma_start3A_668 : memref<1x!tpu.dma_semaphore, #tpu.memory_space<semaphore_mem>> -> memref<!tpu.dma_semaphore, #tpu.memory_space<semaphore_mem>>
        tpu.enqueue_indirect_dma source(%dma_start3A_661 : memref<128x64xf32, #tpu.memory_space<vmem>>) target(%dma_start3A_667 : memref<1638400x64xf32, #tpu.memory_space<hbm>>) offsets(%dma_start3A_664 : memref<128xi32, #tpu.memory_space<vmem>>) semaphore(%dma_start3A_669 : memref<!tpu.dma_semaphore, #tpu.memory_space<semaphore_mem>>)
        %dma_start3A_670 = arith.constant 7 : i32
        %dma_start3A_671 = arith.constant 3 : i32
        %dma_start3A_672 = arith.constant 128 : i32
        %dma_start3A_673 = arith.constant 0 : i32
        %dma_start3A_674 = tpu.memref_slice %arg15[%dma_start3A_672, %dma_start3A_673] : memref<256x64xf32, #tpu.memory_space<vmem>> -> memref<128x64xf32, #tpu.memory_space<vmem>>
        %dma_start3A_675 = arith.constant 0 : i32
        %dma_start3A_676 = tpu.memref_slice %arg11[%dma_start3A_670, %dma_start3A_675] : memref<8x128xi32, #tpu.memory_space<vmem>> -> memref<1x128xi32, #tpu.memory_space<vmem>>
        %dma_start3A_677 = tpu.memref_squeeze %dma_start3A_676 : memref<1x128xi32, #tpu.memory_space<vmem>> -> memref<128xi32, #tpu.memory_space<vmem>>
        %dma_start3A_678 = arith.constant 0 : i32
        %dma_start3A_679 = arith.constant 0 : i32
        %dma_start3A_680 = tpu.memref_slice %arg7[%dma_start3A_678, %dma_start3A_679] : memref<1638400x64xf32, #tpu.memory_space<hbm>> -> memref<1638400x64xf32, #tpu.memory_space<hbm>>
        %dma_start3A_681 = tpu.memref_slice %arg16[%dma_start3A_671] : memref<4x!tpu.dma_semaphore, #tpu.memory_space<semaphore_mem>> -> memref<1x!tpu.dma_semaphore, #tpu.memory_space<semaphore_mem>>
        %dma_start3A_682 = tpu.memref_squeeze %dma_start3A_681 : memref<1x!tpu.dma_semaphore, #tpu.memory_space<semaphore_mem>> -> memref<!tpu.dma_semaphore, #tpu.memory_space<semaphore_mem>>
        tpu.enqueue_indirect_dma source(%dma_start3A_674 : memref<128x64xf32, #tpu.memory_space<vmem>>) target(%dma_start3A_680 : memref<1638400x64xf32, #tpu.memory_space<hbm>>) offsets(%dma_start3A_677 : memref<128xi32, #tpu.memory_space<vmem>>) semaphore(%dma_start3A_682 : memref<!tpu.dma_semaphore, #tpu.memory_space<semaphore_mem>>)
      } else {
      }
      %ge3A_192 = arith.constant 2 : i32
      %ge3A_193 = arith.cmpi sge, %add3A_183, %ge3A_192 : i32
      %lt3A_194 = arith.constant 52 : i32
      %lt3A_195 = arith.cmpi slt, %add3A_183, %lt3A_194 : i32
      %and3A_196 = arith.andi %ge3A_193, %lt3A_195 : i1
      %convert_element_type3A_197 = arith.extui %and3A_196 : i1 to i32
      %cond3A_198 = arith.constant 0 : i32
      %cond3A_199 = arith.cmpi ne, %convert_element_type3A_197, %cond3A_198 : i32
      scf.if %cond3A_199 {
        %dma_wait3A_247 = arith.constant 0 : i32
        %dma_wait3A_248 = arith.constant 0 : i32
        %dma_wait3A_249 = arith.constant 0 : i32
        %dma_wait3A_250 = tpu.memref_slice %arg7[%dma_wait3A_248, %dma_wait3A_249] : memref<1638400x64xf32, #tpu.memory_space<hbm>> -> memref<256x64xf32, #tpu.memory_space<hbm>>
        %dma_wait3A_251 = tpu.memref_slice %arg16[%dma_wait3A_247] : memref<4x!tpu.dma_semaphore, #tpu.memory_space<semaphore_mem>> -> memref<1x!tpu.dma_semaphore, #tpu.memory_space<semaphore_mem>>
        %dma_wait3A_252 = tpu.memref_squeeze %dma_wait3A_251 : memref<1x!tpu.dma_semaphore, #tpu.memory_space<semaphore_mem>> -> memref<!tpu.dma_semaphore, #tpu.memory_space<semaphore_mem>>
        %dma_wait3A_253 = arith.constant 0 : i32
        %dma_wait3A_254 = arith.constant 0 : i32
        %dma_wait3A_255 = tpu.memref_slice %arg7[%dma_wait3A_253, %dma_wait3A_254] : memref<1638400x64xf32, #tpu.memory_space<hbm>> -> memref<256x64xf32, #tpu.memory_space<hbm>>
        tpu.wait_dma2 semaphore(%dma_wait3A_252 : memref<!tpu.dma_semaphore, #tpu.memory_space<semaphore_mem>>) src(%dma_wait3A_255 : memref<256x64xf32, #tpu.memory_space<hbm>>) dst(%arg12 : memref<256x64xf32, #tpu.memory_space<vmem>>)
        %sub3A = arith.constant 2 : i32
        %sub3A_256 = arith.subi %add3A_183, %sub3A : i32
        %mul3A_257 = arith.constant 2 : i32
        %mul3A_258 = arith.muli %sub3A_256, %mul3A_257 : i32
        %add3A_259 = arith.constant 0 : i32
        %add3A_260 = arith.addi %mul3A_258, %add3A_259 : i32
        %dma_start3A = arith.constant 0 : i32
        %dma_start3A_261 = arith.constant 0 : i32
        %dma_start3A_262 = arith.constant 0 : i32
        %dma_start3A_263 = tpu.memref_slice %arg12[%dma_start3A_261, %dma_start3A_262] : memref<256x64xf32, #tpu.memory_space<vmem>> -> memref<128x64xf32, #tpu.memory_space<vmem>>
        %dma_start3A_264 = arith.constant 0 : i32
        %dma_start3A_265 = tpu.memref_slice %arg10[%add3A_260, %dma_start3A_264] : memref<100x128xi32, #tpu.memory_space<vmem>> -> memref<1x128xi32, #tpu.memory_space<vmem>>
        %dma_start3A_266 = tpu.memref_squeeze %dma_start3A_265 : memref<1x128xi32, #tpu.memory_space<vmem>> -> memref<128xi32, #tpu.memory_space<vmem>>
        %dma_start3A_267 = arith.constant 0 : i32
        %dma_start3A_268 = arith.constant 0 : i32
        %dma_start3A_269 = tpu.memref_slice %arg6[%dma_start3A_267, %dma_start3A_268] : memref<600x64xf32, #tpu.memory_space<hbm>> -> memref<600x64xf32, #tpu.memory_space<hbm>>
        %dma_start3A_270 = tpu.memref_slice %arg16[%dma_start3A] : memref<4x!tpu.dma_semaphore, #tpu.memory_space<semaphore_mem>> -> memref<1x!tpu.dma_semaphore, #tpu.memory_space<semaphore_mem>>
        %dma_start3A_271 = tpu.memref_squeeze %dma_start3A_270 : memref<1x!tpu.dma_semaphore, #tpu.memory_space<semaphore_mem>> -> memref<!tpu.dma_semaphore, #tpu.memory_space<semaphore_mem>>
        tpu.enqueue_indirect_dma source(%dma_start3A_269 : memref<600x64xf32, #tpu.memory_space<hbm>>) target(%dma_start3A_263 : memref<128x64xf32, #tpu.memory_space<vmem>>) offsets(%dma_start3A_266 : memref<128xi32, #tpu.memory_space<vmem>>) semaphore(%dma_start3A_271 : memref<!tpu.dma_semaphore, #tpu.memory_space<semaphore_mem>>) {add = true}
        %sub3A_272 = arith.constant 2 : i32
        %sub3A_273 = arith.subi %add3A_183, %sub3A_272 : i32
        %mul3A_274 = arith.constant 2 : i32
        %mul3A_275 = arith.muli %sub3A_273, %mul3A_274 : i32
        %add3A_276 = arith.constant 1 : i32
        %add3A_277 = arith.addi %mul3A_275, %add3A_276 : i32
        %dma_start3A_278 = arith.constant 0 : i32
        %dma_start3A_279 = arith.constant 128 : i32
        %dma_start3A_280 = arith.constant 0 : i32
        %dma_start3A_281 = tpu.memref_slice %arg12[%dma_start3A_279, %dma_start3A_280] : memref<256x64xf32, #tpu.memory_space<vmem>> -> memref<128x64xf32, #tpu.memory_space<vmem>>
        %dma_start3A_282 = arith.constant 0 : i32
        %dma_start3A_283 = tpu.memref_slice %arg10[%add3A_277, %dma_start3A_282] : memref<100x128xi32, #tpu.memory_space<vmem>> -> memref<1x128xi32, #tpu.memory_space<vmem>>
        %dma_start3A_284 = tpu.memref_squeeze %dma_start3A_283 : memref<1x128xi32, #tpu.memory_space<vmem>> -> memref<128xi32, #tpu.memory_space<vmem>>
        %dma_start3A_285 = arith.constant 0 : i32
        %dma_start3A_286 = arith.constant 0 : i32
        %dma_start3A_287 = tpu.memref_slice %arg6[%dma_start3A_285, %dma_start3A_286] : memref<600x64xf32, #tpu.memory_space<hbm>> -> memref<600x64xf32, #tpu.memory_space<hbm>>
        %dma_start3A_288 = tpu.memref_slice %arg16[%dma_start3A_278] : memref<4x!tpu.dma_semaphore, #tpu.memory_space<semaphore_mem>> -> memref<1x!tpu.dma_semaphore, #tpu.memory_space<semaphore_mem>>
        %dma_start3A_289 = tpu.memref_squeeze %dma_start3A_288 : memref<1x!tpu.dma_semaphore, #tpu.memory_space<semaphore_mem>> -> memref<!tpu.dma_semaphore, #tpu.memory_space<semaphore_mem>>
        tpu.enqueue_indirect_dma source(%dma_start3A_287 : memref<600x64xf32, #tpu.memory_space<hbm>>) target(%dma_start3A_281 : memref<128x64xf32, #tpu.memory_space<vmem>>) offsets(%dma_start3A_284 : memref<128xi32, #tpu.memory_space<vmem>>) semaphore(%dma_start3A_289 : memref<!tpu.dma_semaphore, #tpu.memory_space<semaphore_mem>>) {add = true}
      } else {
      }
      %ge3A_200 = arith.constant 1 : i32
      %ge3A_201 = arith.cmpi sge, %add3A_183, %ge3A_200 : i32
      %lt3A_202 = arith.constant 51 : i32
      %lt3A_203 = arith.cmpi slt, %add3A_183, %lt3A_202 : i32
      %and3A_204 = arith.andi %ge3A_201, %lt3A_203 : i1
      %convert_element_type3A_205 = arith.extui %and3A_204 : i1 to i32
      %cond3A_206 = arith.constant 0 : i32
      %cond3A_207 = arith.cmpi ne, %convert_element_type3A_205, %cond3A_206 : i32
      scf.if %cond3A_207 {
        %dma_wait3A_247 = arith.constant 1 : i32
        %dma_wait3A_248 = arith.constant 0 : i32
        %dma_wait3A_249 = arith.constant 0 : i32
        %dma_wait3A_250 = tpu.memref_slice %arg7[%dma_wait3A_248, %dma_wait3A_249] : memref<1638400x64xf32, #tpu.memory_space<hbm>> -> memref<256x64xf32, #tpu.memory_space<hbm>>
        %dma_wait3A_251 = tpu.memref_slice %arg16[%dma_wait3A_247] : memref<4x!tpu.dma_semaphore, #tpu.memory_space<semaphore_mem>> -> memref<1x!tpu.dma_semaphore, #tpu.memory_space<semaphore_mem>>
        %dma_wait3A_252 = tpu.memref_squeeze %dma_wait3A_251 : memref<1x!tpu.dma_semaphore, #tpu.memory_space<semaphore_mem>> -> memref<!tpu.dma_semaphore, #tpu.memory_space<semaphore_mem>>
        %dma_wait3A_253 = arith.constant 0 : i32
        %dma_wait3A_254 = arith.constant 0 : i32
        %dma_wait3A_255 = tpu.memref_slice %arg7[%dma_wait3A_253, %dma_wait3A_254] : memref<1638400x64xf32, #tpu.memory_space<hbm>> -> memref<256x64xf32, #tpu.memory_space<hbm>>
        tpu.wait_dma2 semaphore(%dma_wait3A_252 : memref<!tpu.dma_semaphore, #tpu.memory_space<semaphore_mem>>) src(%dma_wait3A_255 : memref<256x64xf32, #tpu.memory_space<hbm>>) dst(%arg13 : memref<256x64xf32, #tpu.memory_space<vmem>>)
        %sub3A = arith.constant 1 : i32
        %sub3A_256 = arith.subi %add3A_183, %sub3A : i32
        %mul3A_257 = arith.constant 2 : i32
        %mul3A_258 = arith.muli %sub3A_256, %mul3A_257 : i32
        %add3A_259 = arith.constant 0 : i32
        %add3A_260 = arith.addi %mul3A_258, %add3A_259 : i32
        %dma_start3A = arith.constant 1 : i32
        %dma_start3A_261 = arith.constant 0 : i32
        %dma_start3A_262 = arith.constant 0 : i32
        %dma_start3A_263 = tpu.memref_slice %arg13[%dma_start3A_261, %dma_start3A_262] : memref<256x64xf32, #tpu.memory_space<vmem>> -> memref<128x64xf32, #tpu.memory_space<vmem>>
        %dma_start3A_264 = arith.constant 0 : i32
        %dma_start3A_265 = tpu.memref_slice %arg9[%add3A_260, %dma_start3A_264] : memref<100x128xi32, #tpu.memory_space<vmem>> -> memref<1x128xi32, #tpu.memory_space<vmem>>
        %dma_start3A_266 = tpu.memref_squeeze %dma_start3A_265 : memref<1x128xi32, #tpu.memory_space<vmem>> -> memref<128xi32, #tpu.memory_space<vmem>>
        %dma_start3A_267 = arith.constant 0 : i32
        %dma_start3A_268 = arith.constant 0 : i32
        %dma_start3A_269 = tpu.memref_slice %arg6[%dma_start3A_267, %dma_start3A_268] : memref<600x64xf32, #tpu.memory_space<hbm>> -> memref<600x64xf32, #tpu.memory_space<hbm>>
        %dma_start3A_270 = tpu.memref_slice %arg16[%dma_start3A] : memref<4x!tpu.dma_semaphore, #tpu.memory_space<semaphore_mem>> -> memref<1x!tpu.dma_semaphore, #tpu.memory_space<semaphore_mem>>
        %dma_start3A_271 = tpu.memref_squeeze %dma_start3A_270 : memref<1x!tpu.dma_semaphore, #tpu.memory_space<semaphore_mem>> -> memref<!tpu.dma_semaphore, #tpu.memory_space<semaphore_mem>>
        tpu.enqueue_indirect_dma source(%dma_start3A_269 : memref<600x64xf32, #tpu.memory_space<hbm>>) target(%dma_start3A_263 : memref<128x64xf32, #tpu.memory_space<vmem>>) offsets(%dma_start3A_266 : memref<128xi32, #tpu.memory_space<vmem>>) semaphore(%dma_start3A_271 : memref<!tpu.dma_semaphore, #tpu.memory_space<semaphore_mem>>) {add = true}
        %sub3A_272 = arith.constant 1 : i32
        %sub3A_273 = arith.subi %add3A_183, %sub3A_272 : i32
        %mul3A_274 = arith.constant 2 : i32
        %mul3A_275 = arith.muli %sub3A_273, %mul3A_274 : i32
        %add3A_276 = arith.constant 1 : i32
        %add3A_277 = arith.addi %mul3A_275, %add3A_276 : i32
        %dma_start3A_278 = arith.constant 1 : i32
        %dma_start3A_279 = arith.constant 128 : i32
        %dma_start3A_280 = arith.constant 0 : i32
        %dma_start3A_281 = tpu.memref_slice %arg13[%dma_start3A_279, %dma_start3A_280] : memref<256x64xf32, #tpu.memory_space<vmem>> -> memref<128x64xf32, #tpu.memory_space<vmem>>
        %dma_start3A_282 = arith.constant 0 : i32
        %dma_start3A_283 = tpu.memref_slice %arg9[%add3A_277, %dma_start3A_282] : memref<100x128xi32, #tpu.memory_space<vmem>> -> memref<1x128xi32, #tpu.memory_space<vmem>>
        %dma_start3A_284 = tpu.memref_squeeze %dma_start3A_283 : memref<1x128xi32, #tpu.memory_space<vmem>> -> memref<128xi32, #tpu.memory_space<vmem>>
        %dma_start3A_285 = arith.constant 0 : i32
        %dma_start3A_286 = arith.constant 0 : i32
        %dma_start3A_287 = tpu.memref_slice %arg6[%dma_start3A_285, %dma_start3A_286] : memref<600x64xf32, #tpu.memory_space<hbm>> -> memref<600x64xf32, #tpu.memory_space<hbm>>
        %dma_start3A_288 = tpu.memref_slice %arg16[%dma_start3A_278] : memref<4x!tpu.dma_semaphore, #tpu.memory_space<semaphore_mem>> -> memref<1x!tpu.dma_semaphore, #tpu.memory_space<semaphore_mem>>
        %dma_start3A_289 = tpu.memref_squeeze %dma_start3A_288 : memref<1x!tpu.dma_semaphore, #tpu.memory_space<semaphore_mem>> -> memref<!tpu.dma_semaphore, #tpu.memory_space<semaphore_mem>>
        tpu.enqueue_indirect_dma source(%dma_start3A_287 : memref<600x64xf32, #tpu.memory_space<hbm>>) target(%dma_start3A_281 : memref<128x64xf32, #tpu.memory_space<vmem>>) offsets(%dma_start3A_284 : memref<128xi32, #tpu.memory_space<vmem>>) semaphore(%dma_start3A_289 : memref<!tpu.dma_semaphore, #tpu.memory_space<semaphore_mem>>) {add = true}
      } else {
      }
      %lt3A_208 = arith.constant 50 : i32
      %lt3A_209 = arith.cmpi slt, %add3A_183, %lt3A_208 : i32
      %convert_element_type3A_210 = arith.extui %lt3A_209 : i1 to i32
      %cond3A_211 = arith.constant 0 : i32
      %cond3A_212 = arith.cmpi ne, %convert_element_type3A_210, %cond3A_211 : i32
      scf.if %cond3A_212 {
        %ge3A_247 = arith.constant 4 : i32
        %ge3A_248 = arith.cmpi sge, %add3A_183, %ge3A_247 : i32
        %convert_element_type3A_249 = arith.extui %ge3A_248 : i1 to i32
        %cond3A_250 = arith.constant 0 : i32
        %cond3A_251 = arith.cmpi ne, %convert_element_type3A_249, %cond3A_250 : i32
        scf.if %cond3A_251 {
          %dma_wait3A_283 = arith.constant 2 : i32
          %dma_wait3A_284 = arith.constant 0 : i32
          %dma_wait3A_285 = arith.constant 0 : i32
          %dma_wait3A_286 = tpu.memref_slice %arg7[%dma_wait3A_284, %dma_wait3A_285] : memref<1638400x64xf32, #tpu.memory_space<hbm>> -> memref<256x64xf32, #tpu.memory_space<hbm>>
          %dma_wait3A_287 = tpu.memref_slice %arg16[%dma_wait3A_283] : memref<4x!tpu.dma_semaphore, #tpu.memory_space<semaphore_mem>> -> memref<1x!tpu.dma_semaphore, #tpu.memory_space<semaphore_mem>>
          %dma_wait3A_288 = tpu.memref_squeeze %dma_wait3A_287 : memref<1x!tpu.dma_semaphore, #tpu.memory_space<semaphore_mem>> -> memref<!tpu.dma_semaphore, #tpu.memory_space<semaphore_mem>>
          %dma_wait3A_289 = arith.constant 0 : i32
          %dma_wait3A_290 = arith.constant 0 : i32
          %dma_wait3A_291 = tpu.memref_slice %arg7[%dma_wait3A_289, %dma_wait3A_290] : memref<1638400x64xf32, #tpu.memory_space<hbm>> -> memref<256x64xf32, #tpu.memory_space<hbm>>
          tpu.wait_dma2 semaphore(%dma_wait3A_288 : memref<!tpu.dma_semaphore, #tpu.memory_space<semaphore_mem>>) src(%dma_wait3A_291 : memref<256x64xf32, #tpu.memory_space<hbm>>) dst(%arg14 : memref<256x64xf32, #tpu.memory_space<vmem>>)
        } else {
        }
        %mul3A_252 = arith.constant 2 : i32
        %mul3A_253 = arith.muli %add3A_183, %mul3A_252 : i32
        %add3A_254 = arith.constant 0 : i32
        %add3A_255 = arith.addi %mul3A_253, %add3A_254 : i32
        %dma_start3A = arith.constant 2 : i32
        %dma_start3A_256 = arith.constant 0 : i32
        %dma_start3A_257 = arith.constant 0 : i32
        %dma_start3A_258 = tpu.memref_slice %arg14[%dma_start3A_256, %dma_start3A_257] : memref<256x64xf32, #tpu.memory_space<vmem>> -> memref<128x64xf32, #tpu.memory_space<vmem>>
        %dma_start3A_259 = arith.constant 0 : i32
        %dma_start3A_260 = tpu.memref_slice %arg8[%add3A_255, %dma_start3A_259] : memref<100x128xi32, #tpu.memory_space<vmem>> -> memref<1x128xi32, #tpu.memory_space<vmem>>
        %dma_start3A_261 = tpu.memref_squeeze %dma_start3A_260 : memref<1x128xi32, #tpu.memory_space<vmem>> -> memref<128xi32, #tpu.memory_space<vmem>>
        %dma_start3A_262 = arith.constant 0 : i32
        %dma_start3A_263 = arith.constant 0 : i32
        %dma_start3A_264 = tpu.memref_slice %arg5[%dma_start3A_262, %dma_start3A_263] : memref<100000x64xf32, #tpu.memory_space<hbm>> -> memref<100000x64xf32, #tpu.memory_space<hbm>>
        %dma_start3A_265 = tpu.memref_slice %arg16[%dma_start3A] : memref<4x!tpu.dma_semaphore, #tpu.memory_space<semaphore_mem>> -> memref<1x!tpu.dma_semaphore, #tpu.memory_space<semaphore_mem>>
        %dma_start3A_266 = tpu.memref_squeeze %dma_start3A_265 : memref<1x!tpu.dma_semaphore, #tpu.memory_space<semaphore_mem>> -> memref<!tpu.dma_semaphore, #tpu.memory_space<semaphore_mem>>
        tpu.enqueue_indirect_dma source(%dma_start3A_264 : memref<100000x64xf32, #tpu.memory_space<hbm>>) target(%dma_start3A_258 : memref<128x64xf32, #tpu.memory_space<vmem>>) offsets(%dma_start3A_261 : memref<128xi32, #tpu.memory_space<vmem>>) semaphore(%dma_start3A_266 : memref<!tpu.dma_semaphore, #tpu.memory_space<semaphore_mem>>)
        %mul3A_267 = arith.constant 2 : i32
        %mul3A_268 = arith.muli %add3A_183, %mul3A_267 : i32
        %add3A_269 = arith.constant 1 : i32
        %add3A_270 = arith.addi %mul3A_268, %add3A_269 : i32
        %dma_start3A_271 = arith.constant 2 : i32
        %dma_start3A_272 = arith.constant 128 : i32
        %dma_start3A_273 = arith.constant 0 : i32
        %dma_start3A_274 = tpu.memref_slice %arg14[%dma_start3A_272, %dma_start3A_273] : memref<256x64xf32, #tpu.memory_space<vmem>> -> memref<128x64xf32, #tpu.memory_space<vmem>>
        %dma_start3A_275 = arith.constant 0 : i32
        %dma_start3A_276 = tpu.memref_slice %arg8[%add3A_270, %dma_start3A_275] : memref<100x128xi32, #tpu.memory_space<vmem>> -> memref<1x128xi32, #tpu.memory_space<vmem>>
        %dma_start3A_277 = tpu.memref_squeeze %dma_start3A_276 : memref<1x128xi32, #tpu.memory_space<vmem>> -> memref<128xi32, #tpu.memory_space<vmem>>
        %dma_start3A_278 = arith.constant 0 : i32
        %dma_start3A_279 = arith.constant 0 : i32
        %dma_start3A_280 = tpu.memref_slice %arg5[%dma_start3A_278, %dma_start3A_279] : memref<100000x64xf32, #tpu.memory_space<hbm>> -> memref<100000x64xf32, #tpu.memory_space<hbm>>
        %dma_start3A_281 = tpu.memref_slice %arg16[%dma_start3A_271] : memref<4x!tpu.dma_semaphore, #tpu.memory_space<semaphore_mem>> -> memref<1x!tpu.dma_semaphore, #tpu.memory_space<semaphore_mem>>
        %dma_start3A_282 = tpu.memref_squeeze %dma_start3A_281 : memref<1x!tpu.dma_semaphore, #tpu.memory_space<semaphore_mem>> -> memref<!tpu.dma_semaphore, #tpu.memory_space<semaphore_mem>>
        tpu.enqueue_indirect_dma source(%dma_start3A_280 : memref<100000x64xf32, #tpu.memory_space<hbm>>) target(%dma_start3A_274 : memref<128x64xf32, #tpu.memory_space<vmem>>) offsets(%dma_start3A_277 : memref<128xi32, #tpu.memory_space<vmem>>) semaphore(%dma_start3A_282 : memref<!tpu.dma_semaphore, #tpu.memory_space<semaphore_mem>>)
      } else {
      }
      %mul3A_213 = arith.constant 4 : i32
      %mul3A_214 = arith.muli %scan3A_117, %mul3A_213 : i32
      %add3A_215 = arith.constant 3 : i32
      %add3A_216 = arith.addi %mul3A_214, %add3A_215 : i32
      %ge3A_217 = arith.constant 3 : i32
      %ge3A_218 = arith.cmpi sge, %add3A_216, %ge3A_217 : i32
      %lt3A_219 = arith.constant 53 : i32
      %lt3A_220 = arith.cmpi slt, %add3A_216, %lt3A_219 : i32
      %and3A_221 = arith.andi %ge3A_218, %lt3A_220 : i1
      %convert_element_type3A_222 = arith.extui %and3A_221 : i1 to i32
      %cond3A_223 = arith.constant 0 : i32
      %cond3A_224 = arith.cmpi ne, %convert_element_type3A_222, %cond3A_223 : i32
      scf.if %cond3A_224 {
        %dma_wait3A_247 = arith.constant 0 : i32
        %dma_wait3A_248 = arith.constant 0 : i32
        %dma_wait3A_249 = arith.constant 0 : i32
        %dma_wait3A_250 = tpu.memref_slice %arg7[%dma_wait3A_248, %dma_wait3A_249] : memref<1638400x64xf32, #tpu.memory_space<hbm>> -> memref<256x64xf32, #tpu.memory_space<hbm>>
        %dma_wait3A_251 = tpu.memref_slice %arg16[%dma_wait3A_247] : memref<4x!tpu.dma_semaphore, #tpu.memory_space<semaphore_mem>> -> memref<1x!tpu.dma_semaphore, #tpu.memory_space<semaphore_mem>>
        %dma_wait3A_252 = tpu.memref_squeeze %dma_wait3A_251 : memref<1x!tpu.dma_semaphore, #tpu.memory_space<semaphore_mem>> -> memref<!tpu.dma_semaphore, #tpu.memory_space<semaphore_mem>>
        %dma_wait3A_253 = arith.constant 0 : i32
        %dma_wait3A_254 = arith.constant 0 : i32
        %dma_wait3A_255 = tpu.memref_slice %arg7[%dma_wait3A_253, %dma_wait3A_254] : memref<1638400x64xf32, #tpu.memory_space<hbm>> -> memref<256x64xf32, #tpu.memory_space<hbm>>
        tpu.wait_dma2 semaphore(%dma_wait3A_252 : memref<!tpu.dma_semaphore, #tpu.memory_space<semaphore_mem>>) src(%dma_wait3A_255 : memref<256x64xf32, #tpu.memory_space<hbm>>) dst(%arg12 : memref<256x64xf32, #tpu.memory_space<vmem>>)
        %sub3A = arith.constant 3 : i32
        %sub3A_256 = arith.subi %add3A_216, %sub3A : i32
        %mul3A_257 = arith.constant 256 : i32
        %mul3A_258 = arith.muli %sub3A_256, %mul3A_257 : i32
        %add3A_259 = arith.addi %mul3A_16, %mul3A_258 : i32
        %add3A_260 = arith.constant 0 : i32
        %add3A_261 = arith.addi %add3A_259, %add3A_260 : i32
        %add3A_262 = arith.constant 0 : i32
        %add3A_263 = arith.addi %add3A_261, %add3A_262 : i32
        %add3A_264 = vector.broadcast %add3A_263 : i32 to vector<16xi32>
        %add3A_265 = arith.addi %add3A_264, %iota3A : vector<16xi32>
        %and3A_266 = arith.constant 4095 : i32
        %and3A_267 = vector.broadcast %and3A_266 : i32 to vector<16xi32>
        %and3A_268 = arith.andi %add3A_265, %and3A_267 : vector<16xi32>
        %mul3A_269 = arith.constant 200 : i32
        %mul3A_270 = vector.broadcast %mul3A_269 : i32 to vector<16xi32>
        %mul3A_271 = arith.muli %and3A_268, %mul3A_270 : vector<16xi32>
        %shift_right_arithmetic3A = arith.constant 12 : i32
        %shift_right_arithmetic3A_272 = vector.broadcast %shift_right_arithmetic3A : i32 to vector<16xi32>
        %shift_right_arithmetic3A_273 = arith.shrsi %add3A_265, %shift_right_arithmetic3A_272 : vector<16xi32>
        %add3A_274 = arith.addi %mul3A_271, %shift_right_arithmetic3A_273 : vector<16xi32>
        %mul3A_275 = arith.constant 2 : i32
        %mul3A_276 = vector.broadcast %mul3A_275 : i32 to vector<16xi32>
        %mul3A_277 = arith.muli %add3A_274, %mul3A_276 : vector<16xi32>
        %swap3A = arith.constant 0 : i32
        %swap3A_278 = arith.index_cast %swap3A : i32 to index
        %swap3A_279 = arith.constant 0 : index
        %swap3A_280 = tpu.vector_load %arg11[%swap3A_278, %swap3A_279] {strides = array<i32>} : memref<8x128xi32, #tpu.memory_space<vmem>>, vector<1x16xi32>,
        %swap3A_281 = vector.shape_cast %swap3A_280 : vector<1x16xi32> to vector<16xi32>
        %swap3A_282 = vector.shape_cast %mul3A_277 : vector<16xi32> to vector<1x16xi32>
        tpu.vector_store %arg11[%swap3A_278, %swap3A_279], %swap3A_282 {strides = array<i32>} : memref<8x128xi32, #tpu.memory_space<vmem>>, vector<1x16xi32>,
        %add3A_283 = arith.constant 0 : i32
        %add3A_284 = arith.addi %add3A_259, %add3A_283 : i32
        %add3A_285 = arith.constant 16 : i32
        %add3A_286 = arith.addi %add3A_284, %add3A_285 : i32
        %add3A_287 = vector.broadcast %add3A_286 : i32 to vector<16xi32>
        %add3A_288 = arith.addi %add3A_287, %iota3A : vector<16xi32>
        %and3A_289 = arith.constant 4095 : i32
        %and3A_290 = vector.broadcast %and3A_289 : i32 to vector<16xi32>
        %and3A_291 = arith.andi %add3A_288, %and3A_290 : vector<16xi32>
        %mul3A_292 = arith.constant 200 : i32
        %mul3A_293 = vector.broadcast %mul3A_292 : i32 to vector<16xi32>
        %mul3A_294 = arith.muli %and3A_291, %mul3A_293 : vector<16xi32>
        %shift_right_arithmetic3A_295 = arith.constant 12 : i32
        %shift_right_arithmetic3A_296 = vector.broadcast %shift_right_arithmetic3A_295 : i32 to vector<16xi32>
        %shift_right_arithmetic3A_297 = arith.shrsi %add3A_288, %shift_right_arithmetic3A_296 : vector<16xi32>
        %add3A_298 = arith.addi %mul3A_294, %shift_right_arithmetic3A_297 : vector<16xi32>
        %mul3A_299 = arith.constant 2 : i32
        %mul3A_300 = vector.broadcast %mul3A_299 : i32 to vector<16xi32>
        %mul3A_301 = arith.muli %add3A_298, %mul3A_300 : vector<16xi32>
        %swap3A_302 = arith.constant 0 : i32
        %swap3A_303 = arith.index_cast %swap3A_302 : i32 to index
        %swap3A_304 = arith.constant 16 : index
        %swap3A_305 = tpu.vector_load %arg11[%swap3A_303, %swap3A_304] {strides = array<i32>} : memref<8x128xi32, #tpu.memory_space<vmem>>, vector<1x16xi32>,
        %swap3A_306 = vector.shape_cast %swap3A_305 : vector<1x16xi32> to vector<16xi32>
        %swap3A_307 = vector.shape_cast %mul3A_301 : vector<16xi32> to vector<1x16xi32>
        tpu.vector_store %arg11[%swap3A_303, %swap3A_304], %swap3A_307 {strides = array<i32>} : memref<8x128xi32, #tpu.memory_space<vmem>>, vector<1x16xi32>,
        %add3A_308 = arith.constant 0 : i32
        %add3A_309 = arith.addi %add3A_259, %add3A_308 : i32
        %add3A_310 = arith.constant 32 : i32
        %add3A_311 = arith.addi %add3A_309, %add3A_310 : i32
        %add3A_312 = vector.broadcast %add3A_311 : i32 to vector<16xi32>
        %add3A_313 = arith.addi %add3A_312, %iota3A : vector<16xi32>
        %and3A_314 = arith.constant 4095 : i32
        %and3A_315 = vector.broadcast %and3A_314 : i32 to vector<16xi32>
        %and3A_316 = arith.andi %add3A_313, %and3A_315 : vector<16xi32>
        %mul3A_317 = arith.constant 200 : i32
        %mul3A_318 = vector.broadcast %mul3A_317 : i32 to vector<16xi32>
        %mul3A_319 = arith.muli %and3A_316, %mul3A_318 : vector<16xi32>
        %shift_right_arithmetic3A_320 = arith.constant 12 : i32
        %shift_right_arithmetic3A_321 = vector.broadcast %shift_right_arithmetic3A_320 : i32 to vector<16xi32>
        %shift_right_arithmetic3A_322 = arith.shrsi %add3A_313, %shift_right_arithmetic3A_321 : vector<16xi32>
        %add3A_323 = arith.addi %mul3A_319, %shift_right_arithmetic3A_322 : vector<16xi32>
        %mul3A_324 = arith.constant 2 : i32
        %mul3A_325 = vector.broadcast %mul3A_324 : i32 to vector<16xi32>
        %mul3A_326 = arith.muli %add3A_323, %mul3A_325 : vector<16xi32>
        %swap3A_327 = arith.constant 0 : i32
        %swap3A_328 = arith.index_cast %swap3A_327 : i32 to index
        %swap3A_329 = arith.constant 32 : index
        %swap3A_330 = tpu.vector_load %arg11[%swap3A_328, %swap3A_329] {strides = array<i32>} : memref<8x128xi32, #tpu.memory_space<vmem>>, vector<1x16xi32>,
        %swap3A_331 = vector.shape_cast %swap3A_330 : vector<1x16xi32> to vector<16xi32>
        %swap3A_332 = vector.shape_cast %mul3A_326 : vector<16xi32> to vector<1x16xi32>
        tpu.vector_store %arg11[%swap3A_328, %swap3A_329], %swap3A_332 {strides = array<i32>} : memref<8x128xi32, #tpu.memory_space<vmem>>, vector<1x16xi32>,
        %add3A_333 = arith.constant 0 : i32
        %add3A_334 = arith.addi %add3A_259, %add3A_333 : i32
        %add3A_335 = arith.constant 48 : i32
        %add3A_336 = arith.addi %add3A_334, %add3A_335 : i32
        %add3A_337 = vector.broadcast %add3A_336 : i32 to vector<16xi32>
        %add3A_338 = arith.addi %add3A_337, %iota3A : vector<16xi32>
        %and3A_339 = arith.constant 4095 : i32
        %and3A_340 = vector.broadcast %and3A_339 : i32 to vector<16xi32>
        %and3A_341 = arith.andi %add3A_338, %and3A_340 : vector<16xi32>
        %mul3A_342 = arith.constant 200 : i32
        %mul3A_343 = vector.broadcast %mul3A_342 : i32 to vector<16xi32>
        %mul3A_344 = arith.muli %and3A_341, %mul3A_343 : vector<16xi32>
        %shift_right_arithmetic3A_345 = arith.constant 12 : i32
        %shift_right_arithmetic3A_346 = vector.broadcast %shift_right_arithmetic3A_345 : i32 to vector<16xi32>
        %shift_right_arithmetic3A_347 = arith.shrsi %add3A_338, %shift_right_arithmetic3A_346 : vector<16xi32>
        %add3A_348 = arith.addi %mul3A_344, %shift_right_arithmetic3A_347 : vector<16xi32>
        %mul3A_349 = arith.constant 2 : i32
        %mul3A_350 = vector.broadcast %mul3A_349 : i32 to vector<16xi32>
        %mul3A_351 = arith.muli %add3A_348, %mul3A_350 : vector<16xi32>
        %swap3A_352 = arith.constant 0 : i32
        %swap3A_353 = arith.index_cast %swap3A_352 : i32 to index
        %swap3A_354 = arith.constant 48 : index
        %swap3A_355 = tpu.vector_load %arg11[%swap3A_353, %swap3A_354] {strides = array<i32>} : memref<8x128xi32, #tpu.memory_space<vmem>>, vector<1x16xi32>,
        %swap3A_356 = vector.shape_cast %swap3A_355 : vector<1x16xi32> to vector<16xi32>
        %swap3A_357 = vector.shape_cast %mul3A_351 : vector<16xi32> to vector<1x16xi32>
        tpu.vector_store %arg11[%swap3A_353, %swap3A_354], %swap3A_357 {strides = array<i32>} : memref<8x128xi32, #tpu.memory_space<vmem>>, vector<1x16xi32>,
        %add3A_358 = arith.constant 0 : i32
        %add3A_359 = arith.addi %add3A_259, %add3A_358 : i32
        %add3A_360 = arith.constant 64 : i32
        %add3A_361 = arith.addi %add3A_359, %add3A_360 : i32
        %add3A_362 = vector.broadcast %add3A_361 : i32 to vector<16xi32>
        %add3A_363 = arith.addi %add3A_362, %iota3A : vector<16xi32>
        %and3A_364 = arith.constant 4095 : i32
        %and3A_365 = vector.broadcast %and3A_364 : i32 to vector<16xi32>
        %and3A_366 = arith.andi %add3A_363, %and3A_365 : vector<16xi32>
        %mul3A_367 = arith.constant 200 : i32
        %mul3A_368 = vector.broadcast %mul3A_367 : i32 to vector<16xi32>
        %mul3A_369 = arith.muli %and3A_366, %mul3A_368 : vector<16xi32>
        %shift_right_arithmetic3A_370 = arith.constant 12 : i32
        %shift_right_arithmetic3A_371 = vector.broadcast %shift_right_arithmetic3A_370 : i32 to vector<16xi32>
        %shift_right_arithmetic3A_372 = arith.shrsi %add3A_363, %shift_right_arithmetic3A_371 : vector<16xi32>
        %add3A_373 = arith.addi %mul3A_369, %shift_right_arithmetic3A_372 : vector<16xi32>
        %mul3A_374 = arith.constant 2 : i32
        %mul3A_375 = vector.broadcast %mul3A_374 : i32 to vector<16xi32>
        %mul3A_376 = arith.muli %add3A_373, %mul3A_375 : vector<16xi32>
        %swap3A_377 = arith.constant 0 : i32
        %swap3A_378 = arith.index_cast %swap3A_377 : i32 to index
        %swap3A_379 = arith.constant 64 : index
        %swap3A_380 = tpu.vector_load %arg11[%swap3A_378, %swap3A_379] {strides = array<i32>} : memref<8x128xi32, #tpu.memory_space<vmem>>, vector<1x16xi32>,
        %swap3A_381 = vector.shape_cast %swap3A_380 : vector<1x16xi32> to vector<16xi32>
        %swap3A_382 = vector.shape_cast %mul3A_376 : vector<16xi32> to vector<1x16xi32>
        tpu.vector_store %arg11[%swap3A_378, %swap3A_379], %swap3A_382 {strides = array<i32>} : memref<8x128xi32, #tpu.memory_space<vmem>>, vector<1x16xi32>,
        %add3A_383 = arith.constant 0 : i32
        %add3A_384 = arith.addi %add3A_259, %add3A_383 : i32
        %add3A_385 = arith.constant 80 : i32
        %add3A_386 = arith.addi %add3A_384, %add3A_385 : i32
        %add3A_387 = vector.broadcast %add3A_386 : i32 to vector<16xi32>
        %add3A_388 = arith.addi %add3A_387, %iota3A : vector<16xi32>
        %and3A_389 = arith.constant 4095 : i32
        %and3A_390 = vector.broadcast %and3A_389 : i32 to vector<16xi32>
        %and3A_391 = arith.andi %add3A_388, %and3A_390 : vector<16xi32>
        %mul3A_392 = arith.constant 200 : i32
        %mul3A_393 = vector.broadcast %mul3A_392 : i32 to vector<16xi32>
        %mul3A_394 = arith.muli %and3A_391, %mul3A_393 : vector<16xi32>
        %shift_right_arithmetic3A_395 = arith.constant 12 : i32
        %shift_right_arithmetic3A_396 = vector.broadcast %shift_right_arithmetic3A_395 : i32 to vector<16xi32>
        %shift_right_arithmetic3A_397 = arith.shrsi %add3A_388, %shift_right_arithmetic3A_396 : vector<16xi32>
        %add3A_398 = arith.addi %mul3A_394, %shift_right_arithmetic3A_397 : vector<16xi32>
        %mul3A_399 = arith.constant 2 : i32
        %mul3A_400 = vector.broadcast %mul3A_399 : i32 to vector<16xi32>
        %mul3A_401 = arith.muli %add3A_398, %mul3A_400 : vector<16xi32>
        %swap3A_402 = arith.constant 0 : i32
        %swap3A_403 = arith.index_cast %swap3A_402 : i32 to index
        %swap3A_404 = arith.constant 80 : index
        %swap3A_405 = tpu.vector_load %arg11[%swap3A_403, %swap3A_404] {strides = array<i32>} : memref<8x128xi32, #tpu.memory_space<vmem>>, vector<1x16xi32>,
        %swap3A_406 = vector.shape_cast %swap3A_405 : vector<1x16xi32> to vector<16xi32>
        %swap3A_407 = vector.shape_cast %mul3A_401 : vector<16xi32> to vector<1x16xi32>
        tpu.vector_store %arg11[%swap3A_403, %swap3A_404], %swap3A_407 {strides = array<i32>} : memref<8x128xi32, #tpu.memory_space<vmem>>, vector<1x16xi32>,
        %add3A_408 = arith.constant 0 : i32
        %add3A_409 = arith.addi %add3A_259, %add3A_408 : i32
        %add3A_410 = arith.constant 96 : i32
        %add3A_411 = arith.addi %add3A_409, %add3A_410 : i32
        %add3A_412 = vector.broadcast %add3A_411 : i32 to vector<16xi32>
        %add3A_413 = arith.addi %add3A_412, %iota3A : vector<16xi32>
        %and3A_414 = arith.constant 4095 : i32
        %and3A_415 = vector.broadcast %and3A_414 : i32 to vector<16xi32>
        %and3A_416 = arith.andi %add3A_413, %and3A_415 : vector<16xi32>
        %mul3A_417 = arith.constant 200 : i32
        %mul3A_418 = vector.broadcast %mul3A_417 : i32 to vector<16xi32>
        %mul3A_419 = arith.muli %and3A_416, %mul3A_418 : vector<16xi32>
        %shift_right_arithmetic3A_420 = arith.constant 12 : i32
        %shift_right_arithmetic3A_421 = vector.broadcast %shift_right_arithmetic3A_420 : i32 to vector<16xi32>
        %shift_right_arithmetic3A_422 = arith.shrsi %add3A_413, %shift_right_arithmetic3A_421 : vector<16xi32>
        %add3A_423 = arith.addi %mul3A_419, %shift_right_arithmetic3A_422 : vector<16xi32>
        %mul3A_424 = arith.constant 2 : i32
        %mul3A_425 = vector.broadcast %mul3A_424 : i32 to vector<16xi32>
        %mul3A_426 = arith.muli %add3A_423, %mul3A_425 : vector<16xi32>
        %swap3A_427 = arith.constant 0 : i32
        %swap3A_428 = arith.index_cast %swap3A_427 : i32 to index
        %swap3A_429 = arith.constant 96 : index
        %swap3A_430 = tpu.vector_load %arg11[%swap3A_428, %swap3A_429] {strides = array<i32>} : memref<8x128xi32, #tpu.memory_space<vmem>>, vector<1x16xi32>,
        %swap3A_431 = vector.shape_cast %swap3A_430 : vector<1x16xi32> to vector<16xi32>
        %swap3A_432 = vector.shape_cast %mul3A_426 : vector<16xi32> to vector<1x16xi32>
        tpu.vector_store %arg11[%swap3A_428, %swap3A_429], %swap3A_432 {strides = array<i32>} : memref<8x128xi32, #tpu.memory_space<vmem>>, vector<1x16xi32>,
        %add3A_433 = arith.constant 0 : i32
        %add3A_434 = arith.addi %add3A_259, %add3A_433 : i32
        %add3A_435 = arith.constant 112 : i32
        %add3A_436 = arith.addi %add3A_434, %add3A_435 : i32
        %add3A_437 = vector.broadcast %add3A_436 : i32 to vector<16xi32>
        %add3A_438 = arith.addi %add3A_437, %iota3A : vector<16xi32>
        %and3A_439 = arith.constant 4095 : i32
        %and3A_440 = vector.broadcast %and3A_439 : i32 to vector<16xi32>
        %and3A_441 = arith.andi %add3A_438, %and3A_440 : vector<16xi32>
        %mul3A_442 = arith.constant 200 : i32
        %mul3A_443 = vector.broadcast %mul3A_442 : i32 to vector<16xi32>
        %mul3A_444 = arith.muli %and3A_441, %mul3A_443 : vector<16xi32>
        %shift_right_arithmetic3A_445 = arith.constant 12 : i32
        %shift_right_arithmetic3A_446 = vector.broadcast %shift_right_arithmetic3A_445 : i32 to vector<16xi32>
        %shift_right_arithmetic3A_447 = arith.shrsi %add3A_438, %shift_right_arithmetic3A_446 : vector<16xi32>
        %add3A_448 = arith.addi %mul3A_444, %shift_right_arithmetic3A_447 : vector<16xi32>
        %mul3A_449 = arith.constant 2 : i32
        %mul3A_450 = vector.broadcast %mul3A_449 : i32 to vector<16xi32>
        %mul3A_451 = arith.muli %add3A_448, %mul3A_450 : vector<16xi32>
        %swap3A_452 = arith.constant 0 : i32
        %swap3A_453 = arith.index_cast %swap3A_452 : i32 to index
        %swap3A_454 = arith.constant 112 : index
        %swap3A_455 = tpu.vector_load %arg11[%swap3A_453, %swap3A_454] {strides = array<i32>} : memref<8x128xi32, #tpu.memory_space<vmem>>, vector<1x16xi32>,
        %swap3A_456 = vector.shape_cast %swap3A_455 : vector<1x16xi32> to vector<16xi32>
        %swap3A_457 = vector.shape_cast %mul3A_451 : vector<16xi32> to vector<1x16xi32>
        tpu.vector_store %arg11[%swap3A_453, %swap3A_454], %swap3A_457 {strides = array<i32>} : memref<8x128xi32, #tpu.memory_space<vmem>>, vector<1x16xi32>,
        %add3A_458 = arith.constant 128 : i32
        %add3A_459 = arith.addi %add3A_259, %add3A_458 : i32
        %add3A_460 = arith.constant 0 : i32
        %add3A_461 = arith.addi %add3A_459, %add3A_460 : i32
        %add3A_462 = vector.broadcast %add3A_461 : i32 to vector<16xi32>
        %add3A_463 = arith.addi %add3A_462, %iota3A : vector<16xi32>
        %and3A_464 = arith.constant 4095 : i32
        %and3A_465 = vector.broadcast %and3A_464 : i32 to vector<16xi32>
        %and3A_466 = arith.andi %add3A_463, %and3A_465 : vector<16xi32>
        %mul3A_467 = arith.constant 200 : i32
        %mul3A_468 = vector.broadcast %mul3A_467 : i32 to vector<16xi32>
        %mul3A_469 = arith.muli %and3A_466, %mul3A_468 : vector<16xi32>
        %shift_right_arithmetic3A_470 = arith.constant 12 : i32
        %shift_right_arithmetic3A_471 = vector.broadcast %shift_right_arithmetic3A_470 : i32 to vector<16xi32>
        %shift_right_arithmetic3A_472 = arith.shrsi %add3A_463, %shift_right_arithmetic3A_471 : vector<16xi32>
        %add3A_473 = arith.addi %mul3A_469, %shift_right_arithmetic3A_472 : vector<16xi32>
        %mul3A_474 = arith.constant 2 : i32
        %mul3A_475 = vector.broadcast %mul3A_474 : i32 to vector<16xi32>
        %mul3A_476 = arith.muli %add3A_473, %mul3A_475 : vector<16xi32>
        %swap3A_477 = arith.constant 1 : i32
        %swap3A_478 = arith.index_cast %swap3A_477 : i32 to index
        %swap3A_479 = arith.constant 0 : index
        %swap3A_480 = tpu.vector_load %arg11[%swap3A_478, %swap3A_479] {strides = array<i32>} : memref<8x128xi32, #tpu.memory_space<vmem>>, vector<1x16xi32>,
        %swap3A_481 = vector.shape_cast %swap3A_480 : vector<1x16xi32> to vector<16xi32>
        %swap3A_482 = vector.shape_cast %mul3A_476 : vector<16xi32> to vector<1x16xi32>
        tpu.vector_store %arg11[%swap3A_478, %swap3A_479], %swap3A_482 {strides = array<i32>} : memref<8x128xi32, #tpu.memory_space<vmem>>, vector<1x16xi32>,
        %add3A_483 = arith.constant 128 : i32
        %add3A_484 = arith.addi %add3A_259, %add3A_483 : i32
        %add3A_485 = arith.constant 16 : i32
        %add3A_486 = arith.addi %add3A_484, %add3A_485 : i32
        %add3A_487 = vector.broadcast %add3A_486 : i32 to vector<16xi32>
        %add3A_488 = arith.addi %add3A_487, %iota3A : vector<16xi32>
        %and3A_489 = arith.constant 4095 : i32
        %and3A_490 = vector.broadcast %and3A_489 : i32 to vector<16xi32>
        %and3A_491 = arith.andi %add3A_488, %and3A_490 : vector<16xi32>
        %mul3A_492 = arith.constant 200 : i32
        %mul3A_493 = vector.broadcast %mul3A_492 : i32 to vector<16xi32>
        %mul3A_494 = arith.muli %and3A_491, %mul3A_493 : vector<16xi32>
        %shift_right_arithmetic3A_495 = arith.constant 12 : i32
        %shift_right_arithmetic3A_496 = vector.broadcast %shift_right_arithmetic3A_495 : i32 to vector<16xi32>
        %shift_right_arithmetic3A_497 = arith.shrsi %add3A_488, %shift_right_arithmetic3A_496 : vector<16xi32>
        %add3A_498 = arith.addi %mul3A_494, %shift_right_arithmetic3A_497 : vector<16xi32>
        %mul3A_499 = arith.constant 2 : i32
        %mul3A_500 = vector.broadcast %mul3A_499 : i32 to vector<16xi32>
        %mul3A_501 = arith.muli %add3A_498, %mul3A_500 : vector<16xi32>
        %swap3A_502 = arith.constant 1 : i32
        %swap3A_503 = arith.index_cast %swap3A_502 : i32 to index
        %swap3A_504 = arith.constant 16 : index
        %swap3A_505 = tpu.vector_load %arg11[%swap3A_503, %swap3A_504] {strides = array<i32>} : memref<8x128xi32, #tpu.memory_space<vmem>>, vector<1x16xi32>,
        %swap3A_506 = vector.shape_cast %swap3A_505 : vector<1x16xi32> to vector<16xi32>
        %swap3A_507 = vector.shape_cast %mul3A_501 : vector<16xi32> to vector<1x16xi32>
        tpu.vector_store %arg11[%swap3A_503, %swap3A_504], %swap3A_507 {strides = array<i32>} : memref<8x128xi32, #tpu.memory_space<vmem>>, vector<1x16xi32>,
        %add3A_508 = arith.constant 128 : i32
        %add3A_509 = arith.addi %add3A_259, %add3A_508 : i32
        %add3A_510 = arith.constant 32 : i32
        %add3A_511 = arith.addi %add3A_509, %add3A_510 : i32
        %add3A_512 = vector.broadcast %add3A_511 : i32 to vector<16xi32>
        %add3A_513 = arith.addi %add3A_512, %iota3A : vector<16xi32>
        %and3A_514 = arith.constant 4095 : i32
        %and3A_515 = vector.broadcast %and3A_514 : i32 to vector<16xi32>
        %and3A_516 = arith.andi %add3A_513, %and3A_515 : vector<16xi32>
        %mul3A_517 = arith.constant 200 : i32
        %mul3A_518 = vector.broadcast %mul3A_517 : i32 to vector<16xi32>
        %mul3A_519 = arith.muli %and3A_516, %mul3A_518 : vector<16xi32>
        %shift_right_arithmetic3A_520 = arith.constant 12 : i32
        %shift_right_arithmetic3A_521 = vector.broadcast %shift_right_arithmetic3A_520 : i32 to vector<16xi32>
        %shift_right_arithmetic3A_522 = arith.shrsi %add3A_513, %shift_right_arithmetic3A_521 : vector<16xi32>
        %add3A_523 = arith.addi %mul3A_519, %shift_right_arithmetic3A_522 : vector<16xi32>
        %mul3A_524 = arith.constant 2 : i32
        %mul3A_525 = vector.broadcast %mul3A_524 : i32 to vector<16xi32>
        %mul3A_526 = arith.muli %add3A_523, %mul3A_525 : vector<16xi32>
        %swap3A_527 = arith.constant 1 : i32
        %swap3A_528 = arith.index_cast %swap3A_527 : i32 to index
        %swap3A_529 = arith.constant 32 : index
        %swap3A_530 = tpu.vector_load %arg11[%swap3A_528, %swap3A_529] {strides = array<i32>} : memref<8x128xi32, #tpu.memory_space<vmem>>, vector<1x16xi32>,
        %swap3A_531 = vector.shape_cast %swap3A_530 : vector<1x16xi32> to vector<16xi32>
        %swap3A_532 = vector.shape_cast %mul3A_526 : vector<16xi32> to vector<1x16xi32>
        tpu.vector_store %arg11[%swap3A_528, %swap3A_529], %swap3A_532 {strides = array<i32>} : memref<8x128xi32, #tpu.memory_space<vmem>>, vector<1x16xi32>,
        %add3A_533 = arith.constant 128 : i32
        %add3A_534 = arith.addi %add3A_259, %add3A_533 : i32
        %add3A_535 = arith.constant 48 : i32
        %add3A_536 = arith.addi %add3A_534, %add3A_535 : i32
        %add3A_537 = vector.broadcast %add3A_536 : i32 to vector<16xi32>
        %add3A_538 = arith.addi %add3A_537, %iota3A : vector<16xi32>
        %and3A_539 = arith.constant 4095 : i32
        %and3A_540 = vector.broadcast %and3A_539 : i32 to vector<16xi32>
        %and3A_541 = arith.andi %add3A_538, %and3A_540 : vector<16xi32>
        %mul3A_542 = arith.constant 200 : i32
        %mul3A_543 = vector.broadcast %mul3A_542 : i32 to vector<16xi32>
        %mul3A_544 = arith.muli %and3A_541, %mul3A_543 : vector<16xi32>
        %shift_right_arithmetic3A_545 = arith.constant 12 : i32
        %shift_right_arithmetic3A_546 = vector.broadcast %shift_right_arithmetic3A_545 : i32 to vector<16xi32>
        %shift_right_arithmetic3A_547 = arith.shrsi %add3A_538, %shift_right_arithmetic3A_546 : vector<16xi32>
        %add3A_548 = arith.addi %mul3A_544, %shift_right_arithmetic3A_547 : vector<16xi32>
        %mul3A_549 = arith.constant 2 : i32
        %mul3A_550 = vector.broadcast %mul3A_549 : i32 to vector<16xi32>
        %mul3A_551 = arith.muli %add3A_548, %mul3A_550 : vector<16xi32>
        %swap3A_552 = arith.constant 1 : i32
        %swap3A_553 = arith.index_cast %swap3A_552 : i32 to index
        %swap3A_554 = arith.constant 48 : index
        %swap3A_555 = tpu.vector_load %arg11[%swap3A_553, %swap3A_554] {strides = array<i32>} : memref<8x128xi32, #tpu.memory_space<vmem>>, vector<1x16xi32>,
        %swap3A_556 = vector.shape_cast %swap3A_555 : vector<1x16xi32> to vector<16xi32>
        %swap3A_557 = vector.shape_cast %mul3A_551 : vector<16xi32> to vector<1x16xi32>
        tpu.vector_store %arg11[%swap3A_553, %swap3A_554], %swap3A_557 {strides = array<i32>} : memref<8x128xi32, #tpu.memory_space<vmem>>, vector<1x16xi32>,
        %add3A_558 = arith.constant 128 : i32
        %add3A_559 = arith.addi %add3A_259, %add3A_558 : i32
        %add3A_560 = arith.constant 64 : i32
        %add3A_561 = arith.addi %add3A_559, %add3A_560 : i32
        %add3A_562 = vector.broadcast %add3A_561 : i32 to vector<16xi32>
        %add3A_563 = arith.addi %add3A_562, %iota3A : vector<16xi32>
        %and3A_564 = arith.constant 4095 : i32
        %and3A_565 = vector.broadcast %and3A_564 : i32 to vector<16xi32>
        %and3A_566 = arith.andi %add3A_563, %and3A_565 : vector<16xi32>
        %mul3A_567 = arith.constant 200 : i32
        %mul3A_568 = vector.broadcast %mul3A_567 : i32 to vector<16xi32>
        %mul3A_569 = arith.muli %and3A_566, %mul3A_568 : vector<16xi32>
        %shift_right_arithmetic3A_570 = arith.constant 12 : i32
        %shift_right_arithmetic3A_571 = vector.broadcast %shift_right_arithmetic3A_570 : i32 to vector<16xi32>
        %shift_right_arithmetic3A_572 = arith.shrsi %add3A_563, %shift_right_arithmetic3A_571 : vector<16xi32>
        %add3A_573 = arith.addi %mul3A_569, %shift_right_arithmetic3A_572 : vector<16xi32>
        %mul3A_574 = arith.constant 2 : i32
        %mul3A_575 = vector.broadcast %mul3A_574 : i32 to vector<16xi32>
        %mul3A_576 = arith.muli %add3A_573, %mul3A_575 : vector<16xi32>
        %swap3A_577 = arith.constant 1 : i32
        %swap3A_578 = arith.index_cast %swap3A_577 : i32 to index
        %swap3A_579 = arith.constant 64 : index
        %swap3A_580 = tpu.vector_load %arg11[%swap3A_578, %swap3A_579] {strides = array<i32>} : memref<8x128xi32, #tpu.memory_space<vmem>>, vector<1x16xi32>,
        %swap3A_581 = vector.shape_cast %swap3A_580 : vector<1x16xi32> to vector<16xi32>
        %swap3A_582 = vector.shape_cast %mul3A_576 : vector<16xi32> to vector<1x16xi32>
        tpu.vector_store %arg11[%swap3A_578, %swap3A_579], %swap3A_582 {strides = array<i32>} : memref<8x128xi32, #tpu.memory_space<vmem>>, vector<1x16xi32>,
        %add3A_583 = arith.constant 128 : i32
        %add3A_584 = arith.addi %add3A_259, %add3A_583 : i32
        %add3A_585 = arith.constant 80 : i32
        %add3A_586 = arith.addi %add3A_584, %add3A_585 : i32
        %add3A_587 = vector.broadcast %add3A_586 : i32 to vector<16xi32>
        %add3A_588 = arith.addi %add3A_587, %iota3A : vector<16xi32>
        %and3A_589 = arith.constant 4095 : i32
        %and3A_590 = vector.broadcast %and3A_589 : i32 to vector<16xi32>
        %and3A_591 = arith.andi %add3A_588, %and3A_590 : vector<16xi32>
        %mul3A_592 = arith.constant 200 : i32
        %mul3A_593 = vector.broadcast %mul3A_592 : i32 to vector<16xi32>
        %mul3A_594 = arith.muli %and3A_591, %mul3A_593 : vector<16xi32>
        %shift_right_arithmetic3A_595 = arith.constant 12 : i32
        %shift_right_arithmetic3A_596 = vector.broadcast %shift_right_arithmetic3A_595 : i32 to vector<16xi32>
        %shift_right_arithmetic3A_597 = arith.shrsi %add3A_588, %shift_right_arithmetic3A_596 : vector<16xi32>
        %add3A_598 = arith.addi %mul3A_594, %shift_right_arithmetic3A_597 : vector<16xi32>
        %mul3A_599 = arith.constant 2 : i32
        %mul3A_600 = vector.broadcast %mul3A_599 : i32 to vector<16xi32>
        %mul3A_601 = arith.muli %add3A_598, %mul3A_600 : vector<16xi32>
        %swap3A_602 = arith.constant 1 : i32
        %swap3A_603 = arith.index_cast %swap3A_602 : i32 to index
        %swap3A_604 = arith.constant 80 : index
        %swap3A_605 = tpu.vector_load %arg11[%swap3A_603, %swap3A_604] {strides = array<i32>} : memref<8x128xi32, #tpu.memory_space<vmem>>, vector<1x16xi32>,
        %swap3A_606 = vector.shape_cast %swap3A_605 : vector<1x16xi32> to vector<16xi32>
        %swap3A_607 = vector.shape_cast %mul3A_601 : vector<16xi32> to vector<1x16xi32>
        tpu.vector_store %arg11[%swap3A_603, %swap3A_604], %swap3A_607 {strides = array<i32>} : memref<8x128xi32, #tpu.memory_space<vmem>>, vector<1x16xi32>,
        %add3A_608 = arith.constant 128 : i32
        %add3A_609 = arith.addi %add3A_259, %add3A_608 : i32
        %add3A_610 = arith.constant 96 : i32
        %add3A_611 = arith.addi %add3A_609, %add3A_610 : i32
        %add3A_612 = vector.broadcast %add3A_611 : i32 to vector<16xi32>
        %add3A_613 = arith.addi %add3A_612, %iota3A : vector<16xi32>
        %and3A_614 = arith.constant 4095 : i32
        %and3A_615 = vector.broadcast %and3A_614 : i32 to vector<16xi32>
        %and3A_616 = arith.andi %add3A_613, %and3A_615 : vector<16xi32>
        %mul3A_617 = arith.constant 200 : i32
        %mul3A_618 = vector.broadcast %mul3A_617 : i32 to vector<16xi32>
        %mul3A_619 = arith.muli %and3A_616, %mul3A_618 : vector<16xi32>
        %shift_right_arithmetic3A_620 = arith.constant 12 : i32
        %shift_right_arithmetic3A_621 = vector.broadcast %shift_right_arithmetic3A_620 : i32 to vector<16xi32>
        %shift_right_arithmetic3A_622 = arith.shrsi %add3A_613, %shift_right_arithmetic3A_621 : vector<16xi32>
        %add3A_623 = arith.addi %mul3A_619, %shift_right_arithmetic3A_622 : vector<16xi32>
        %mul3A_624 = arith.constant 2 : i32
        %mul3A_625 = vector.broadcast %mul3A_624 : i32 to vector<16xi32>
        %mul3A_626 = arith.muli %add3A_623, %mul3A_625 : vector<16xi32>
        %swap3A_627 = arith.constant 1 : i32
        %swap3A_628 = arith.index_cast %swap3A_627 : i32 to index
        %swap3A_629 = arith.constant 96 : index
        %swap3A_630 = tpu.vector_load %arg11[%swap3A_628, %swap3A_629] {strides = array<i32>} : memref<8x128xi32, #tpu.memory_space<vmem>>, vector<1x16xi32>,
        %swap3A_631 = vector.shape_cast %swap3A_630 : vector<1x16xi32> to vector<16xi32>
        %swap3A_632 = vector.shape_cast %mul3A_626 : vector<16xi32> to vector<1x16xi32>
        tpu.vector_store %arg11[%swap3A_628, %swap3A_629], %swap3A_632 {strides = array<i32>} : memref<8x128xi32, #tpu.memory_space<vmem>>, vector<1x16xi32>,
        %add3A_633 = arith.constant 128 : i32
        %add3A_634 = arith.addi %add3A_259, %add3A_633 : i32
        %add3A_635 = arith.constant 112 : i32
        %add3A_636 = arith.addi %add3A_634, %add3A_635 : i32
        %add3A_637 = vector.broadcast %add3A_636 : i32 to vector<16xi32>
        %add3A_638 = arith.addi %add3A_637, %iota3A : vector<16xi32>
        %and3A_639 = arith.constant 4095 : i32
        %and3A_640 = vector.broadcast %and3A_639 : i32 to vector<16xi32>
        %and3A_641 = arith.andi %add3A_638, %and3A_640 : vector<16xi32>
        %mul3A_642 = arith.constant 200 : i32
        %mul3A_643 = vector.broadcast %mul3A_642 : i32 to vector<16xi32>
        %mul3A_644 = arith.muli %and3A_641, %mul3A_643 : vector<16xi32>
        %shift_right_arithmetic3A_645 = arith.constant 12 : i32
        %shift_right_arithmetic3A_646 = vector.broadcast %shift_right_arithmetic3A_645 : i32 to vector<16xi32>
        %shift_right_arithmetic3A_647 = arith.shrsi %add3A_638, %shift_right_arithmetic3A_646 : vector<16xi32>
        %add3A_648 = arith.addi %mul3A_644, %shift_right_arithmetic3A_647 : vector<16xi32>
        %mul3A_649 = arith.constant 2 : i32
        %mul3A_650 = vector.broadcast %mul3A_649 : i32 to vector<16xi32>
        %mul3A_651 = arith.muli %add3A_648, %mul3A_650 : vector<16xi32>
        %swap3A_652 = arith.constant 1 : i32
        %swap3A_653 = arith.index_cast %swap3A_652 : i32 to index
        %swap3A_654 = arith.constant 112 : index
        %swap3A_655 = tpu.vector_load %arg11[%swap3A_653, %swap3A_654] {strides = array<i32>} : memref<8x128xi32, #tpu.memory_space<vmem>>, vector<1x16xi32>,
        %swap3A_656 = vector.shape_cast %swap3A_655 : vector<1x16xi32> to vector<16xi32>
        %swap3A_657 = vector.shape_cast %mul3A_651 : vector<16xi32> to vector<1x16xi32>
        tpu.vector_store %arg11[%swap3A_653, %swap3A_654], %swap3A_657 {strides = array<i32>} : memref<8x128xi32, #tpu.memory_space<vmem>>, vector<1x16xi32>,
        %dma_start3A = arith.constant 0 : i32
        %dma_start3A_658 = arith.constant 0 : i32
        %dma_start3A_659 = arith.constant 0 : i32
        %dma_start3A_660 = arith.constant 0 : i32
        %dma_start3A_661 = tpu.memref_slice %arg12[%dma_start3A_659, %dma_start3A_660] : memref<256x64xf32, #tpu.memory_space<vmem>> -> memref<128x64xf32, #tpu.memory_space<vmem>>
        %dma_start3A_662 = arith.constant 0 : i32
        %dma_start3A_663 = tpu.memref_slice %arg11[%dma_start3A, %dma_start3A_662] : memref<8x128xi32, #tpu.memory_space<vmem>> -> memref<1x128xi32, #tpu.memory_space<vmem>>
        %dma_start3A_664 = tpu.memref_squeeze %dma_start3A_663 : memref<1x128xi32, #tpu.memory_space<vmem>> -> memref<128xi32, #tpu.memory_space<vmem>>
        %dma_start3A_665 = arith.constant 0 : i32
        %dma_start3A_666 = arith.constant 0 : i32
        %dma_start3A_667 = tpu.memref_slice %arg7[%dma_start3A_665, %dma_start3A_666] : memref<1638400x64xf32, #tpu.memory_space<hbm>> -> memref<1638400x64xf32, #tpu.memory_space<hbm>>
        %dma_start3A_668 = tpu.memref_slice %arg16[%dma_start3A_658] : memref<4x!tpu.dma_semaphore, #tpu.memory_space<semaphore_mem>> -> memref<1x!tpu.dma_semaphore, #tpu.memory_space<semaphore_mem>>
        %dma_start3A_669 = tpu.memref_squeeze %dma_start3A_668 : memref<1x!tpu.dma_semaphore, #tpu.memory_space<semaphore_mem>> -> memref<!tpu.dma_semaphore, #tpu.memory_space<semaphore_mem>>
        tpu.enqueue_indirect_dma source(%dma_start3A_661 : memref<128x64xf32, #tpu.memory_space<vmem>>) target(%dma_start3A_667 : memref<1638400x64xf32, #tpu.memory_space<hbm>>) offsets(%dma_start3A_664 : memref<128xi32, #tpu.memory_space<vmem>>) semaphore(%dma_start3A_669 : memref<!tpu.dma_semaphore, #tpu.memory_space<semaphore_mem>>)
        %dma_start3A_670 = arith.constant 1 : i32
        %dma_start3A_671 = arith.constant 0 : i32
        %dma_start3A_672 = arith.constant 128 : i32
        %dma_start3A_673 = arith.constant 0 : i32
        %dma_start3A_674 = tpu.memref_slice %arg12[%dma_start3A_672, %dma_start3A_673] : memref<256x64xf32, #tpu.memory_space<vmem>> -> memref<128x64xf32, #tpu.memory_space<vmem>>
        %dma_start3A_675 = arith.constant 0 : i32
        %dma_start3A_676 = tpu.memref_slice %arg11[%dma_start3A_670, %dma_start3A_675] : memref<8x128xi32, #tpu.memory_space<vmem>> -> memref<1x128xi32, #tpu.memory_space<vmem>>
        %dma_start3A_677 = tpu.memref_squeeze %dma_start3A_676 : memref<1x128xi32, #tpu.memory_space<vmem>> -> memref<128xi32, #tpu.memory_space<vmem>>
        %dma_start3A_678 = arith.constant 0 : i32
        %dma_start3A_679 = arith.constant 0 : i32
        %dma_start3A_680 = tpu.memref_slice %arg7[%dma_start3A_678, %dma_start3A_679] : memref<1638400x64xf32, #tpu.memory_space<hbm>> -> memref<1638400x64xf32, #tpu.memory_space<hbm>>
        %dma_start3A_681 = tpu.memref_slice %arg16[%dma_start3A_671] : memref<4x!tpu.dma_semaphore, #tpu.memory_space<semaphore_mem>> -> memref<1x!tpu.dma_semaphore, #tpu.memory_space<semaphore_mem>>
        %dma_start3A_682 = tpu.memref_squeeze %dma_start3A_681 : memref<1x!tpu.dma_semaphore, #tpu.memory_space<semaphore_mem>> -> memref<!tpu.dma_semaphore, #tpu.memory_space<semaphore_mem>>
        tpu.enqueue_indirect_dma source(%dma_start3A_674 : memref<128x64xf32, #tpu.memory_space<vmem>>) target(%dma_start3A_680 : memref<1638400x64xf32, #tpu.memory_space<hbm>>) offsets(%dma_start3A_677 : memref<128xi32, #tpu.memory_space<vmem>>) semaphore(%dma_start3A_682 : memref<!tpu.dma_semaphore, #tpu.memory_space<semaphore_mem>>)
      } else {
      }
      %ge3A_225 = arith.constant 2 : i32
      %ge3A_226 = arith.cmpi sge, %add3A_216, %ge3A_225 : i32
      %lt3A_227 = arith.constant 52 : i32
      %lt3A_228 = arith.cmpi slt, %add3A_216, %lt3A_227 : i32
      %and3A_229 = arith.andi %ge3A_226, %lt3A_228 : i1
      %convert_element_type3A_230 = arith.extui %and3A_229 : i1 to i32
      %cond3A_231 = arith.constant 0 : i32
      %cond3A_232 = arith.cmpi ne, %convert_element_type3A_230, %cond3A_231 : i32
      scf.if %cond3A_232 {
        %dma_wait3A_247 = arith.constant 1 : i32
        %dma_wait3A_248 = arith.constant 0 : i32
        %dma_wait3A_249 = arith.constant 0 : i32
        %dma_wait3A_250 = tpu.memref_slice %arg7[%dma_wait3A_248, %dma_wait3A_249] : memref<1638400x64xf32, #tpu.memory_space<hbm>> -> memref<256x64xf32, #tpu.memory_space<hbm>>
        %dma_wait3A_251 = tpu.memref_slice %arg16[%dma_wait3A_247] : memref<4x!tpu.dma_semaphore, #tpu.memory_space<semaphore_mem>> -> memref<1x!tpu.dma_semaphore, #tpu.memory_space<semaphore_mem>>
        %dma_wait3A_252 = tpu.memref_squeeze %dma_wait3A_251 : memref<1x!tpu.dma_semaphore, #tpu.memory_space<semaphore_mem>> -> memref<!tpu.dma_semaphore, #tpu.memory_space<semaphore_mem>>
        %dma_wait3A_253 = arith.constant 0 : i32
        %dma_wait3A_254 = arith.constant 0 : i32
        %dma_wait3A_255 = tpu.memref_slice %arg7[%dma_wait3A_253, %dma_wait3A_254] : memref<1638400x64xf32, #tpu.memory_space<hbm>> -> memref<256x64xf32, #tpu.memory_space<hbm>>
        tpu.wait_dma2 semaphore(%dma_wait3A_252 : memref<!tpu.dma_semaphore, #tpu.memory_space<semaphore_mem>>) src(%dma_wait3A_255 : memref<256x64xf32, #tpu.memory_space<hbm>>) dst(%arg13 : memref<256x64xf32, #tpu.memory_space<vmem>>)
        %sub3A = arith.constant 2 : i32
        %sub3A_256 = arith.subi %add3A_216, %sub3A : i32
        %mul3A_257 = arith.constant 2 : i32
        %mul3A_258 = arith.muli %sub3A_256, %mul3A_257 : i32
        %add3A_259 = arith.constant 0 : i32
        %add3A_260 = arith.addi %mul3A_258, %add3A_259 : i32
        %dma_start3A = arith.constant 1 : i32
        %dma_start3A_261 = arith.constant 0 : i32
        %dma_start3A_262 = arith.constant 0 : i32
        %dma_start3A_263 = tpu.memref_slice %arg13[%dma_start3A_261, %dma_start3A_262] : memref<256x64xf32, #tpu.memory_space<vmem>> -> memref<128x64xf32, #tpu.memory_space<vmem>>
        %dma_start3A_264 = arith.constant 0 : i32
        %dma_start3A_265 = tpu.memref_slice %arg10[%add3A_260, %dma_start3A_264] : memref<100x128xi32, #tpu.memory_space<vmem>> -> memref<1x128xi32, #tpu.memory_space<vmem>>
        %dma_start3A_266 = tpu.memref_squeeze %dma_start3A_265 : memref<1x128xi32, #tpu.memory_space<vmem>> -> memref<128xi32, #tpu.memory_space<vmem>>
        %dma_start3A_267 = arith.constant 0 : i32
        %dma_start3A_268 = arith.constant 0 : i32
        %dma_start3A_269 = tpu.memref_slice %arg6[%dma_start3A_267, %dma_start3A_268] : memref<600x64xf32, #tpu.memory_space<hbm>> -> memref<600x64xf32, #tpu.memory_space<hbm>>
        %dma_start3A_270 = tpu.memref_slice %arg16[%dma_start3A] : memref<4x!tpu.dma_semaphore, #tpu.memory_space<semaphore_mem>> -> memref<1x!tpu.dma_semaphore, #tpu.memory_space<semaphore_mem>>
        %dma_start3A_271 = tpu.memref_squeeze %dma_start3A_270 : memref<1x!tpu.dma_semaphore, #tpu.memory_space<semaphore_mem>> -> memref<!tpu.dma_semaphore, #tpu.memory_space<semaphore_mem>>
        tpu.enqueue_indirect_dma source(%dma_start3A_269 : memref<600x64xf32, #tpu.memory_space<hbm>>) target(%dma_start3A_263 : memref<128x64xf32, #tpu.memory_space<vmem>>) offsets(%dma_start3A_266 : memref<128xi32, #tpu.memory_space<vmem>>) semaphore(%dma_start3A_271 : memref<!tpu.dma_semaphore, #tpu.memory_space<semaphore_mem>>) {add = true}
        %sub3A_272 = arith.constant 2 : i32
        %sub3A_273 = arith.subi %add3A_216, %sub3A_272 : i32
        %mul3A_274 = arith.constant 2 : i32
        %mul3A_275 = arith.muli %sub3A_273, %mul3A_274 : i32
        %add3A_276 = arith.constant 1 : i32
        %add3A_277 = arith.addi %mul3A_275, %add3A_276 : i32
        %dma_start3A_278 = arith.constant 1 : i32
        %dma_start3A_279 = arith.constant 128 : i32
        %dma_start3A_280 = arith.constant 0 : i32
        %dma_start3A_281 = tpu.memref_slice %arg13[%dma_start3A_279, %dma_start3A_280] : memref<256x64xf32, #tpu.memory_space<vmem>> -> memref<128x64xf32, #tpu.memory_space<vmem>>
        %dma_start3A_282 = arith.constant 0 : i32
        %dma_start3A_283 = tpu.memref_slice %arg10[%add3A_277, %dma_start3A_282] : memref<100x128xi32, #tpu.memory_space<vmem>> -> memref<1x128xi32, #tpu.memory_space<vmem>>
        %dma_start3A_284 = tpu.memref_squeeze %dma_start3A_283 : memref<1x128xi32, #tpu.memory_space<vmem>> -> memref<128xi32, #tpu.memory_space<vmem>>
        %dma_start3A_285 = arith.constant 0 : i32
        %dma_start3A_286 = arith.constant 0 : i32
        %dma_start3A_287 = tpu.memref_slice %arg6[%dma_start3A_285, %dma_start3A_286] : memref<600x64xf32, #tpu.memory_space<hbm>> -> memref<600x64xf32, #tpu.memory_space<hbm>>
        %dma_start3A_288 = tpu.memref_slice %arg16[%dma_start3A_278] : memref<4x!tpu.dma_semaphore, #tpu.memory_space<semaphore_mem>> -> memref<1x!tpu.dma_semaphore, #tpu.memory_space<semaphore_mem>>
        %dma_start3A_289 = tpu.memref_squeeze %dma_start3A_288 : memref<1x!tpu.dma_semaphore, #tpu.memory_space<semaphore_mem>> -> memref<!tpu.dma_semaphore, #tpu.memory_space<semaphore_mem>>
        tpu.enqueue_indirect_dma source(%dma_start3A_287 : memref<600x64xf32, #tpu.memory_space<hbm>>) target(%dma_start3A_281 : memref<128x64xf32, #tpu.memory_space<vmem>>) offsets(%dma_start3A_284 : memref<128xi32, #tpu.memory_space<vmem>>) semaphore(%dma_start3A_289 : memref<!tpu.dma_semaphore, #tpu.memory_space<semaphore_mem>>) {add = true}
      } else {
      }
      %ge3A_233 = arith.constant 1 : i32
      %ge3A_234 = arith.cmpi sge, %add3A_216, %ge3A_233 : i32
      %lt3A_235 = arith.constant 51 : i32
      %lt3A_236 = arith.cmpi slt, %add3A_216, %lt3A_235 : i32
      %and3A_237 = arith.andi %ge3A_234, %lt3A_236 : i1
      %convert_element_type3A_238 = arith.extui %and3A_237 : i1 to i32
      %cond3A_239 = arith.constant 0 : i32
      %cond3A_240 = arith.cmpi ne, %convert_element_type3A_238, %cond3A_239 : i32
      scf.if %cond3A_240 {
        %dma_wait3A_247 = arith.constant 2 : i32
        %dma_wait3A_248 = arith.constant 0 : i32
        %dma_wait3A_249 = arith.constant 0 : i32
        %dma_wait3A_250 = tpu.memref_slice %arg7[%dma_wait3A_248, %dma_wait3A_249] : memref<1638400x64xf32, #tpu.memory_space<hbm>> -> memref<256x64xf32, #tpu.memory_space<hbm>>
        %dma_wait3A_251 = tpu.memref_slice %arg16[%dma_wait3A_247] : memref<4x!tpu.dma_semaphore, #tpu.memory_space<semaphore_mem>> -> memref<1x!tpu.dma_semaphore, #tpu.memory_space<semaphore_mem>>
        %dma_wait3A_252 = tpu.memref_squeeze %dma_wait3A_251 : memref<1x!tpu.dma_semaphore, #tpu.memory_space<semaphore_mem>> -> memref<!tpu.dma_semaphore, #tpu.memory_space<semaphore_mem>>
        %dma_wait3A_253 = arith.constant 0 : i32
        %dma_wait3A_254 = arith.constant 0 : i32
        %dma_wait3A_255 = tpu.memref_slice %arg7[%dma_wait3A_253, %dma_wait3A_254] : memref<1638400x64xf32, #tpu.memory_space<hbm>> -> memref<256x64xf32, #tpu.memory_space<hbm>>
        tpu.wait_dma2 semaphore(%dma_wait3A_252 : memref<!tpu.dma_semaphore, #tpu.memory_space<semaphore_mem>>) src(%dma_wait3A_255 : memref<256x64xf32, #tpu.memory_space<hbm>>) dst(%arg14 : memref<256x64xf32, #tpu.memory_space<vmem>>)
        %sub3A = arith.constant 1 : i32
        %sub3A_256 = arith.subi %add3A_216, %sub3A : i32
        %mul3A_257 = arith.constant 2 : i32
        %mul3A_258 = arith.muli %sub3A_256, %mul3A_257 : i32
        %add3A_259 = arith.constant 0 : i32
        %add3A_260 = arith.addi %mul3A_258, %add3A_259 : i32
        %dma_start3A = arith.constant 2 : i32
        %dma_start3A_261 = arith.constant 0 : i32
        %dma_start3A_262 = arith.constant 0 : i32
        %dma_start3A_263 = tpu.memref_slice %arg14[%dma_start3A_261, %dma_start3A_262] : memref<256x64xf32, #tpu.memory_space<vmem>> -> memref<128x64xf32, #tpu.memory_space<vmem>>
        %dma_start3A_264 = arith.constant 0 : i32
        %dma_start3A_265 = tpu.memref_slice %arg9[%add3A_260, %dma_start3A_264] : memref<100x128xi32, #tpu.memory_space<vmem>> -> memref<1x128xi32, #tpu.memory_space<vmem>>
        %dma_start3A_266 = tpu.memref_squeeze %dma_start3A_265 : memref<1x128xi32, #tpu.memory_space<vmem>> -> memref<128xi32, #tpu.memory_space<vmem>>
        %dma_start3A_267 = arith.constant 0 : i32
        %dma_start3A_268 = arith.constant 0 : i32
        %dma_start3A_269 = tpu.memref_slice %arg6[%dma_start3A_267, %dma_start3A_268] : memref<600x64xf32, #tpu.memory_space<hbm>> -> memref<600x64xf32, #tpu.memory_space<hbm>>
        %dma_start3A_270 = tpu.memref_slice %arg16[%dma_start3A] : memref<4x!tpu.dma_semaphore, #tpu.memory_space<semaphore_mem>> -> memref<1x!tpu.dma_semaphore, #tpu.memory_space<semaphore_mem>>
        %dma_start3A_271 = tpu.memref_squeeze %dma_start3A_270 : memref<1x!tpu.dma_semaphore, #tpu.memory_space<semaphore_mem>> -> memref<!tpu.dma_semaphore, #tpu.memory_space<semaphore_mem>>
        tpu.enqueue_indirect_dma source(%dma_start3A_269 : memref<600x64xf32, #tpu.memory_space<hbm>>) target(%dma_start3A_263 : memref<128x64xf32, #tpu.memory_space<vmem>>) offsets(%dma_start3A_266 : memref<128xi32, #tpu.memory_space<vmem>>) semaphore(%dma_start3A_271 : memref<!tpu.dma_semaphore, #tpu.memory_space<semaphore_mem>>) {add = true}
        %sub3A_272 = arith.constant 1 : i32
        %sub3A_273 = arith.subi %add3A_216, %sub3A_272 : i32
        %mul3A_274 = arith.constant 2 : i32
        %mul3A_275 = arith.muli %sub3A_273, %mul3A_274 : i32
        %add3A_276 = arith.constant 1 : i32
        %add3A_277 = arith.addi %mul3A_275, %add3A_276 : i32
        %dma_start3A_278 = arith.constant 2 : i32
        %dma_start3A_279 = arith.constant 128 : i32
        %dma_start3A_280 = arith.constant 0 : i32
        %dma_start3A_281 = tpu.memref_slice %arg14[%dma_start3A_279, %dma_start3A_280] : memref<256x64xf32, #tpu.memory_space<vmem>> -> memref<128x64xf32, #tpu.memory_space<vmem>>
        %dma_start3A_282 = arith.constant 0 : i32
        %dma_start3A_283 = tpu.memref_slice %arg9[%add3A_277, %dma_start3A_282] : memref<100x128xi32, #tpu.memory_space<vmem>> -> memref<1x128xi32, #tpu.memory_space<vmem>>
        %dma_start3A_284 = tpu.memref_squeeze %dma_start3A_283 : memref<1x128xi32, #tpu.memory_space<vmem>> -> memref<128xi32, #tpu.memory_space<vmem>>
        %dma_start3A_285 = arith.constant 0 : i32
        %dma_start3A_286 = arith.constant 0 : i32
        %dma_start3A_287 = tpu.memref_slice %arg6[%dma_start3A_285, %dma_start3A_286] : memref<600x64xf32, #tpu.memory_space<hbm>> -> memref<600x64xf32, #tpu.memory_space<hbm>>
        %dma_start3A_288 = tpu.memref_slice %arg16[%dma_start3A_278] : memref<4x!tpu.dma_semaphore, #tpu.memory_space<semaphore_mem>> -> memref<1x!tpu.dma_semaphore, #tpu.memory_space<semaphore_mem>>
        %dma_start3A_289 = tpu.memref_squeeze %dma_start3A_288 : memref<1x!tpu.dma_semaphore, #tpu.memory_space<semaphore_mem>> -> memref<!tpu.dma_semaphore, #tpu.memory_space<semaphore_mem>>
        tpu.enqueue_indirect_dma source(%dma_start3A_287 : memref<600x64xf32, #tpu.memory_space<hbm>>) target(%dma_start3A_281 : memref<128x64xf32, #tpu.memory_space<vmem>>) offsets(%dma_start3A_284 : memref<128xi32, #tpu.memory_space<vmem>>) semaphore(%dma_start3A_289 : memref<!tpu.dma_semaphore, #tpu.memory_space<semaphore_mem>>) {add = true}
      } else {
      }
      %lt3A_241 = arith.constant 50 : i32
      %lt3A_242 = arith.cmpi slt, %add3A_216, %lt3A_241 : i32
      %convert_element_type3A_243 = arith.extui %lt3A_242 : i1 to i32
      %cond3A_244 = arith.constant 0 : i32
      %cond3A_245 = arith.cmpi ne, %convert_element_type3A_243, %cond3A_244 : i32
      scf.if %cond3A_245 {
        %ge3A_247 = arith.constant 4 : i32
        %ge3A_248 = arith.cmpi sge, %add3A_216, %ge3A_247 : i32
        %convert_element_type3A_249 = arith.extui %ge3A_248 : i1 to i32
        %cond3A_250 = arith.constant 0 : i32
        %cond3A_251 = arith.cmpi ne, %convert_element_type3A_249, %cond3A_250 : i32
        scf.if %cond3A_251 {
          %dma_wait3A_283 = arith.constant 3 : i32
          %dma_wait3A_284 = arith.constant 0 : i32
          %dma_wait3A_285 = arith.constant 0 : i32
          %dma_wait3A_286 = tpu.memref_slice %arg7[%dma_wait3A_284, %dma_wait3A_285] : memref<1638400x64xf32, #tpu.memory_space<hbm>> -> memref<256x64xf32, #tpu.memory_space<hbm>>
          %dma_wait3A_287 = tpu.memref_slice %arg16[%dma_wait3A_283] : memref<4x!tpu.dma_semaphore, #tpu.memory_space<semaphore_mem>> -> memref<1x!tpu.dma_semaphore, #tpu.memory_space<semaphore_mem>>
          %dma_wait3A_288 = tpu.memref_squeeze %dma_wait3A_287 : memref<1x!tpu.dma_semaphore, #tpu.memory_space<semaphore_mem>> -> memref<!tpu.dma_semaphore, #tpu.memory_space<semaphore_mem>>
          %dma_wait3A_289 = arith.constant 0 : i32
          %dma_wait3A_290 = arith.constant 0 : i32
          %dma_wait3A_291 = tpu.memref_slice %arg7[%dma_wait3A_289, %dma_wait3A_290] : memref<1638400x64xf32, #tpu.memory_space<hbm>> -> memref<256x64xf32, #tpu.memory_space<hbm>>
          tpu.wait_dma2 semaphore(%dma_wait3A_288 : memref<!tpu.dma_semaphore, #tpu.memory_space<semaphore_mem>>) src(%dma_wait3A_291 : memref<256x64xf32, #tpu.memory_space<hbm>>) dst(%arg15 : memref<256x64xf32, #tpu.memory_space<vmem>>)
        } else {
        }
        %mul3A_252 = arith.constant 2 : i32
        %mul3A_253 = arith.muli %add3A_216, %mul3A_252 : i32
        %add3A_254 = arith.constant 0 : i32
        %add3A_255 = arith.addi %mul3A_253, %add3A_254 : i32
        %dma_start3A = arith.constant 3 : i32
        %dma_start3A_256 = arith.constant 0 : i32
        %dma_start3A_257 = arith.constant 0 : i32
        %dma_start3A_258 = tpu.memref_slice %arg15[%dma_start3A_256, %dma_start3A_257] : memref<256x64xf32, #tpu.memory_space<vmem>> -> memref<128x64xf32, #tpu.memory_space<vmem>>
        %dma_start3A_259 = arith.constant 0 : i32
        %dma_start3A_260 = tpu.memref_slice %arg8[%add3A_255, %dma_start3A_259] : memref<100x128xi32, #tpu.memory_space<vmem>> -> memref<1x128xi32, #tpu.memory_space<vmem>>
        %dma_start3A_261 = tpu.memref_squeeze %dma_start3A_260 : memref<1x128xi32, #tpu.memory_space<vmem>> -> memref<128xi32, #tpu.memory_space<vmem>>
        %dma_start3A_262 = arith.constant 0 : i32
        %dma_start3A_263 = arith.constant 0 : i32
        %dma_start3A_264 = tpu.memref_slice %arg5[%dma_start3A_262, %dma_start3A_263] : memref<100000x64xf32, #tpu.memory_space<hbm>> -> memref<100000x64xf32, #tpu.memory_space<hbm>>
        %dma_start3A_265 = tpu.memref_slice %arg16[%dma_start3A] : memref<4x!tpu.dma_semaphore, #tpu.memory_space<semaphore_mem>> -> memref<1x!tpu.dma_semaphore, #tpu.memory_space<semaphore_mem>>
        %dma_start3A_266 = tpu.memref_squeeze %dma_start3A_265 : memref<1x!tpu.dma_semaphore, #tpu.memory_space<semaphore_mem>> -> memref<!tpu.dma_semaphore, #tpu.memory_space<semaphore_mem>>
        tpu.enqueue_indirect_dma source(%dma_start3A_264 : memref<100000x64xf32, #tpu.memory_space<hbm>>) target(%dma_start3A_258 : memref<128x64xf32, #tpu.memory_space<vmem>>) offsets(%dma_start3A_261 : memref<128xi32, #tpu.memory_space<vmem>>) semaphore(%dma_start3A_266 : memref<!tpu.dma_semaphore, #tpu.memory_space<semaphore_mem>>)
        %mul3A_267 = arith.constant 2 : i32
        %mul3A_268 = arith.muli %add3A_216, %mul3A_267 : i32
        %add3A_269 = arith.constant 1 : i32
        %add3A_270 = arith.addi %mul3A_268, %add3A_269 : i32
        %dma_start3A_271 = arith.constant 3 : i32
        %dma_start3A_272 = arith.constant 128 : i32
        %dma_start3A_273 = arith.constant 0 : i32
        %dma_start3A_274 = tpu.memref_slice %arg15[%dma_start3A_272, %dma_start3A_273] : memref<256x64xf32, #tpu.memory_space<vmem>> -> memref<128x64xf32, #tpu.memory_space<vmem>>
        %dma_start3A_275 = arith.constant 0 : i32
        %dma_start3A_276 = tpu.memref_slice %arg8[%add3A_270, %dma_start3A_275] : memref<100x128xi32, #tpu.memory_space<vmem>> -> memref<1x128xi32, #tpu.memory_space<vmem>>
        %dma_start3A_277 = tpu.memref_squeeze %dma_start3A_276 : memref<1x128xi32, #tpu.memory_space<vmem>> -> memref<128xi32, #tpu.memory_space<vmem>>
        %dma_start3A_278 = arith.constant 0 : i32
        %dma_start3A_279 = arith.constant 0 : i32
        %dma_start3A_280 = tpu.memref_slice %arg5[%dma_start3A_278, %dma_start3A_279] : memref<100000x64xf32, #tpu.memory_space<hbm>> -> memref<100000x64xf32, #tpu.memory_space<hbm>>
        %dma_start3A_281 = tpu.memref_slice %arg16[%dma_start3A_271] : memref<4x!tpu.dma_semaphore, #tpu.memory_space<semaphore_mem>> -> memref<1x!tpu.dma_semaphore, #tpu.memory_space<semaphore_mem>>
        %dma_start3A_282 = tpu.memref_squeeze %dma_start3A_281 : memref<1x!tpu.dma_semaphore, #tpu.memory_space<semaphore_mem>> -> memref<!tpu.dma_semaphore, #tpu.memory_space<semaphore_mem>>
        tpu.enqueue_indirect_dma source(%dma_start3A_280 : memref<100000x64xf32, #tpu.memory_space<hbm>>) target(%dma_start3A_274 : memref<128x64xf32, #tpu.memory_space<vmem>>) offsets(%dma_start3A_277 : memref<128xi32, #tpu.memory_space<vmem>>) semaphore(%dma_start3A_282 : memref<!tpu.dma_semaphore, #tpu.memory_space<semaphore_mem>>)
      } else {
      }
      %scan3A_246 = arith.constant 0 : i32
      scf.yield %scan3A_246 : i32
    }
    %scan3A_22 = arith.constant 14 : i32
    %dma_wait3A = arith.constant 0 : i32
    %dma_wait3A_23 = arith.constant 0 : i32
    %dma_wait3A_24 = arith.constant 0 : i32
    %dma_wait3A_25 = tpu.memref_slice %arg7[%dma_wait3A_23, %dma_wait3A_24] : memref<1638400x64xf32, #tpu.memory_space<hbm>> -> memref<256x64xf32, #tpu.memory_space<hbm>>
    %dma_wait3A_26 = tpu.memref_slice %arg16[%dma_wait3A] : memref<4x!tpu.dma_semaphore, #tpu.memory_space<semaphore_mem>> -> memref<1x!tpu.dma_semaphore, #tpu.memory_space<semaphore_mem>>
    %dma_wait3A_27 = tpu.memref_squeeze %dma_wait3A_26 : memref<1x!tpu.dma_semaphore, #tpu.memory_space<semaphore_mem>> -> memref<!tpu.dma_semaphore, #tpu.memory_space<semaphore_mem>>
    %dma_wait3A_28 = arith.constant 0 : i32
    %dma_wait3A_29 = arith.constant 0 : i32
    %dma_wait3A_30 = tpu.memref_slice %arg7[%dma_wait3A_28, %dma_wait3A_29] : memref<1638400x64xf32, #tpu.memory_space<hbm>> -> memref<256x64xf32, #tpu.memory_space<hbm>>
    tpu.wait_dma2 semaphore(%dma_wait3A_27 : memref<!tpu.dma_semaphore, #tpu.memory_space<semaphore_mem>>) src(%dma_wait3A_30 : memref<256x64xf32, #tpu.memory_space<hbm>>) dst(%arg12 : memref<256x64xf32, #tpu.memory_space<vmem>>)
    %dma_wait3A_31 = arith.constant 1 : i32
    %dma_wait3A_32 = arith.constant 0 : i32
    %dma_wait3A_33 = arith.constant 0 : i32
    %dma_wait3A_34 = tpu.memref_slice %arg7[%dma_wait3A_32, %dma_wait3A_33] : memref<1638400x64xf32, #tpu.memory_space<hbm>> -> memref<256x64xf32, #tpu.memory_space<hbm>>
    %dma_wait3A_35 = tpu.memref_slice %arg16[%dma_wait3A_31] : memref<4x!tpu.dma_semaphore, #tpu.memory_space<semaphore_mem>> -> memref<1x!tpu.dma_semaphore, #tpu.memory_space<semaphore_mem>>
    %dma_wait3A_36 = tpu.memref_squeeze %dma_wait3A_35 : memref<1x!tpu.dma_semaphore, #tpu.memory_space<semaphore_mem>> -> memref<!tpu.dma_semaphore, #tpu.memory_space<semaphore_mem>>
    %dma_wait3A_37 = arith.constant 0 : i32
    %dma_wait3A_38 = arith.constant 0 : i32
    %dma_wait3A_39 = tpu.memref_slice %arg7[%dma_wait3A_37, %dma_wait3A_38] : memref<1638400x64xf32, #tpu.memory_space<hbm>> -> memref<256x64xf32, #tpu.memory_space<hbm>>
    tpu.wait_dma2 semaphore(%dma_wait3A_36 : memref<!tpu.dma_semaphore, #tpu.memory_space<semaphore_mem>>) src(%dma_wait3A_39 : memref<256x64xf32, #tpu.memory_space<hbm>>) dst(%arg13 : memref<256x64xf32, #tpu.memory_space<vmem>>)
    %dma_wait3A_40 = arith.constant 2 : i32
    %dma_wait3A_41 = arith.constant 0 : i32
    %dma_wait3A_42 = arith.constant 0 : i32
    %dma_wait3A_43 = tpu.memref_slice %arg7[%dma_wait3A_41, %dma_wait3A_42] : memref<1638400x64xf32, #tpu.memory_space<hbm>> -> memref<256x64xf32, #tpu.memory_space<hbm>>
    %dma_wait3A_44 = tpu.memref_slice %arg16[%dma_wait3A_40] : memref<4x!tpu.dma_semaphore, #tpu.memory_space<semaphore_mem>> -> memref<1x!tpu.dma_semaphore, #tpu.memory_space<semaphore_mem>>
    %dma_wait3A_45 = tpu.memref_squeeze %dma_wait3A_44 : memref<1x!tpu.dma_semaphore, #tpu.memory_space<semaphore_mem>> -> memref<!tpu.dma_semaphore, #tpu.memory_space<semaphore_mem>>
    %dma_wait3A_46 = arith.constant 0 : i32
    %dma_wait3A_47 = arith.constant 0 : i32
    %dma_wait3A_48 = tpu.memref_slice %arg7[%dma_wait3A_46, %dma_wait3A_47] : memref<1638400x64xf32, #tpu.memory_space<hbm>> -> memref<256x64xf32, #tpu.memory_space<hbm>>
    tpu.wait_dma2 semaphore(%dma_wait3A_45 : memref<!tpu.dma_semaphore, #tpu.memory_space<semaphore_mem>>) src(%dma_wait3A_48 : memref<256x64xf32, #tpu.memory_space<hbm>>) dst(%arg14 : memref<256x64xf32, #tpu.memory_space<vmem>>)
    %dma_wait3A_49 = arith.constant 3 : i32
    %dma_wait3A_50 = arith.constant 0 : i32
    %dma_wait3A_51 = arith.constant 0 : i32
    %dma_wait3A_52 = tpu.memref_slice %arg7[%dma_wait3A_50, %dma_wait3A_51] : memref<1638400x64xf32, #tpu.memory_space<hbm>> -> memref<256x64xf32, #tpu.memory_space<hbm>>
    %dma_wait3A_53 = tpu.memref_slice %arg16[%dma_wait3A_49] : memref<4x!tpu.dma_semaphore, #tpu.memory_space<semaphore_mem>> -> memref<1x!tpu.dma_semaphore, #tpu.memory_space<semaphore_mem>>
    %dma_wait3A_54 = tpu.memref_squeeze %dma_wait3A_53 : memref<1x!tpu.dma_semaphore, #tpu.memory_space<semaphore_mem>> -> memref<!tpu.dma_semaphore, #tpu.memory_space<semaphore_mem>>
    %dma_wait3A_55 = arith.constant 0 : i32
    %dma_wait3A_56 = arith.constant 0 : i32
    %dma_wait3A_57 = tpu.memref_slice %arg7[%dma_wait3A_55, %dma_wait3A_56] : memref<1638400x64xf32, #tpu.memory_space<hbm>> -> memref<256x64xf32, #tpu.memory_space<hbm>>
    tpu.wait_dma2 semaphore(%dma_wait3A_54 : memref<!tpu.dma_semaphore, #tpu.memory_space<semaphore_mem>>) src(%dma_wait3A_57 : memref<256x64xf32, #tpu.memory_space<hbm>>) dst(%arg15 : memref<256x64xf32, #tpu.memory_space<vmem>>)
    %mul3A_58 = arith.constant 2 : i32
    %mul3A_59 = arith.muli %add3A, %mul3A_58 : i32
    %add3A_60 = arith.constant 1 : i32
    %add3A_61 = arith.addi %mul3A_59, %add3A_60 : i32
    %mul3A_62 = arith.constant 50 : i32
    %mul3A_63 = arith.muli %add3A_61, %mul3A_62 : i32
    %mul3A_64 = arith.constant 2 : i32
    %mul3A_65 = arith.muli %mul3A_63, %mul3A_64 : i32
    %mul3A_66 = arith.constant 2 : i32
    %mul3A_67 = arith.muli %add3A, %mul3A_66 : i32
    %add3A_68 = arith.constant 1 : i32
    %add3A_69 = arith.addi %mul3A_67, %add3A_68 : i32
    %mul3A_70 = arith.constant 50 : i32
    %mul3A_71 = arith.muli %add3A_69, %mul3A_70 : i32
    %mul3A_72 = arith.constant 256 : i32
    %mul3A_73 = arith.muli %mul3A_71, %mul3A_72 : i32
    "tpu.region"() ({
      %run_scoped3A = tpu.sem_alloc : memref<!tpu.dma_semaphore, #tpu.memory_space<semaphore_mem>>
      %dma_start3A = arith.constant 0 : i32
      %dma_start3A_117 = tpu.memref_slice %arg2[%mul3A_65, %dma_start3A] : memref<6400x128xi32, #tpu.memory_space<hbm>> -> memref<100x128xi32, #tpu.memory_space<hbm>>
      %dma_start3A_118 = arith.constant 0 : i32
      %dma_start3A_119 = tpu.memref_slice %arg2[%mul3A_65, %dma_start3A_118] : memref<6400x128xi32, #tpu.memory_space<hbm>> -> memref<100x128xi32, #tpu.memory_space<hbm>>
      tpu.enqueue_dma source(%dma_start3A_119 : memref<100x128xi32, #tpu.memory_space<hbm>>) target(%arg8 : memref<100x128xi32, #tpu.memory_space<vmem>>) target_semaphore(%run_scoped3A : memref<!tpu.dma_semaphore, #tpu.memory_space<semaphore_mem>>)
      %dma_wait3A_120 = arith.constant 0 : i32
      %dma_wait3A_121 = tpu.memref_slice %arg2[%mul3A_65, %dma_wait3A_120] : memref<6400x128xi32, #tpu.memory_space<hbm>> -> memref<100x128xi32, #tpu.memory_space<hbm>>
      %dma_wait3A_122 = arith.constant 0 : i32
      %dma_wait3A_123 = tpu.memref_slice %arg2[%mul3A_65, %dma_wait3A_122] : memref<6400x128xi32, #tpu.memory_space<hbm>> -> memref<100x128xi32, #tpu.memory_space<hbm>>
      tpu.wait_dma2 semaphore(%run_scoped3A : memref<!tpu.dma_semaphore, #tpu.memory_space<semaphore_mem>>) src(%dma_wait3A_123 : memref<100x128xi32, #tpu.memory_space<hbm>>) dst(%arg8 : memref<100x128xi32, #tpu.memory_space<vmem>>)
      tpu.yield
    }) : () -> ()
    "tpu.region"() ({
      %run_scoped3A = tpu.sem_alloc : memref<!tpu.dma_semaphore, #tpu.memory_space<semaphore_mem>>
      %dma_start3A = arith.constant 0 : i32
      %dma_start3A_117 = tpu.memref_slice %arg3[%mul3A_65, %dma_start3A] : memref<6400x128xi32, #tpu.memory_space<hbm>> -> memref<100x128xi32, #tpu.memory_space<hbm>>
      %dma_start3A_118 = arith.constant 0 : i32
      %dma_start3A_119 = tpu.memref_slice %arg3[%mul3A_65, %dma_start3A_118] : memref<6400x128xi32, #tpu.memory_space<hbm>> -> memref<100x128xi32, #tpu.memory_space<hbm>>
      tpu.enqueue_dma source(%dma_start3A_119 : memref<100x128xi32, #tpu.memory_space<hbm>>) target(%arg9 : memref<100x128xi32, #tpu.memory_space<vmem>>) target_semaphore(%run_scoped3A : memref<!tpu.dma_semaphore, #tpu.memory_space<semaphore_mem>>)
      %dma_wait3A_120 = arith.constant 0 : i32
      %dma_wait3A_121 = tpu.memref_slice %arg3[%mul3A_65, %dma_wait3A_120] : memref<6400x128xi32, #tpu.memory_space<hbm>> -> memref<100x128xi32, #tpu.memory_space<hbm>>
      %dma_wait3A_122 = arith.constant 0 : i32
      %dma_wait3A_123 = tpu.memref_slice %arg3[%mul3A_65, %dma_wait3A_122] : memref<6400x128xi32, #tpu.memory_space<hbm>> -> memref<100x128xi32, #tpu.memory_space<hbm>>
      tpu.wait_dma2 semaphore(%run_scoped3A : memref<!tpu.dma_semaphore, #tpu.memory_space<semaphore_mem>>) src(%dma_wait3A_123 : memref<100x128xi32, #tpu.memory_space<hbm>>) dst(%arg9 : memref<100x128xi32, #tpu.memory_space<vmem>>)
      tpu.yield
    }) : () -> ()
    "tpu.region"() ({
      %run_scoped3A = tpu.sem_alloc : memref<!tpu.dma_semaphore, #tpu.memory_space<semaphore_mem>>
      %dma_start3A = arith.constant 0 : i32
      %dma_start3A_117 = tpu.memref_slice %arg4[%mul3A_65, %dma_start3A] : memref<6400x128xi32, #tpu.memory_space<hbm>> -> memref<100x128xi32, #tpu.memory_space<hbm>>
      %dma_start3A_118 = arith.constant 0 : i32
      %dma_start3A_119 = tpu.memref_slice %arg4[%mul3A_65, %dma_start3A_118] : memref<6400x128xi32, #tpu.memory_space<hbm>> -> memref<100x128xi32, #tpu.memory_space<hbm>>
      tpu.enqueue_dma source(%dma_start3A_119 : memref<100x128xi32, #tpu.memory_space<hbm>>) target(%arg10 : memref<100x128xi32, #tpu.memory_space<vmem>>) target_semaphore(%run_scoped3A : memref<!tpu.dma_semaphore, #tpu.memory_space<semaphore_mem>>)
      %dma_wait3A_120 = arith.constant 0 : i32
      %dma_wait3A_121 = tpu.memref_slice %arg4[%mul3A_65, %dma_wait3A_120] : memref<6400x128xi32, #tpu.memory_space<hbm>> -> memref<100x128xi32, #tpu.memory_space<hbm>>
      %dma_wait3A_122 = arith.constant 0 : i32
      %dma_wait3A_123 = tpu.memref_slice %arg4[%mul3A_65, %dma_wait3A_122] : memref<6400x128xi32, #tpu.memory_space<hbm>> -> memref<100x128xi32, #tpu.memory_space<hbm>>
      tpu.wait_dma2 semaphore(%run_scoped3A : memref<!tpu.dma_semaphore, #tpu.memory_space<semaphore_mem>>) src(%dma_wait3A_123 : memref<100x128xi32, #tpu.memory_space<hbm>>) dst(%arg10 : memref<100x128xi32, #tpu.memory_space<vmem>>)
      tpu.yield
    }) : () -> ()
    %scan3A_74 = arith.constant 0 : i32
    %scan3A_75 = arith.constant 0 : i32
    %scan3A_76 = arith.constant 14 : i32
    %scan3A_77 = arith.addi %scan3A_75, %scan3A_76 : i32
    %scan3A_78 = arith.constant 1 : i32
    %scan3A_79 = scf.for %scan3A_117 = %scan3A_75 to %scan3A_77 step %scan3A_78 iter_args(%scan3A_118 = %scan3A_74) -> (i32)  : i32 {
      %mul3A_119 = arith.constant 4 : i32
      %mul3A_120 = arith.muli %scan3A_117, %mul3A_119 : i32
      %add3A_121 = arith.constant 0 : i32
      %add3A_122 = arith.addi %mul3A_120, %add3A_121 : i32
      %ge3A = arith.constant 3 : i32
      %ge3A_123 = arith.cmpi sge, %add3A_122, %ge3A : i32
      %lt3A = arith.constant 53 : i32
      %lt3A_124 = arith.cmpi slt, %add3A_122, %lt3A : i32
      %and3A = arith.andi %ge3A_123, %lt3A_124 : i1
      %convert_element_type3A = arith.extui %and3A : i1 to i32
      %cond3A = arith.constant 0 : i32
      %cond3A_125 = arith.cmpi ne, %convert_element_type3A, %cond3A : i32
      scf.if %cond3A_125 {
        %dma_wait3A_247 = arith.constant 1 : i32
        %dma_wait3A_248 = arith.constant 0 : i32
        %dma_wait3A_249 = arith.constant 0 : i32
        %dma_wait3A_250 = tpu.memref_slice %arg7[%dma_wait3A_248, %dma_wait3A_249] : memref<1638400x64xf32, #tpu.memory_space<hbm>> -> memref<256x64xf32, #tpu.memory_space<hbm>>
        %dma_wait3A_251 = tpu.memref_slice %arg16[%dma_wait3A_247] : memref<4x!tpu.dma_semaphore, #tpu.memory_space<semaphore_mem>> -> memref<1x!tpu.dma_semaphore, #tpu.memory_space<semaphore_mem>>
        %dma_wait3A_252 = tpu.memref_squeeze %dma_wait3A_251 : memref<1x!tpu.dma_semaphore, #tpu.memory_space<semaphore_mem>> -> memref<!tpu.dma_semaphore, #tpu.memory_space<semaphore_mem>>
        %dma_wait3A_253 = arith.constant 0 : i32
        %dma_wait3A_254 = arith.constant 0 : i32
        %dma_wait3A_255 = tpu.memref_slice %arg7[%dma_wait3A_253, %dma_wait3A_254] : memref<1638400x64xf32, #tpu.memory_space<hbm>> -> memref<256x64xf32, #tpu.memory_space<hbm>>
        tpu.wait_dma2 semaphore(%dma_wait3A_252 : memref<!tpu.dma_semaphore, #tpu.memory_space<semaphore_mem>>) src(%dma_wait3A_255 : memref<256x64xf32, #tpu.memory_space<hbm>>) dst(%arg13 : memref<256x64xf32, #tpu.memory_space<vmem>>)
        %sub3A = arith.constant 3 : i32
        %sub3A_256 = arith.subi %add3A_122, %sub3A : i32
        %mul3A_257 = arith.constant 256 : i32
        %mul3A_258 = arith.muli %sub3A_256, %mul3A_257 : i32
        %add3A_259 = arith.addi %mul3A_73, %mul3A_258 : i32
        %add3A_260 = arith.constant 0 : i32
        %add3A_261 = arith.addi %add3A_259, %add3A_260 : i32
        %add3A_262 = arith.constant 0 : i32
        %add3A_263 = arith.addi %add3A_261, %add3A_262 : i32
        %add3A_264 = vector.broadcast %add3A_263 : i32 to vector<16xi32>
        %add3A_265 = arith.addi %add3A_264, %iota3A : vector<16xi32>
        %and3A_266 = arith.constant 4095 : i32
        %and3A_267 = vector.broadcast %and3A_266 : i32 to vector<16xi32>
        %and3A_268 = arith.andi %add3A_265, %and3A_267 : vector<16xi32>
        %mul3A_269 = arith.constant 200 : i32
        %mul3A_270 = vector.broadcast %mul3A_269 : i32 to vector<16xi32>
        %mul3A_271 = arith.muli %and3A_268, %mul3A_270 : vector<16xi32>
        %shift_right_arithmetic3A = arith.constant 12 : i32
        %shift_right_arithmetic3A_272 = vector.broadcast %shift_right_arithmetic3A : i32 to vector<16xi32>
        %shift_right_arithmetic3A_273 = arith.shrsi %add3A_265, %shift_right_arithmetic3A_272 : vector<16xi32>
        %add3A_274 = arith.addi %mul3A_271, %shift_right_arithmetic3A_273 : vector<16xi32>
        %mul3A_275 = arith.constant 2 : i32
        %mul3A_276 = vector.broadcast %mul3A_275 : i32 to vector<16xi32>
        %mul3A_277 = arith.muli %add3A_274, %mul3A_276 : vector<16xi32>
        %swap3A = arith.constant 2 : i32
        %swap3A_278 = arith.index_cast %swap3A : i32 to index
        %swap3A_279 = arith.constant 0 : index
        %swap3A_280 = tpu.vector_load %arg11[%swap3A_278, %swap3A_279] {strides = array<i32>} : memref<8x128xi32, #tpu.memory_space<vmem>>, vector<1x16xi32>,
        %swap3A_281 = vector.shape_cast %swap3A_280 : vector<1x16xi32> to vector<16xi32>
        %swap3A_282 = vector.shape_cast %mul3A_277 : vector<16xi32> to vector<1x16xi32>
        tpu.vector_store %arg11[%swap3A_278, %swap3A_279], %swap3A_282 {strides = array<i32>} : memref<8x128xi32, #tpu.memory_space<vmem>>, vector<1x16xi32>,
        %add3A_283 = arith.constant 0 : i32
        %add3A_284 = arith.addi %add3A_259, %add3A_283 : i32
        %add3A_285 = arith.constant 16 : i32
        %add3A_286 = arith.addi %add3A_284, %add3A_285 : i32
        %add3A_287 = vector.broadcast %add3A_286 : i32 to vector<16xi32>
        %add3A_288 = arith.addi %add3A_287, %iota3A : vector<16xi32>
        %and3A_289 = arith.constant 4095 : i32
        %and3A_290 = vector.broadcast %and3A_289 : i32 to vector<16xi32>
        %and3A_291 = arith.andi %add3A_288, %and3A_290 : vector<16xi32>
        %mul3A_292 = arith.constant 200 : i32
        %mul3A_293 = vector.broadcast %mul3A_292 : i32 to vector<16xi32>
        %mul3A_294 = arith.muli %and3A_291, %mul3A_293 : vector<16xi32>
        %shift_right_arithmetic3A_295 = arith.constant 12 : i32
        %shift_right_arithmetic3A_296 = vector.broadcast %shift_right_arithmetic3A_295 : i32 to vector<16xi32>
        %shift_right_arithmetic3A_297 = arith.shrsi %add3A_288, %shift_right_arithmetic3A_296 : vector<16xi32>
        %add3A_298 = arith.addi %mul3A_294, %shift_right_arithmetic3A_297 : vector<16xi32>
        %mul3A_299 = arith.constant 2 : i32
        %mul3A_300 = vector.broadcast %mul3A_299 : i32 to vector<16xi32>
        %mul3A_301 = arith.muli %add3A_298, %mul3A_300 : vector<16xi32>
        %swap3A_302 = arith.constant 2 : i32
        %swap3A_303 = arith.index_cast %swap3A_302 : i32 to index
        %swap3A_304 = arith.constant 16 : index
        %swap3A_305 = tpu.vector_load %arg11[%swap3A_303, %swap3A_304] {strides = array<i32>} : memref<8x128xi32, #tpu.memory_space<vmem>>, vector<1x16xi32>,
        %swap3A_306 = vector.shape_cast %swap3A_305 : vector<1x16xi32> to vector<16xi32>
        %swap3A_307 = vector.shape_cast %mul3A_301 : vector<16xi32> to vector<1x16xi32>
        tpu.vector_store %arg11[%swap3A_303, %swap3A_304], %swap3A_307 {strides = array<i32>} : memref<8x128xi32, #tpu.memory_space<vmem>>, vector<1x16xi32>,
        %add3A_308 = arith.constant 0 : i32
        %add3A_309 = arith.addi %add3A_259, %add3A_308 : i32
        %add3A_310 = arith.constant 32 : i32
        %add3A_311 = arith.addi %add3A_309, %add3A_310 : i32
        %add3A_312 = vector.broadcast %add3A_311 : i32 to vector<16xi32>
        %add3A_313 = arith.addi %add3A_312, %iota3A : vector<16xi32>
        %and3A_314 = arith.constant 4095 : i32
        %and3A_315 = vector.broadcast %and3A_314 : i32 to vector<16xi32>
        %and3A_316 = arith.andi %add3A_313, %and3A_315 : vector<16xi32>
        %mul3A_317 = arith.constant 200 : i32
        %mul3A_318 = vector.broadcast %mul3A_317 : i32 to vector<16xi32>
        %mul3A_319 = arith.muli %and3A_316, %mul3A_318 : vector<16xi32>
        %shift_right_arithmetic3A_320 = arith.constant 12 : i32
        %shift_right_arithmetic3A_321 = vector.broadcast %shift_right_arithmetic3A_320 : i32 to vector<16xi32>
        %shift_right_arithmetic3A_322 = arith.shrsi %add3A_313, %shift_right_arithmetic3A_321 : vector<16xi32>
        %add3A_323 = arith.addi %mul3A_319, %shift_right_arithmetic3A_322 : vector<16xi32>
        %mul3A_324 = arith.constant 2 : i32
        %mul3A_325 = vector.broadcast %mul3A_324 : i32 to vector<16xi32>
        %mul3A_326 = arith.muli %add3A_323, %mul3A_325 : vector<16xi32>
        %swap3A_327 = arith.constant 2 : i32
        %swap3A_328 = arith.index_cast %swap3A_327 : i32 to index
        %swap3A_329 = arith.constant 32 : index
        %swap3A_330 = tpu.vector_load %arg11[%swap3A_328, %swap3A_329] {strides = array<i32>} : memref<8x128xi32, #tpu.memory_space<vmem>>, vector<1x16xi32>,
        %swap3A_331 = vector.shape_cast %swap3A_330 : vector<1x16xi32> to vector<16xi32>
        %swap3A_332 = vector.shape_cast %mul3A_326 : vector<16xi32> to vector<1x16xi32>
        tpu.vector_store %arg11[%swap3A_328, %swap3A_329], %swap3A_332 {strides = array<i32>} : memref<8x128xi32, #tpu.memory_space<vmem>>, vector<1x16xi32>,
        %add3A_333 = arith.constant 0 : i32
        %add3A_334 = arith.addi %add3A_259, %add3A_333 : i32
        %add3A_335 = arith.constant 48 : i32
        %add3A_336 = arith.addi %add3A_334, %add3A_335 : i32
        %add3A_337 = vector.broadcast %add3A_336 : i32 to vector<16xi32>
        %add3A_338 = arith.addi %add3A_337, %iota3A : vector<16xi32>
        %and3A_339 = arith.constant 4095 : i32
        %and3A_340 = vector.broadcast %and3A_339 : i32 to vector<16xi32>
        %and3A_341 = arith.andi %add3A_338, %and3A_340 : vector<16xi32>
        %mul3A_342 = arith.constant 200 : i32
        %mul3A_343 = vector.broadcast %mul3A_342 : i32 to vector<16xi32>
        %mul3A_344 = arith.muli %and3A_341, %mul3A_343 : vector<16xi32>
        %shift_right_arithmetic3A_345 = arith.constant 12 : i32
        %shift_right_arithmetic3A_346 = vector.broadcast %shift_right_arithmetic3A_345 : i32 to vector<16xi32>
        %shift_right_arithmetic3A_347 = arith.shrsi %add3A_338, %shift_right_arithmetic3A_346 : vector<16xi32>
        %add3A_348 = arith.addi %mul3A_344, %shift_right_arithmetic3A_347 : vector<16xi32>
        %mul3A_349 = arith.constant 2 : i32
        %mul3A_350 = vector.broadcast %mul3A_349 : i32 to vector<16xi32>
        %mul3A_351 = arith.muli %add3A_348, %mul3A_350 : vector<16xi32>
        %swap3A_352 = arith.constant 2 : i32
        %swap3A_353 = arith.index_cast %swap3A_352 : i32 to index
        %swap3A_354 = arith.constant 48 : index
        %swap3A_355 = tpu.vector_load %arg11[%swap3A_353, %swap3A_354] {strides = array<i32>} : memref<8x128xi32, #tpu.memory_space<vmem>>, vector<1x16xi32>,
        %swap3A_356 = vector.shape_cast %swap3A_355 : vector<1x16xi32> to vector<16xi32>
        %swap3A_357 = vector.shape_cast %mul3A_351 : vector<16xi32> to vector<1x16xi32>
        tpu.vector_store %arg11[%swap3A_353, %swap3A_354], %swap3A_357 {strides = array<i32>} : memref<8x128xi32, #tpu.memory_space<vmem>>, vector<1x16xi32>,
        %add3A_358 = arith.constant 0 : i32
        %add3A_359 = arith.addi %add3A_259, %add3A_358 : i32
        %add3A_360 = arith.constant 64 : i32
        %add3A_361 = arith.addi %add3A_359, %add3A_360 : i32
        %add3A_362 = vector.broadcast %add3A_361 : i32 to vector<16xi32>
        %add3A_363 = arith.addi %add3A_362, %iota3A : vector<16xi32>
        %and3A_364 = arith.constant 4095 : i32
        %and3A_365 = vector.broadcast %and3A_364 : i32 to vector<16xi32>
        %and3A_366 = arith.andi %add3A_363, %and3A_365 : vector<16xi32>
        %mul3A_367 = arith.constant 200 : i32
        %mul3A_368 = vector.broadcast %mul3A_367 : i32 to vector<16xi32>
        %mul3A_369 = arith.muli %and3A_366, %mul3A_368 : vector<16xi32>
        %shift_right_arithmetic3A_370 = arith.constant 12 : i32
        %shift_right_arithmetic3A_371 = vector.broadcast %shift_right_arithmetic3A_370 : i32 to vector<16xi32>
        %shift_right_arithmetic3A_372 = arith.shrsi %add3A_363, %shift_right_arithmetic3A_371 : vector<16xi32>
        %add3A_373 = arith.addi %mul3A_369, %shift_right_arithmetic3A_372 : vector<16xi32>
        %mul3A_374 = arith.constant 2 : i32
        %mul3A_375 = vector.broadcast %mul3A_374 : i32 to vector<16xi32>
        %mul3A_376 = arith.muli %add3A_373, %mul3A_375 : vector<16xi32>
        %swap3A_377 = arith.constant 2 : i32
        %swap3A_378 = arith.index_cast %swap3A_377 : i32 to index
        %swap3A_379 = arith.constant 64 : index
        %swap3A_380 = tpu.vector_load %arg11[%swap3A_378, %swap3A_379] {strides = array<i32>} : memref<8x128xi32, #tpu.memory_space<vmem>>, vector<1x16xi32>,
        %swap3A_381 = vector.shape_cast %swap3A_380 : vector<1x16xi32> to vector<16xi32>
        %swap3A_382 = vector.shape_cast %mul3A_376 : vector<16xi32> to vector<1x16xi32>
        tpu.vector_store %arg11[%swap3A_378, %swap3A_379], %swap3A_382 {strides = array<i32>} : memref<8x128xi32, #tpu.memory_space<vmem>>, vector<1x16xi32>,
        %add3A_383 = arith.constant 0 : i32
        %add3A_384 = arith.addi %add3A_259, %add3A_383 : i32
        %add3A_385 = arith.constant 80 : i32
        %add3A_386 = arith.addi %add3A_384, %add3A_385 : i32
        %add3A_387 = vector.broadcast %add3A_386 : i32 to vector<16xi32>
        %add3A_388 = arith.addi %add3A_387, %iota3A : vector<16xi32>
        %and3A_389 = arith.constant 4095 : i32
        %and3A_390 = vector.broadcast %and3A_389 : i32 to vector<16xi32>
        %and3A_391 = arith.andi %add3A_388, %and3A_390 : vector<16xi32>
        %mul3A_392 = arith.constant 200 : i32
        %mul3A_393 = vector.broadcast %mul3A_392 : i32 to vector<16xi32>
        %mul3A_394 = arith.muli %and3A_391, %mul3A_393 : vector<16xi32>
        %shift_right_arithmetic3A_395 = arith.constant 12 : i32
        %shift_right_arithmetic3A_396 = vector.broadcast %shift_right_arithmetic3A_395 : i32 to vector<16xi32>
        %shift_right_arithmetic3A_397 = arith.shrsi %add3A_388, %shift_right_arithmetic3A_396 : vector<16xi32>
        %add3A_398 = arith.addi %mul3A_394, %shift_right_arithmetic3A_397 : vector<16xi32>
        %mul3A_399 = arith.constant 2 : i32
        %mul3A_400 = vector.broadcast %mul3A_399 : i32 to vector<16xi32>
        %mul3A_401 = arith.muli %add3A_398, %mul3A_400 : vector<16xi32>
        %swap3A_402 = arith.constant 2 : i32
        %swap3A_403 = arith.index_cast %swap3A_402 : i32 to index
        %swap3A_404 = arith.constant 80 : index
        %swap3A_405 = tpu.vector_load %arg11[%swap3A_403, %swap3A_404] {strides = array<i32>} : memref<8x128xi32, #tpu.memory_space<vmem>>, vector<1x16xi32>,
        %swap3A_406 = vector.shape_cast %swap3A_405 : vector<1x16xi32> to vector<16xi32>
        %swap3A_407 = vector.shape_cast %mul3A_401 : vector<16xi32> to vector<1x16xi32>
        tpu.vector_store %arg11[%swap3A_403, %swap3A_404], %swap3A_407 {strides = array<i32>} : memref<8x128xi32, #tpu.memory_space<vmem>>, vector<1x16xi32>,
        %add3A_408 = arith.constant 0 : i32
        %add3A_409 = arith.addi %add3A_259, %add3A_408 : i32
        %add3A_410 = arith.constant 96 : i32
        %add3A_411 = arith.addi %add3A_409, %add3A_410 : i32
        %add3A_412 = vector.broadcast %add3A_411 : i32 to vector<16xi32>
        %add3A_413 = arith.addi %add3A_412, %iota3A : vector<16xi32>
        %and3A_414 = arith.constant 4095 : i32
        %and3A_415 = vector.broadcast %and3A_414 : i32 to vector<16xi32>
        %and3A_416 = arith.andi %add3A_413, %and3A_415 : vector<16xi32>
        %mul3A_417 = arith.constant 200 : i32
        %mul3A_418 = vector.broadcast %mul3A_417 : i32 to vector<16xi32>
        %mul3A_419 = arith.muli %and3A_416, %mul3A_418 : vector<16xi32>
        %shift_right_arithmetic3A_420 = arith.constant 12 : i32
        %shift_right_arithmetic3A_421 = vector.broadcast %shift_right_arithmetic3A_420 : i32 to vector<16xi32>
        %shift_right_arithmetic3A_422 = arith.shrsi %add3A_413, %shift_right_arithmetic3A_421 : vector<16xi32>
        %add3A_423 = arith.addi %mul3A_419, %shift_right_arithmetic3A_422 : vector<16xi32>
        %mul3A_424 = arith.constant 2 : i32
        %mul3A_425 = vector.broadcast %mul3A_424 : i32 to vector<16xi32>
        %mul3A_426 = arith.muli %add3A_423, %mul3A_425 : vector<16xi32>
        %swap3A_427 = arith.constant 2 : i32
        %swap3A_428 = arith.index_cast %swap3A_427 : i32 to index
        %swap3A_429 = arith.constant 96 : index
        %swap3A_430 = tpu.vector_load %arg11[%swap3A_428, %swap3A_429] {strides = array<i32>} : memref<8x128xi32, #tpu.memory_space<vmem>>, vector<1x16xi32>,
        %swap3A_431 = vector.shape_cast %swap3A_430 : vector<1x16xi32> to vector<16xi32>
        %swap3A_432 = vector.shape_cast %mul3A_426 : vector<16xi32> to vector<1x16xi32>
        tpu.vector_store %arg11[%swap3A_428, %swap3A_429], %swap3A_432 {strides = array<i32>} : memref<8x128xi32, #tpu.memory_space<vmem>>, vector<1x16xi32>,
        %add3A_433 = arith.constant 0 : i32
        %add3A_434 = arith.addi %add3A_259, %add3A_433 : i32
        %add3A_435 = arith.constant 112 : i32
        %add3A_436 = arith.addi %add3A_434, %add3A_435 : i32
        %add3A_437 = vector.broadcast %add3A_436 : i32 to vector<16xi32>
        %add3A_438 = arith.addi %add3A_437, %iota3A : vector<16xi32>
        %and3A_439 = arith.constant 4095 : i32
        %and3A_440 = vector.broadcast %and3A_439 : i32 to vector<16xi32>
        %and3A_441 = arith.andi %add3A_438, %and3A_440 : vector<16xi32>
        %mul3A_442 = arith.constant 200 : i32
        %mul3A_443 = vector.broadcast %mul3A_442 : i32 to vector<16xi32>
        %mul3A_444 = arith.muli %and3A_441, %mul3A_443 : vector<16xi32>
        %shift_right_arithmetic3A_445 = arith.constant 12 : i32
        %shift_right_arithmetic3A_446 = vector.broadcast %shift_right_arithmetic3A_445 : i32 to vector<16xi32>
        %shift_right_arithmetic3A_447 = arith.shrsi %add3A_438, %shift_right_arithmetic3A_446 : vector<16xi32>
        %add3A_448 = arith.addi %mul3A_444, %shift_right_arithmetic3A_447 : vector<16xi32>
        %mul3A_449 = arith.constant 2 : i32
        %mul3A_450 = vector.broadcast %mul3A_449 : i32 to vector<16xi32>
        %mul3A_451 = arith.muli %add3A_448, %mul3A_450 : vector<16xi32>
        %swap3A_452 = arith.constant 2 : i32
        %swap3A_453 = arith.index_cast %swap3A_452 : i32 to index
        %swap3A_454 = arith.constant 112 : index
        %swap3A_455 = tpu.vector_load %arg11[%swap3A_453, %swap3A_454] {strides = array<i32>} : memref<8x128xi32, #tpu.memory_space<vmem>>, vector<1x16xi32>,
        %swap3A_456 = vector.shape_cast %swap3A_455 : vector<1x16xi32> to vector<16xi32>
        %swap3A_457 = vector.shape_cast %mul3A_451 : vector<16xi32> to vector<1x16xi32>
        tpu.vector_store %arg11[%swap3A_453, %swap3A_454], %swap3A_457 {strides = array<i32>} : memref<8x128xi32, #tpu.memory_space<vmem>>, vector<1x16xi32>,
        %add3A_458 = arith.constant 128 : i32
        %add3A_459 = arith.addi %add3A_259, %add3A_458 : i32
        %add3A_460 = arith.constant 0 : i32
        %add3A_461 = arith.addi %add3A_459, %add3A_460 : i32
        %add3A_462 = vector.broadcast %add3A_461 : i32 to vector<16xi32>
        %add3A_463 = arith.addi %add3A_462, %iota3A : vector<16xi32>
        %and3A_464 = arith.constant 4095 : i32
        %and3A_465 = vector.broadcast %and3A_464 : i32 to vector<16xi32>
        %and3A_466 = arith.andi %add3A_463, %and3A_465 : vector<16xi32>
        %mul3A_467 = arith.constant 200 : i32
        %mul3A_468 = vector.broadcast %mul3A_467 : i32 to vector<16xi32>
        %mul3A_469 = arith.muli %and3A_466, %mul3A_468 : vector<16xi32>
        %shift_right_arithmetic3A_470 = arith.constant 12 : i32
        %shift_right_arithmetic3A_471 = vector.broadcast %shift_right_arithmetic3A_470 : i32 to vector<16xi32>
        %shift_right_arithmetic3A_472 = arith.shrsi %add3A_463, %shift_right_arithmetic3A_471 : vector<16xi32>
        %add3A_473 = arith.addi %mul3A_469, %shift_right_arithmetic3A_472 : vector<16xi32>
        %mul3A_474 = arith.constant 2 : i32
        %mul3A_475 = vector.broadcast %mul3A_474 : i32 to vector<16xi32>
        %mul3A_476 = arith.muli %add3A_473, %mul3A_475 : vector<16xi32>
        %swap3A_477 = arith.constant 3 : i32
        %swap3A_478 = arith.index_cast %swap3A_477 : i32 to index
        %swap3A_479 = arith.constant 0 : index
        %swap3A_480 = tpu.vector_load %arg11[%swap3A_478, %swap3A_479] {strides = array<i32>} : memref<8x128xi32, #tpu.memory_space<vmem>>, vector<1x16xi32>,
        %swap3A_481 = vector.shape_cast %swap3A_480 : vector<1x16xi32> to vector<16xi32>
        %swap3A_482 = vector.shape_cast %mul3A_476 : vector<16xi32> to vector<1x16xi32>
        tpu.vector_store %arg11[%swap3A_478, %swap3A_479], %swap3A_482 {strides = array<i32>} : memref<8x128xi32, #tpu.memory_space<vmem>>, vector<1x16xi32>,
        %add3A_483 = arith.constant 128 : i32
        %add3A_484 = arith.addi %add3A_259, %add3A_483 : i32
        %add3A_485 = arith.constant 16 : i32
        %add3A_486 = arith.addi %add3A_484, %add3A_485 : i32
        %add3A_487 = vector.broadcast %add3A_486 : i32 to vector<16xi32>
        %add3A_488 = arith.addi %add3A_487, %iota3A : vector<16xi32>
        %and3A_489 = arith.constant 4095 : i32
        %and3A_490 = vector.broadcast %and3A_489 : i32 to vector<16xi32>
        %and3A_491 = arith.andi %add3A_488, %and3A_490 : vector<16xi32>
        %mul3A_492 = arith.constant 200 : i32
        %mul3A_493 = vector.broadcast %mul3A_492 : i32 to vector<16xi32>
        %mul3A_494 = arith.muli %and3A_491, %mul3A_493 : vector<16xi32>
        %shift_right_arithmetic3A_495 = arith.constant 12 : i32
        %shift_right_arithmetic3A_496 = vector.broadcast %shift_right_arithmetic3A_495 : i32 to vector<16xi32>
        %shift_right_arithmetic3A_497 = arith.shrsi %add3A_488, %shift_right_arithmetic3A_496 : vector<16xi32>
        %add3A_498 = arith.addi %mul3A_494, %shift_right_arithmetic3A_497 : vector<16xi32>
        %mul3A_499 = arith.constant 2 : i32
        %mul3A_500 = vector.broadcast %mul3A_499 : i32 to vector<16xi32>
        %mul3A_501 = arith.muli %add3A_498, %mul3A_500 : vector<16xi32>
        %swap3A_502 = arith.constant 3 : i32
        %swap3A_503 = arith.index_cast %swap3A_502 : i32 to index
        %swap3A_504 = arith.constant 16 : index
        %swap3A_505 = tpu.vector_load %arg11[%swap3A_503, %swap3A_504] {strides = array<i32>} : memref<8x128xi32, #tpu.memory_space<vmem>>, vector<1x16xi32>,
        %swap3A_506 = vector.shape_cast %swap3A_505 : vector<1x16xi32> to vector<16xi32>
        %swap3A_507 = vector.shape_cast %mul3A_501 : vector<16xi32> to vector<1x16xi32>
        tpu.vector_store %arg11[%swap3A_503, %swap3A_504], %swap3A_507 {strides = array<i32>} : memref<8x128xi32, #tpu.memory_space<vmem>>, vector<1x16xi32>,
        %add3A_508 = arith.constant 128 : i32
        %add3A_509 = arith.addi %add3A_259, %add3A_508 : i32
        %add3A_510 = arith.constant 32 : i32
        %add3A_511 = arith.addi %add3A_509, %add3A_510 : i32
        %add3A_512 = vector.broadcast %add3A_511 : i32 to vector<16xi32>
        %add3A_513 = arith.addi %add3A_512, %iota3A : vector<16xi32>
        %and3A_514 = arith.constant 4095 : i32
        %and3A_515 = vector.broadcast %and3A_514 : i32 to vector<16xi32>
        %and3A_516 = arith.andi %add3A_513, %and3A_515 : vector<16xi32>
        %mul3A_517 = arith.constant 200 : i32
        %mul3A_518 = vector.broadcast %mul3A_517 : i32 to vector<16xi32>
        %mul3A_519 = arith.muli %and3A_516, %mul3A_518 : vector<16xi32>
        %shift_right_arithmetic3A_520 = arith.constant 12 : i32
        %shift_right_arithmetic3A_521 = vector.broadcast %shift_right_arithmetic3A_520 : i32 to vector<16xi32>
        %shift_right_arithmetic3A_522 = arith.shrsi %add3A_513, %shift_right_arithmetic3A_521 : vector<16xi32>
        %add3A_523 = arith.addi %mul3A_519, %shift_right_arithmetic3A_522 : vector<16xi32>
        %mul3A_524 = arith.constant 2 : i32
        %mul3A_525 = vector.broadcast %mul3A_524 : i32 to vector<16xi32>
        %mul3A_526 = arith.muli %add3A_523, %mul3A_525 : vector<16xi32>
        %swap3A_527 = arith.constant 3 : i32
        %swap3A_528 = arith.index_cast %swap3A_527 : i32 to index
        %swap3A_529 = arith.constant 32 : index
        %swap3A_530 = tpu.vector_load %arg11[%swap3A_528, %swap3A_529] {strides = array<i32>} : memref<8x128xi32, #tpu.memory_space<vmem>>, vector<1x16xi32>,
        %swap3A_531 = vector.shape_cast %swap3A_530 : vector<1x16xi32> to vector<16xi32>
        %swap3A_532 = vector.shape_cast %mul3A_526 : vector<16xi32> to vector<1x16xi32>
        tpu.vector_store %arg11[%swap3A_528, %swap3A_529], %swap3A_532 {strides = array<i32>} : memref<8x128xi32, #tpu.memory_space<vmem>>, vector<1x16xi32>,
        %add3A_533 = arith.constant 128 : i32
        %add3A_534 = arith.addi %add3A_259, %add3A_533 : i32
        %add3A_535 = arith.constant 48 : i32
        %add3A_536 = arith.addi %add3A_534, %add3A_535 : i32
        %add3A_537 = vector.broadcast %add3A_536 : i32 to vector<16xi32>
        %add3A_538 = arith.addi %add3A_537, %iota3A : vector<16xi32>
        %and3A_539 = arith.constant 4095 : i32
        %and3A_540 = vector.broadcast %and3A_539 : i32 to vector<16xi32>
        %and3A_541 = arith.andi %add3A_538, %and3A_540 : vector<16xi32>
        %mul3A_542 = arith.constant 200 : i32
        %mul3A_543 = vector.broadcast %mul3A_542 : i32 to vector<16xi32>
        %mul3A_544 = arith.muli %and3A_541, %mul3A_543 : vector<16xi32>
        %shift_right_arithmetic3A_545 = arith.constant 12 : i32
        %shift_right_arithmetic3A_546 = vector.broadcast %shift_right_arithmetic3A_545 : i32 to vector<16xi32>
        %shift_right_arithmetic3A_547 = arith.shrsi %add3A_538, %shift_right_arithmetic3A_546 : vector<16xi32>
        %add3A_548 = arith.addi %mul3A_544, %shift_right_arithmetic3A_547 : vector<16xi32>
        %mul3A_549 = arith.constant 2 : i32
        %mul3A_550 = vector.broadcast %mul3A_549 : i32 to vector<16xi32>
        %mul3A_551 = arith.muli %add3A_548, %mul3A_550 : vector<16xi32>
        %swap3A_552 = arith.constant 3 : i32
        %swap3A_553 = arith.index_cast %swap3A_552 : i32 to index
        %swap3A_554 = arith.constant 48 : index
        %swap3A_555 = tpu.vector_load %arg11[%swap3A_553, %swap3A_554] {strides = array<i32>} : memref<8x128xi32, #tpu.memory_space<vmem>>, vector<1x16xi32>,
        %swap3A_556 = vector.shape_cast %swap3A_555 : vector<1x16xi32> to vector<16xi32>
        %swap3A_557 = vector.shape_cast %mul3A_551 : vector<16xi32> to vector<1x16xi32>
        tpu.vector_store %arg11[%swap3A_553, %swap3A_554], %swap3A_557 {strides = array<i32>} : memref<8x128xi32, #tpu.memory_space<vmem>>, vector<1x16xi32>,
        %add3A_558 = arith.constant 128 : i32
        %add3A_559 = arith.addi %add3A_259, %add3A_558 : i32
        %add3A_560 = arith.constant 64 : i32
        %add3A_561 = arith.addi %add3A_559, %add3A_560 : i32
        %add3A_562 = vector.broadcast %add3A_561 : i32 to vector<16xi32>
        %add3A_563 = arith.addi %add3A_562, %iota3A : vector<16xi32>
        %and3A_564 = arith.constant 4095 : i32
        %and3A_565 = vector.broadcast %and3A_564 : i32 to vector<16xi32>
        %and3A_566 = arith.andi %add3A_563, %and3A_565 : vector<16xi32>
        %mul3A_567 = arith.constant 200 : i32
        %mul3A_568 = vector.broadcast %mul3A_567 : i32 to vector<16xi32>
        %mul3A_569 = arith.muli %and3A_566, %mul3A_568 : vector<16xi32>
        %shift_right_arithmetic3A_570 = arith.constant 12 : i32
        %shift_right_arithmetic3A_571 = vector.broadcast %shift_right_arithmetic3A_570 : i32 to vector<16xi32>
        %shift_right_arithmetic3A_572 = arith.shrsi %add3A_563, %shift_right_arithmetic3A_571 : vector<16xi32>
        %add3A_573 = arith.addi %mul3A_569, %shift_right_arithmetic3A_572 : vector<16xi32>
        %mul3A_574 = arith.constant 2 : i32
        %mul3A_575 = vector.broadcast %mul3A_574 : i32 to vector<16xi32>
        %mul3A_576 = arith.muli %add3A_573, %mul3A_575 : vector<16xi32>
        %swap3A_577 = arith.constant 3 : i32
        %swap3A_578 = arith.index_cast %swap3A_577 : i32 to index
        %swap3A_579 = arith.constant 64 : index
        %swap3A_580 = tpu.vector_load %arg11[%swap3A_578, %swap3A_579] {strides = array<i32>} : memref<8x128xi32, #tpu.memory_space<vmem>>, vector<1x16xi32>,
        %swap3A_581 = vector.shape_cast %swap3A_580 : vector<1x16xi32> to vector<16xi32>
        %swap3A_582 = vector.shape_cast %mul3A_576 : vector<16xi32> to vector<1x16xi32>
        tpu.vector_store %arg11[%swap3A_578, %swap3A_579], %swap3A_582 {strides = array<i32>} : memref<8x128xi32, #tpu.memory_space<vmem>>, vector<1x16xi32>,
        %add3A_583 = arith.constant 128 : i32
        %add3A_584 = arith.addi %add3A_259, %add3A_583 : i32
        %add3A_585 = arith.constant 80 : i32
        %add3A_586 = arith.addi %add3A_584, %add3A_585 : i32
        %add3A_587 = vector.broadcast %add3A_586 : i32 to vector<16xi32>
        %add3A_588 = arith.addi %add3A_587, %iota3A : vector<16xi32>
        %and3A_589 = arith.constant 4095 : i32
        %and3A_590 = vector.broadcast %and3A_589 : i32 to vector<16xi32>
        %and3A_591 = arith.andi %add3A_588, %and3A_590 : vector<16xi32>
        %mul3A_592 = arith.constant 200 : i32
        %mul3A_593 = vector.broadcast %mul3A_592 : i32 to vector<16xi32>
        %mul3A_594 = arith.muli %and3A_591, %mul3A_593 : vector<16xi32>
        %shift_right_arithmetic3A_595 = arith.constant 12 : i32
        %shift_right_arithmetic3A_596 = vector.broadcast %shift_right_arithmetic3A_595 : i32 to vector<16xi32>
        %shift_right_arithmetic3A_597 = arith.shrsi %add3A_588, %shift_right_arithmetic3A_596 : vector<16xi32>
        %add3A_598 = arith.addi %mul3A_594, %shift_right_arithmetic3A_597 : vector<16xi32>
        %mul3A_599 = arith.constant 2 : i32
        %mul3A_600 = vector.broadcast %mul3A_599 : i32 to vector<16xi32>
        %mul3A_601 = arith.muli %add3A_598, %mul3A_600 : vector<16xi32>
        %swap3A_602 = arith.constant 3 : i32
        %swap3A_603 = arith.index_cast %swap3A_602 : i32 to index
        %swap3A_604 = arith.constant 80 : index
        %swap3A_605 = tpu.vector_load %arg11[%swap3A_603, %swap3A_604] {strides = array<i32>} : memref<8x128xi32, #tpu.memory_space<vmem>>, vector<1x16xi32>,
        %swap3A_606 = vector.shape_cast %swap3A_605 : vector<1x16xi32> to vector<16xi32>
        %swap3A_607 = vector.shape_cast %mul3A_601 : vector<16xi32> to vector<1x16xi32>
        tpu.vector_store %arg11[%swap3A_603, %swap3A_604], %swap3A_607 {strides = array<i32>} : memref<8x128xi32, #tpu.memory_space<vmem>>, vector<1x16xi32>,
        %add3A_608 = arith.constant 128 : i32
        %add3A_609 = arith.addi %add3A_259, %add3A_608 : i32
        %add3A_610 = arith.constant 96 : i32
        %add3A_611 = arith.addi %add3A_609, %add3A_610 : i32
        %add3A_612 = vector.broadcast %add3A_611 : i32 to vector<16xi32>
        %add3A_613 = arith.addi %add3A_612, %iota3A : vector<16xi32>
        %and3A_614 = arith.constant 4095 : i32
        %and3A_615 = vector.broadcast %and3A_614 : i32 to vector<16xi32>
        %and3A_616 = arith.andi %add3A_613, %and3A_615 : vector<16xi32>
        %mul3A_617 = arith.constant 200 : i32
        %mul3A_618 = vector.broadcast %mul3A_617 : i32 to vector<16xi32>
        %mul3A_619 = arith.muli %and3A_616, %mul3A_618 : vector<16xi32>
        %shift_right_arithmetic3A_620 = arith.constant 12 : i32
        %shift_right_arithmetic3A_621 = vector.broadcast %shift_right_arithmetic3A_620 : i32 to vector<16xi32>
        %shift_right_arithmetic3A_622 = arith.shrsi %add3A_613, %shift_right_arithmetic3A_621 : vector<16xi32>
        %add3A_623 = arith.addi %mul3A_619, %shift_right_arithmetic3A_622 : vector<16xi32>
        %mul3A_624 = arith.constant 2 : i32
        %mul3A_625 = vector.broadcast %mul3A_624 : i32 to vector<16xi32>
        %mul3A_626 = arith.muli %add3A_623, %mul3A_625 : vector<16xi32>
        %swap3A_627 = arith.constant 3 : i32
        %swap3A_628 = arith.index_cast %swap3A_627 : i32 to index
        %swap3A_629 = arith.constant 96 : index
        %swap3A_630 = tpu.vector_load %arg11[%swap3A_628, %swap3A_629] {strides = array<i32>} : memref<8x128xi32, #tpu.memory_space<vmem>>, vector<1x16xi32>,
        %swap3A_631 = vector.shape_cast %swap3A_630 : vector<1x16xi32> to vector<16xi32>
        %swap3A_632 = vector.shape_cast %mul3A_626 : vector<16xi32> to vector<1x16xi32>
        tpu.vector_store %arg11[%swap3A_628, %swap3A_629], %swap3A_632 {strides = array<i32>} : memref<8x128xi32, #tpu.memory_space<vmem>>, vector<1x16xi32>,
        %add3A_633 = arith.constant 128 : i32
        %add3A_634 = arith.addi %add3A_259, %add3A_633 : i32
        %add3A_635 = arith.constant 112 : i32
        %add3A_636 = arith.addi %add3A_634, %add3A_635 : i32
        %add3A_637 = vector.broadcast %add3A_636 : i32 to vector<16xi32>
        %add3A_638 = arith.addi %add3A_637, %iota3A : vector<16xi32>
        %and3A_639 = arith.constant 4095 : i32
        %and3A_640 = vector.broadcast %and3A_639 : i32 to vector<16xi32>
        %and3A_641 = arith.andi %add3A_638, %and3A_640 : vector<16xi32>
        %mul3A_642 = arith.constant 200 : i32
        %mul3A_643 = vector.broadcast %mul3A_642 : i32 to vector<16xi32>
        %mul3A_644 = arith.muli %and3A_641, %mul3A_643 : vector<16xi32>
        %shift_right_arithmetic3A_645 = arith.constant 12 : i32
        %shift_right_arithmetic3A_646 = vector.broadcast %shift_right_arithmetic3A_645 : i32 to vector<16xi32>
        %shift_right_arithmetic3A_647 = arith.shrsi %add3A_638, %shift_right_arithmetic3A_646 : vector<16xi32>
        %add3A_648 = arith.addi %mul3A_644, %shift_right_arithmetic3A_647 : vector<16xi32>
        %mul3A_649 = arith.constant 2 : i32
        %mul3A_650 = vector.broadcast %mul3A_649 : i32 to vector<16xi32>
        %mul3A_651 = arith.muli %add3A_648, %mul3A_650 : vector<16xi32>
        %swap3A_652 = arith.constant 3 : i32
        %swap3A_653 = arith.index_cast %swap3A_652 : i32 to index
        %swap3A_654 = arith.constant 112 : index
        %swap3A_655 = tpu.vector_load %arg11[%swap3A_653, %swap3A_654] {strides = array<i32>} : memref<8x128xi32, #tpu.memory_space<vmem>>, vector<1x16xi32>,
        %swap3A_656 = vector.shape_cast %swap3A_655 : vector<1x16xi32> to vector<16xi32>
        %swap3A_657 = vector.shape_cast %mul3A_651 : vector<16xi32> to vector<1x16xi32>
        tpu.vector_store %arg11[%swap3A_653, %swap3A_654], %swap3A_657 {strides = array<i32>} : memref<8x128xi32, #tpu.memory_space<vmem>>, vector<1x16xi32>,
        %dma_start3A = arith.constant 2 : i32
        %dma_start3A_658 = arith.constant 1 : i32
        %dma_start3A_659 = arith.constant 0 : i32
        %dma_start3A_660 = arith.constant 0 : i32
        %dma_start3A_661 = tpu.memref_slice %arg13[%dma_start3A_659, %dma_start3A_660] : memref<256x64xf32, #tpu.memory_space<vmem>> -> memref<128x64xf32, #tpu.memory_space<vmem>>
        %dma_start3A_662 = arith.constant 0 : i32
        %dma_start3A_663 = tpu.memref_slice %arg11[%dma_start3A, %dma_start3A_662] : memref<8x128xi32, #tpu.memory_space<vmem>> -> memref<1x128xi32, #tpu.memory_space<vmem>>
        %dma_start3A_664 = tpu.memref_squeeze %dma_start3A_663 : memref<1x128xi32, #tpu.memory_space<vmem>> -> memref<128xi32, #tpu.memory_space<vmem>>
        %dma_start3A_665 = arith.constant 0 : i32
        %dma_start3A_666 = arith.constant 0 : i32
        %dma_start3A_667 = tpu.memref_slice %arg7[%dma_start3A_665, %dma_start3A_666] : memref<1638400x64xf32, #tpu.memory_space<hbm>> -> memref<1638400x64xf32, #tpu.memory_space<hbm>>
        %dma_start3A_668 = tpu.memref_slice %arg16[%dma_start3A_658] : memref<4x!tpu.dma_semaphore, #tpu.memory_space<semaphore_mem>> -> memref<1x!tpu.dma_semaphore, #tpu.memory_space<semaphore_mem>>
        %dma_start3A_669 = tpu.memref_squeeze %dma_start3A_668 : memref<1x!tpu.dma_semaphore, #tpu.memory_space<semaphore_mem>> -> memref<!tpu.dma_semaphore, #tpu.memory_space<semaphore_mem>>
        tpu.enqueue_indirect_dma source(%dma_start3A_661 : memref<128x64xf32, #tpu.memory_space<vmem>>) target(%dma_start3A_667 : memref<1638400x64xf32, #tpu.memory_space<hbm>>) offsets(%dma_start3A_664 : memref<128xi32, #tpu.memory_space<vmem>>) semaphore(%dma_start3A_669 : memref<!tpu.dma_semaphore, #tpu.memory_space<semaphore_mem>>)
        %dma_start3A_670 = arith.constant 3 : i32
        %dma_start3A_671 = arith.constant 1 : i32
        %dma_start3A_672 = arith.constant 128 : i32
        %dma_start3A_673 = arith.constant 0 : i32
        %dma_start3A_674 = tpu.memref_slice %arg13[%dma_start3A_672, %dma_start3A_673] : memref<256x64xf32, #tpu.memory_space<vmem>> -> memref<128x64xf32, #tpu.memory_space<vmem>>
        %dma_start3A_675 = arith.constant 0 : i32
        %dma_start3A_676 = tpu.memref_slice %arg11[%dma_start3A_670, %dma_start3A_675] : memref<8x128xi32, #tpu.memory_space<vmem>> -> memref<1x128xi32, #tpu.memory_space<vmem>>
        %dma_start3A_677 = tpu.memref_squeeze %dma_start3A_676 : memref<1x128xi32, #tpu.memory_space<vmem>> -> memref<128xi32, #tpu.memory_space<vmem>>
        %dma_start3A_678 = arith.constant 0 : i32
        %dma_start3A_679 = arith.constant 0 : i32
        %dma_start3A_680 = tpu.memref_slice %arg7[%dma_start3A_678, %dma_start3A_679] : memref<1638400x64xf32, #tpu.memory_space<hbm>> -> memref<1638400x64xf32, #tpu.memory_space<hbm>>
        %dma_start3A_681 = tpu.memref_slice %arg16[%dma_start3A_671] : memref<4x!tpu.dma_semaphore, #tpu.memory_space<semaphore_mem>> -> memref<1x!tpu.dma_semaphore, #tpu.memory_space<semaphore_mem>>
        %dma_start3A_682 = tpu.memref_squeeze %dma_start3A_681 : memref<1x!tpu.dma_semaphore, #tpu.memory_space<semaphore_mem>> -> memref<!tpu.dma_semaphore, #tpu.memory_space<semaphore_mem>>
        tpu.enqueue_indirect_dma source(%dma_start3A_674 : memref<128x64xf32, #tpu.memory_space<vmem>>) target(%dma_start3A_680 : memref<1638400x64xf32, #tpu.memory_space<hbm>>) offsets(%dma_start3A_677 : memref<128xi32, #tpu.memory_space<vmem>>) semaphore(%dma_start3A_682 : memref<!tpu.dma_semaphore, #tpu.memory_space<semaphore_mem>>)
      } else {
      }
      %ge3A_126 = arith.constant 2 : i32
      %ge3A_127 = arith.cmpi sge, %add3A_122, %ge3A_126 : i32
      %lt3A_128 = arith.constant 52 : i32
      %lt3A_129 = arith.cmpi slt, %add3A_122, %lt3A_128 : i32
      %and3A_130 = arith.andi %ge3A_127, %lt3A_129 : i1
      %convert_element_type3A_131 = arith.extui %and3A_130 : i1 to i32
      %cond3A_132 = arith.constant 0 : i32
      %cond3A_133 = arith.cmpi ne, %convert_element_type3A_131, %cond3A_132 : i32
      scf.if %cond3A_133 {
        %dma_wait3A_247 = arith.constant 2 : i32
        %dma_wait3A_248 = arith.constant 0 : i32
        %dma_wait3A_249 = arith.constant 0 : i32
        %dma_wait3A_250 = tpu.memref_slice %arg7[%dma_wait3A_248, %dma_wait3A_249] : memref<1638400x64xf32, #tpu.memory_space<hbm>> -> memref<256x64xf32, #tpu.memory_space<hbm>>
        %dma_wait3A_251 = tpu.memref_slice %arg16[%dma_wait3A_247] : memref<4x!tpu.dma_semaphore, #tpu.memory_space<semaphore_mem>> -> memref<1x!tpu.dma_semaphore, #tpu.memory_space<semaphore_mem>>
        %dma_wait3A_252 = tpu.memref_squeeze %dma_wait3A_251 : memref<1x!tpu.dma_semaphore, #tpu.memory_space<semaphore_mem>> -> memref<!tpu.dma_semaphore, #tpu.memory_space<semaphore_mem>>
        %dma_wait3A_253 = arith.constant 0 : i32
        %dma_wait3A_254 = arith.constant 0 : i32
        %dma_wait3A_255 = tpu.memref_slice %arg7[%dma_wait3A_253, %dma_wait3A_254] : memref<1638400x64xf32, #tpu.memory_space<hbm>> -> memref<256x64xf32, #tpu.memory_space<hbm>>
        tpu.wait_dma2 semaphore(%dma_wait3A_252 : memref<!tpu.dma_semaphore, #tpu.memory_space<semaphore_mem>>) src(%dma_wait3A_255 : memref<256x64xf32, #tpu.memory_space<hbm>>) dst(%arg14 : memref<256x64xf32, #tpu.memory_space<vmem>>)
        %sub3A = arith.constant 2 : i32
        %sub3A_256 = arith.subi %add3A_122, %sub3A : i32
        %mul3A_257 = arith.constant 2 : i32
        %mul3A_258 = arith.muli %sub3A_256, %mul3A_257 : i32
        %add3A_259 = arith.constant 0 : i32
        %add3A_260 = arith.addi %mul3A_258, %add3A_259 : i32
        %dma_start3A = arith.constant 2 : i32
        %dma_start3A_261 = arith.constant 0 : i32
        %dma_start3A_262 = arith.constant 0 : i32
        %dma_start3A_263 = tpu.memref_slice %arg14[%dma_start3A_261, %dma_start3A_262] : memref<256x64xf32, #tpu.memory_space<vmem>> -> memref<128x64xf32, #tpu.memory_space<vmem>>
        %dma_start3A_264 = arith.constant 0 : i32
        %dma_start3A_265 = tpu.memref_slice %arg10[%add3A_260, %dma_start3A_264] : memref<100x128xi32, #tpu.memory_space<vmem>> -> memref<1x128xi32, #tpu.memory_space<vmem>>
        %dma_start3A_266 = tpu.memref_squeeze %dma_start3A_265 : memref<1x128xi32, #tpu.memory_space<vmem>> -> memref<128xi32, #tpu.memory_space<vmem>>
        %dma_start3A_267 = arith.constant 0 : i32
        %dma_start3A_268 = arith.constant 0 : i32
        %dma_start3A_269 = tpu.memref_slice %arg6[%dma_start3A_267, %dma_start3A_268] : memref<600x64xf32, #tpu.memory_space<hbm>> -> memref<600x64xf32, #tpu.memory_space<hbm>>
        %dma_start3A_270 = tpu.memref_slice %arg16[%dma_start3A] : memref<4x!tpu.dma_semaphore, #tpu.memory_space<semaphore_mem>> -> memref<1x!tpu.dma_semaphore, #tpu.memory_space<semaphore_mem>>
        %dma_start3A_271 = tpu.memref_squeeze %dma_start3A_270 : memref<1x!tpu.dma_semaphore, #tpu.memory_space<semaphore_mem>> -> memref<!tpu.dma_semaphore, #tpu.memory_space<semaphore_mem>>
        tpu.enqueue_indirect_dma source(%dma_start3A_269 : memref<600x64xf32, #tpu.memory_space<hbm>>) target(%dma_start3A_263 : memref<128x64xf32, #tpu.memory_space<vmem>>) offsets(%dma_start3A_266 : memref<128xi32, #tpu.memory_space<vmem>>) semaphore(%dma_start3A_271 : memref<!tpu.dma_semaphore, #tpu.memory_space<semaphore_mem>>) {add = true}
        %sub3A_272 = arith.constant 2 : i32
        %sub3A_273 = arith.subi %add3A_122, %sub3A_272 : i32
        %mul3A_274 = arith.constant 2 : i32
        %mul3A_275 = arith.muli %sub3A_273, %mul3A_274 : i32
        %add3A_276 = arith.constant 1 : i32
        %add3A_277 = arith.addi %mul3A_275, %add3A_276 : i32
        %dma_start3A_278 = arith.constant 2 : i32
        %dma_start3A_279 = arith.constant 128 : i32
        %dma_start3A_280 = arith.constant 0 : i32
        %dma_start3A_281 = tpu.memref_slice %arg14[%dma_start3A_279, %dma_start3A_280] : memref<256x64xf32, #tpu.memory_space<vmem>> -> memref<128x64xf32, #tpu.memory_space<vmem>>
        %dma_start3A_282 = arith.constant 0 : i32
        %dma_start3A_283 = tpu.memref_slice %arg10[%add3A_277, %dma_start3A_282] : memref<100x128xi32, #tpu.memory_space<vmem>> -> memref<1x128xi32, #tpu.memory_space<vmem>>
        %dma_start3A_284 = tpu.memref_squeeze %dma_start3A_283 : memref<1x128xi32, #tpu.memory_space<vmem>> -> memref<128xi32, #tpu.memory_space<vmem>>
        %dma_start3A_285 = arith.constant 0 : i32
        %dma_start3A_286 = arith.constant 0 : i32
        %dma_start3A_287 = tpu.memref_slice %arg6[%dma_start3A_285, %dma_start3A_286] : memref<600x64xf32, #tpu.memory_space<hbm>> -> memref<600x64xf32, #tpu.memory_space<hbm>>
        %dma_start3A_288 = tpu.memref_slice %arg16[%dma_start3A_278] : memref<4x!tpu.dma_semaphore, #tpu.memory_space<semaphore_mem>> -> memref<1x!tpu.dma_semaphore, #tpu.memory_space<semaphore_mem>>
        %dma_start3A_289 = tpu.memref_squeeze %dma_start3A_288 : memref<1x!tpu.dma_semaphore, #tpu.memory_space<semaphore_mem>> -> memref<!tpu.dma_semaphore, #tpu.memory_space<semaphore_mem>>
        tpu.enqueue_indirect_dma source(%dma_start3A_287 : memref<600x64xf32, #tpu.memory_space<hbm>>) target(%dma_start3A_281 : memref<128x64xf32, #tpu.memory_space<vmem>>) offsets(%dma_start3A_284 : memref<128xi32, #tpu.memory_space<vmem>>) semaphore(%dma_start3A_289 : memref<!tpu.dma_semaphore, #tpu.memory_space<semaphore_mem>>) {add = true}
      } else {
      }
      %ge3A_134 = arith.constant 1 : i32
      %ge3A_135 = arith.cmpi sge, %add3A_122, %ge3A_134 : i32
      %lt3A_136 = arith.constant 51 : i32
      %lt3A_137 = arith.cmpi slt, %add3A_122, %lt3A_136 : i32
      %and3A_138 = arith.andi %ge3A_135, %lt3A_137 : i1
      %convert_element_type3A_139 = arith.extui %and3A_138 : i1 to i32
      %cond3A_140 = arith.constant 0 : i32
      %cond3A_141 = arith.cmpi ne, %convert_element_type3A_139, %cond3A_140 : i32
      scf.if %cond3A_141 {
        %dma_wait3A_247 = arith.constant 3 : i32
        %dma_wait3A_248 = arith.constant 0 : i32
        %dma_wait3A_249 = arith.constant 0 : i32
        %dma_wait3A_250 = tpu.memref_slice %arg7[%dma_wait3A_248, %dma_wait3A_249] : memref<1638400x64xf32, #tpu.memory_space<hbm>> -> memref<256x64xf32, #tpu.memory_space<hbm>>
        %dma_wait3A_251 = tpu.memref_slice %arg16[%dma_wait3A_247] : memref<4x!tpu.dma_semaphore, #tpu.memory_space<semaphore_mem>> -> memref<1x!tpu.dma_semaphore, #tpu.memory_space<semaphore_mem>>
        %dma_wait3A_252 = tpu.memref_squeeze %dma_wait3A_251 : memref<1x!tpu.dma_semaphore, #tpu.memory_space<semaphore_mem>> -> memref<!tpu.dma_semaphore, #tpu.memory_space<semaphore_mem>>
        %dma_wait3A_253 = arith.constant 0 : i32
        %dma_wait3A_254 = arith.constant 0 : i32
        %dma_wait3A_255 = tpu.memref_slice %arg7[%dma_wait3A_253, %dma_wait3A_254] : memref<1638400x64xf32, #tpu.memory_space<hbm>> -> memref<256x64xf32, #tpu.memory_space<hbm>>
        tpu.wait_dma2 semaphore(%dma_wait3A_252 : memref<!tpu.dma_semaphore, #tpu.memory_space<semaphore_mem>>) src(%dma_wait3A_255 : memref<256x64xf32, #tpu.memory_space<hbm>>) dst(%arg15 : memref<256x64xf32, #tpu.memory_space<vmem>>)
        %sub3A = arith.constant 1 : i32
        %sub3A_256 = arith.subi %add3A_122, %sub3A : i32
        %mul3A_257 = arith.constant 2 : i32
        %mul3A_258 = arith.muli %sub3A_256, %mul3A_257 : i32
        %add3A_259 = arith.constant 0 : i32
        %add3A_260 = arith.addi %mul3A_258, %add3A_259 : i32
        %dma_start3A = arith.constant 3 : i32
        %dma_start3A_261 = arith.constant 0 : i32
        %dma_start3A_262 = arith.constant 0 : i32
        %dma_start3A_263 = tpu.memref_slice %arg15[%dma_start3A_261, %dma_start3A_262] : memref<256x64xf32, #tpu.memory_space<vmem>> -> memref<128x64xf32, #tpu.memory_space<vmem>>
        %dma_start3A_264 = arith.constant 0 : i32
        %dma_start3A_265 = tpu.memref_slice %arg9[%add3A_260, %dma_start3A_264] : memref<100x128xi32, #tpu.memory_space<vmem>> -> memref<1x128xi32, #tpu.memory_space<vmem>>
        %dma_start3A_266 = tpu.memref_squeeze %dma_start3A_265 : memref<1x128xi32, #tpu.memory_space<vmem>> -> memref<128xi32, #tpu.memory_space<vmem>>
        %dma_start3A_267 = arith.constant 0 : i32
        %dma_start3A_268 = arith.constant 0 : i32
        %dma_start3A_269 = tpu.memref_slice %arg6[%dma_start3A_267, %dma_start3A_268] : memref<600x64xf32, #tpu.memory_space<hbm>> -> memref<600x64xf32, #tpu.memory_space<hbm>>
        %dma_start3A_270 = tpu.memref_slice %arg16[%dma_start3A] : memref<4x!tpu.dma_semaphore, #tpu.memory_space<semaphore_mem>> -> memref<1x!tpu.dma_semaphore, #tpu.memory_space<semaphore_mem>>
        %dma_start3A_271 = tpu.memref_squeeze %dma_start3A_270 : memref<1x!tpu.dma_semaphore, #tpu.memory_space<semaphore_mem>> -> memref<!tpu.dma_semaphore, #tpu.memory_space<semaphore_mem>>
        tpu.enqueue_indirect_dma source(%dma_start3A_269 : memref<600x64xf32, #tpu.memory_space<hbm>>) target(%dma_start3A_263 : memref<128x64xf32, #tpu.memory_space<vmem>>) offsets(%dma_start3A_266 : memref<128xi32, #tpu.memory_space<vmem>>) semaphore(%dma_start3A_271 : memref<!tpu.dma_semaphore, #tpu.memory_space<semaphore_mem>>) {add = true}
        %sub3A_272 = arith.constant 1 : i32
        %sub3A_273 = arith.subi %add3A_122, %sub3A_272 : i32
        %mul3A_274 = arith.constant 2 : i32
        %mul3A_275 = arith.muli %sub3A_273, %mul3A_274 : i32
        %add3A_276 = arith.constant 1 : i32
        %add3A_277 = arith.addi %mul3A_275, %add3A_276 : i32
        %dma_start3A_278 = arith.constant 3 : i32
        %dma_start3A_279 = arith.constant 128 : i32
        %dma_start3A_280 = arith.constant 0 : i32
        %dma_start3A_281 = tpu.memref_slice %arg15[%dma_start3A_279, %dma_start3A_280] : memref<256x64xf32, #tpu.memory_space<vmem>> -> memref<128x64xf32, #tpu.memory_space<vmem>>
        %dma_start3A_282 = arith.constant 0 : i32
        %dma_start3A_283 = tpu.memref_slice %arg9[%add3A_277, %dma_start3A_282] : memref<100x128xi32, #tpu.memory_space<vmem>> -> memref<1x128xi32, #tpu.memory_space<vmem>>
        %dma_start3A_284 = tpu.memref_squeeze %dma_start3A_283 : memref<1x128xi32, #tpu.memory_space<vmem>> -> memref<128xi32, #tpu.memory_space<vmem>>
        %dma_start3A_285 = arith.constant 0 : i32
        %dma_start3A_286 = arith.constant 0 : i32
        %dma_start3A_287 = tpu.memref_slice %arg6[%dma_start3A_285, %dma_start3A_286] : memref<600x64xf32, #tpu.memory_space<hbm>> -> memref<600x64xf32, #tpu.memory_space<hbm>>
        %dma_start3A_288 = tpu.memref_slice %arg16[%dma_start3A_278] : memref<4x!tpu.dma_semaphore, #tpu.memory_space<semaphore_mem>> -> memref<1x!tpu.dma_semaphore, #tpu.memory_space<semaphore_mem>>
        %dma_start3A_289 = tpu.memref_squeeze %dma_start3A_288 : memref<1x!tpu.dma_semaphore, #tpu.memory_space<semaphore_mem>> -> memref<!tpu.dma_semaphore, #tpu.memory_space<semaphore_mem>>
        tpu.enqueue_indirect_dma source(%dma_start3A_287 : memref<600x64xf32, #tpu.memory_space<hbm>>) target(%dma_start3A_281 : memref<128x64xf32, #tpu.memory_space<vmem>>) offsets(%dma_start3A_284 : memref<128xi32, #tpu.memory_space<vmem>>) semaphore(%dma_start3A_289 : memref<!tpu.dma_semaphore, #tpu.memory_space<semaphore_mem>>) {add = true}
      } else {
      }
      %lt3A_142 = arith.constant 50 : i32
      %lt3A_143 = arith.cmpi slt, %add3A_122, %lt3A_142 : i32
      %convert_element_type3A_144 = arith.extui %lt3A_143 : i1 to i32
      %cond3A_145 = arith.constant 0 : i32
      %cond3A_146 = arith.cmpi ne, %convert_element_type3A_144, %cond3A_145 : i32
      scf.if %cond3A_146 {
        %ge3A_247 = arith.constant 4 : i32
        %ge3A_248 = arith.cmpi sge, %add3A_122, %ge3A_247 : i32
        %convert_element_type3A_249 = arith.extui %ge3A_248 : i1 to i32
        %cond3A_250 = arith.constant 0 : i32
        %cond3A_251 = arith.cmpi ne, %convert_element_type3A_249, %cond3A_250 : i32
        scf.if %cond3A_251 {
          %dma_wait3A_283 = arith.constant 0 : i32
          %dma_wait3A_284 = arith.constant 0 : i32
          %dma_wait3A_285 = arith.constant 0 : i32
          %dma_wait3A_286 = tpu.memref_slice %arg7[%dma_wait3A_284, %dma_wait3A_285] : memref<1638400x64xf32, #tpu.memory_space<hbm>> -> memref<256x64xf32, #tpu.memory_space<hbm>>
          %dma_wait3A_287 = tpu.memref_slice %arg16[%dma_wait3A_283] : memref<4x!tpu.dma_semaphore, #tpu.memory_space<semaphore_mem>> -> memref<1x!tpu.dma_semaphore, #tpu.memory_space<semaphore_mem>>
          %dma_wait3A_288 = tpu.memref_squeeze %dma_wait3A_287 : memref<1x!tpu.dma_semaphore, #tpu.memory_space<semaphore_mem>> -> memref<!tpu.dma_semaphore, #tpu.memory_space<semaphore_mem>>
          %dma_wait3A_289 = arith.constant 0 : i32
          %dma_wait3A_290 = arith.constant 0 : i32
          %dma_wait3A_291 = tpu.memref_slice %arg7[%dma_wait3A_289, %dma_wait3A_290] : memref<1638400x64xf32, #tpu.memory_space<hbm>> -> memref<256x64xf32, #tpu.memory_space<hbm>>
          tpu.wait_dma2 semaphore(%dma_wait3A_288 : memref<!tpu.dma_semaphore, #tpu.memory_space<semaphore_mem>>) src(%dma_wait3A_291 : memref<256x64xf32, #tpu.memory_space<hbm>>) dst(%arg12 : memref<256x64xf32, #tpu.memory_space<vmem>>)
        } else {
        }
        %mul3A_252 = arith.constant 2 : i32
        %mul3A_253 = arith.muli %add3A_122, %mul3A_252 : i32
        %add3A_254 = arith.constant 0 : i32
        %add3A_255 = arith.addi %mul3A_253, %add3A_254 : i32
        %dma_start3A = arith.constant 0 : i32
        %dma_start3A_256 = arith.constant 0 : i32
        %dma_start3A_257 = arith.constant 0 : i32
        %dma_start3A_258 = tpu.memref_slice %arg12[%dma_start3A_256, %dma_start3A_257] : memref<256x64xf32, #tpu.memory_space<vmem>> -> memref<128x64xf32, #tpu.memory_space<vmem>>
        %dma_start3A_259 = arith.constant 0 : i32
        %dma_start3A_260 = tpu.memref_slice %arg8[%add3A_255, %dma_start3A_259] : memref<100x128xi32, #tpu.memory_space<vmem>> -> memref<1x128xi32, #tpu.memory_space<vmem>>
        %dma_start3A_261 = tpu.memref_squeeze %dma_start3A_260 : memref<1x128xi32, #tpu.memory_space<vmem>> -> memref<128xi32, #tpu.memory_space<vmem>>
        %dma_start3A_262 = arith.constant 0 : i32
        %dma_start3A_263 = arith.constant 0 : i32
        %dma_start3A_264 = tpu.memref_slice %arg5[%dma_start3A_262, %dma_start3A_263] : memref<100000x64xf32, #tpu.memory_space<hbm>> -> memref<100000x64xf32, #tpu.memory_space<hbm>>
        %dma_start3A_265 = tpu.memref_slice %arg16[%dma_start3A] : memref<4x!tpu.dma_semaphore, #tpu.memory_space<semaphore_mem>> -> memref<1x!tpu.dma_semaphore, #tpu.memory_space<semaphore_mem>>
        %dma_start3A_266 = tpu.memref_squeeze %dma_start3A_265 : memref<1x!tpu.dma_semaphore, #tpu.memory_space<semaphore_mem>> -> memref<!tpu.dma_semaphore, #tpu.memory_space<semaphore_mem>>
        tpu.enqueue_indirect_dma source(%dma_start3A_264 : memref<100000x64xf32, #tpu.memory_space<hbm>>) target(%dma_start3A_258 : memref<128x64xf32, #tpu.memory_space<vmem>>) offsets(%dma_start3A_261 : memref<128xi32, #tpu.memory_space<vmem>>) semaphore(%dma_start3A_266 : memref<!tpu.dma_semaphore, #tpu.memory_space<semaphore_mem>>)
        %mul3A_267 = arith.constant 2 : i32
        %mul3A_268 = arith.muli %add3A_122, %mul3A_267 : i32
        %add3A_269 = arith.constant 1 : i32
        %add3A_270 = arith.addi %mul3A_268, %add3A_269 : i32
        %dma_start3A_271 = arith.constant 0 : i32
        %dma_start3A_272 = arith.constant 128 : i32
        %dma_start3A_273 = arith.constant 0 : i32
        %dma_start3A_274 = tpu.memref_slice %arg12[%dma_start3A_272, %dma_start3A_273] : memref<256x64xf32, #tpu.memory_space<vmem>> -> memref<128x64xf32, #tpu.memory_space<vmem>>
        %dma_start3A_275 = arith.constant 0 : i32
        %dma_start3A_276 = tpu.memref_slice %arg8[%add3A_270, %dma_start3A_275] : memref<100x128xi32, #tpu.memory_space<vmem>> -> memref<1x128xi32, #tpu.memory_space<vmem>>
        %dma_start3A_277 = tpu.memref_squeeze %dma_start3A_276 : memref<1x128xi32, #tpu.memory_space<vmem>> -> memref<128xi32, #tpu.memory_space<vmem>>
        %dma_start3A_278 = arith.constant 0 : i32
        %dma_start3A_279 = arith.constant 0 : i32
        %dma_start3A_280 = tpu.memref_slice %arg5[%dma_start3A_278, %dma_start3A_279] : memref<100000x64xf32, #tpu.memory_space<hbm>> -> memref<100000x64xf32, #tpu.memory_space<hbm>>
        %dma_start3A_281 = tpu.memref_slice %arg16[%dma_start3A_271] : memref<4x!tpu.dma_semaphore, #tpu.memory_space<semaphore_mem>> -> memref<1x!tpu.dma_semaphore, #tpu.memory_space<semaphore_mem>>
        %dma_start3A_282 = tpu.memref_squeeze %dma_start3A_281 : memref<1x!tpu.dma_semaphore, #tpu.memory_space<semaphore_mem>> -> memref<!tpu.dma_semaphore, #tpu.memory_space<semaphore_mem>>
        tpu.enqueue_indirect_dma source(%dma_start3A_280 : memref<100000x64xf32, #tpu.memory_space<hbm>>) target(%dma_start3A_274 : memref<128x64xf32, #tpu.memory_space<vmem>>) offsets(%dma_start3A_277 : memref<128xi32, #tpu.memory_space<vmem>>) semaphore(%dma_start3A_282 : memref<!tpu.dma_semaphore, #tpu.memory_space<semaphore_mem>>)
      } else {
      }
      %mul3A_147 = arith.constant 4 : i32
      %mul3A_148 = arith.muli %scan3A_117, %mul3A_147 : i32
      %add3A_149 = arith.constant 1 : i32
      %add3A_150 = arith.addi %mul3A_148, %add3A_149 : i32
      %ge3A_151 = arith.constant 3 : i32
      %ge3A_152 = arith.cmpi sge, %add3A_150, %ge3A_151 : i32
      %lt3A_153 = arith.constant 53 : i32
      %lt3A_154 = arith.cmpi slt, %add3A_150, %lt3A_153 : i32
      %and3A_155 = arith.andi %ge3A_152, %lt3A_154 : i1
      %convert_element_type3A_156 = arith.extui %and3A_155 : i1 to i32
      %cond3A_157 = arith.constant 0 : i32
      %cond3A_158 = arith.cmpi ne, %convert_element_type3A_156, %cond3A_157 : i32
      scf.if %cond3A_158 {
        %dma_wait3A_247 = arith.constant 2 : i32
        %dma_wait3A_248 = arith.constant 0 : i32
        %dma_wait3A_249 = arith.constant 0 : i32
        %dma_wait3A_250 = tpu.memref_slice %arg7[%dma_wait3A_248, %dma_wait3A_249] : memref<1638400x64xf32, #tpu.memory_space<hbm>> -> memref<256x64xf32, #tpu.memory_space<hbm>>
        %dma_wait3A_251 = tpu.memref_slice %arg16[%dma_wait3A_247] : memref<4x!tpu.dma_semaphore, #tpu.memory_space<semaphore_mem>> -> memref<1x!tpu.dma_semaphore, #tpu.memory_space<semaphore_mem>>
        %dma_wait3A_252 = tpu.memref_squeeze %dma_wait3A_251 : memref<1x!tpu.dma_semaphore, #tpu.memory_space<semaphore_mem>> -> memref<!tpu.dma_semaphore, #tpu.memory_space<semaphore_mem>>
        %dma_wait3A_253 = arith.constant 0 : i32
        %dma_wait3A_254 = arith.constant 0 : i32
        %dma_wait3A_255 = tpu.memref_slice %arg7[%dma_wait3A_253, %dma_wait3A_254] : memref<1638400x64xf32, #tpu.memory_space<hbm>> -> memref<256x64xf32, #tpu.memory_space<hbm>>
        tpu.wait_dma2 semaphore(%dma_wait3A_252 : memref<!tpu.dma_semaphore, #tpu.memory_space<semaphore_mem>>) src(%dma_wait3A_255 : memref<256x64xf32, #tpu.memory_space<hbm>>) dst(%arg14 : memref<256x64xf32, #tpu.memory_space<vmem>>)
        %sub3A = arith.constant 3 : i32
        %sub3A_256 = arith.subi %add3A_150, %sub3A : i32
        %mul3A_257 = arith.constant 256 : i32
        %mul3A_258 = arith.muli %sub3A_256, %mul3A_257 : i32
        %add3A_259 = arith.addi %mul3A_73, %mul3A_258 : i32
        %add3A_260 = arith.constant 0 : i32
        %add3A_261 = arith.addi %add3A_259, %add3A_260 : i32
        %add3A_262 = arith.constant 0 : i32
        %add3A_263 = arith.addi %add3A_261, %add3A_262 : i32
        %add3A_264 = vector.broadcast %add3A_263 : i32 to vector<16xi32>
        %add3A_265 = arith.addi %add3A_264, %iota3A : vector<16xi32>
        %and3A_266 = arith.constant 4095 : i32
        %and3A_267 = vector.broadcast %and3A_266 : i32 to vector<16xi32>
        %and3A_268 = arith.andi %add3A_265, %and3A_267 : vector<16xi32>
        %mul3A_269 = arith.constant 200 : i32
        %mul3A_270 = vector.broadcast %mul3A_269 : i32 to vector<16xi32>
        %mul3A_271 = arith.muli %and3A_268, %mul3A_270 : vector<16xi32>
        %shift_right_arithmetic3A = arith.constant 12 : i32
        %shift_right_arithmetic3A_272 = vector.broadcast %shift_right_arithmetic3A : i32 to vector<16xi32>
        %shift_right_arithmetic3A_273 = arith.shrsi %add3A_265, %shift_right_arithmetic3A_272 : vector<16xi32>
        %add3A_274 = arith.addi %mul3A_271, %shift_right_arithmetic3A_273 : vector<16xi32>
        %mul3A_275 = arith.constant 2 : i32
        %mul3A_276 = vector.broadcast %mul3A_275 : i32 to vector<16xi32>
        %mul3A_277 = arith.muli %add3A_274, %mul3A_276 : vector<16xi32>
        %swap3A = arith.constant 4 : i32
        %swap3A_278 = arith.index_cast %swap3A : i32 to index
        %swap3A_279 = arith.constant 0 : index
        %swap3A_280 = tpu.vector_load %arg11[%swap3A_278, %swap3A_279] {strides = array<i32>} : memref<8x128xi32, #tpu.memory_space<vmem>>, vector<1x16xi32>,
        %swap3A_281 = vector.shape_cast %swap3A_280 : vector<1x16xi32> to vector<16xi32>
        %swap3A_282 = vector.shape_cast %mul3A_277 : vector<16xi32> to vector<1x16xi32>
        tpu.vector_store %arg11[%swap3A_278, %swap3A_279], %swap3A_282 {strides = array<i32>} : memref<8x128xi32, #tpu.memory_space<vmem>>, vector<1x16xi32>,
        %add3A_283 = arith.constant 0 : i32
        %add3A_284 = arith.addi %add3A_259, %add3A_283 : i32
        %add3A_285 = arith.constant 16 : i32
        %add3A_286 = arith.addi %add3A_284, %add3A_285 : i32
        %add3A_287 = vector.broadcast %add3A_286 : i32 to vector<16xi32>
        %add3A_288 = arith.addi %add3A_287, %iota3A : vector<16xi32>
        %and3A_289 = arith.constant 4095 : i32
        %and3A_290 = vector.broadcast %and3A_289 : i32 to vector<16xi32>
        %and3A_291 = arith.andi %add3A_288, %and3A_290 : vector<16xi32>
        %mul3A_292 = arith.constant 200 : i32
        %mul3A_293 = vector.broadcast %mul3A_292 : i32 to vector<16xi32>
        %mul3A_294 = arith.muli %and3A_291, %mul3A_293 : vector<16xi32>
        %shift_right_arithmetic3A_295 = arith.constant 12 : i32
        %shift_right_arithmetic3A_296 = vector.broadcast %shift_right_arithmetic3A_295 : i32 to vector<16xi32>
        %shift_right_arithmetic3A_297 = arith.shrsi %add3A_288, %shift_right_arithmetic3A_296 : vector<16xi32>
        %add3A_298 = arith.addi %mul3A_294, %shift_right_arithmetic3A_297 : vector<16xi32>
        %mul3A_299 = arith.constant 2 : i32
        %mul3A_300 = vector.broadcast %mul3A_299 : i32 to vector<16xi32>
        %mul3A_301 = arith.muli %add3A_298, %mul3A_300 : vector<16xi32>
        %swap3A_302 = arith.constant 4 : i32
        %swap3A_303 = arith.index_cast %swap3A_302 : i32 to index
        %swap3A_304 = arith.constant 16 : index
        %swap3A_305 = tpu.vector_load %arg11[%swap3A_303, %swap3A_304] {strides = array<i32>} : memref<8x128xi32, #tpu.memory_space<vmem>>, vector<1x16xi32>,
        %swap3A_306 = vector.shape_cast %swap3A_305 : vector<1x16xi32> to vector<16xi32>
        %swap3A_307 = vector.shape_cast %mul3A_301 : vector<16xi32> to vector<1x16xi32>
        tpu.vector_store %arg11[%swap3A_303, %swap3A_304], %swap3A_307 {strides = array<i32>} : memref<8x128xi32, #tpu.memory_space<vmem>>, vector<1x16xi32>,
        %add3A_308 = arith.constant 0 : i32
        %add3A_309 = arith.addi %add3A_259, %add3A_308 : i32
        %add3A_310 = arith.constant 32 : i32
        %add3A_311 = arith.addi %add3A_309, %add3A_310 : i32
        %add3A_312 = vector.broadcast %add3A_311 : i32 to vector<16xi32>
        %add3A_313 = arith.addi %add3A_312, %iota3A : vector<16xi32>
        %and3A_314 = arith.constant 4095 : i32
        %and3A_315 = vector.broadcast %and3A_314 : i32 to vector<16xi32>
        %and3A_316 = arith.andi %add3A_313, %and3A_315 : vector<16xi32>
        %mul3A_317 = arith.constant 200 : i32
        %mul3A_318 = vector.broadcast %mul3A_317 : i32 to vector<16xi32>
        %mul3A_319 = arith.muli %and3A_316, %mul3A_318 : vector<16xi32>
        %shift_right_arithmetic3A_320 = arith.constant 12 : i32
        %shift_right_arithmetic3A_321 = vector.broadcast %shift_right_arithmetic3A_320 : i32 to vector<16xi32>
        %shift_right_arithmetic3A_322 = arith.shrsi %add3A_313, %shift_right_arithmetic3A_321 : vector<16xi32>
        %add3A_323 = arith.addi %mul3A_319, %shift_right_arithmetic3A_322 : vector<16xi32>
        %mul3A_324 = arith.constant 2 : i32
        %mul3A_325 = vector.broadcast %mul3A_324 : i32 to vector<16xi32>
        %mul3A_326 = arith.muli %add3A_323, %mul3A_325 : vector<16xi32>
        %swap3A_327 = arith.constant 4 : i32
        %swap3A_328 = arith.index_cast %swap3A_327 : i32 to index
        %swap3A_329 = arith.constant 32 : index
        %swap3A_330 = tpu.vector_load %arg11[%swap3A_328, %swap3A_329] {strides = array<i32>} : memref<8x128xi32, #tpu.memory_space<vmem>>, vector<1x16xi32>,
        %swap3A_331 = vector.shape_cast %swap3A_330 : vector<1x16xi32> to vector<16xi32>
        %swap3A_332 = vector.shape_cast %mul3A_326 : vector<16xi32> to vector<1x16xi32>
        tpu.vector_store %arg11[%swap3A_328, %swap3A_329], %swap3A_332 {strides = array<i32>} : memref<8x128xi32, #tpu.memory_space<vmem>>, vector<1x16xi32>,
        %add3A_333 = arith.constant 0 : i32
        %add3A_334 = arith.addi %add3A_259, %add3A_333 : i32
        %add3A_335 = arith.constant 48 : i32
        %add3A_336 = arith.addi %add3A_334, %add3A_335 : i32
        %add3A_337 = vector.broadcast %add3A_336 : i32 to vector<16xi32>
        %add3A_338 = arith.addi %add3A_337, %iota3A : vector<16xi32>
        %and3A_339 = arith.constant 4095 : i32
        %and3A_340 = vector.broadcast %and3A_339 : i32 to vector<16xi32>
        %and3A_341 = arith.andi %add3A_338, %and3A_340 : vector<16xi32>
        %mul3A_342 = arith.constant 200 : i32
        %mul3A_343 = vector.broadcast %mul3A_342 : i32 to vector<16xi32>
        %mul3A_344 = arith.muli %and3A_341, %mul3A_343 : vector<16xi32>
        %shift_right_arithmetic3A_345 = arith.constant 12 : i32
        %shift_right_arithmetic3A_346 = vector.broadcast %shift_right_arithmetic3A_345 : i32 to vector<16xi32>
        %shift_right_arithmetic3A_347 = arith.shrsi %add3A_338, %shift_right_arithmetic3A_346 : vector<16xi32>
        %add3A_348 = arith.addi %mul3A_344, %shift_right_arithmetic3A_347 : vector<16xi32>
        %mul3A_349 = arith.constant 2 : i32
        %mul3A_350 = vector.broadcast %mul3A_349 : i32 to vector<16xi32>
        %mul3A_351 = arith.muli %add3A_348, %mul3A_350 : vector<16xi32>
        %swap3A_352 = arith.constant 4 : i32
        %swap3A_353 = arith.index_cast %swap3A_352 : i32 to index
        %swap3A_354 = arith.constant 48 : index
        %swap3A_355 = tpu.vector_load %arg11[%swap3A_353, %swap3A_354] {strides = array<i32>} : memref<8x128xi32, #tpu.memory_space<vmem>>, vector<1x16xi32>,
        %swap3A_356 = vector.shape_cast %swap3A_355 : vector<1x16xi32> to vector<16xi32>
        %swap3A_357 = vector.shape_cast %mul3A_351 : vector<16xi32> to vector<1x16xi32>
        tpu.vector_store %arg11[%swap3A_353, %swap3A_354], %swap3A_357 {strides = array<i32>} : memref<8x128xi32, #tpu.memory_space<vmem>>, vector<1x16xi32>,
        %add3A_358 = arith.constant 0 : i32
        %add3A_359 = arith.addi %add3A_259, %add3A_358 : i32
        %add3A_360 = arith.constant 64 : i32
        %add3A_361 = arith.addi %add3A_359, %add3A_360 : i32
        %add3A_362 = vector.broadcast %add3A_361 : i32 to vector<16xi32>
        %add3A_363 = arith.addi %add3A_362, %iota3A : vector<16xi32>
        %and3A_364 = arith.constant 4095 : i32
        %and3A_365 = vector.broadcast %and3A_364 : i32 to vector<16xi32>
        %and3A_366 = arith.andi %add3A_363, %and3A_365 : vector<16xi32>
        %mul3A_367 = arith.constant 200 : i32
        %mul3A_368 = vector.broadcast %mul3A_367 : i32 to vector<16xi32>
        %mul3A_369 = arith.muli %and3A_366, %mul3A_368 : vector<16xi32>
        %shift_right_arithmetic3A_370 = arith.constant 12 : i32
        %shift_right_arithmetic3A_371 = vector.broadcast %shift_right_arithmetic3A_370 : i32 to vector<16xi32>
        %shift_right_arithmetic3A_372 = arith.shrsi %add3A_363, %shift_right_arithmetic3A_371 : vector<16xi32>
        %add3A_373 = arith.addi %mul3A_369, %shift_right_arithmetic3A_372 : vector<16xi32>
        %mul3A_374 = arith.constant 2 : i32
        %mul3A_375 = vector.broadcast %mul3A_374 : i32 to vector<16xi32>
        %mul3A_376 = arith.muli %add3A_373, %mul3A_375 : vector<16xi32>
        %swap3A_377 = arith.constant 4 : i32
        %swap3A_378 = arith.index_cast %swap3A_377 : i32 to index
        %swap3A_379 = arith.constant 64 : index
        %swap3A_380 = tpu.vector_load %arg11[%swap3A_378, %swap3A_379] {strides = array<i32>} : memref<8x128xi32, #tpu.memory_space<vmem>>, vector<1x16xi32>,
        %swap3A_381 = vector.shape_cast %swap3A_380 : vector<1x16xi32> to vector<16xi32>
        %swap3A_382 = vector.shape_cast %mul3A_376 : vector<16xi32> to vector<1x16xi32>
        tpu.vector_store %arg11[%swap3A_378, %swap3A_379], %swap3A_382 {strides = array<i32>} : memref<8x128xi32, #tpu.memory_space<vmem>>, vector<1x16xi32>,
        %add3A_383 = arith.constant 0 : i32
        %add3A_384 = arith.addi %add3A_259, %add3A_383 : i32
        %add3A_385 = arith.constant 80 : i32
        %add3A_386 = arith.addi %add3A_384, %add3A_385 : i32
        %add3A_387 = vector.broadcast %add3A_386 : i32 to vector<16xi32>
        %add3A_388 = arith.addi %add3A_387, %iota3A : vector<16xi32>
        %and3A_389 = arith.constant 4095 : i32
        %and3A_390 = vector.broadcast %and3A_389 : i32 to vector<16xi32>
        %and3A_391 = arith.andi %add3A_388, %and3A_390 : vector<16xi32>
        %mul3A_392 = arith.constant 200 : i32
        %mul3A_393 = vector.broadcast %mul3A_392 : i32 to vector<16xi32>
        %mul3A_394 = arith.muli %and3A_391, %mul3A_393 : vector<16xi32>
        %shift_right_arithmetic3A_395 = arith.constant 12 : i32
        %shift_right_arithmetic3A_396 = vector.broadcast %shift_right_arithmetic3A_395 : i32 to vector<16xi32>
        %shift_right_arithmetic3A_397 = arith.shrsi %add3A_388, %shift_right_arithmetic3A_396 : vector<16xi32>
        %add3A_398 = arith.addi %mul3A_394, %shift_right_arithmetic3A_397 : vector<16xi32>
        %mul3A_399 = arith.constant 2 : i32
        %mul3A_400 = vector.broadcast %mul3A_399 : i32 to vector<16xi32>
        %mul3A_401 = arith.muli %add3A_398, %mul3A_400 : vector<16xi32>
        %swap3A_402 = arith.constant 4 : i32
        %swap3A_403 = arith.index_cast %swap3A_402 : i32 to index
        %swap3A_404 = arith.constant 80 : index
        %swap3A_405 = tpu.vector_load %arg11[%swap3A_403, %swap3A_404] {strides = array<i32>} : memref<8x128xi32, #tpu.memory_space<vmem>>, vector<1x16xi32>,
        %swap3A_406 = vector.shape_cast %swap3A_405 : vector<1x16xi32> to vector<16xi32>
        %swap3A_407 = vector.shape_cast %mul3A_401 : vector<16xi32> to vector<1x16xi32>
        tpu.vector_store %arg11[%swap3A_403, %swap3A_404], %swap3A_407 {strides = array<i32>} : memref<8x128xi32, #tpu.memory_space<vmem>>, vector<1x16xi32>,
        %add3A_408 = arith.constant 0 : i32
        %add3A_409 = arith.addi %add3A_259, %add3A_408 : i32
        %add3A_410 = arith.constant 96 : i32
        %add3A_411 = arith.addi %add3A_409, %add3A_410 : i32
        %add3A_412 = vector.broadcast %add3A_411 : i32 to vector<16xi32>
        %add3A_413 = arith.addi %add3A_412, %iota3A : vector<16xi32>
        %and3A_414 = arith.constant 4095 : i32
        %and3A_415 = vector.broadcast %and3A_414 : i32 to vector<16xi32>
        %and3A_416 = arith.andi %add3A_413, %and3A_415 : vector<16xi32>
        %mul3A_417 = arith.constant 200 : i32
        %mul3A_418 = vector.broadcast %mul3A_417 : i32 to vector<16xi32>
        %mul3A_419 = arith.muli %and3A_416, %mul3A_418 : vector<16xi32>
        %shift_right_arithmetic3A_420 = arith.constant 12 : i32
        %shift_right_arithmetic3A_421 = vector.broadcast %shift_right_arithmetic3A_420 : i32 to vector<16xi32>
        %shift_right_arithmetic3A_422 = arith.shrsi %add3A_413, %shift_right_arithmetic3A_421 : vector<16xi32>
        %add3A_423 = arith.addi %mul3A_419, %shift_right_arithmetic3A_422 : vector<16xi32>
        %mul3A_424 = arith.constant 2 : i32
        %mul3A_425 = vector.broadcast %mul3A_424 : i32 to vector<16xi32>
        %mul3A_426 = arith.muli %add3A_423, %mul3A_425 : vector<16xi32>
        %swap3A_427 = arith.constant 4 : i32
        %swap3A_428 = arith.index_cast %swap3A_427 : i32 to index
        %swap3A_429 = arith.constant 96 : index
        %swap3A_430 = tpu.vector_load %arg11[%swap3A_428, %swap3A_429] {strides = array<i32>} : memref<8x128xi32, #tpu.memory_space<vmem>>, vector<1x16xi32>,
        %swap3A_431 = vector.shape_cast %swap3A_430 : vector<1x16xi32> to vector<16xi32>
        %swap3A_432 = vector.shape_cast %mul3A_426 : vector<16xi32> to vector<1x16xi32>
        tpu.vector_store %arg11[%swap3A_428, %swap3A_429], %swap3A_432 {strides = array<i32>} : memref<8x128xi32, #tpu.memory_space<vmem>>, vector<1x16xi32>,
        %add3A_433 = arith.constant 0 : i32
        %add3A_434 = arith.addi %add3A_259, %add3A_433 : i32
        %add3A_435 = arith.constant 112 : i32
        %add3A_436 = arith.addi %add3A_434, %add3A_435 : i32
        %add3A_437 = vector.broadcast %add3A_436 : i32 to vector<16xi32>
        %add3A_438 = arith.addi %add3A_437, %iota3A : vector<16xi32>
        %and3A_439 = arith.constant 4095 : i32
        %and3A_440 = vector.broadcast %and3A_439 : i32 to vector<16xi32>
        %and3A_441 = arith.andi %add3A_438, %and3A_440 : vector<16xi32>
        %mul3A_442 = arith.constant 200 : i32
        %mul3A_443 = vector.broadcast %mul3A_442 : i32 to vector<16xi32>
        %mul3A_444 = arith.muli %and3A_441, %mul3A_443 : vector<16xi32>
        %shift_right_arithmetic3A_445 = arith.constant 12 : i32
        %shift_right_arithmetic3A_446 = vector.broadcast %shift_right_arithmetic3A_445 : i32 to vector<16xi32>
        %shift_right_arithmetic3A_447 = arith.shrsi %add3A_438, %shift_right_arithmetic3A_446 : vector<16xi32>
        %add3A_448 = arith.addi %mul3A_444, %shift_right_arithmetic3A_447 : vector<16xi32>
        %mul3A_449 = arith.constant 2 : i32
        %mul3A_450 = vector.broadcast %mul3A_449 : i32 to vector<16xi32>
        %mul3A_451 = arith.muli %add3A_448, %mul3A_450 : vector<16xi32>
        %swap3A_452 = arith.constant 4 : i32
        %swap3A_453 = arith.index_cast %swap3A_452 : i32 to index
        %swap3A_454 = arith.constant 112 : index
        %swap3A_455 = tpu.vector_load %arg11[%swap3A_453, %swap3A_454] {strides = array<i32>} : memref<8x128xi32, #tpu.memory_space<vmem>>, vector<1x16xi32>,
        %swap3A_456 = vector.shape_cast %swap3A_455 : vector<1x16xi32> to vector<16xi32>
        %swap3A_457 = vector.shape_cast %mul3A_451 : vector<16xi32> to vector<1x16xi32>
        tpu.vector_store %arg11[%swap3A_453, %swap3A_454], %swap3A_457 {strides = array<i32>} : memref<8x128xi32, #tpu.memory_space<vmem>>, vector<1x16xi32>,
        %add3A_458 = arith.constant 128 : i32
        %add3A_459 = arith.addi %add3A_259, %add3A_458 : i32
        %add3A_460 = arith.constant 0 : i32
        %add3A_461 = arith.addi %add3A_459, %add3A_460 : i32
        %add3A_462 = vector.broadcast %add3A_461 : i32 to vector<16xi32>
        %add3A_463 = arith.addi %add3A_462, %iota3A : vector<16xi32>
        %and3A_464 = arith.constant 4095 : i32
        %and3A_465 = vector.broadcast %and3A_464 : i32 to vector<16xi32>
        %and3A_466 = arith.andi %add3A_463, %and3A_465 : vector<16xi32>
        %mul3A_467 = arith.constant 200 : i32
        %mul3A_468 = vector.broadcast %mul3A_467 : i32 to vector<16xi32>
        %mul3A_469 = arith.muli %and3A_466, %mul3A_468 : vector<16xi32>
        %shift_right_arithmetic3A_470 = arith.constant 12 : i32
        %shift_right_arithmetic3A_471 = vector.broadcast %shift_right_arithmetic3A_470 : i32 to vector<16xi32>
        %shift_right_arithmetic3A_472 = arith.shrsi %add3A_463, %shift_right_arithmetic3A_471 : vector<16xi32>
        %add3A_473 = arith.addi %mul3A_469, %shift_right_arithmetic3A_472 : vector<16xi32>
        %mul3A_474 = arith.constant 2 : i32
        %mul3A_475 = vector.broadcast %mul3A_474 : i32 to vector<16xi32>
        %mul3A_476 = arith.muli %add3A_473, %mul3A_475 : vector<16xi32>
        %swap3A_477 = arith.constant 5 : i32
        %swap3A_478 = arith.index_cast %swap3A_477 : i32 to index
        %swap3A_479 = arith.constant 0 : index
        %swap3A_480 = tpu.vector_load %arg11[%swap3A_478, %swap3A_479] {strides = array<i32>} : memref<8x128xi32, #tpu.memory_space<vmem>>, vector<1x16xi32>,
        %swap3A_481 = vector.shape_cast %swap3A_480 : vector<1x16xi32> to vector<16xi32>
        %swap3A_482 = vector.shape_cast %mul3A_476 : vector<16xi32> to vector<1x16xi32>
        tpu.vector_store %arg11[%swap3A_478, %swap3A_479], %swap3A_482 {strides = array<i32>} : memref<8x128xi32, #tpu.memory_space<vmem>>, vector<1x16xi32>,
        %add3A_483 = arith.constant 128 : i32
        %add3A_484 = arith.addi %add3A_259, %add3A_483 : i32
        %add3A_485 = arith.constant 16 : i32
        %add3A_486 = arith.addi %add3A_484, %add3A_485 : i32
        %add3A_487 = vector.broadcast %add3A_486 : i32 to vector<16xi32>
        %add3A_488 = arith.addi %add3A_487, %iota3A : vector<16xi32>
        %and3A_489 = arith.constant 4095 : i32
        %and3A_490 = vector.broadcast %and3A_489 : i32 to vector<16xi32>
        %and3A_491 = arith.andi %add3A_488, %and3A_490 : vector<16xi32>
        %mul3A_492 = arith.constant 200 : i32
        %mul3A_493 = vector.broadcast %mul3A_492 : i32 to vector<16xi32>
        %mul3A_494 = arith.muli %and3A_491, %mul3A_493 : vector<16xi32>
        %shift_right_arithmetic3A_495 = arith.constant 12 : i32
        %shift_right_arithmetic3A_496 = vector.broadcast %shift_right_arithmetic3A_495 : i32 to vector<16xi32>
        %shift_right_arithmetic3A_497 = arith.shrsi %add3A_488, %shift_right_arithmetic3A_496 : vector<16xi32>
        %add3A_498 = arith.addi %mul3A_494, %shift_right_arithmetic3A_497 : vector<16xi32>
        %mul3A_499 = arith.constant 2 : i32
        %mul3A_500 = vector.broadcast %mul3A_499 : i32 to vector<16xi32>
        %mul3A_501 = arith.muli %add3A_498, %mul3A_500 : vector<16xi32>
        %swap3A_502 = arith.constant 5 : i32
        %swap3A_503 = arith.index_cast %swap3A_502 : i32 to index
        %swap3A_504 = arith.constant 16 : index
        %swap3A_505 = tpu.vector_load %arg11[%swap3A_503, %swap3A_504] {strides = array<i32>} : memref<8x128xi32, #tpu.memory_space<vmem>>, vector<1x16xi32>,
        %swap3A_506 = vector.shape_cast %swap3A_505 : vector<1x16xi32> to vector<16xi32>
        %swap3A_507 = vector.shape_cast %mul3A_501 : vector<16xi32> to vector<1x16xi32>
        tpu.vector_store %arg11[%swap3A_503, %swap3A_504], %swap3A_507 {strides = array<i32>} : memref<8x128xi32, #tpu.memory_space<vmem>>, vector<1x16xi32>,
        %add3A_508 = arith.constant 128 : i32
        %add3A_509 = arith.addi %add3A_259, %add3A_508 : i32
        %add3A_510 = arith.constant 32 : i32
        %add3A_511 = arith.addi %add3A_509, %add3A_510 : i32
        %add3A_512 = vector.broadcast %add3A_511 : i32 to vector<16xi32>
        %add3A_513 = arith.addi %add3A_512, %iota3A : vector<16xi32>
        %and3A_514 = arith.constant 4095 : i32
        %and3A_515 = vector.broadcast %and3A_514 : i32 to vector<16xi32>
        %and3A_516 = arith.andi %add3A_513, %and3A_515 : vector<16xi32>
        %mul3A_517 = arith.constant 200 : i32
        %mul3A_518 = vector.broadcast %mul3A_517 : i32 to vector<16xi32>
        %mul3A_519 = arith.muli %and3A_516, %mul3A_518 : vector<16xi32>
        %shift_right_arithmetic3A_520 = arith.constant 12 : i32
        %shift_right_arithmetic3A_521 = vector.broadcast %shift_right_arithmetic3A_520 : i32 to vector<16xi32>
        %shift_right_arithmetic3A_522 = arith.shrsi %add3A_513, %shift_right_arithmetic3A_521 : vector<16xi32>
        %add3A_523 = arith.addi %mul3A_519, %shift_right_arithmetic3A_522 : vector<16xi32>
        %mul3A_524 = arith.constant 2 : i32
        %mul3A_525 = vector.broadcast %mul3A_524 : i32 to vector<16xi32>
        %mul3A_526 = arith.muli %add3A_523, %mul3A_525 : vector<16xi32>
        %swap3A_527 = arith.constant 5 : i32
        %swap3A_528 = arith.index_cast %swap3A_527 : i32 to index
        %swap3A_529 = arith.constant 32 : index
        %swap3A_530 = tpu.vector_load %arg11[%swap3A_528, %swap3A_529] {strides = array<i32>} : memref<8x128xi32, #tpu.memory_space<vmem>>, vector<1x16xi32>,
        %swap3A_531 = vector.shape_cast %swap3A_530 : vector<1x16xi32> to vector<16xi32>
        %swap3A_532 = vector.shape_cast %mul3A_526 : vector<16xi32> to vector<1x16xi32>
        tpu.vector_store %arg11[%swap3A_528, %swap3A_529], %swap3A_532 {strides = array<i32>} : memref<8x128xi32, #tpu.memory_space<vmem>>, vector<1x16xi32>,
        %add3A_533 = arith.constant 128 : i32
        %add3A_534 = arith.addi %add3A_259, %add3A_533 : i32
        %add3A_535 = arith.constant 48 : i32
        %add3A_536 = arith.addi %add3A_534, %add3A_535 : i32
        %add3A_537 = vector.broadcast %add3A_536 : i32 to vector<16xi32>
        %add3A_538 = arith.addi %add3A_537, %iota3A : vector<16xi32>
        %and3A_539 = arith.constant 4095 : i32
        %and3A_540 = vector.broadcast %and3A_539 : i32 to vector<16xi32>
        %and3A_541 = arith.andi %add3A_538, %and3A_540 : vector<16xi32>
        %mul3A_542 = arith.constant 200 : i32
        %mul3A_543 = vector.broadcast %mul3A_542 : i32 to vector<16xi32>
        %mul3A_544 = arith.muli %and3A_541, %mul3A_543 : vector<16xi32>
        %shift_right_arithmetic3A_545 = arith.constant 12 : i32
        %shift_right_arithmetic3A_546 = vector.broadcast %shift_right_arithmetic3A_545 : i32 to vector<16xi32>
        %shift_right_arithmetic3A_547 = arith.shrsi %add3A_538, %shift_right_arithmetic3A_546 : vector<16xi32>
        %add3A_548 = arith.addi %mul3A_544, %shift_right_arithmetic3A_547 : vector<16xi32>
        %mul3A_549 = arith.constant 2 : i32
        %mul3A_550 = vector.broadcast %mul3A_549 : i32 to vector<16xi32>
        %mul3A_551 = arith.muli %add3A_548, %mul3A_550 : vector<16xi32>
        %swap3A_552 = arith.constant 5 : i32
        %swap3A_553 = arith.index_cast %swap3A_552 : i32 to index
        %swap3A_554 = arith.constant 48 : index
        %swap3A_555 = tpu.vector_load %arg11[%swap3A_553, %swap3A_554] {strides = array<i32>} : memref<8x128xi32, #tpu.memory_space<vmem>>, vector<1x16xi32>,
        %swap3A_556 = vector.shape_cast %swap3A_555 : vector<1x16xi32> to vector<16xi32>
        %swap3A_557 = vector.shape_cast %mul3A_551 : vector<16xi32> to vector<1x16xi32>
        tpu.vector_store %arg11[%swap3A_553, %swap3A_554], %swap3A_557 {strides = array<i32>} : memref<8x128xi32, #tpu.memory_space<vmem>>, vector<1x16xi32>,
        %add3A_558 = arith.constant 128 : i32
        %add3A_559 = arith.addi %add3A_259, %add3A_558 : i32
        %add3A_560 = arith.constant 64 : i32
        %add3A_561 = arith.addi %add3A_559, %add3A_560 : i32
        %add3A_562 = vector.broadcast %add3A_561 : i32 to vector<16xi32>
        %add3A_563 = arith.addi %add3A_562, %iota3A : vector<16xi32>
        %and3A_564 = arith.constant 4095 : i32
        %and3A_565 = vector.broadcast %and3A_564 : i32 to vector<16xi32>
        %and3A_566 = arith.andi %add3A_563, %and3A_565 : vector<16xi32>
        %mul3A_567 = arith.constant 200 : i32
        %mul3A_568 = vector.broadcast %mul3A_567 : i32 to vector<16xi32>
        %mul3A_569 = arith.muli %and3A_566, %mul3A_568 : vector<16xi32>
        %shift_right_arithmetic3A_570 = arith.constant 12 : i32
        %shift_right_arithmetic3A_571 = vector.broadcast %shift_right_arithmetic3A_570 : i32 to vector<16xi32>
        %shift_right_arithmetic3A_572 = arith.shrsi %add3A_563, %shift_right_arithmetic3A_571 : vector<16xi32>
        %add3A_573 = arith.addi %mul3A_569, %shift_right_arithmetic3A_572 : vector<16xi32>
        %mul3A_574 = arith.constant 2 : i32
        %mul3A_575 = vector.broadcast %mul3A_574 : i32 to vector<16xi32>
        %mul3A_576 = arith.muli %add3A_573, %mul3A_575 : vector<16xi32>
        %swap3A_577 = arith.constant 5 : i32
        %swap3A_578 = arith.index_cast %swap3A_577 : i32 to index
        %swap3A_579 = arith.constant 64 : index
        %swap3A_580 = tpu.vector_load %arg11[%swap3A_578, %swap3A_579] {strides = array<i32>} : memref<8x128xi32, #tpu.memory_space<vmem>>, vector<1x16xi32>,
        %swap3A_581 = vector.shape_cast %swap3A_580 : vector<1x16xi32> to vector<16xi32>
        %swap3A_582 = vector.shape_cast %mul3A_576 : vector<16xi32> to vector<1x16xi32>
        tpu.vector_store %arg11[%swap3A_578, %swap3A_579], %swap3A_582 {strides = array<i32>} : memref<8x128xi32, #tpu.memory_space<vmem>>, vector<1x16xi32>,
        %add3A_583 = arith.constant 128 : i32
        %add3A_584 = arith.addi %add3A_259, %add3A_583 : i32
        %add3A_585 = arith.constant 80 : i32
        %add3A_586 = arith.addi %add3A_584, %add3A_585 : i32
        %add3A_587 = vector.broadcast %add3A_586 : i32 to vector<16xi32>
        %add3A_588 = arith.addi %add3A_587, %iota3A : vector<16xi32>
        %and3A_589 = arith.constant 4095 : i32
        %and3A_590 = vector.broadcast %and3A_589 : i32 to vector<16xi32>
        %and3A_591 = arith.andi %add3A_588, %and3A_590 : vector<16xi32>
        %mul3A_592 = arith.constant 200 : i32
        %mul3A_593 = vector.broadcast %mul3A_592 : i32 to vector<16xi32>
        %mul3A_594 = arith.muli %and3A_591, %mul3A_593 : vector<16xi32>
        %shift_right_arithmetic3A_595 = arith.constant 12 : i32
        %shift_right_arithmetic3A_596 = vector.broadcast %shift_right_arithmetic3A_595 : i32 to vector<16xi32>
        %shift_right_arithmetic3A_597 = arith.shrsi %add3A_588, %shift_right_arithmetic3A_596 : vector<16xi32>
        %add3A_598 = arith.addi %mul3A_594, %shift_right_arithmetic3A_597 : vector<16xi32>
        %mul3A_599 = arith.constant 2 : i32
        %mul3A_600 = vector.broadcast %mul3A_599 : i32 to vector<16xi32>
        %mul3A_601 = arith.muli %add3A_598, %mul3A_600 : vector<16xi32>
        %swap3A_602 = arith.constant 5 : i32
        %swap3A_603 = arith.index_cast %swap3A_602 : i32 to index
        %swap3A_604 = arith.constant 80 : index
        %swap3A_605 = tpu.vector_load %arg11[%swap3A_603, %swap3A_604] {strides = array<i32>} : memref<8x128xi32, #tpu.memory_space<vmem>>, vector<1x16xi32>,
        %swap3A_606 = vector.shape_cast %swap3A_605 : vector<1x16xi32> to vector<16xi32>
        %swap3A_607 = vector.shape_cast %mul3A_601 : vector<16xi32> to vector<1x16xi32>
        tpu.vector_store %arg11[%swap3A_603, %swap3A_604], %swap3A_607 {strides = array<i32>} : memref<8x128xi32, #tpu.memory_space<vmem>>, vector<1x16xi32>,
        %add3A_608 = arith.constant 128 : i32
        %add3A_609 = arith.addi %add3A_259, %add3A_608 : i32
        %add3A_610 = arith.constant 96 : i32
        %add3A_611 = arith.addi %add3A_609, %add3A_610 : i32
        %add3A_612 = vector.broadcast %add3A_611 : i32 to vector<16xi32>
        %add3A_613 = arith.addi %add3A_612, %iota3A : vector<16xi32>
        %and3A_614 = arith.constant 4095 : i32
        %and3A_615 = vector.broadcast %and3A_614 : i32 to vector<16xi32>
        %and3A_616 = arith.andi %add3A_613, %and3A_615 : vector<16xi32>
        %mul3A_617 = arith.constant 200 : i32
        %mul3A_618 = vector.broadcast %mul3A_617 : i32 to vector<16xi32>
        %mul3A_619 = arith.muli %and3A_616, %mul3A_618 : vector<16xi32>
        %shift_right_arithmetic3A_620 = arith.constant 12 : i32
        %shift_right_arithmetic3A_621 = vector.broadcast %shift_right_arithmetic3A_620 : i32 to vector<16xi32>
        %shift_right_arithmetic3A_622 = arith.shrsi %add3A_613, %shift_right_arithmetic3A_621 : vector<16xi32>
        %add3A_623 = arith.addi %mul3A_619, %shift_right_arithmetic3A_622 : vector<16xi32>
        %mul3A_624 = arith.constant 2 : i32
        %mul3A_625 = vector.broadcast %mul3A_624 : i32 to vector<16xi32>
        %mul3A_626 = arith.muli %add3A_623, %mul3A_625 : vector<16xi32>
        %swap3A_627 = arith.constant 5 : i32
        %swap3A_628 = arith.index_cast %swap3A_627 : i32 to index
        %swap3A_629 = arith.constant 96 : index
        %swap3A_630 = tpu.vector_load %arg11[%swap3A_628, %swap3A_629] {strides = array<i32>} : memref<8x128xi32, #tpu.memory_space<vmem>>, vector<1x16xi32>,
        %swap3A_631 = vector.shape_cast %swap3A_630 : vector<1x16xi32> to vector<16xi32>
        %swap3A_632 = vector.shape_cast %mul3A_626 : vector<16xi32> to vector<1x16xi32>
        tpu.vector_store %arg11[%swap3A_628, %swap3A_629], %swap3A_632 {strides = array<i32>} : memref<8x128xi32, #tpu.memory_space<vmem>>, vector<1x16xi32>,
        %add3A_633 = arith.constant 128 : i32
        %add3A_634 = arith.addi %add3A_259, %add3A_633 : i32
        %add3A_635 = arith.constant 112 : i32
        %add3A_636 = arith.addi %add3A_634, %add3A_635 : i32
        %add3A_637 = vector.broadcast %add3A_636 : i32 to vector<16xi32>
        %add3A_638 = arith.addi %add3A_637, %iota3A : vector<16xi32>
        %and3A_639 = arith.constant 4095 : i32
        %and3A_640 = vector.broadcast %and3A_639 : i32 to vector<16xi32>
        %and3A_641 = arith.andi %add3A_638, %and3A_640 : vector<16xi32>
        %mul3A_642 = arith.constant 200 : i32
        %mul3A_643 = vector.broadcast %mul3A_642 : i32 to vector<16xi32>
        %mul3A_644 = arith.muli %and3A_641, %mul3A_643 : vector<16xi32>
        %shift_right_arithmetic3A_645 = arith.constant 12 : i32
        %shift_right_arithmetic3A_646 = vector.broadcast %shift_right_arithmetic3A_645 : i32 to vector<16xi32>
        %shift_right_arithmetic3A_647 = arith.shrsi %add3A_638, %shift_right_arithmetic3A_646 : vector<16xi32>
        %add3A_648 = arith.addi %mul3A_644, %shift_right_arithmetic3A_647 : vector<16xi32>
        %mul3A_649 = arith.constant 2 : i32
        %mul3A_650 = vector.broadcast %mul3A_649 : i32 to vector<16xi32>
        %mul3A_651 = arith.muli %add3A_648, %mul3A_650 : vector<16xi32>
        %swap3A_652 = arith.constant 5 : i32
        %swap3A_653 = arith.index_cast %swap3A_652 : i32 to index
        %swap3A_654 = arith.constant 112 : index
        %swap3A_655 = tpu.vector_load %arg11[%swap3A_653, %swap3A_654] {strides = array<i32>} : memref<8x128xi32, #tpu.memory_space<vmem>>, vector<1x16xi32>,
        %swap3A_656 = vector.shape_cast %swap3A_655 : vector<1x16xi32> to vector<16xi32>
        %swap3A_657 = vector.shape_cast %mul3A_651 : vector<16xi32> to vector<1x16xi32>
        tpu.vector_store %arg11[%swap3A_653, %swap3A_654], %swap3A_657 {strides = array<i32>} : memref<8x128xi32, #tpu.memory_space<vmem>>, vector<1x16xi32>,
        %dma_start3A = arith.constant 4 : i32
        %dma_start3A_658 = arith.constant 2 : i32
        %dma_start3A_659 = arith.constant 0 : i32
        %dma_start3A_660 = arith.constant 0 : i32
        %dma_start3A_661 = tpu.memref_slice %arg14[%dma_start3A_659, %dma_start3A_660] : memref<256x64xf32, #tpu.memory_space<vmem>> -> memref<128x64xf32, #tpu.memory_space<vmem>>
        %dma_start3A_662 = arith.constant 0 : i32
        %dma_start3A_663 = tpu.memref_slice %arg11[%dma_start3A, %dma_start3A_662] : memref<8x128xi32, #tpu.memory_space<vmem>> -> memref<1x128xi32, #tpu.memory_space<vmem>>
        %dma_start3A_664 = tpu.memref_squeeze %dma_start3A_663 : memref<1x128xi32, #tpu.memory_space<vmem>> -> memref<128xi32, #tpu.memory_space<vmem>>
        %dma_start3A_665 = arith.constant 0 : i32
        %dma_start3A_666 = arith.constant 0 : i32
        %dma_start3A_667 = tpu.memref_slice %arg7[%dma_start3A_665, %dma_start3A_666] : memref<1638400x64xf32, #tpu.memory_space<hbm>> -> memref<1638400x64xf32, #tpu.memory_space<hbm>>
        %dma_start3A_668 = tpu.memref_slice %arg16[%dma_start3A_658] : memref<4x!tpu.dma_semaphore, #tpu.memory_space<semaphore_mem>> -> memref<1x!tpu.dma_semaphore, #tpu.memory_space<semaphore_mem>>
        %dma_start3A_669 = tpu.memref_squeeze %dma_start3A_668 : memref<1x!tpu.dma_semaphore, #tpu.memory_space<semaphore_mem>> -> memref<!tpu.dma_semaphore, #tpu.memory_space<semaphore_mem>>
        tpu.enqueue_indirect_dma source(%dma_start3A_661 : memref<128x64xf32, #tpu.memory_space<vmem>>) target(%dma_start3A_667 : memref<1638400x64xf32, #tpu.memory_space<hbm>>) offsets(%dma_start3A_664 : memref<128xi32, #tpu.memory_space<vmem>>) semaphore(%dma_start3A_669 : memref<!tpu.dma_semaphore, #tpu.memory_space<semaphore_mem>>)
        %dma_start3A_670 = arith.constant 5 : i32
        %dma_start3A_671 = arith.constant 2 : i32
        %dma_start3A_672 = arith.constant 128 : i32
        %dma_start3A_673 = arith.constant 0 : i32
        %dma_start3A_674 = tpu.memref_slice %arg14[%dma_start3A_672, %dma_start3A_673] : memref<256x64xf32, #tpu.memory_space<vmem>> -> memref<128x64xf32, #tpu.memory_space<vmem>>
        %dma_start3A_675 = arith.constant 0 : i32
        %dma_start3A_676 = tpu.memref_slice %arg11[%dma_start3A_670, %dma_start3A_675] : memref<8x128xi32, #tpu.memory_space<vmem>> -> memref<1x128xi32, #tpu.memory_space<vmem>>
        %dma_start3A_677 = tpu.memref_squeeze %dma_start3A_676 : memref<1x128xi32, #tpu.memory_space<vmem>> -> memref<128xi32, #tpu.memory_space<vmem>>
        %dma_start3A_678 = arith.constant 0 : i32
        %dma_start3A_679 = arith.constant 0 : i32
        %dma_start3A_680 = tpu.memref_slice %arg7[%dma_start3A_678, %dma_start3A_679] : memref<1638400x64xf32, #tpu.memory_space<hbm>> -> memref<1638400x64xf32, #tpu.memory_space<hbm>>
        %dma_start3A_681 = tpu.memref_slice %arg16[%dma_start3A_671] : memref<4x!tpu.dma_semaphore, #tpu.memory_space<semaphore_mem>> -> memref<1x!tpu.dma_semaphore, #tpu.memory_space<semaphore_mem>>
        %dma_start3A_682 = tpu.memref_squeeze %dma_start3A_681 : memref<1x!tpu.dma_semaphore, #tpu.memory_space<semaphore_mem>> -> memref<!tpu.dma_semaphore, #tpu.memory_space<semaphore_mem>>
        tpu.enqueue_indirect_dma source(%dma_start3A_674 : memref<128x64xf32, #tpu.memory_space<vmem>>) target(%dma_start3A_680 : memref<1638400x64xf32, #tpu.memory_space<hbm>>) offsets(%dma_start3A_677 : memref<128xi32, #tpu.memory_space<vmem>>) semaphore(%dma_start3A_682 : memref<!tpu.dma_semaphore, #tpu.memory_space<semaphore_mem>>)
      } else {
      }
      %ge3A_159 = arith.constant 2 : i32
      %ge3A_160 = arith.cmpi sge, %add3A_150, %ge3A_159 : i32
      %lt3A_161 = arith.constant 52 : i32
      %lt3A_162 = arith.cmpi slt, %add3A_150, %lt3A_161 : i32
      %and3A_163 = arith.andi %ge3A_160, %lt3A_162 : i1
      %convert_element_type3A_164 = arith.extui %and3A_163 : i1 to i32
      %cond3A_165 = arith.constant 0 : i32
      %cond3A_166 = arith.cmpi ne, %convert_element_type3A_164, %cond3A_165 : i32
      scf.if %cond3A_166 {
        %dma_wait3A_247 = arith.constant 3 : i32
        %dma_wait3A_248 = arith.constant 0 : i32
        %dma_wait3A_249 = arith.constant 0 : i32
        %dma_wait3A_250 = tpu.memref_slice %arg7[%dma_wait3A_248, %dma_wait3A_249] : memref<1638400x64xf32, #tpu.memory_space<hbm>> -> memref<256x64xf32, #tpu.memory_space<hbm>>
        %dma_wait3A_251 = tpu.memref_slice %arg16[%dma_wait3A_247] : memref<4x!tpu.dma_semaphore, #tpu.memory_space<semaphore_mem>> -> memref<1x!tpu.dma_semaphore, #tpu.memory_space<semaphore_mem>>
        %dma_wait3A_252 = tpu.memref_squeeze %dma_wait3A_251 : memref<1x!tpu.dma_semaphore, #tpu.memory_space<semaphore_mem>> -> memref<!tpu.dma_semaphore, #tpu.memory_space<semaphore_mem>>
        %dma_wait3A_253 = arith.constant 0 : i32
        %dma_wait3A_254 = arith.constant 0 : i32
        %dma_wait3A_255 = tpu.memref_slice %arg7[%dma_wait3A_253, %dma_wait3A_254] : memref<1638400x64xf32, #tpu.memory_space<hbm>> -> memref<256x64xf32, #tpu.memory_space<hbm>>
        tpu.wait_dma2 semaphore(%dma_wait3A_252 : memref<!tpu.dma_semaphore, #tpu.memory_space<semaphore_mem>>) src(%dma_wait3A_255 : memref<256x64xf32, #tpu.memory_space<hbm>>) dst(%arg15 : memref<256x64xf32, #tpu.memory_space<vmem>>)
        %sub3A = arith.constant 2 : i32
        %sub3A_256 = arith.subi %add3A_150, %sub3A : i32
        %mul3A_257 = arith.constant 2 : i32
        %mul3A_258 = arith.muli %sub3A_256, %mul3A_257 : i32
        %add3A_259 = arith.constant 0 : i32
        %add3A_260 = arith.addi %mul3A_258, %add3A_259 : i32
        %dma_start3A = arith.constant 3 : i32
        %dma_start3A_261 = arith.constant 0 : i32
        %dma_start3A_262 = arith.constant 0 : i32
        %dma_start3A_263 = tpu.memref_slice %arg15[%dma_start3A_261, %dma_start3A_262] : memref<256x64xf32, #tpu.memory_space<vmem>> -> memref<128x64xf32, #tpu.memory_space<vmem>>
        %dma_start3A_264 = arith.constant 0 : i32
        %dma_start3A_265 = tpu.memref_slice %arg10[%add3A_260, %dma_start3A_264] : memref<100x128xi32, #tpu.memory_space<vmem>> -> memref<1x128xi32, #tpu.memory_space<vmem>>
        %dma_start3A_266 = tpu.memref_squeeze %dma_start3A_265 : memref<1x128xi32, #tpu.memory_space<vmem>> -> memref<128xi32, #tpu.memory_space<vmem>>
        %dma_start3A_267 = arith.constant 0 : i32
        %dma_start3A_268 = arith.constant 0 : i32
        %dma_start3A_269 = tpu.memref_slice %arg6[%dma_start3A_267, %dma_start3A_268] : memref<600x64xf32, #tpu.memory_space<hbm>> -> memref<600x64xf32, #tpu.memory_space<hbm>>
        %dma_start3A_270 = tpu.memref_slice %arg16[%dma_start3A] : memref<4x!tpu.dma_semaphore, #tpu.memory_space<semaphore_mem>> -> memref<1x!tpu.dma_semaphore, #tpu.memory_space<semaphore_mem>>
        %dma_start3A_271 = tpu.memref_squeeze %dma_start3A_270 : memref<1x!tpu.dma_semaphore, #tpu.memory_space<semaphore_mem>> -> memref<!tpu.dma_semaphore, #tpu.memory_space<semaphore_mem>>
        tpu.enqueue_indirect_dma source(%dma_start3A_269 : memref<600x64xf32, #tpu.memory_space<hbm>>) target(%dma_start3A_263 : memref<128x64xf32, #tpu.memory_space<vmem>>) offsets(%dma_start3A_266 : memref<128xi32, #tpu.memory_space<vmem>>) semaphore(%dma_start3A_271 : memref<!tpu.dma_semaphore, #tpu.memory_space<semaphore_mem>>) {add = true}
        %sub3A_272 = arith.constant 2 : i32
        %sub3A_273 = arith.subi %add3A_150, %sub3A_272 : i32
        %mul3A_274 = arith.constant 2 : i32
        %mul3A_275 = arith.muli %sub3A_273, %mul3A_274 : i32
        %add3A_276 = arith.constant 1 : i32
        %add3A_277 = arith.addi %mul3A_275, %add3A_276 : i32
        %dma_start3A_278 = arith.constant 3 : i32
        %dma_start3A_279 = arith.constant 128 : i32
        %dma_start3A_280 = arith.constant 0 : i32
        %dma_start3A_281 = tpu.memref_slice %arg15[%dma_start3A_279, %dma_start3A_280] : memref<256x64xf32, #tpu.memory_space<vmem>> -> memref<128x64xf32, #tpu.memory_space<vmem>>
        %dma_start3A_282 = arith.constant 0 : i32
        %dma_start3A_283 = tpu.memref_slice %arg10[%add3A_277, %dma_start3A_282] : memref<100x128xi32, #tpu.memory_space<vmem>> -> memref<1x128xi32, #tpu.memory_space<vmem>>
        %dma_start3A_284 = tpu.memref_squeeze %dma_start3A_283 : memref<1x128xi32, #tpu.memory_space<vmem>> -> memref<128xi32, #tpu.memory_space<vmem>>
        %dma_start3A_285 = arith.constant 0 : i32
        %dma_start3A_286 = arith.constant 0 : i32
        %dma_start3A_287 = tpu.memref_slice %arg6[%dma_start3A_285, %dma_start3A_286] : memref<600x64xf32, #tpu.memory_space<hbm>> -> memref<600x64xf32, #tpu.memory_space<hbm>>
        %dma_start3A_288 = tpu.memref_slice %arg16[%dma_start3A_278] : memref<4x!tpu.dma_semaphore, #tpu.memory_space<semaphore_mem>> -> memref<1x!tpu.dma_semaphore, #tpu.memory_space<semaphore_mem>>
        %dma_start3A_289 = tpu.memref_squeeze %dma_start3A_288 : memref<1x!tpu.dma_semaphore, #tpu.memory_space<semaphore_mem>> -> memref<!tpu.dma_semaphore, #tpu.memory_space<semaphore_mem>>
        tpu.enqueue_indirect_dma source(%dma_start3A_287 : memref<600x64xf32, #tpu.memory_space<hbm>>) target(%dma_start3A_281 : memref<128x64xf32, #tpu.memory_space<vmem>>) offsets(%dma_start3A_284 : memref<128xi32, #tpu.memory_space<vmem>>) semaphore(%dma_start3A_289 : memref<!tpu.dma_semaphore, #tpu.memory_space<semaphore_mem>>) {add = true}
      } else {
      }
      %ge3A_167 = arith.constant 1 : i32
      %ge3A_168 = arith.cmpi sge, %add3A_150, %ge3A_167 : i32
      %lt3A_169 = arith.constant 51 : i32
      %lt3A_170 = arith.cmpi slt, %add3A_150, %lt3A_169 : i32
      %and3A_171 = arith.andi %ge3A_168, %lt3A_170 : i1
      %convert_element_type3A_172 = arith.extui %and3A_171 : i1 to i32
      %cond3A_173 = arith.constant 0 : i32
      %cond3A_174 = arith.cmpi ne, %convert_element_type3A_172, %cond3A_173 : i32
      scf.if %cond3A_174 {
        %dma_wait3A_247 = arith.constant 0 : i32
        %dma_wait3A_248 = arith.constant 0 : i32
        %dma_wait3A_249 = arith.constant 0 : i32
        %dma_wait3A_250 = tpu.memref_slice %arg7[%dma_wait3A_248, %dma_wait3A_249] : memref<1638400x64xf32, #tpu.memory_space<hbm>> -> memref<256x64xf32, #tpu.memory_space<hbm>>
        %dma_wait3A_251 = tpu.memref_slice %arg16[%dma_wait3A_247] : memref<4x!tpu.dma_semaphore, #tpu.memory_space<semaphore_mem>> -> memref<1x!tpu.dma_semaphore, #tpu.memory_space<semaphore_mem>>
        %dma_wait3A_252 = tpu.memref_squeeze %dma_wait3A_251 : memref<1x!tpu.dma_semaphore, #tpu.memory_space<semaphore_mem>> -> memref<!tpu.dma_semaphore, #tpu.memory_space<semaphore_mem>>
        %dma_wait3A_253 = arith.constant 0 : i32
        %dma_wait3A_254 = arith.constant 0 : i32
        %dma_wait3A_255 = tpu.memref_slice %arg7[%dma_wait3A_253, %dma_wait3A_254] : memref<1638400x64xf32, #tpu.memory_space<hbm>> -> memref<256x64xf32, #tpu.memory_space<hbm>>
        tpu.wait_dma2 semaphore(%dma_wait3A_252 : memref<!tpu.dma_semaphore, #tpu.memory_space<semaphore_mem>>) src(%dma_wait3A_255 : memref<256x64xf32, #tpu.memory_space<hbm>>) dst(%arg12 : memref<256x64xf32, #tpu.memory_space<vmem>>)
        %sub3A = arith.constant 1 : i32
        %sub3A_256 = arith.subi %add3A_150, %sub3A : i32
        %mul3A_257 = arith.constant 2 : i32
        %mul3A_258 = arith.muli %sub3A_256, %mul3A_257 : i32
        %add3A_259 = arith.constant 0 : i32
        %add3A_260 = arith.addi %mul3A_258, %add3A_259 : i32
        %dma_start3A = arith.constant 0 : i32
        %dma_start3A_261 = arith.constant 0 : i32
        %dma_start3A_262 = arith.constant 0 : i32
        %dma_start3A_263 = tpu.memref_slice %arg12[%dma_start3A_261, %dma_start3A_262] : memref<256x64xf32, #tpu.memory_space<vmem>> -> memref<128x64xf32, #tpu.memory_space<vmem>>
        %dma_start3A_264 = arith.constant 0 : i32
        %dma_start3A_265 = tpu.memref_slice %arg9[%add3A_260, %dma_start3A_264] : memref<100x128xi32, #tpu.memory_space<vmem>> -> memref<1x128xi32, #tpu.memory_space<vmem>>
        %dma_start3A_266 = tpu.memref_squeeze %dma_start3A_265 : memref<1x128xi32, #tpu.memory_space<vmem>> -> memref<128xi32, #tpu.memory_space<vmem>>
        %dma_start3A_267 = arith.constant 0 : i32
        %dma_start3A_268 = arith.constant 0 : i32
        %dma_start3A_269 = tpu.memref_slice %arg6[%dma_start3A_267, %dma_start3A_268] : memref<600x64xf32, #tpu.memory_space<hbm>> -> memref<600x64xf32, #tpu.memory_space<hbm>>
        %dma_start3A_270 = tpu.memref_slice %arg16[%dma_start3A] : memref<4x!tpu.dma_semaphore, #tpu.memory_space<semaphore_mem>> -> memref<1x!tpu.dma_semaphore, #tpu.memory_space<semaphore_mem>>
        %dma_start3A_271 = tpu.memref_squeeze %dma_start3A_270 : memref<1x!tpu.dma_semaphore, #tpu.memory_space<semaphore_mem>> -> memref<!tpu.dma_semaphore, #tpu.memory_space<semaphore_mem>>
        tpu.enqueue_indirect_dma source(%dma_start3A_269 : memref<600x64xf32, #tpu.memory_space<hbm>>) target(%dma_start3A_263 : memref<128x64xf32, #tpu.memory_space<vmem>>) offsets(%dma_start3A_266 : memref<128xi32, #tpu.memory_space<vmem>>) semaphore(%dma_start3A_271 : memref<!tpu.dma_semaphore, #tpu.memory_space<semaphore_mem>>) {add = true}
        %sub3A_272 = arith.constant 1 : i32
        %sub3A_273 = arith.subi %add3A_150, %sub3A_272 : i32
        %mul3A_274 = arith.constant 2 : i32
        %mul3A_275 = arith.muli %sub3A_273, %mul3A_274 : i32
        %add3A_276 = arith.constant 1 : i32
        %add3A_277 = arith.addi %mul3A_275, %add3A_276 : i32
        %dma_start3A_278 = arith.constant 0 : i32
        %dma_start3A_279 = arith.constant 128 : i32
        %dma_start3A_280 = arith.constant 0 : i32
        %dma_start3A_281 = tpu.memref_slice %arg12[%dma_start3A_279, %dma_start3A_280] : memref<256x64xf32, #tpu.memory_space<vmem>> -> memref<128x64xf32, #tpu.memory_space<vmem>>
        %dma_start3A_282 = arith.constant 0 : i32
        %dma_start3A_283 = tpu.memref_slice %arg9[%add3A_277, %dma_start3A_282] : memref<100x128xi32, #tpu.memory_space<vmem>> -> memref<1x128xi32, #tpu.memory_space<vmem>>
        %dma_start3A_284 = tpu.memref_squeeze %dma_start3A_283 : memref<1x128xi32, #tpu.memory_space<vmem>> -> memref<128xi32, #tpu.memory_space<vmem>>
        %dma_start3A_285 = arith.constant 0 : i32
        %dma_start3A_286 = arith.constant 0 : i32
        %dma_start3A_287 = tpu.memref_slice %arg6[%dma_start3A_285, %dma_start3A_286] : memref<600x64xf32, #tpu.memory_space<hbm>> -> memref<600x64xf32, #tpu.memory_space<hbm>>
        %dma_start3A_288 = tpu.memref_slice %arg16[%dma_start3A_278] : memref<4x!tpu.dma_semaphore, #tpu.memory_space<semaphore_mem>> -> memref<1x!tpu.dma_semaphore, #tpu.memory_space<semaphore_mem>>
        %dma_start3A_289 = tpu.memref_squeeze %dma_start3A_288 : memref<1x!tpu.dma_semaphore, #tpu.memory_space<semaphore_mem>> -> memref<!tpu.dma_semaphore, #tpu.memory_space<semaphore_mem>>
        tpu.enqueue_indirect_dma source(%dma_start3A_287 : memref<600x64xf32, #tpu.memory_space<hbm>>) target(%dma_start3A_281 : memref<128x64xf32, #tpu.memory_space<vmem>>) offsets(%dma_start3A_284 : memref<128xi32, #tpu.memory_space<vmem>>) semaphore(%dma_start3A_289 : memref<!tpu.dma_semaphore, #tpu.memory_space<semaphore_mem>>) {add = true}
      } else {
      }
      %lt3A_175 = arith.constant 50 : i32
      %lt3A_176 = arith.cmpi slt, %add3A_150, %lt3A_175 : i32
      %convert_element_type3A_177 = arith.extui %lt3A_176 : i1 to i32
      %cond3A_178 = arith.constant 0 : i32
      %cond3A_179 = arith.cmpi ne, %convert_element_type3A_177, %cond3A_178 : i32
      scf.if %cond3A_179 {
        %ge3A_247 = arith.constant 4 : i32
        %ge3A_248 = arith.cmpi sge, %add3A_150, %ge3A_247 : i32
        %convert_element_type3A_249 = arith.extui %ge3A_248 : i1 to i32
        %cond3A_250 = arith.constant 0 : i32
        %cond3A_251 = arith.cmpi ne, %convert_element_type3A_249, %cond3A_250 : i32
        scf.if %cond3A_251 {
          %dma_wait3A_283 = arith.constant 1 : i32
          %dma_wait3A_284 = arith.constant 0 : i32
          %dma_wait3A_285 = arith.constant 0 : i32
          %dma_wait3A_286 = tpu.memref_slice %arg7[%dma_wait3A_284, %dma_wait3A_285] : memref<1638400x64xf32, #tpu.memory_space<hbm>> -> memref<256x64xf32, #tpu.memory_space<hbm>>
          %dma_wait3A_287 = tpu.memref_slice %arg16[%dma_wait3A_283] : memref<4x!tpu.dma_semaphore, #tpu.memory_space<semaphore_mem>> -> memref<1x!tpu.dma_semaphore, #tpu.memory_space<semaphore_mem>>
          %dma_wait3A_288 = tpu.memref_squeeze %dma_wait3A_287 : memref<1x!tpu.dma_semaphore, #tpu.memory_space<semaphore_mem>> -> memref<!tpu.dma_semaphore, #tpu.memory_space<semaphore_mem>>
          %dma_wait3A_289 = arith.constant 0 : i32
          %dma_wait3A_290 = arith.constant 0 : i32
          %dma_wait3A_291 = tpu.memref_slice %arg7[%dma_wait3A_289, %dma_wait3A_290] : memref<1638400x64xf32, #tpu.memory_space<hbm>> -> memref<256x64xf32, #tpu.memory_space<hbm>>
          tpu.wait_dma2 semaphore(%dma_wait3A_288 : memref<!tpu.dma_semaphore, #tpu.memory_space<semaphore_mem>>) src(%dma_wait3A_291 : memref<256x64xf32, #tpu.memory_space<hbm>>) dst(%arg13 : memref<256x64xf32, #tpu.memory_space<vmem>>)
        } else {
        }
        %mul3A_252 = arith.constant 2 : i32
        %mul3A_253 = arith.muli %add3A_150, %mul3A_252 : i32
        %add3A_254 = arith.constant 0 : i32
        %add3A_255 = arith.addi %mul3A_253, %add3A_254 : i32
        %dma_start3A = arith.constant 1 : i32
        %dma_start3A_256 = arith.constant 0 : i32
        %dma_start3A_257 = arith.constant 0 : i32
        %dma_start3A_258 = tpu.memref_slice %arg13[%dma_start3A_256, %dma_start3A_257] : memref<256x64xf32, #tpu.memory_space<vmem>> -> memref<128x64xf32, #tpu.memory_space<vmem>>
        %dma_start3A_259 = arith.constant 0 : i32
        %dma_start3A_260 = tpu.memref_slice %arg8[%add3A_255, %dma_start3A_259] : memref<100x128xi32, #tpu.memory_space<vmem>> -> memref<1x128xi32, #tpu.memory_space<vmem>>
        %dma_start3A_261 = tpu.memref_squeeze %dma_start3A_260 : memref<1x128xi32, #tpu.memory_space<vmem>> -> memref<128xi32, #tpu.memory_space<vmem>>
        %dma_start3A_262 = arith.constant 0 : i32
        %dma_start3A_263 = arith.constant 0 : i32
        %dma_start3A_264 = tpu.memref_slice %arg5[%dma_start3A_262, %dma_start3A_263] : memref<100000x64xf32, #tpu.memory_space<hbm>> -> memref<100000x64xf32, #tpu.memory_space<hbm>>
        %dma_start3A_265 = tpu.memref_slice %arg16[%dma_start3A] : memref<4x!tpu.dma_semaphore, #tpu.memory_space<semaphore_mem>> -> memref<1x!tpu.dma_semaphore, #tpu.memory_space<semaphore_mem>>
        %dma_start3A_266 = tpu.memref_squeeze %dma_start3A_265 : memref<1x!tpu.dma_semaphore, #tpu.memory_space<semaphore_mem>> -> memref<!tpu.dma_semaphore, #tpu.memory_space<semaphore_mem>>
        tpu.enqueue_indirect_dma source(%dma_start3A_264 : memref<100000x64xf32, #tpu.memory_space<hbm>>) target(%dma_start3A_258 : memref<128x64xf32, #tpu.memory_space<vmem>>) offsets(%dma_start3A_261 : memref<128xi32, #tpu.memory_space<vmem>>) semaphore(%dma_start3A_266 : memref<!tpu.dma_semaphore, #tpu.memory_space<semaphore_mem>>)
        %mul3A_267 = arith.constant 2 : i32
        %mul3A_268 = arith.muli %add3A_150, %mul3A_267 : i32
        %add3A_269 = arith.constant 1 : i32
        %add3A_270 = arith.addi %mul3A_268, %add3A_269 : i32
        %dma_start3A_271 = arith.constant 1 : i32
        %dma_start3A_272 = arith.constant 128 : i32
        %dma_start3A_273 = arith.constant 0 : i32
        %dma_start3A_274 = tpu.memref_slice %arg13[%dma_start3A_272, %dma_start3A_273] : memref<256x64xf32, #tpu.memory_space<vmem>> -> memref<128x64xf32, #tpu.memory_space<vmem>>
        %dma_start3A_275 = arith.constant 0 : i32
        %dma_start3A_276 = tpu.memref_slice %arg8[%add3A_270, %dma_start3A_275] : memref<100x128xi32, #tpu.memory_space<vmem>> -> memref<1x128xi32, #tpu.memory_space<vmem>>
        %dma_start3A_277 = tpu.memref_squeeze %dma_start3A_276 : memref<1x128xi32, #tpu.memory_space<vmem>> -> memref<128xi32, #tpu.memory_space<vmem>>
        %dma_start3A_278 = arith.constant 0 : i32
        %dma_start3A_279 = arith.constant 0 : i32
        %dma_start3A_280 = tpu.memref_slice %arg5[%dma_start3A_278, %dma_start3A_279] : memref<100000x64xf32, #tpu.memory_space<hbm>> -> memref<100000x64xf32, #tpu.memory_space<hbm>>
        %dma_start3A_281 = tpu.memref_slice %arg16[%dma_start3A_271] : memref<4x!tpu.dma_semaphore, #tpu.memory_space<semaphore_mem>> -> memref<1x!tpu.dma_semaphore, #tpu.memory_space<semaphore_mem>>
        %dma_start3A_282 = tpu.memref_squeeze %dma_start3A_281 : memref<1x!tpu.dma_semaphore, #tpu.memory_space<semaphore_mem>> -> memref<!tpu.dma_semaphore, #tpu.memory_space<semaphore_mem>>
        tpu.enqueue_indirect_dma source(%dma_start3A_280 : memref<100000x64xf32, #tpu.memory_space<hbm>>) target(%dma_start3A_274 : memref<128x64xf32, #tpu.memory_space<vmem>>) offsets(%dma_start3A_277 : memref<128xi32, #tpu.memory_space<vmem>>) semaphore(%dma_start3A_282 : memref<!tpu.dma_semaphore, #tpu.memory_space<semaphore_mem>>)
      } else {
      }
      %mul3A_180 = arith.constant 4 : i32
      %mul3A_181 = arith.muli %scan3A_117, %mul3A_180 : i32
      %add3A_182 = arith.constant 2 : i32
      %add3A_183 = arith.addi %mul3A_181, %add3A_182 : i32
      %ge3A_184 = arith.constant 3 : i32
      %ge3A_185 = arith.cmpi sge, %add3A_183, %ge3A_184 : i32
      %lt3A_186 = arith.constant 53 : i32
      %lt3A_187 = arith.cmpi slt, %add3A_183, %lt3A_186 : i32
      %and3A_188 = arith.andi %ge3A_185, %lt3A_187 : i1
      %convert_element_type3A_189 = arith.extui %and3A_188 : i1 to i32
      %cond3A_190 = arith.constant 0 : i32
      %cond3A_191 = arith.cmpi ne, %convert_element_type3A_189, %cond3A_190 : i32
      scf.if %cond3A_191 {
        %dma_wait3A_247 = arith.constant 3 : i32
        %dma_wait3A_248 = arith.constant 0 : i32
        %dma_wait3A_249 = arith.constant 0 : i32
        %dma_wait3A_250 = tpu.memref_slice %arg7[%dma_wait3A_248, %dma_wait3A_249] : memref<1638400x64xf32, #tpu.memory_space<hbm>> -> memref<256x64xf32, #tpu.memory_space<hbm>>
        %dma_wait3A_251 = tpu.memref_slice %arg16[%dma_wait3A_247] : memref<4x!tpu.dma_semaphore, #tpu.memory_space<semaphore_mem>> -> memref<1x!tpu.dma_semaphore, #tpu.memory_space<semaphore_mem>>
        %dma_wait3A_252 = tpu.memref_squeeze %dma_wait3A_251 : memref<1x!tpu.dma_semaphore, #tpu.memory_space<semaphore_mem>> -> memref<!tpu.dma_semaphore, #tpu.memory_space<semaphore_mem>>
        %dma_wait3A_253 = arith.constant 0 : i32
        %dma_wait3A_254 = arith.constant 0 : i32
        %dma_wait3A_255 = tpu.memref_slice %arg7[%dma_wait3A_253, %dma_wait3A_254] : memref<1638400x64xf32, #tpu.memory_space<hbm>> -> memref<256x64xf32, #tpu.memory_space<hbm>>
        tpu.wait_dma2 semaphore(%dma_wait3A_252 : memref<!tpu.dma_semaphore, #tpu.memory_space<semaphore_mem>>) src(%dma_wait3A_255 : memref<256x64xf32, #tpu.memory_space<hbm>>) dst(%arg15 : memref<256x64xf32, #tpu.memory_space<vmem>>)
        %sub3A = arith.constant 3 : i32
        %sub3A_256 = arith.subi %add3A_183, %sub3A : i32
        %mul3A_257 = arith.constant 256 : i32
        %mul3A_258 = arith.muli %sub3A_256, %mul3A_257 : i32
        %add3A_259 = arith.addi %mul3A_73, %mul3A_258 : i32
        %add3A_260 = arith.constant 0 : i32
        %add3A_261 = arith.addi %add3A_259, %add3A_260 : i32
        %add3A_262 = arith.constant 0 : i32
        %add3A_263 = arith.addi %add3A_261, %add3A_262 : i32
        %add3A_264 = vector.broadcast %add3A_263 : i32 to vector<16xi32>
        %add3A_265 = arith.addi %add3A_264, %iota3A : vector<16xi32>
        %and3A_266 = arith.constant 4095 : i32
        %and3A_267 = vector.broadcast %and3A_266 : i32 to vector<16xi32>
        %and3A_268 = arith.andi %add3A_265, %and3A_267 : vector<16xi32>
        %mul3A_269 = arith.constant 200 : i32
        %mul3A_270 = vector.broadcast %mul3A_269 : i32 to vector<16xi32>
        %mul3A_271 = arith.muli %and3A_268, %mul3A_270 : vector<16xi32>
        %shift_right_arithmetic3A = arith.constant 12 : i32
        %shift_right_arithmetic3A_272 = vector.broadcast %shift_right_arithmetic3A : i32 to vector<16xi32>
        %shift_right_arithmetic3A_273 = arith.shrsi %add3A_265, %shift_right_arithmetic3A_272 : vector<16xi32>
        %add3A_274 = arith.addi %mul3A_271, %shift_right_arithmetic3A_273 : vector<16xi32>
        %mul3A_275 = arith.constant 2 : i32
        %mul3A_276 = vector.broadcast %mul3A_275 : i32 to vector<16xi32>
        %mul3A_277 = arith.muli %add3A_274, %mul3A_276 : vector<16xi32>
        %swap3A = arith.constant 6 : i32
        %swap3A_278 = arith.index_cast %swap3A : i32 to index
        %swap3A_279 = arith.constant 0 : index
        %swap3A_280 = tpu.vector_load %arg11[%swap3A_278, %swap3A_279] {strides = array<i32>} : memref<8x128xi32, #tpu.memory_space<vmem>>, vector<1x16xi32>,
        %swap3A_281 = vector.shape_cast %swap3A_280 : vector<1x16xi32> to vector<16xi32>
        %swap3A_282 = vector.shape_cast %mul3A_277 : vector<16xi32> to vector<1x16xi32>
        tpu.vector_store %arg11[%swap3A_278, %swap3A_279], %swap3A_282 {strides = array<i32>} : memref<8x128xi32, #tpu.memory_space<vmem>>, vector<1x16xi32>,
        %add3A_283 = arith.constant 0 : i32
        %add3A_284 = arith.addi %add3A_259, %add3A_283 : i32
        %add3A_285 = arith.constant 16 : i32
        %add3A_286 = arith.addi %add3A_284, %add3A_285 : i32
        %add3A_287 = vector.broadcast %add3A_286 : i32 to vector<16xi32>
        %add3A_288 = arith.addi %add3A_287, %iota3A : vector<16xi32>
        %and3A_289 = arith.constant 4095 : i32
        %and3A_290 = vector.broadcast %and3A_289 : i32 to vector<16xi32>
        %and3A_291 = arith.andi %add3A_288, %and3A_290 : vector<16xi32>
        %mul3A_292 = arith.constant 200 : i32
        %mul3A_293 = vector.broadcast %mul3A_292 : i32 to vector<16xi32>
        %mul3A_294 = arith.muli %and3A_291, %mul3A_293 : vector<16xi32>
        %shift_right_arithmetic3A_295 = arith.constant 12 : i32
        %shift_right_arithmetic3A_296 = vector.broadcast %shift_right_arithmetic3A_295 : i32 to vector<16xi32>
        %shift_right_arithmetic3A_297 = arith.shrsi %add3A_288, %shift_right_arithmetic3A_296 : vector<16xi32>
        %add3A_298 = arith.addi %mul3A_294, %shift_right_arithmetic3A_297 : vector<16xi32>
        %mul3A_299 = arith.constant 2 : i32
        %mul3A_300 = vector.broadcast %mul3A_299 : i32 to vector<16xi32>
        %mul3A_301 = arith.muli %add3A_298, %mul3A_300 : vector<16xi32>
        %swap3A_302 = arith.constant 6 : i32
        %swap3A_303 = arith.index_cast %swap3A_302 : i32 to index
        %swap3A_304 = arith.constant 16 : index
        %swap3A_305 = tpu.vector_load %arg11[%swap3A_303, %swap3A_304] {strides = array<i32>} : memref<8x128xi32, #tpu.memory_space<vmem>>, vector<1x16xi32>,
        %swap3A_306 = vector.shape_cast %swap3A_305 : vector<1x16xi32> to vector<16xi32>
        %swap3A_307 = vector.shape_cast %mul3A_301 : vector<16xi32> to vector<1x16xi32>
        tpu.vector_store %arg11[%swap3A_303, %swap3A_304], %swap3A_307 {strides = array<i32>} : memref<8x128xi32, #tpu.memory_space<vmem>>, vector<1x16xi32>,
        %add3A_308 = arith.constant 0 : i32
        %add3A_309 = arith.addi %add3A_259, %add3A_308 : i32
        %add3A_310 = arith.constant 32 : i32
        %add3A_311 = arith.addi %add3A_309, %add3A_310 : i32
        %add3A_312 = vector.broadcast %add3A_311 : i32 to vector<16xi32>
        %add3A_313 = arith.addi %add3A_312, %iota3A : vector<16xi32>
        %and3A_314 = arith.constant 4095 : i32
        %and3A_315 = vector.broadcast %and3A_314 : i32 to vector<16xi32>
        %and3A_316 = arith.andi %add3A_313, %and3A_315 : vector<16xi32>
        %mul3A_317 = arith.constant 200 : i32
        %mul3A_318 = vector.broadcast %mul3A_317 : i32 to vector<16xi32>
        %mul3A_319 = arith.muli %and3A_316, %mul3A_318 : vector<16xi32>
        %shift_right_arithmetic3A_320 = arith.constant 12 : i32
        %shift_right_arithmetic3A_321 = vector.broadcast %shift_right_arithmetic3A_320 : i32 to vector<16xi32>
        %shift_right_arithmetic3A_322 = arith.shrsi %add3A_313, %shift_right_arithmetic3A_321 : vector<16xi32>
        %add3A_323 = arith.addi %mul3A_319, %shift_right_arithmetic3A_322 : vector<16xi32>
        %mul3A_324 = arith.constant 2 : i32
        %mul3A_325 = vector.broadcast %mul3A_324 : i32 to vector<16xi32>
        %mul3A_326 = arith.muli %add3A_323, %mul3A_325 : vector<16xi32>
        %swap3A_327 = arith.constant 6 : i32
        %swap3A_328 = arith.index_cast %swap3A_327 : i32 to index
        %swap3A_329 = arith.constant 32 : index
        %swap3A_330 = tpu.vector_load %arg11[%swap3A_328, %swap3A_329] {strides = array<i32>} : memref<8x128xi32, #tpu.memory_space<vmem>>, vector<1x16xi32>,
        %swap3A_331 = vector.shape_cast %swap3A_330 : vector<1x16xi32> to vector<16xi32>
        %swap3A_332 = vector.shape_cast %mul3A_326 : vector<16xi32> to vector<1x16xi32>
        tpu.vector_store %arg11[%swap3A_328, %swap3A_329], %swap3A_332 {strides = array<i32>} : memref<8x128xi32, #tpu.memory_space<vmem>>, vector<1x16xi32>,
        %add3A_333 = arith.constant 0 : i32
        %add3A_334 = arith.addi %add3A_259, %add3A_333 : i32
        %add3A_335 = arith.constant 48 : i32
        %add3A_336 = arith.addi %add3A_334, %add3A_335 : i32
        %add3A_337 = vector.broadcast %add3A_336 : i32 to vector<16xi32>
        %add3A_338 = arith.addi %add3A_337, %iota3A : vector<16xi32>
        %and3A_339 = arith.constant 4095 : i32
        %and3A_340 = vector.broadcast %and3A_339 : i32 to vector<16xi32>
        %and3A_341 = arith.andi %add3A_338, %and3A_340 : vector<16xi32>
        %mul3A_342 = arith.constant 200 : i32
        %mul3A_343 = vector.broadcast %mul3A_342 : i32 to vector<16xi32>
        %mul3A_344 = arith.muli %and3A_341, %mul3A_343 : vector<16xi32>
        %shift_right_arithmetic3A_345 = arith.constant 12 : i32
        %shift_right_arithmetic3A_346 = vector.broadcast %shift_right_arithmetic3A_345 : i32 to vector<16xi32>
        %shift_right_arithmetic3A_347 = arith.shrsi %add3A_338, %shift_right_arithmetic3A_346 : vector<16xi32>
        %add3A_348 = arith.addi %mul3A_344, %shift_right_arithmetic3A_347 : vector<16xi32>
        %mul3A_349 = arith.constant 2 : i32
        %mul3A_350 = vector.broadcast %mul3A_349 : i32 to vector<16xi32>
        %mul3A_351 = arith.muli %add3A_348, %mul3A_350 : vector<16xi32>
        %swap3A_352 = arith.constant 6 : i32
        %swap3A_353 = arith.index_cast %swap3A_352 : i32 to index
        %swap3A_354 = arith.constant 48 : index
        %swap3A_355 = tpu.vector_load %arg11[%swap3A_353, %swap3A_354] {strides = array<i32>} : memref<8x128xi32, #tpu.memory_space<vmem>>, vector<1x16xi32>,
        %swap3A_356 = vector.shape_cast %swap3A_355 : vector<1x16xi32> to vector<16xi32>
        %swap3A_357 = vector.shape_cast %mul3A_351 : vector<16xi32> to vector<1x16xi32>
        tpu.vector_store %arg11[%swap3A_353, %swap3A_354], %swap3A_357 {strides = array<i32>} : memref<8x128xi32, #tpu.memory_space<vmem>>, vector<1x16xi32>,
        %add3A_358 = arith.constant 0 : i32
        %add3A_359 = arith.addi %add3A_259, %add3A_358 : i32
        %add3A_360 = arith.constant 64 : i32
        %add3A_361 = arith.addi %add3A_359, %add3A_360 : i32
        %add3A_362 = vector.broadcast %add3A_361 : i32 to vector<16xi32>
        %add3A_363 = arith.addi %add3A_362, %iota3A : vector<16xi32>
        %and3A_364 = arith.constant 4095 : i32
        %and3A_365 = vector.broadcast %and3A_364 : i32 to vector<16xi32>
        %and3A_366 = arith.andi %add3A_363, %and3A_365 : vector<16xi32>
        %mul3A_367 = arith.constant 200 : i32
        %mul3A_368 = vector.broadcast %mul3A_367 : i32 to vector<16xi32>
        %mul3A_369 = arith.muli %and3A_366, %mul3A_368 : vector<16xi32>
        %shift_right_arithmetic3A_370 = arith.constant 12 : i32
        %shift_right_arithmetic3A_371 = vector.broadcast %shift_right_arithmetic3A_370 : i32 to vector<16xi32>
        %shift_right_arithmetic3A_372 = arith.shrsi %add3A_363, %shift_right_arithmetic3A_371 : vector<16xi32>
        %add3A_373 = arith.addi %mul3A_369, %shift_right_arithmetic3A_372 : vector<16xi32>
        %mul3A_374 = arith.constant 2 : i32
        %mul3A_375 = vector.broadcast %mul3A_374 : i32 to vector<16xi32>
        %mul3A_376 = arith.muli %add3A_373, %mul3A_375 : vector<16xi32>
        %swap3A_377 = arith.constant 6 : i32
        %swap3A_378 = arith.index_cast %swap3A_377 : i32 to index
        %swap3A_379 = arith.constant 64 : index
        %swap3A_380 = tpu.vector_load %arg11[%swap3A_378, %swap3A_379] {strides = array<i32>} : memref<8x128xi32, #tpu.memory_space<vmem>>, vector<1x16xi32>,
        %swap3A_381 = vector.shape_cast %swap3A_380 : vector<1x16xi32> to vector<16xi32>
        %swap3A_382 = vector.shape_cast %mul3A_376 : vector<16xi32> to vector<1x16xi32>
        tpu.vector_store %arg11[%swap3A_378, %swap3A_379], %swap3A_382 {strides = array<i32>} : memref<8x128xi32, #tpu.memory_space<vmem>>, vector<1x16xi32>,
        %add3A_383 = arith.constant 0 : i32
        %add3A_384 = arith.addi %add3A_259, %add3A_383 : i32
        %add3A_385 = arith.constant 80 : i32
        %add3A_386 = arith.addi %add3A_384, %add3A_385 : i32
        %add3A_387 = vector.broadcast %add3A_386 : i32 to vector<16xi32>
        %add3A_388 = arith.addi %add3A_387, %iota3A : vector<16xi32>
        %and3A_389 = arith.constant 4095 : i32
        %and3A_390 = vector.broadcast %and3A_389 : i32 to vector<16xi32>
        %and3A_391 = arith.andi %add3A_388, %and3A_390 : vector<16xi32>
        %mul3A_392 = arith.constant 200 : i32
        %mul3A_393 = vector.broadcast %mul3A_392 : i32 to vector<16xi32>
        %mul3A_394 = arith.muli %and3A_391, %mul3A_393 : vector<16xi32>
        %shift_right_arithmetic3A_395 = arith.constant 12 : i32
        %shift_right_arithmetic3A_396 = vector.broadcast %shift_right_arithmetic3A_395 : i32 to vector<16xi32>
        %shift_right_arithmetic3A_397 = arith.shrsi %add3A_388, %shift_right_arithmetic3A_396 : vector<16xi32>
        %add3A_398 = arith.addi %mul3A_394, %shift_right_arithmetic3A_397 : vector<16xi32>
        %mul3A_399 = arith.constant 2 : i32
        %mul3A_400 = vector.broadcast %mul3A_399 : i32 to vector<16xi32>
        %mul3A_401 = arith.muli %add3A_398, %mul3A_400 : vector<16xi32>
        %swap3A_402 = arith.constant 6 : i32
        %swap3A_403 = arith.index_cast %swap3A_402 : i32 to index
        %swap3A_404 = arith.constant 80 : index
        %swap3A_405 = tpu.vector_load %arg11[%swap3A_403, %swap3A_404] {strides = array<i32>} : memref<8x128xi32, #tpu.memory_space<vmem>>, vector<1x16xi32>,
        %swap3A_406 = vector.shape_cast %swap3A_405 : vector<1x16xi32> to vector<16xi32>
        %swap3A_407 = vector.shape_cast %mul3A_401 : vector<16xi32> to vector<1x16xi32>
        tpu.vector_store %arg11[%swap3A_403, %swap3A_404], %swap3A_407 {strides = array<i32>} : memref<8x128xi32, #tpu.memory_space<vmem>>, vector<1x16xi32>,
        %add3A_408 = arith.constant 0 : i32
        %add3A_409 = arith.addi %add3A_259, %add3A_408 : i32
        %add3A_410 = arith.constant 96 : i32
        %add3A_411 = arith.addi %add3A_409, %add3A_410 : i32
        %add3A_412 = vector.broadcast %add3A_411 : i32 to vector<16xi32>
        %add3A_413 = arith.addi %add3A_412, %iota3A : vector<16xi32>
        %and3A_414 = arith.constant 4095 : i32
        %and3A_415 = vector.broadcast %and3A_414 : i32 to vector<16xi32>
        %and3A_416 = arith.andi %add3A_413, %and3A_415 : vector<16xi32>
        %mul3A_417 = arith.constant 200 : i32
        %mul3A_418 = vector.broadcast %mul3A_417 : i32 to vector<16xi32>
        %mul3A_419 = arith.muli %and3A_416, %mul3A_418 : vector<16xi32>
        %shift_right_arithmetic3A_420 = arith.constant 12 : i32
        %shift_right_arithmetic3A_421 = vector.broadcast %shift_right_arithmetic3A_420 : i32 to vector<16xi32>
        %shift_right_arithmetic3A_422 = arith.shrsi %add3A_413, %shift_right_arithmetic3A_421 : vector<16xi32>
        %add3A_423 = arith.addi %mul3A_419, %shift_right_arithmetic3A_422 : vector<16xi32>
        %mul3A_424 = arith.constant 2 : i32
        %mul3A_425 = vector.broadcast %mul3A_424 : i32 to vector<16xi32>
        %mul3A_426 = arith.muli %add3A_423, %mul3A_425 : vector<16xi32>
        %swap3A_427 = arith.constant 6 : i32
        %swap3A_428 = arith.index_cast %swap3A_427 : i32 to index
        %swap3A_429 = arith.constant 96 : index
        %swap3A_430 = tpu.vector_load %arg11[%swap3A_428, %swap3A_429] {strides = array<i32>} : memref<8x128xi32, #tpu.memory_space<vmem>>, vector<1x16xi32>,
        %swap3A_431 = vector.shape_cast %swap3A_430 : vector<1x16xi32> to vector<16xi32>
        %swap3A_432 = vector.shape_cast %mul3A_426 : vector<16xi32> to vector<1x16xi32>
        tpu.vector_store %arg11[%swap3A_428, %swap3A_429], %swap3A_432 {strides = array<i32>} : memref<8x128xi32, #tpu.memory_space<vmem>>, vector<1x16xi32>,
        %add3A_433 = arith.constant 0 : i32
        %add3A_434 = arith.addi %add3A_259, %add3A_433 : i32
        %add3A_435 = arith.constant 112 : i32
        %add3A_436 = arith.addi %add3A_434, %add3A_435 : i32
        %add3A_437 = vector.broadcast %add3A_436 : i32 to vector<16xi32>
        %add3A_438 = arith.addi %add3A_437, %iota3A : vector<16xi32>
        %and3A_439 = arith.constant 4095 : i32
        %and3A_440 = vector.broadcast %and3A_439 : i32 to vector<16xi32>
        %and3A_441 = arith.andi %add3A_438, %and3A_440 : vector<16xi32>
        %mul3A_442 = arith.constant 200 : i32
        %mul3A_443 = vector.broadcast %mul3A_442 : i32 to vector<16xi32>
        %mul3A_444 = arith.muli %and3A_441, %mul3A_443 : vector<16xi32>
        %shift_right_arithmetic3A_445 = arith.constant 12 : i32
        %shift_right_arithmetic3A_446 = vector.broadcast %shift_right_arithmetic3A_445 : i32 to vector<16xi32>
        %shift_right_arithmetic3A_447 = arith.shrsi %add3A_438, %shift_right_arithmetic3A_446 : vector<16xi32>
        %add3A_448 = arith.addi %mul3A_444, %shift_right_arithmetic3A_447 : vector<16xi32>
        %mul3A_449 = arith.constant 2 : i32
        %mul3A_450 = vector.broadcast %mul3A_449 : i32 to vector<16xi32>
        %mul3A_451 = arith.muli %add3A_448, %mul3A_450 : vector<16xi32>
        %swap3A_452 = arith.constant 6 : i32
        %swap3A_453 = arith.index_cast %swap3A_452 : i32 to index
        %swap3A_454 = arith.constant 112 : index
        %swap3A_455 = tpu.vector_load %arg11[%swap3A_453, %swap3A_454] {strides = array<i32>} : memref<8x128xi32, #tpu.memory_space<vmem>>, vector<1x16xi32>,
        %swap3A_456 = vector.shape_cast %swap3A_455 : vector<1x16xi32> to vector<16xi32>
        %swap3A_457 = vector.shape_cast %mul3A_451 : vector<16xi32> to vector<1x16xi32>
        tpu.vector_store %arg11[%swap3A_453, %swap3A_454], %swap3A_457 {strides = array<i32>} : memref<8x128xi32, #tpu.memory_space<vmem>>, vector<1x16xi32>,
        %add3A_458 = arith.constant 128 : i32
        %add3A_459 = arith.addi %add3A_259, %add3A_458 : i32
        %add3A_460 = arith.constant 0 : i32
        %add3A_461 = arith.addi %add3A_459, %add3A_460 : i32
        %add3A_462 = vector.broadcast %add3A_461 : i32 to vector<16xi32>
        %add3A_463 = arith.addi %add3A_462, %iota3A : vector<16xi32>
        %and3A_464 = arith.constant 4095 : i32
        %and3A_465 = vector.broadcast %and3A_464 : i32 to vector<16xi32>
        %and3A_466 = arith.andi %add3A_463, %and3A_465 : vector<16xi32>
        %mul3A_467 = arith.constant 200 : i32
        %mul3A_468 = vector.broadcast %mul3A_467 : i32 to vector<16xi32>
        %mul3A_469 = arith.muli %and3A_466, %mul3A_468 : vector<16xi32>
        %shift_right_arithmetic3A_470 = arith.constant 12 : i32
        %shift_right_arithmetic3A_471 = vector.broadcast %shift_right_arithmetic3A_470 : i32 to vector<16xi32>
        %shift_right_arithmetic3A_472 = arith.shrsi %add3A_463, %shift_right_arithmetic3A_471 : vector<16xi32>
        %add3A_473 = arith.addi %mul3A_469, %shift_right_arithmetic3A_472 : vector<16xi32>
        %mul3A_474 = arith.constant 2 : i32
        %mul3A_475 = vector.broadcast %mul3A_474 : i32 to vector<16xi32>
        %mul3A_476 = arith.muli %add3A_473, %mul3A_475 : vector<16xi32>
        %swap3A_477 = arith.constant 7 : i32
        %swap3A_478 = arith.index_cast %swap3A_477 : i32 to index
        %swap3A_479 = arith.constant 0 : index
        %swap3A_480 = tpu.vector_load %arg11[%swap3A_478, %swap3A_479] {strides = array<i32>} : memref<8x128xi32, #tpu.memory_space<vmem>>, vector<1x16xi32>,
        %swap3A_481 = vector.shape_cast %swap3A_480 : vector<1x16xi32> to vector<16xi32>
        %swap3A_482 = vector.shape_cast %mul3A_476 : vector<16xi32> to vector<1x16xi32>
        tpu.vector_store %arg11[%swap3A_478, %swap3A_479], %swap3A_482 {strides = array<i32>} : memref<8x128xi32, #tpu.memory_space<vmem>>, vector<1x16xi32>,
        %add3A_483 = arith.constant 128 : i32
        %add3A_484 = arith.addi %add3A_259, %add3A_483 : i32
        %add3A_485 = arith.constant 16 : i32
        %add3A_486 = arith.addi %add3A_484, %add3A_485 : i32
        %add3A_487 = vector.broadcast %add3A_486 : i32 to vector<16xi32>
        %add3A_488 = arith.addi %add3A_487, %iota3A : vector<16xi32>
        %and3A_489 = arith.constant 4095 : i32
        %and3A_490 = vector.broadcast %and3A_489 : i32 to vector<16xi32>
        %and3A_491 = arith.andi %add3A_488, %and3A_490 : vector<16xi32>
        %mul3A_492 = arith.constant 200 : i32
        %mul3A_493 = vector.broadcast %mul3A_492 : i32 to vector<16xi32>
        %mul3A_494 = arith.muli %and3A_491, %mul3A_493 : vector<16xi32>
        %shift_right_arithmetic3A_495 = arith.constant 12 : i32
        %shift_right_arithmetic3A_496 = vector.broadcast %shift_right_arithmetic3A_495 : i32 to vector<16xi32>
        %shift_right_arithmetic3A_497 = arith.shrsi %add3A_488, %shift_right_arithmetic3A_496 : vector<16xi32>
        %add3A_498 = arith.addi %mul3A_494, %shift_right_arithmetic3A_497 : vector<16xi32>
        %mul3A_499 = arith.constant 2 : i32
        %mul3A_500 = vector.broadcast %mul3A_499 : i32 to vector<16xi32>
        %mul3A_501 = arith.muli %add3A_498, %mul3A_500 : vector<16xi32>
        %swap3A_502 = arith.constant 7 : i32
        %swap3A_503 = arith.index_cast %swap3A_502 : i32 to index
        %swap3A_504 = arith.constant 16 : index
        %swap3A_505 = tpu.vector_load %arg11[%swap3A_503, %swap3A_504] {strides = array<i32>} : memref<8x128xi32, #tpu.memory_space<vmem>>, vector<1x16xi32>,
        %swap3A_506 = vector.shape_cast %swap3A_505 : vector<1x16xi32> to vector<16xi32>
        %swap3A_507 = vector.shape_cast %mul3A_501 : vector<16xi32> to vector<1x16xi32>
        tpu.vector_store %arg11[%swap3A_503, %swap3A_504], %swap3A_507 {strides = array<i32>} : memref<8x128xi32, #tpu.memory_space<vmem>>, vector<1x16xi32>,
        %add3A_508 = arith.constant 128 : i32
        %add3A_509 = arith.addi %add3A_259, %add3A_508 : i32
        %add3A_510 = arith.constant 32 : i32
        %add3A_511 = arith.addi %add3A_509, %add3A_510 : i32
        %add3A_512 = vector.broadcast %add3A_511 : i32 to vector<16xi32>
        %add3A_513 = arith.addi %add3A_512, %iota3A : vector<16xi32>
        %and3A_514 = arith.constant 4095 : i32
        %and3A_515 = vector.broadcast %and3A_514 : i32 to vector<16xi32>
        %and3A_516 = arith.andi %add3A_513, %and3A_515 : vector<16xi32>
        %mul3A_517 = arith.constant 200 : i32
        %mul3A_518 = vector.broadcast %mul3A_517 : i32 to vector<16xi32>
        %mul3A_519 = arith.muli %and3A_516, %mul3A_518 : vector<16xi32>
        %shift_right_arithmetic3A_520 = arith.constant 12 : i32
        %shift_right_arithmetic3A_521 = vector.broadcast %shift_right_arithmetic3A_520 : i32 to vector<16xi32>
        %shift_right_arithmetic3A_522 = arith.shrsi %add3A_513, %shift_right_arithmetic3A_521 : vector<16xi32>
        %add3A_523 = arith.addi %mul3A_519, %shift_right_arithmetic3A_522 : vector<16xi32>
        %mul3A_524 = arith.constant 2 : i32
        %mul3A_525 = vector.broadcast %mul3A_524 : i32 to vector<16xi32>
        %mul3A_526 = arith.muli %add3A_523, %mul3A_525 : vector<16xi32>
        %swap3A_527 = arith.constant 7 : i32
        %swap3A_528 = arith.index_cast %swap3A_527 : i32 to index
        %swap3A_529 = arith.constant 32 : index
        %swap3A_530 = tpu.vector_load %arg11[%swap3A_528, %swap3A_529] {strides = array<i32>} : memref<8x128xi32, #tpu.memory_space<vmem>>, vector<1x16xi32>,
        %swap3A_531 = vector.shape_cast %swap3A_530 : vector<1x16xi32> to vector<16xi32>
        %swap3A_532 = vector.shape_cast %mul3A_526 : vector<16xi32> to vector<1x16xi32>
        tpu.vector_store %arg11[%swap3A_528, %swap3A_529], %swap3A_532 {strides = array<i32>} : memref<8x128xi32, #tpu.memory_space<vmem>>, vector<1x16xi32>,
        %add3A_533 = arith.constant 128 : i32
        %add3A_534 = arith.addi %add3A_259, %add3A_533 : i32
        %add3A_535 = arith.constant 48 : i32
        %add3A_536 = arith.addi %add3A_534, %add3A_535 : i32
        %add3A_537 = vector.broadcast %add3A_536 : i32 to vector<16xi32>
        %add3A_538 = arith.addi %add3A_537, %iota3A : vector<16xi32>
        %and3A_539 = arith.constant 4095 : i32
        %and3A_540 = vector.broadcast %and3A_539 : i32 to vector<16xi32>
        %and3A_541 = arith.andi %add3A_538, %and3A_540 : vector<16xi32>
        %mul3A_542 = arith.constant 200 : i32
        %mul3A_543 = vector.broadcast %mul3A_542 : i32 to vector<16xi32>
        %mul3A_544 = arith.muli %and3A_541, %mul3A_543 : vector<16xi32>
        %shift_right_arithmetic3A_545 = arith.constant 12 : i32
        %shift_right_arithmetic3A_546 = vector.broadcast %shift_right_arithmetic3A_545 : i32 to vector<16xi32>
        %shift_right_arithmetic3A_547 = arith.shrsi %add3A_538, %shift_right_arithmetic3A_546 : vector<16xi32>
        %add3A_548 = arith.addi %mul3A_544, %shift_right_arithmetic3A_547 : vector<16xi32>
        %mul3A_549 = arith.constant 2 : i32
        %mul3A_550 = vector.broadcast %mul3A_549 : i32 to vector<16xi32>
        %mul3A_551 = arith.muli %add3A_548, %mul3A_550 : vector<16xi32>
        %swap3A_552 = arith.constant 7 : i32
        %swap3A_553 = arith.index_cast %swap3A_552 : i32 to index
        %swap3A_554 = arith.constant 48 : index
        %swap3A_555 = tpu.vector_load %arg11[%swap3A_553, %swap3A_554] {strides = array<i32>} : memref<8x128xi32, #tpu.memory_space<vmem>>, vector<1x16xi32>,
        %swap3A_556 = vector.shape_cast %swap3A_555 : vector<1x16xi32> to vector<16xi32>
        %swap3A_557 = vector.shape_cast %mul3A_551 : vector<16xi32> to vector<1x16xi32>
        tpu.vector_store %arg11[%swap3A_553, %swap3A_554], %swap3A_557 {strides = array<i32>} : memref<8x128xi32, #tpu.memory_space<vmem>>, vector<1x16xi32>,
        %add3A_558 = arith.constant 128 : i32
        %add3A_559 = arith.addi %add3A_259, %add3A_558 : i32
        %add3A_560 = arith.constant 64 : i32
        %add3A_561 = arith.addi %add3A_559, %add3A_560 : i32
        %add3A_562 = vector.broadcast %add3A_561 : i32 to vector<16xi32>
        %add3A_563 = arith.addi %add3A_562, %iota3A : vector<16xi32>
        %and3A_564 = arith.constant 4095 : i32
        %and3A_565 = vector.broadcast %and3A_564 : i32 to vector<16xi32>
        %and3A_566 = arith.andi %add3A_563, %and3A_565 : vector<16xi32>
        %mul3A_567 = arith.constant 200 : i32
        %mul3A_568 = vector.broadcast %mul3A_567 : i32 to vector<16xi32>
        %mul3A_569 = arith.muli %and3A_566, %mul3A_568 : vector<16xi32>
        %shift_right_arithmetic3A_570 = arith.constant 12 : i32
        %shift_right_arithmetic3A_571 = vector.broadcast %shift_right_arithmetic3A_570 : i32 to vector<16xi32>
        %shift_right_arithmetic3A_572 = arith.shrsi %add3A_563, %shift_right_arithmetic3A_571 : vector<16xi32>
        %add3A_573 = arith.addi %mul3A_569, %shift_right_arithmetic3A_572 : vector<16xi32>
        %mul3A_574 = arith.constant 2 : i32
        %mul3A_575 = vector.broadcast %mul3A_574 : i32 to vector<16xi32>
        %mul3A_576 = arith.muli %add3A_573, %mul3A_575 : vector<16xi32>
        %swap3A_577 = arith.constant 7 : i32
        %swap3A_578 = arith.index_cast %swap3A_577 : i32 to index
        %swap3A_579 = arith.constant 64 : index
        %swap3A_580 = tpu.vector_load %arg11[%swap3A_578, %swap3A_579] {strides = array<i32>} : memref<8x128xi32, #tpu.memory_space<vmem>>, vector<1x16xi32>,
        %swap3A_581 = vector.shape_cast %swap3A_580 : vector<1x16xi32> to vector<16xi32>
        %swap3A_582 = vector.shape_cast %mul3A_576 : vector<16xi32> to vector<1x16xi32>
        tpu.vector_store %arg11[%swap3A_578, %swap3A_579], %swap3A_582 {strides = array<i32>} : memref<8x128xi32, #tpu.memory_space<vmem>>, vector<1x16xi32>,
        %add3A_583 = arith.constant 128 : i32
        %add3A_584 = arith.addi %add3A_259, %add3A_583 : i32
        %add3A_585 = arith.constant 80 : i32
        %add3A_586 = arith.addi %add3A_584, %add3A_585 : i32
        %add3A_587 = vector.broadcast %add3A_586 : i32 to vector<16xi32>
        %add3A_588 = arith.addi %add3A_587, %iota3A : vector<16xi32>
        %and3A_589 = arith.constant 4095 : i32
        %and3A_590 = vector.broadcast %and3A_589 : i32 to vector<16xi32>
        %and3A_591 = arith.andi %add3A_588, %and3A_590 : vector<16xi32>
        %mul3A_592 = arith.constant 200 : i32
        %mul3A_593 = vector.broadcast %mul3A_592 : i32 to vector<16xi32>
        %mul3A_594 = arith.muli %and3A_591, %mul3A_593 : vector<16xi32>
        %shift_right_arithmetic3A_595 = arith.constant 12 : i32
        %shift_right_arithmetic3A_596 = vector.broadcast %shift_right_arithmetic3A_595 : i32 to vector<16xi32>
        %shift_right_arithmetic3A_597 = arith.shrsi %add3A_588, %shift_right_arithmetic3A_596 : vector<16xi32>
        %add3A_598 = arith.addi %mul3A_594, %shift_right_arithmetic3A_597 : vector<16xi32>
        %mul3A_599 = arith.constant 2 : i32
        %mul3A_600 = vector.broadcast %mul3A_599 : i32 to vector<16xi32>
        %mul3A_601 = arith.muli %add3A_598, %mul3A_600 : vector<16xi32>
        %swap3A_602 = arith.constant 7 : i32
        %swap3A_603 = arith.index_cast %swap3A_602 : i32 to index
        %swap3A_604 = arith.constant 80 : index
        %swap3A_605 = tpu.vector_load %arg11[%swap3A_603, %swap3A_604] {strides = array<i32>} : memref<8x128xi32, #tpu.memory_space<vmem>>, vector<1x16xi32>,
        %swap3A_606 = vector.shape_cast %swap3A_605 : vector<1x16xi32> to vector<16xi32>
        %swap3A_607 = vector.shape_cast %mul3A_601 : vector<16xi32> to vector<1x16xi32>
        tpu.vector_store %arg11[%swap3A_603, %swap3A_604], %swap3A_607 {strides = array<i32>} : memref<8x128xi32, #tpu.memory_space<vmem>>, vector<1x16xi32>,
        %add3A_608 = arith.constant 128 : i32
        %add3A_609 = arith.addi %add3A_259, %add3A_608 : i32
        %add3A_610 = arith.constant 96 : i32
        %add3A_611 = arith.addi %add3A_609, %add3A_610 : i32
        %add3A_612 = vector.broadcast %add3A_611 : i32 to vector<16xi32>
        %add3A_613 = arith.addi %add3A_612, %iota3A : vector<16xi32>
        %and3A_614 = arith.constant 4095 : i32
        %and3A_615 = vector.broadcast %and3A_614 : i32 to vector<16xi32>
        %and3A_616 = arith.andi %add3A_613, %and3A_615 : vector<16xi32>
        %mul3A_617 = arith.constant 200 : i32
        %mul3A_618 = vector.broadcast %mul3A_617 : i32 to vector<16xi32>
        %mul3A_619 = arith.muli %and3A_616, %mul3A_618 : vector<16xi32>
        %shift_right_arithmetic3A_620 = arith.constant 12 : i32
        %shift_right_arithmetic3A_621 = vector.broadcast %shift_right_arithmetic3A_620 : i32 to vector<16xi32>
        %shift_right_arithmetic3A_622 = arith.shrsi %add3A_613, %shift_right_arithmetic3A_621 : vector<16xi32>
        %add3A_623 = arith.addi %mul3A_619, %shift_right_arithmetic3A_622 : vector<16xi32>
        %mul3A_624 = arith.constant 2 : i32
        %mul3A_625 = vector.broadcast %mul3A_624 : i32 to vector<16xi32>
        %mul3A_626 = arith.muli %add3A_623, %mul3A_625 : vector<16xi32>
        %swap3A_627 = arith.constant 7 : i32
        %swap3A_628 = arith.index_cast %swap3A_627 : i32 to index
        %swap3A_629 = arith.constant 96 : index
        %swap3A_630 = tpu.vector_load %arg11[%swap3A_628, %swap3A_629] {strides = array<i32>} : memref<8x128xi32, #tpu.memory_space<vmem>>, vector<1x16xi32>,
        %swap3A_631 = vector.shape_cast %swap3A_630 : vector<1x16xi32> to vector<16xi32>
        %swap3A_632 = vector.shape_cast %mul3A_626 : vector<16xi32> to vector<1x16xi32>
        tpu.vector_store %arg11[%swap3A_628, %swap3A_629], %swap3A_632 {strides = array<i32>} : memref<8x128xi32, #tpu.memory_space<vmem>>, vector<1x16xi32>,
        %add3A_633 = arith.constant 128 : i32
        %add3A_634 = arith.addi %add3A_259, %add3A_633 : i32
        %add3A_635 = arith.constant 112 : i32
        %add3A_636 = arith.addi %add3A_634, %add3A_635 : i32
        %add3A_637 = vector.broadcast %add3A_636 : i32 to vector<16xi32>
        %add3A_638 = arith.addi %add3A_637, %iota3A : vector<16xi32>
        %and3A_639 = arith.constant 4095 : i32
        %and3A_640 = vector.broadcast %and3A_639 : i32 to vector<16xi32>
        %and3A_641 = arith.andi %add3A_638, %and3A_640 : vector<16xi32>
        %mul3A_642 = arith.constant 200 : i32
        %mul3A_643 = vector.broadcast %mul3A_642 : i32 to vector<16xi32>
        %mul3A_644 = arith.muli %and3A_641, %mul3A_643 : vector<16xi32>
        %shift_right_arithmetic3A_645 = arith.constant 12 : i32
        %shift_right_arithmetic3A_646 = vector.broadcast %shift_right_arithmetic3A_645 : i32 to vector<16xi32>
        %shift_right_arithmetic3A_647 = arith.shrsi %add3A_638, %shift_right_arithmetic3A_646 : vector<16xi32>
        %add3A_648 = arith.addi %mul3A_644, %shift_right_arithmetic3A_647 : vector<16xi32>
        %mul3A_649 = arith.constant 2 : i32
        %mul3A_650 = vector.broadcast %mul3A_649 : i32 to vector<16xi32>
        %mul3A_651 = arith.muli %add3A_648, %mul3A_650 : vector<16xi32>
        %swap3A_652 = arith.constant 7 : i32
        %swap3A_653 = arith.index_cast %swap3A_652 : i32 to index
        %swap3A_654 = arith.constant 112 : index
        %swap3A_655 = tpu.vector_load %arg11[%swap3A_653, %swap3A_654] {strides = array<i32>} : memref<8x128xi32, #tpu.memory_space<vmem>>, vector<1x16xi32>,
        %swap3A_656 = vector.shape_cast %swap3A_655 : vector<1x16xi32> to vector<16xi32>
        %swap3A_657 = vector.shape_cast %mul3A_651 : vector<16xi32> to vector<1x16xi32>
        tpu.vector_store %arg11[%swap3A_653, %swap3A_654], %swap3A_657 {strides = array<i32>} : memref<8x128xi32, #tpu.memory_space<vmem>>, vector<1x16xi32>,
        %dma_start3A = arith.constant 6 : i32
        %dma_start3A_658 = arith.constant 3 : i32
        %dma_start3A_659 = arith.constant 0 : i32
        %dma_start3A_660 = arith.constant 0 : i32
        %dma_start3A_661 = tpu.memref_slice %arg15[%dma_start3A_659, %dma_start3A_660] : memref<256x64xf32, #tpu.memory_space<vmem>> -> memref<128x64xf32, #tpu.memory_space<vmem>>
        %dma_start3A_662 = arith.constant 0 : i32
        %dma_start3A_663 = tpu.memref_slice %arg11[%dma_start3A, %dma_start3A_662] : memref<8x128xi32, #tpu.memory_space<vmem>> -> memref<1x128xi32, #tpu.memory_space<vmem>>
        %dma_start3A_664 = tpu.memref_squeeze %dma_start3A_663 : memref<1x128xi32, #tpu.memory_space<vmem>> -> memref<128xi32, #tpu.memory_space<vmem>>
        %dma_start3A_665 = arith.constant 0 : i32
        %dma_start3A_666 = arith.constant 0 : i32
        %dma_start3A_667 = tpu.memref_slice %arg7[%dma_start3A_665, %dma_start3A_666] : memref<1638400x64xf32, #tpu.memory_space<hbm>> -> memref<1638400x64xf32, #tpu.memory_space<hbm>>
        %dma_start3A_668 = tpu.memref_slice %arg16[%dma_start3A_658] : memref<4x!tpu.dma_semaphore, #tpu.memory_space<semaphore_mem>> -> memref<1x!tpu.dma_semaphore, #tpu.memory_space<semaphore_mem>>
        %dma_start3A_669 = tpu.memref_squeeze %dma_start3A_668 : memref<1x!tpu.dma_semaphore, #tpu.memory_space<semaphore_mem>> -> memref<!tpu.dma_semaphore, #tpu.memory_space<semaphore_mem>>
        tpu.enqueue_indirect_dma source(%dma_start3A_661 : memref<128x64xf32, #tpu.memory_space<vmem>>) target(%dma_start3A_667 : memref<1638400x64xf32, #tpu.memory_space<hbm>>) offsets(%dma_start3A_664 : memref<128xi32, #tpu.memory_space<vmem>>) semaphore(%dma_start3A_669 : memref<!tpu.dma_semaphore, #tpu.memory_space<semaphore_mem>>)
        %dma_start3A_670 = arith.constant 7 : i32
        %dma_start3A_671 = arith.constant 3 : i32
        %dma_start3A_672 = arith.constant 128 : i32
        %dma_start3A_673 = arith.constant 0 : i32
        %dma_start3A_674 = tpu.memref_slice %arg15[%dma_start3A_672, %dma_start3A_673] : memref<256x64xf32, #tpu.memory_space<vmem>> -> memref<128x64xf32, #tpu.memory_space<vmem>>
        %dma_start3A_675 = arith.constant 0 : i32
        %dma_start3A_676 = tpu.memref_slice %arg11[%dma_start3A_670, %dma_start3A_675] : memref<8x128xi32, #tpu.memory_space<vmem>> -> memref<1x128xi32, #tpu.memory_space<vmem>>
        %dma_start3A_677 = tpu.memref_squeeze %dma_start3A_676 : memref<1x128xi32, #tpu.memory_space<vmem>> -> memref<128xi32, #tpu.memory_space<vmem>>
        %dma_start3A_678 = arith.constant 0 : i32
        %dma_start3A_679 = arith.constant 0 : i32
        %dma_start3A_680 = tpu.memref_slice %arg7[%dma_start3A_678, %dma_start3A_679] : memref<1638400x64xf32, #tpu.memory_space<hbm>> -> memref<1638400x64xf32, #tpu.memory_space<hbm>>
        %dma_start3A_681 = tpu.memref_slice %arg16[%dma_start3A_671] : memref<4x!tpu.dma_semaphore, #tpu.memory_space<semaphore_mem>> -> memref<1x!tpu.dma_semaphore, #tpu.memory_space<semaphore_mem>>
        %dma_start3A_682 = tpu.memref_squeeze %dma_start3A_681 : memref<1x!tpu.dma_semaphore, #tpu.memory_space<semaphore_mem>> -> memref<!tpu.dma_semaphore, #tpu.memory_space<semaphore_mem>>
        tpu.enqueue_indirect_dma source(%dma_start3A_674 : memref<128x64xf32, #tpu.memory_space<vmem>>) target(%dma_start3A_680 : memref<1638400x64xf32, #tpu.memory_space<hbm>>) offsets(%dma_start3A_677 : memref<128xi32, #tpu.memory_space<vmem>>) semaphore(%dma_start3A_682 : memref<!tpu.dma_semaphore, #tpu.memory_space<semaphore_mem>>)
      } else {
      }
      %ge3A_192 = arith.constant 2 : i32
      %ge3A_193 = arith.cmpi sge, %add3A_183, %ge3A_192 : i32
      %lt3A_194 = arith.constant 52 : i32
      %lt3A_195 = arith.cmpi slt, %add3A_183, %lt3A_194 : i32
      %and3A_196 = arith.andi %ge3A_193, %lt3A_195 : i1
      %convert_element_type3A_197 = arith.extui %and3A_196 : i1 to i32
      %cond3A_198 = arith.constant 0 : i32
      %cond3A_199 = arith.cmpi ne, %convert_element_type3A_197, %cond3A_198 : i32
      scf.if %cond3A_199 {
        %dma_wait3A_247 = arith.constant 0 : i32
        %dma_wait3A_248 = arith.constant 0 : i32
        %dma_wait3A_249 = arith.constant 0 : i32
        %dma_wait3A_250 = tpu.memref_slice %arg7[%dma_wait3A_248, %dma_wait3A_249] : memref<1638400x64xf32, #tpu.memory_space<hbm>> -> memref<256x64xf32, #tpu.memory_space<hbm>>
        %dma_wait3A_251 = tpu.memref_slice %arg16[%dma_wait3A_247] : memref<4x!tpu.dma_semaphore, #tpu.memory_space<semaphore_mem>> -> memref<1x!tpu.dma_semaphore, #tpu.memory_space<semaphore_mem>>
        %dma_wait3A_252 = tpu.memref_squeeze %dma_wait3A_251 : memref<1x!tpu.dma_semaphore, #tpu.memory_space<semaphore_mem>> -> memref<!tpu.dma_semaphore, #tpu.memory_space<semaphore_mem>>
        %dma_wait3A_253 = arith.constant 0 : i32
        %dma_wait3A_254 = arith.constant 0 : i32
        %dma_wait3A_255 = tpu.memref_slice %arg7[%dma_wait3A_253, %dma_wait3A_254] : memref<1638400x64xf32, #tpu.memory_space<hbm>> -> memref<256x64xf32, #tpu.memory_space<hbm>>
        tpu.wait_dma2 semaphore(%dma_wait3A_252 : memref<!tpu.dma_semaphore, #tpu.memory_space<semaphore_mem>>) src(%dma_wait3A_255 : memref<256x64xf32, #tpu.memory_space<hbm>>) dst(%arg12 : memref<256x64xf32, #tpu.memory_space<vmem>>)
        %sub3A = arith.constant 2 : i32
        %sub3A_256 = arith.subi %add3A_183, %sub3A : i32
        %mul3A_257 = arith.constant 2 : i32
        %mul3A_258 = arith.muli %sub3A_256, %mul3A_257 : i32
        %add3A_259 = arith.constant 0 : i32
        %add3A_260 = arith.addi %mul3A_258, %add3A_259 : i32
        %dma_start3A = arith.constant 0 : i32
        %dma_start3A_261 = arith.constant 0 : i32
        %dma_start3A_262 = arith.constant 0 : i32
        %dma_start3A_263 = tpu.memref_slice %arg12[%dma_start3A_261, %dma_start3A_262] : memref<256x64xf32, #tpu.memory_space<vmem>> -> memref<128x64xf32, #tpu.memory_space<vmem>>
        %dma_start3A_264 = arith.constant 0 : i32
        %dma_start3A_265 = tpu.memref_slice %arg10[%add3A_260, %dma_start3A_264] : memref<100x128xi32, #tpu.memory_space<vmem>> -> memref<1x128xi32, #tpu.memory_space<vmem>>
        %dma_start3A_266 = tpu.memref_squeeze %dma_start3A_265 : memref<1x128xi32, #tpu.memory_space<vmem>> -> memref<128xi32, #tpu.memory_space<vmem>>
        %dma_start3A_267 = arith.constant 0 : i32
        %dma_start3A_268 = arith.constant 0 : i32
        %dma_start3A_269 = tpu.memref_slice %arg6[%dma_start3A_267, %dma_start3A_268] : memref<600x64xf32, #tpu.memory_space<hbm>> -> memref<600x64xf32, #tpu.memory_space<hbm>>
        %dma_start3A_270 = tpu.memref_slice %arg16[%dma_start3A] : memref<4x!tpu.dma_semaphore, #tpu.memory_space<semaphore_mem>> -> memref<1x!tpu.dma_semaphore, #tpu.memory_space<semaphore_mem>>
        %dma_start3A_271 = tpu.memref_squeeze %dma_start3A_270 : memref<1x!tpu.dma_semaphore, #tpu.memory_space<semaphore_mem>> -> memref<!tpu.dma_semaphore, #tpu.memory_space<semaphore_mem>>
        tpu.enqueue_indirect_dma source(%dma_start3A_269 : memref<600x64xf32, #tpu.memory_space<hbm>>) target(%dma_start3A_263 : memref<128x64xf32, #tpu.memory_space<vmem>>) offsets(%dma_start3A_266 : memref<128xi32, #tpu.memory_space<vmem>>) semaphore(%dma_start3A_271 : memref<!tpu.dma_semaphore, #tpu.memory_space<semaphore_mem>>) {add = true}
        %sub3A_272 = arith.constant 2 : i32
        %sub3A_273 = arith.subi %add3A_183, %sub3A_272 : i32
        %mul3A_274 = arith.constant 2 : i32
        %mul3A_275 = arith.muli %sub3A_273, %mul3A_274 : i32
        %add3A_276 = arith.constant 1 : i32
        %add3A_277 = arith.addi %mul3A_275, %add3A_276 : i32
        %dma_start3A_278 = arith.constant 0 : i32
        %dma_start3A_279 = arith.constant 128 : i32
        %dma_start3A_280 = arith.constant 0 : i32
        %dma_start3A_281 = tpu.memref_slice %arg12[%dma_start3A_279, %dma_start3A_280] : memref<256x64xf32, #tpu.memory_space<vmem>> -> memref<128x64xf32, #tpu.memory_space<vmem>>
        %dma_start3A_282 = arith.constant 0 : i32
        %dma_start3A_283 = tpu.memref_slice %arg10[%add3A_277, %dma_start3A_282] : memref<100x128xi32, #tpu.memory_space<vmem>> -> memref<1x128xi32, #tpu.memory_space<vmem>>
        %dma_start3A_284 = tpu.memref_squeeze %dma_start3A_283 : memref<1x128xi32, #tpu.memory_space<vmem>> -> memref<128xi32, #tpu.memory_space<vmem>>
        %dma_start3A_285 = arith.constant 0 : i32
        %dma_start3A_286 = arith.constant 0 : i32
        %dma_start3A_287 = tpu.memref_slice %arg6[%dma_start3A_285, %dma_start3A_286] : memref<600x64xf32, #tpu.memory_space<hbm>> -> memref<600x64xf32, #tpu.memory_space<hbm>>
        %dma_start3A_288 = tpu.memref_slice %arg16[%dma_start3A_278] : memref<4x!tpu.dma_semaphore, #tpu.memory_space<semaphore_mem>> -> memref<1x!tpu.dma_semaphore, #tpu.memory_space<semaphore_mem>>
        %dma_start3A_289 = tpu.memref_squeeze %dma_start3A_288 : memref<1x!tpu.dma_semaphore, #tpu.memory_space<semaphore_mem>> -> memref<!tpu.dma_semaphore, #tpu.memory_space<semaphore_mem>>
        tpu.enqueue_indirect_dma source(%dma_start3A_287 : memref<600x64xf32, #tpu.memory_space<hbm>>) target(%dma_start3A_281 : memref<128x64xf32, #tpu.memory_space<vmem>>) offsets(%dma_start3A_284 : memref<128xi32, #tpu.memory_space<vmem>>) semaphore(%dma_start3A_289 : memref<!tpu.dma_semaphore, #tpu.memory_space<semaphore_mem>>) {add = true}
      } else {
      }
      %ge3A_200 = arith.constant 1 : i32
      %ge3A_201 = arith.cmpi sge, %add3A_183, %ge3A_200 : i32
      %lt3A_202 = arith.constant 51 : i32
      %lt3A_203 = arith.cmpi slt, %add3A_183, %lt3A_202 : i32
      %and3A_204 = arith.andi %ge3A_201, %lt3A_203 : i1
      %convert_element_type3A_205 = arith.extui %and3A_204 : i1 to i32
      %cond3A_206 = arith.constant 0 : i32
      %cond3A_207 = arith.cmpi ne, %convert_element_type3A_205, %cond3A_206 : i32
      scf.if %cond3A_207 {
        %dma_wait3A_247 = arith.constant 1 : i32
        %dma_wait3A_248 = arith.constant 0 : i32
        %dma_wait3A_249 = arith.constant 0 : i32
        %dma_wait3A_250 = tpu.memref_slice %arg7[%dma_wait3A_248, %dma_wait3A_249] : memref<1638400x64xf32, #tpu.memory_space<hbm>> -> memref<256x64xf32, #tpu.memory_space<hbm>>
        %dma_wait3A_251 = tpu.memref_slice %arg16[%dma_wait3A_247] : memref<4x!tpu.dma_semaphore, #tpu.memory_space<semaphore_mem>> -> memref<1x!tpu.dma_semaphore, #tpu.memory_space<semaphore_mem>>
        %dma_wait3A_252 = tpu.memref_squeeze %dma_wait3A_251 : memref<1x!tpu.dma_semaphore, #tpu.memory_space<semaphore_mem>> -> memref<!tpu.dma_semaphore, #tpu.memory_space<semaphore_mem>>
        %dma_wait3A_253 = arith.constant 0 : i32
        %dma_wait3A_254 = arith.constant 0 : i32
        %dma_wait3A_255 = tpu.memref_slice %arg7[%dma_wait3A_253, %dma_wait3A_254] : memref<1638400x64xf32, #tpu.memory_space<hbm>> -> memref<256x64xf32, #tpu.memory_space<hbm>>
        tpu.wait_dma2 semaphore(%dma_wait3A_252 : memref<!tpu.dma_semaphore, #tpu.memory_space<semaphore_mem>>) src(%dma_wait3A_255 : memref<256x64xf32, #tpu.memory_space<hbm>>) dst(%arg13 : memref<256x64xf32, #tpu.memory_space<vmem>>)
        %sub3A = arith.constant 1 : i32
        %sub3A_256 = arith.subi %add3A_183, %sub3A : i32
        %mul3A_257 = arith.constant 2 : i32
        %mul3A_258 = arith.muli %sub3A_256, %mul3A_257 : i32
        %add3A_259 = arith.constant 0 : i32
        %add3A_260 = arith.addi %mul3A_258, %add3A_259 : i32
        %dma_start3A = arith.constant 1 : i32
        %dma_start3A_261 = arith.constant 0 : i32
        %dma_start3A_262 = arith.constant 0 : i32
        %dma_start3A_263 = tpu.memref_slice %arg13[%dma_start3A_261, %dma_start3A_262] : memref<256x64xf32, #tpu.memory_space<vmem>> -> memref<128x64xf32, #tpu.memory_space<vmem>>
        %dma_start3A_264 = arith.constant 0 : i32
        %dma_start3A_265 = tpu.memref_slice %arg9[%add3A_260, %dma_start3A_264] : memref<100x128xi32, #tpu.memory_space<vmem>> -> memref<1x128xi32, #tpu.memory_space<vmem>>
        %dma_start3A_266 = tpu.memref_squeeze %dma_start3A_265 : memref<1x128xi32, #tpu.memory_space<vmem>> -> memref<128xi32, #tpu.memory_space<vmem>>
        %dma_start3A_267 = arith.constant 0 : i32
        %dma_start3A_268 = arith.constant 0 : i32
        %dma_start3A_269 = tpu.memref_slice %arg6[%dma_start3A_267, %dma_start3A_268] : memref<600x64xf32, #tpu.memory_space<hbm>> -> memref<600x64xf32, #tpu.memory_space<hbm>>
        %dma_start3A_270 = tpu.memref_slice %arg16[%dma_start3A] : memref<4x!tpu.dma_semaphore, #tpu.memory_space<semaphore_mem>> -> memref<1x!tpu.dma_semaphore, #tpu.memory_space<semaphore_mem>>
        %dma_start3A_271 = tpu.memref_squeeze %dma_start3A_270 : memref<1x!tpu.dma_semaphore, #tpu.memory_space<semaphore_mem>> -> memref<!tpu.dma_semaphore, #tpu.memory_space<semaphore_mem>>
        tpu.enqueue_indirect_dma source(%dma_start3A_269 : memref<600x64xf32, #tpu.memory_space<hbm>>) target(%dma_start3A_263 : memref<128x64xf32, #tpu.memory_space<vmem>>) offsets(%dma_start3A_266 : memref<128xi32, #tpu.memory_space<vmem>>) semaphore(%dma_start3A_271 : memref<!tpu.dma_semaphore, #tpu.memory_space<semaphore_mem>>) {add = true}
        %sub3A_272 = arith.constant 1 : i32
        %sub3A_273 = arith.subi %add3A_183, %sub3A_272 : i32
        %mul3A_274 = arith.constant 2 : i32
        %mul3A_275 = arith.muli %sub3A_273, %mul3A_274 : i32
        %add3A_276 = arith.constant 1 : i32
        %add3A_277 = arith.addi %mul3A_275, %add3A_276 : i32
        %dma_start3A_278 = arith.constant 1 : i32
        %dma_start3A_279 = arith.constant 128 : i32
        %dma_start3A_280 = arith.constant 0 : i32
        %dma_start3A_281 = tpu.memref_slice %arg13[%dma_start3A_279, %dma_start3A_280] : memref<256x64xf32, #tpu.memory_space<vmem>> -> memref<128x64xf32, #tpu.memory_space<vmem>>
        %dma_start3A_282 = arith.constant 0 : i32
        %dma_start3A_283 = tpu.memref_slice %arg9[%add3A_277, %dma_start3A_282] : memref<100x128xi32, #tpu.memory_space<vmem>> -> memref<1x128xi32, #tpu.memory_space<vmem>>
        %dma_start3A_284 = tpu.memref_squeeze %dma_start3A_283 : memref<1x128xi32, #tpu.memory_space<vmem>> -> memref<128xi32, #tpu.memory_space<vmem>>
        %dma_start3A_285 = arith.constant 0 : i32
        %dma_start3A_286 = arith.constant 0 : i32
        %dma_start3A_287 = tpu.memref_slice %arg6[%dma_start3A_285, %dma_start3A_286] : memref<600x64xf32, #tpu.memory_space<hbm>> -> memref<600x64xf32, #tpu.memory_space<hbm>>
        %dma_start3A_288 = tpu.memref_slice %arg16[%dma_start3A_278] : memref<4x!tpu.dma_semaphore, #tpu.memory_space<semaphore_mem>> -> memref<1x!tpu.dma_semaphore, #tpu.memory_space<semaphore_mem>>
        %dma_start3A_289 = tpu.memref_squeeze %dma_start3A_288 : memref<1x!tpu.dma_semaphore, #tpu.memory_space<semaphore_mem>> -> memref<!tpu.dma_semaphore, #tpu.memory_space<semaphore_mem>>
        tpu.enqueue_indirect_dma source(%dma_start3A_287 : memref<600x64xf32, #tpu.memory_space<hbm>>) target(%dma_start3A_281 : memref<128x64xf32, #tpu.memory_space<vmem>>) offsets(%dma_start3A_284 : memref<128xi32, #tpu.memory_space<vmem>>) semaphore(%dma_start3A_289 : memref<!tpu.dma_semaphore, #tpu.memory_space<semaphore_mem>>) {add = true}
      } else {
      }
      %lt3A_208 = arith.constant 50 : i32
      %lt3A_209 = arith.cmpi slt, %add3A_183, %lt3A_208 : i32
      %convert_element_type3A_210 = arith.extui %lt3A_209 : i1 to i32
      %cond3A_211 = arith.constant 0 : i32
      %cond3A_212 = arith.cmpi ne, %convert_element_type3A_210, %cond3A_211 : i32
      scf.if %cond3A_212 {
        %ge3A_247 = arith.constant 4 : i32
        %ge3A_248 = arith.cmpi sge, %add3A_183, %ge3A_247 : i32
        %convert_element_type3A_249 = arith.extui %ge3A_248 : i1 to i32
        %cond3A_250 = arith.constant 0 : i32
        %cond3A_251 = arith.cmpi ne, %convert_element_type3A_249, %cond3A_250 : i32
        scf.if %cond3A_251 {
          %dma_wait3A_283 = arith.constant 2 : i32
          %dma_wait3A_284 = arith.constant 0 : i32
          %dma_wait3A_285 = arith.constant 0 : i32
          %dma_wait3A_286 = tpu.memref_slice %arg7[%dma_wait3A_284, %dma_wait3A_285] : memref<1638400x64xf32, #tpu.memory_space<hbm>> -> memref<256x64xf32, #tpu.memory_space<hbm>>
          %dma_wait3A_287 = tpu.memref_slice %arg16[%dma_wait3A_283] : memref<4x!tpu.dma_semaphore, #tpu.memory_space<semaphore_mem>> -> memref<1x!tpu.dma_semaphore, #tpu.memory_space<semaphore_mem>>
          %dma_wait3A_288 = tpu.memref_squeeze %dma_wait3A_287 : memref<1x!tpu.dma_semaphore, #tpu.memory_space<semaphore_mem>> -> memref<!tpu.dma_semaphore, #tpu.memory_space<semaphore_mem>>
          %dma_wait3A_289 = arith.constant 0 : i32
          %dma_wait3A_290 = arith.constant 0 : i32
          %dma_wait3A_291 = tpu.memref_slice %arg7[%dma_wait3A_289, %dma_wait3A_290] : memref<1638400x64xf32, #tpu.memory_space<hbm>> -> memref<256x64xf32, #tpu.memory_space<hbm>>
          tpu.wait_dma2 semaphore(%dma_wait3A_288 : memref<!tpu.dma_semaphore, #tpu.memory_space<semaphore_mem>>) src(%dma_wait3A_291 : memref<256x64xf32, #tpu.memory_space<hbm>>) dst(%arg14 : memref<256x64xf32, #tpu.memory_space<vmem>>)
        } else {
        }
        %mul3A_252 = arith.constant 2 : i32
        %mul3A_253 = arith.muli %add3A_183, %mul3A_252 : i32
        %add3A_254 = arith.constant 0 : i32
        %add3A_255 = arith.addi %mul3A_253, %add3A_254 : i32
        %dma_start3A = arith.constant 2 : i32
        %dma_start3A_256 = arith.constant 0 : i32
        %dma_start3A_257 = arith.constant 0 : i32
        %dma_start3A_258 = tpu.memref_slice %arg14[%dma_start3A_256, %dma_start3A_257] : memref<256x64xf32, #tpu.memory_space<vmem>> -> memref<128x64xf32, #tpu.memory_space<vmem>>
        %dma_start3A_259 = arith.constant 0 : i32
        %dma_start3A_260 = tpu.memref_slice %arg8[%add3A_255, %dma_start3A_259] : memref<100x128xi32, #tpu.memory_space<vmem>> -> memref<1x128xi32, #tpu.memory_space<vmem>>
        %dma_start3A_261 = tpu.memref_squeeze %dma_start3A_260 : memref<1x128xi32, #tpu.memory_space<vmem>> -> memref<128xi32, #tpu.memory_space<vmem>>
        %dma_start3A_262 = arith.constant 0 : i32
        %dma_start3A_263 = arith.constant 0 : i32
        %dma_start3A_264 = tpu.memref_slice %arg5[%dma_start3A_262, %dma_start3A_263] : memref<100000x64xf32, #tpu.memory_space<hbm>> -> memref<100000x64xf32, #tpu.memory_space<hbm>>
        %dma_start3A_265 = tpu.memref_slice %arg16[%dma_start3A] : memref<4x!tpu.dma_semaphore, #tpu.memory_space<semaphore_mem>> -> memref<1x!tpu.dma_semaphore, #tpu.memory_space<semaphore_mem>>
        %dma_start3A_266 = tpu.memref_squeeze %dma_start3A_265 : memref<1x!tpu.dma_semaphore, #tpu.memory_space<semaphore_mem>> -> memref<!tpu.dma_semaphore, #tpu.memory_space<semaphore_mem>>
        tpu.enqueue_indirect_dma source(%dma_start3A_264 : memref<100000x64xf32, #tpu.memory_space<hbm>>) target(%dma_start3A_258 : memref<128x64xf32, #tpu.memory_space<vmem>>) offsets(%dma_start3A_261 : memref<128xi32, #tpu.memory_space<vmem>>) semaphore(%dma_start3A_266 : memref<!tpu.dma_semaphore, #tpu.memory_space<semaphore_mem>>)
        %mul3A_267 = arith.constant 2 : i32
        %mul3A_268 = arith.muli %add3A_183, %mul3A_267 : i32
        %add3A_269 = arith.constant 1 : i32
        %add3A_270 = arith.addi %mul3A_268, %add3A_269 : i32
        %dma_start3A_271 = arith.constant 2 : i32
        %dma_start3A_272 = arith.constant 128 : i32
        %dma_start3A_273 = arith.constant 0 : i32
        %dma_start3A_274 = tpu.memref_slice %arg14[%dma_start3A_272, %dma_start3A_273] : memref<256x64xf32, #tpu.memory_space<vmem>> -> memref<128x64xf32, #tpu.memory_space<vmem>>
        %dma_start3A_275 = arith.constant 0 : i32
        %dma_start3A_276 = tpu.memref_slice %arg8[%add3A_270, %dma_start3A_275] : memref<100x128xi32, #tpu.memory_space<vmem>> -> memref<1x128xi32, #tpu.memory_space<vmem>>
        %dma_start3A_277 = tpu.memref_squeeze %dma_start3A_276 : memref<1x128xi32, #tpu.memory_space<vmem>> -> memref<128xi32, #tpu.memory_space<vmem>>
        %dma_start3A_278 = arith.constant 0 : i32
        %dma_start3A_279 = arith.constant 0 : i32
        %dma_start3A_280 = tpu.memref_slice %arg5[%dma_start3A_278, %dma_start3A_279] : memref<100000x64xf32, #tpu.memory_space<hbm>> -> memref<100000x64xf32, #tpu.memory_space<hbm>>
        %dma_start3A_281 = tpu.memref_slice %arg16[%dma_start3A_271] : memref<4x!tpu.dma_semaphore, #tpu.memory_space<semaphore_mem>> -> memref<1x!tpu.dma_semaphore, #tpu.memory_space<semaphore_mem>>
        %dma_start3A_282 = tpu.memref_squeeze %dma_start3A_281 : memref<1x!tpu.dma_semaphore, #tpu.memory_space<semaphore_mem>> -> memref<!tpu.dma_semaphore, #tpu.memory_space<semaphore_mem>>
        tpu.enqueue_indirect_dma source(%dma_start3A_280 : memref<100000x64xf32, #tpu.memory_space<hbm>>) target(%dma_start3A_274 : memref<128x64xf32, #tpu.memory_space<vmem>>) offsets(%dma_start3A_277 : memref<128xi32, #tpu.memory_space<vmem>>) semaphore(%dma_start3A_282 : memref<!tpu.dma_semaphore, #tpu.memory_space<semaphore_mem>>)
      } else {
      }
      %mul3A_213 = arith.constant 4 : i32
      %mul3A_214 = arith.muli %scan3A_117, %mul3A_213 : i32
      %add3A_215 = arith.constant 3 : i32
      %add3A_216 = arith.addi %mul3A_214, %add3A_215 : i32
      %ge3A_217 = arith.constant 3 : i32
      %ge3A_218 = arith.cmpi sge, %add3A_216, %ge3A_217 : i32
      %lt3A_219 = arith.constant 53 : i32
      %lt3A_220 = arith.cmpi slt, %add3A_216, %lt3A_219 : i32
      %and3A_221 = arith.andi %ge3A_218, %lt3A_220 : i1
      %convert_element_type3A_222 = arith.extui %and3A_221 : i1 to i32
      %cond3A_223 = arith.constant 0 : i32
      %cond3A_224 = arith.cmpi ne, %convert_element_type3A_222, %cond3A_223 : i32
      scf.if %cond3A_224 {
        %dma_wait3A_247 = arith.constant 0 : i32
        %dma_wait3A_248 = arith.constant 0 : i32
        %dma_wait3A_249 = arith.constant 0 : i32
        %dma_wait3A_250 = tpu.memref_slice %arg7[%dma_wait3A_248, %dma_wait3A_249] : memref<1638400x64xf32, #tpu.memory_space<hbm>> -> memref<256x64xf32, #tpu.memory_space<hbm>>
        %dma_wait3A_251 = tpu.memref_slice %arg16[%dma_wait3A_247] : memref<4x!tpu.dma_semaphore, #tpu.memory_space<semaphore_mem>> -> memref<1x!tpu.dma_semaphore, #tpu.memory_space<semaphore_mem>>
        %dma_wait3A_252 = tpu.memref_squeeze %dma_wait3A_251 : memref<1x!tpu.dma_semaphore, #tpu.memory_space<semaphore_mem>> -> memref<!tpu.dma_semaphore, #tpu.memory_space<semaphore_mem>>
        %dma_wait3A_253 = arith.constant 0 : i32
        %dma_wait3A_254 = arith.constant 0 : i32
        %dma_wait3A_255 = tpu.memref_slice %arg7[%dma_wait3A_253, %dma_wait3A_254] : memref<1638400x64xf32, #tpu.memory_space<hbm>> -> memref<256x64xf32, #tpu.memory_space<hbm>>
        tpu.wait_dma2 semaphore(%dma_wait3A_252 : memref<!tpu.dma_semaphore, #tpu.memory_space<semaphore_mem>>) src(%dma_wait3A_255 : memref<256x64xf32, #tpu.memory_space<hbm>>) dst(%arg12 : memref<256x64xf32, #tpu.memory_space<vmem>>)
        %sub3A = arith.constant 3 : i32
        %sub3A_256 = arith.subi %add3A_216, %sub3A : i32
        %mul3A_257 = arith.constant 256 : i32
        %mul3A_258 = arith.muli %sub3A_256, %mul3A_257 : i32
        %add3A_259 = arith.addi %mul3A_73, %mul3A_258 : i32
        %add3A_260 = arith.constant 0 : i32
        %add3A_261 = arith.addi %add3A_259, %add3A_260 : i32
        %add3A_262 = arith.constant 0 : i32
        %add3A_263 = arith.addi %add3A_261, %add3A_262 : i32
        %add3A_264 = vector.broadcast %add3A_263 : i32 to vector<16xi32>
        %add3A_265 = arith.addi %add3A_264, %iota3A : vector<16xi32>
        %and3A_266 = arith.constant 4095 : i32
        %and3A_267 = vector.broadcast %and3A_266 : i32 to vector<16xi32>
        %and3A_268 = arith.andi %add3A_265, %and3A_267 : vector<16xi32>
        %mul3A_269 = arith.constant 200 : i32
        %mul3A_270 = vector.broadcast %mul3A_269 : i32 to vector<16xi32>
        %mul3A_271 = arith.muli %and3A_268, %mul3A_270 : vector<16xi32>
        %shift_right_arithmetic3A = arith.constant 12 : i32
        %shift_right_arithmetic3A_272 = vector.broadcast %shift_right_arithmetic3A : i32 to vector<16xi32>
        %shift_right_arithmetic3A_273 = arith.shrsi %add3A_265, %shift_right_arithmetic3A_272 : vector<16xi32>
        %add3A_274 = arith.addi %mul3A_271, %shift_right_arithmetic3A_273 : vector<16xi32>
        %mul3A_275 = arith.constant 2 : i32
        %mul3A_276 = vector.broadcast %mul3A_275 : i32 to vector<16xi32>
        %mul3A_277 = arith.muli %add3A_274, %mul3A_276 : vector<16xi32>
        %swap3A = arith.constant 0 : i32
        %swap3A_278 = arith.index_cast %swap3A : i32 to index
        %swap3A_279 = arith.constant 0 : index
        %swap3A_280 = tpu.vector_load %arg11[%swap3A_278, %swap3A_279] {strides = array<i32>} : memref<8x128xi32, #tpu.memory_space<vmem>>, vector<1x16xi32>,
        %swap3A_281 = vector.shape_cast %swap3A_280 : vector<1x16xi32> to vector<16xi32>
        %swap3A_282 = vector.shape_cast %mul3A_277 : vector<16xi32> to vector<1x16xi32>
        tpu.vector_store %arg11[%swap3A_278, %swap3A_279], %swap3A_282 {strides = array<i32>} : memref<8x128xi32, #tpu.memory_space<vmem>>, vector<1x16xi32>,
        %add3A_283 = arith.constant 0 : i32
        %add3A_284 = arith.addi %add3A_259, %add3A_283 : i32
        %add3A_285 = arith.constant 16 : i32
        %add3A_286 = arith.addi %add3A_284, %add3A_285 : i32
        %add3A_287 = vector.broadcast %add3A_286 : i32 to vector<16xi32>
        %add3A_288 = arith.addi %add3A_287, %iota3A : vector<16xi32>
        %and3A_289 = arith.constant 4095 : i32
        %and3A_290 = vector.broadcast %and3A_289 : i32 to vector<16xi32>
        %and3A_291 = arith.andi %add3A_288, %and3A_290 : vector<16xi32>
        %mul3A_292 = arith.constant 200 : i32
        %mul3A_293 = vector.broadcast %mul3A_292 : i32 to vector<16xi32>
        %mul3A_294 = arith.muli %and3A_291, %mul3A_293 : vector<16xi32>
        %shift_right_arithmetic3A_295 = arith.constant 12 : i32
        %shift_right_arithmetic3A_296 = vector.broadcast %shift_right_arithmetic3A_295 : i32 to vector<16xi32>
        %shift_right_arithmetic3A_297 = arith.shrsi %add3A_288, %shift_right_arithmetic3A_296 : vector<16xi32>
        %add3A_298 = arith.addi %mul3A_294, %shift_right_arithmetic3A_297 : vector<16xi32>
        %mul3A_299 = arith.constant 2 : i32
        %mul3A_300 = vector.broadcast %mul3A_299 : i32 to vector<16xi32>
        %mul3A_301 = arith.muli %add3A_298, %mul3A_300 : vector<16xi32>
        %swap3A_302 = arith.constant 0 : i32
        %swap3A_303 = arith.index_cast %swap3A_302 : i32 to index
        %swap3A_304 = arith.constant 16 : index
        %swap3A_305 = tpu.vector_load %arg11[%swap3A_303, %swap3A_304] {strides = array<i32>} : memref<8x128xi32, #tpu.memory_space<vmem>>, vector<1x16xi32>,
        %swap3A_306 = vector.shape_cast %swap3A_305 : vector<1x16xi32> to vector<16xi32>
        %swap3A_307 = vector.shape_cast %mul3A_301 : vector<16xi32> to vector<1x16xi32>
        tpu.vector_store %arg11[%swap3A_303, %swap3A_304], %swap3A_307 {strides = array<i32>} : memref<8x128xi32, #tpu.memory_space<vmem>>, vector<1x16xi32>,
        %add3A_308 = arith.constant 0 : i32
        %add3A_309 = arith.addi %add3A_259, %add3A_308 : i32
        %add3A_310 = arith.constant 32 : i32
        %add3A_311 = arith.addi %add3A_309, %add3A_310 : i32
        %add3A_312 = vector.broadcast %add3A_311 : i32 to vector<16xi32>
        %add3A_313 = arith.addi %add3A_312, %iota3A : vector<16xi32>
        %and3A_314 = arith.constant 4095 : i32
        %and3A_315 = vector.broadcast %and3A_314 : i32 to vector<16xi32>
        %and3A_316 = arith.andi %add3A_313, %and3A_315 : vector<16xi32>
        %mul3A_317 = arith.constant 200 : i32
        %mul3A_318 = vector.broadcast %mul3A_317 : i32 to vector<16xi32>
        %mul3A_319 = arith.muli %and3A_316, %mul3A_318 : vector<16xi32>
        %shift_right_arithmetic3A_320 = arith.constant 12 : i32
        %shift_right_arithmetic3A_321 = vector.broadcast %shift_right_arithmetic3A_320 : i32 to vector<16xi32>
        %shift_right_arithmetic3A_322 = arith.shrsi %add3A_313, %shift_right_arithmetic3A_321 : vector<16xi32>
        %add3A_323 = arith.addi %mul3A_319, %shift_right_arithmetic3A_322 : vector<16xi32>
        %mul3A_324 = arith.constant 2 : i32
        %mul3A_325 = vector.broadcast %mul3A_324 : i32 to vector<16xi32>
        %mul3A_326 = arith.muli %add3A_323, %mul3A_325 : vector<16xi32>
        %swap3A_327 = arith.constant 0 : i32
        %swap3A_328 = arith.index_cast %swap3A_327 : i32 to index
        %swap3A_329 = arith.constant 32 : index
        %swap3A_330 = tpu.vector_load %arg11[%swap3A_328, %swap3A_329] {strides = array<i32>} : memref<8x128xi32, #tpu.memory_space<vmem>>, vector<1x16xi32>,
        %swap3A_331 = vector.shape_cast %swap3A_330 : vector<1x16xi32> to vector<16xi32>
        %swap3A_332 = vector.shape_cast %mul3A_326 : vector<16xi32> to vector<1x16xi32>
        tpu.vector_store %arg11[%swap3A_328, %swap3A_329], %swap3A_332 {strides = array<i32>} : memref<8x128xi32, #tpu.memory_space<vmem>>, vector<1x16xi32>,
        %add3A_333 = arith.constant 0 : i32
        %add3A_334 = arith.addi %add3A_259, %add3A_333 : i32
        %add3A_335 = arith.constant 48 : i32
        %add3A_336 = arith.addi %add3A_334, %add3A_335 : i32
        %add3A_337 = vector.broadcast %add3A_336 : i32 to vector<16xi32>
        %add3A_338 = arith.addi %add3A_337, %iota3A : vector<16xi32>
        %and3A_339 = arith.constant 4095 : i32
        %and3A_340 = vector.broadcast %and3A_339 : i32 to vector<16xi32>
        %and3A_341 = arith.andi %add3A_338, %and3A_340 : vector<16xi32>
        %mul3A_342 = arith.constant 200 : i32
        %mul3A_343 = vector.broadcast %mul3A_342 : i32 to vector<16xi32>
        %mul3A_344 = arith.muli %and3A_341, %mul3A_343 : vector<16xi32>
        %shift_right_arithmetic3A_345 = arith.constant 12 : i32
        %shift_right_arithmetic3A_346 = vector.broadcast %shift_right_arithmetic3A_345 : i32 to vector<16xi32>
        %shift_right_arithmetic3A_347 = arith.shrsi %add3A_338, %shift_right_arithmetic3A_346 : vector<16xi32>
        %add3A_348 = arith.addi %mul3A_344, %shift_right_arithmetic3A_347 : vector<16xi32>
        %mul3A_349 = arith.constant 2 : i32
        %mul3A_350 = vector.broadcast %mul3A_349 : i32 to vector<16xi32>
        %mul3A_351 = arith.muli %add3A_348, %mul3A_350 : vector<16xi32>
        %swap3A_352 = arith.constant 0 : i32
        %swap3A_353 = arith.index_cast %swap3A_352 : i32 to index
        %swap3A_354 = arith.constant 48 : index
        %swap3A_355 = tpu.vector_load %arg11[%swap3A_353, %swap3A_354] {strides = array<i32>} : memref<8x128xi32, #tpu.memory_space<vmem>>, vector<1x16xi32>,
        %swap3A_356 = vector.shape_cast %swap3A_355 : vector<1x16xi32> to vector<16xi32>
        %swap3A_357 = vector.shape_cast %mul3A_351 : vector<16xi32> to vector<1x16xi32>
        tpu.vector_store %arg11[%swap3A_353, %swap3A_354], %swap3A_357 {strides = array<i32>} : memref<8x128xi32, #tpu.memory_space<vmem>>, vector<1x16xi32>,
        %add3A_358 = arith.constant 0 : i32
        %add3A_359 = arith.addi %add3A_259, %add3A_358 : i32
        %add3A_360 = arith.constant 64 : i32
        %add3A_361 = arith.addi %add3A_359, %add3A_360 : i32
        %add3A_362 = vector.broadcast %add3A_361 : i32 to vector<16xi32>
        %add3A_363 = arith.addi %add3A_362, %iota3A : vector<16xi32>
        %and3A_364 = arith.constant 4095 : i32
        %and3A_365 = vector.broadcast %and3A_364 : i32 to vector<16xi32>
        %and3A_366 = arith.andi %add3A_363, %and3A_365 : vector<16xi32>
        %mul3A_367 = arith.constant 200 : i32
        %mul3A_368 = vector.broadcast %mul3A_367 : i32 to vector<16xi32>
        %mul3A_369 = arith.muli %and3A_366, %mul3A_368 : vector<16xi32>
        %shift_right_arithmetic3A_370 = arith.constant 12 : i32
        %shift_right_arithmetic3A_371 = vector.broadcast %shift_right_arithmetic3A_370 : i32 to vector<16xi32>
        %shift_right_arithmetic3A_372 = arith.shrsi %add3A_363, %shift_right_arithmetic3A_371 : vector<16xi32>
        %add3A_373 = arith.addi %mul3A_369, %shift_right_arithmetic3A_372 : vector<16xi32>
        %mul3A_374 = arith.constant 2 : i32
        %mul3A_375 = vector.broadcast %mul3A_374 : i32 to vector<16xi32>
        %mul3A_376 = arith.muli %add3A_373, %mul3A_375 : vector<16xi32>
        %swap3A_377 = arith.constant 0 : i32
        %swap3A_378 = arith.index_cast %swap3A_377 : i32 to index
        %swap3A_379 = arith.constant 64 : index
        %swap3A_380 = tpu.vector_load %arg11[%swap3A_378, %swap3A_379] {strides = array<i32>} : memref<8x128xi32, #tpu.memory_space<vmem>>, vector<1x16xi32>,
        %swap3A_381 = vector.shape_cast %swap3A_380 : vector<1x16xi32> to vector<16xi32>
        %swap3A_382 = vector.shape_cast %mul3A_376 : vector<16xi32> to vector<1x16xi32>
        tpu.vector_store %arg11[%swap3A_378, %swap3A_379], %swap3A_382 {strides = array<i32>} : memref<8x128xi32, #tpu.memory_space<vmem>>, vector<1x16xi32>,
        %add3A_383 = arith.constant 0 : i32
        %add3A_384 = arith.addi %add3A_259, %add3A_383 : i32
        %add3A_385 = arith.constant 80 : i32
        %add3A_386 = arith.addi %add3A_384, %add3A_385 : i32
        %add3A_387 = vector.broadcast %add3A_386 : i32 to vector<16xi32>
        %add3A_388 = arith.addi %add3A_387, %iota3A : vector<16xi32>
        %and3A_389 = arith.constant 4095 : i32
        %and3A_390 = vector.broadcast %and3A_389 : i32 to vector<16xi32>
        %and3A_391 = arith.andi %add3A_388, %and3A_390 : vector<16xi32>
        %mul3A_392 = arith.constant 200 : i32
        %mul3A_393 = vector.broadcast %mul3A_392 : i32 to vector<16xi32>
        %mul3A_394 = arith.muli %and3A_391, %mul3A_393 : vector<16xi32>
        %shift_right_arithmetic3A_395 = arith.constant 12 : i32
        %shift_right_arithmetic3A_396 = vector.broadcast %shift_right_arithmetic3A_395 : i32 to vector<16xi32>
        %shift_right_arithmetic3A_397 = arith.shrsi %add3A_388, %shift_right_arithmetic3A_396 : vector<16xi32>
        %add3A_398 = arith.addi %mul3A_394, %shift_right_arithmetic3A_397 : vector<16xi32>
        %mul3A_399 = arith.constant 2 : i32
        %mul3A_400 = vector.broadcast %mul3A_399 : i32 to vector<16xi32>
        %mul3A_401 = arith.muli %add3A_398, %mul3A_400 : vector<16xi32>
        %swap3A_402 = arith.constant 0 : i32
        %swap3A_403 = arith.index_cast %swap3A_402 : i32 to index
        %swap3A_404 = arith.constant 80 : index
        %swap3A_405 = tpu.vector_load %arg11[%swap3A_403, %swap3A_404] {strides = array<i32>} : memref<8x128xi32, #tpu.memory_space<vmem>>, vector<1x16xi32>,
        %swap3A_406 = vector.shape_cast %swap3A_405 : vector<1x16xi32> to vector<16xi32>
        %swap3A_407 = vector.shape_cast %mul3A_401 : vector<16xi32> to vector<1x16xi32>
        tpu.vector_store %arg11[%swap3A_403, %swap3A_404], %swap3A_407 {strides = array<i32>} : memref<8x128xi32, #tpu.memory_space<vmem>>, vector<1x16xi32>,
        %add3A_408 = arith.constant 0 : i32
        %add3A_409 = arith.addi %add3A_259, %add3A_408 : i32
        %add3A_410 = arith.constant 96 : i32
        %add3A_411 = arith.addi %add3A_409, %add3A_410 : i32
        %add3A_412 = vector.broadcast %add3A_411 : i32 to vector<16xi32>
        %add3A_413 = arith.addi %add3A_412, %iota3A : vector<16xi32>
        %and3A_414 = arith.constant 4095 : i32
        %and3A_415 = vector.broadcast %and3A_414 : i32 to vector<16xi32>
        %and3A_416 = arith.andi %add3A_413, %and3A_415 : vector<16xi32>
        %mul3A_417 = arith.constant 200 : i32
        %mul3A_418 = vector.broadcast %mul3A_417 : i32 to vector<16xi32>
        %mul3A_419 = arith.muli %and3A_416, %mul3A_418 : vector<16xi32>
        %shift_right_arithmetic3A_420 = arith.constant 12 : i32
        %shift_right_arithmetic3A_421 = vector.broadcast %shift_right_arithmetic3A_420 : i32 to vector<16xi32>
        %shift_right_arithmetic3A_422 = arith.shrsi %add3A_413, %shift_right_arithmetic3A_421 : vector<16xi32>
        %add3A_423 = arith.addi %mul3A_419, %shift_right_arithmetic3A_422 : vector<16xi32>
        %mul3A_424 = arith.constant 2 : i32
        %mul3A_425 = vector.broadcast %mul3A_424 : i32 to vector<16xi32>
        %mul3A_426 = arith.muli %add3A_423, %mul3A_425 : vector<16xi32>
        %swap3A_427 = arith.constant 0 : i32
        %swap3A_428 = arith.index_cast %swap3A_427 : i32 to index
        %swap3A_429 = arith.constant 96 : index
        %swap3A_430 = tpu.vector_load %arg11[%swap3A_428, %swap3A_429] {strides = array<i32>} : memref<8x128xi32, #tpu.memory_space<vmem>>, vector<1x16xi32>,
        %swap3A_431 = vector.shape_cast %swap3A_430 : vector<1x16xi32> to vector<16xi32>
        %swap3A_432 = vector.shape_cast %mul3A_426 : vector<16xi32> to vector<1x16xi32>
        tpu.vector_store %arg11[%swap3A_428, %swap3A_429], %swap3A_432 {strides = array<i32>} : memref<8x128xi32, #tpu.memory_space<vmem>>, vector<1x16xi32>,
        %add3A_433 = arith.constant 0 : i32
        %add3A_434 = arith.addi %add3A_259, %add3A_433 : i32
        %add3A_435 = arith.constant 112 : i32
        %add3A_436 = arith.addi %add3A_434, %add3A_435 : i32
        %add3A_437 = vector.broadcast %add3A_436 : i32 to vector<16xi32>
        %add3A_438 = arith.addi %add3A_437, %iota3A : vector<16xi32>
        %and3A_439 = arith.constant 4095 : i32
        %and3A_440 = vector.broadcast %and3A_439 : i32 to vector<16xi32>
        %and3A_441 = arith.andi %add3A_438, %and3A_440 : vector<16xi32>
        %mul3A_442 = arith.constant 200 : i32
        %mul3A_443 = vector.broadcast %mul3A_442 : i32 to vector<16xi32>
        %mul3A_444 = arith.muli %and3A_441, %mul3A_443 : vector<16xi32>
        %shift_right_arithmetic3A_445 = arith.constant 12 : i32
        %shift_right_arithmetic3A_446 = vector.broadcast %shift_right_arithmetic3A_445 : i32 to vector<16xi32>
        %shift_right_arithmetic3A_447 = arith.shrsi %add3A_438, %shift_right_arithmetic3A_446 : vector<16xi32>
        %add3A_448 = arith.addi %mul3A_444, %shift_right_arithmetic3A_447 : vector<16xi32>
        %mul3A_449 = arith.constant 2 : i32
        %mul3A_450 = vector.broadcast %mul3A_449 : i32 to vector<16xi32>
        %mul3A_451 = arith.muli %add3A_448, %mul3A_450 : vector<16xi32>
        %swap3A_452 = arith.constant 0 : i32
        %swap3A_453 = arith.index_cast %swap3A_452 : i32 to index
        %swap3A_454 = arith.constant 112 : index
        %swap3A_455 = tpu.vector_load %arg11[%swap3A_453, %swap3A_454] {strides = array<i32>} : memref<8x128xi32, #tpu.memory_space<vmem>>, vector<1x16xi32>,
        %swap3A_456 = vector.shape_cast %swap3A_455 : vector<1x16xi32> to vector<16xi32>
        %swap3A_457 = vector.shape_cast %mul3A_451 : vector<16xi32> to vector<1x16xi32>
        tpu.vector_store %arg11[%swap3A_453, %swap3A_454], %swap3A_457 {strides = array<i32>} : memref<8x128xi32, #tpu.memory_space<vmem>>, vector<1x16xi32>,
        %add3A_458 = arith.constant 128 : i32
        %add3A_459 = arith.addi %add3A_259, %add3A_458 : i32
        %add3A_460 = arith.constant 0 : i32
        %add3A_461 = arith.addi %add3A_459, %add3A_460 : i32
        %add3A_462 = vector.broadcast %add3A_461 : i32 to vector<16xi32>
        %add3A_463 = arith.addi %add3A_462, %iota3A : vector<16xi32>
        %and3A_464 = arith.constant 4095 : i32
        %and3A_465 = vector.broadcast %and3A_464 : i32 to vector<16xi32>
        %and3A_466 = arith.andi %add3A_463, %and3A_465 : vector<16xi32>
        %mul3A_467 = arith.constant 200 : i32
        %mul3A_468 = vector.broadcast %mul3A_467 : i32 to vector<16xi32>
        %mul3A_469 = arith.muli %and3A_466, %mul3A_468 : vector<16xi32>
        %shift_right_arithmetic3A_470 = arith.constant 12 : i32
        %shift_right_arithmetic3A_471 = vector.broadcast %shift_right_arithmetic3A_470 : i32 to vector<16xi32>
        %shift_right_arithmetic3A_472 = arith.shrsi %add3A_463, %shift_right_arithmetic3A_471 : vector<16xi32>
        %add3A_473 = arith.addi %mul3A_469, %shift_right_arithmetic3A_472 : vector<16xi32>
        %mul3A_474 = arith.constant 2 : i32
        %mul3A_475 = vector.broadcast %mul3A_474 : i32 to vector<16xi32>
        %mul3A_476 = arith.muli %add3A_473, %mul3A_475 : vector<16xi32>
        %swap3A_477 = arith.constant 1 : i32
        %swap3A_478 = arith.index_cast %swap3A_477 : i32 to index
        %swap3A_479 = arith.constant 0 : index
        %swap3A_480 = tpu.vector_load %arg11[%swap3A_478, %swap3A_479] {strides = array<i32>} : memref<8x128xi32, #tpu.memory_space<vmem>>, vector<1x16xi32>,
        %swap3A_481 = vector.shape_cast %swap3A_480 : vector<1x16xi32> to vector<16xi32>
        %swap3A_482 = vector.shape_cast %mul3A_476 : vector<16xi32> to vector<1x16xi32>
        tpu.vector_store %arg11[%swap3A_478, %swap3A_479], %swap3A_482 {strides = array<i32>} : memref<8x128xi32, #tpu.memory_space<vmem>>, vector<1x16xi32>,
        %add3A_483 = arith.constant 128 : i32
        %add3A_484 = arith.addi %add3A_259, %add3A_483 : i32
        %add3A_485 = arith.constant 16 : i32
        %add3A_486 = arith.addi %add3A_484, %add3A_485 : i32
        %add3A_487 = vector.broadcast %add3A_486 : i32 to vector<16xi32>
        %add3A_488 = arith.addi %add3A_487, %iota3A : vector<16xi32>
        %and3A_489 = arith.constant 4095 : i32
        %and3A_490 = vector.broadcast %and3A_489 : i32 to vector<16xi32>
        %and3A_491 = arith.andi %add3A_488, %and3A_490 : vector<16xi32>
        %mul3A_492 = arith.constant 200 : i32
        %mul3A_493 = vector.broadcast %mul3A_492 : i32 to vector<16xi32>
        %mul3A_494 = arith.muli %and3A_491, %mul3A_493 : vector<16xi32>
        %shift_right_arithmetic3A_495 = arith.constant 12 : i32
        %shift_right_arithmetic3A_496 = vector.broadcast %shift_right_arithmetic3A_495 : i32 to vector<16xi32>
        %shift_right_arithmetic3A_497 = arith.shrsi %add3A_488, %shift_right_arithmetic3A_496 : vector<16xi32>
        %add3A_498 = arith.addi %mul3A_494, %shift_right_arithmetic3A_497 : vector<16xi32>
        %mul3A_499 = arith.constant 2 : i32
        %mul3A_500 = vector.broadcast %mul3A_499 : i32 to vector<16xi32>
        %mul3A_501 = arith.muli %add3A_498, %mul3A_500 : vector<16xi32>
        %swap3A_502 = arith.constant 1 : i32
        %swap3A_503 = arith.index_cast %swap3A_502 : i32 to index
        %swap3A_504 = arith.constant 16 : index
        %swap3A_505 = tpu.vector_load %arg11[%swap3A_503, %swap3A_504] {strides = array<i32>} : memref<8x128xi32, #tpu.memory_space<vmem>>, vector<1x16xi32>,
        %swap3A_506 = vector.shape_cast %swap3A_505 : vector<1x16xi32> to vector<16xi32>
        %swap3A_507 = vector.shape_cast %mul3A_501 : vector<16xi32> to vector<1x16xi32>
        tpu.vector_store %arg11[%swap3A_503, %swap3A_504], %swap3A_507 {strides = array<i32>} : memref<8x128xi32, #tpu.memory_space<vmem>>, vector<1x16xi32>,
        %add3A_508 = arith.constant 128 : i32
        %add3A_509 = arith.addi %add3A_259, %add3A_508 : i32
        %add3A_510 = arith.constant 32 : i32
        %add3A_511 = arith.addi %add3A_509, %add3A_510 : i32
        %add3A_512 = vector.broadcast %add3A_511 : i32 to vector<16xi32>
        %add3A_513 = arith.addi %add3A_512, %iota3A : vector<16xi32>
        %and3A_514 = arith.constant 4095 : i32
        %and3A_515 = vector.broadcast %and3A_514 : i32 to vector<16xi32>
        %and3A_516 = arith.andi %add3A_513, %and3A_515 : vector<16xi32>
        %mul3A_517 = arith.constant 200 : i32
        %mul3A_518 = vector.broadcast %mul3A_517 : i32 to vector<16xi32>
        %mul3A_519 = arith.muli %and3A_516, %mul3A_518 : vector<16xi32>
        %shift_right_arithmetic3A_520 = arith.constant 12 : i32
        %shift_right_arithmetic3A_521 = vector.broadcast %shift_right_arithmetic3A_520 : i32 to vector<16xi32>
        %shift_right_arithmetic3A_522 = arith.shrsi %add3A_513, %shift_right_arithmetic3A_521 : vector<16xi32>
        %add3A_523 = arith.addi %mul3A_519, %shift_right_arithmetic3A_522 : vector<16xi32>
        %mul3A_524 = arith.constant 2 : i32
        %mul3A_525 = vector.broadcast %mul3A_524 : i32 to vector<16xi32>
        %mul3A_526 = arith.muli %add3A_523, %mul3A_525 : vector<16xi32>
        %swap3A_527 = arith.constant 1 : i32
        %swap3A_528 = arith.index_cast %swap3A_527 : i32 to index
        %swap3A_529 = arith.constant 32 : index
        %swap3A_530 = tpu.vector_load %arg11[%swap3A_528, %swap3A_529] {strides = array<i32>} : memref<8x128xi32, #tpu.memory_space<vmem>>, vector<1x16xi32>,
        %swap3A_531 = vector.shape_cast %swap3A_530 : vector<1x16xi32> to vector<16xi32>
        %swap3A_532 = vector.shape_cast %mul3A_526 : vector<16xi32> to vector<1x16xi32>
        tpu.vector_store %arg11[%swap3A_528, %swap3A_529], %swap3A_532 {strides = array<i32>} : memref<8x128xi32, #tpu.memory_space<vmem>>, vector<1x16xi32>,
        %add3A_533 = arith.constant 128 : i32
        %add3A_534 = arith.addi %add3A_259, %add3A_533 : i32
        %add3A_535 = arith.constant 48 : i32
        %add3A_536 = arith.addi %add3A_534, %add3A_535 : i32
        %add3A_537 = vector.broadcast %add3A_536 : i32 to vector<16xi32>
        %add3A_538 = arith.addi %add3A_537, %iota3A : vector<16xi32>
        %and3A_539 = arith.constant 4095 : i32
        %and3A_540 = vector.broadcast %and3A_539 : i32 to vector<16xi32>
        %and3A_541 = arith.andi %add3A_538, %and3A_540 : vector<16xi32>
        %mul3A_542 = arith.constant 200 : i32
        %mul3A_543 = vector.broadcast %mul3A_542 : i32 to vector<16xi32>
        %mul3A_544 = arith.muli %and3A_541, %mul3A_543 : vector<16xi32>
        %shift_right_arithmetic3A_545 = arith.constant 12 : i32
        %shift_right_arithmetic3A_546 = vector.broadcast %shift_right_arithmetic3A_545 : i32 to vector<16xi32>
        %shift_right_arithmetic3A_547 = arith.shrsi %add3A_538, %shift_right_arithmetic3A_546 : vector<16xi32>
        %add3A_548 = arith.addi %mul3A_544, %shift_right_arithmetic3A_547 : vector<16xi32>
        %mul3A_549 = arith.constant 2 : i32
        %mul3A_550 = vector.broadcast %mul3A_549 : i32 to vector<16xi32>
        %mul3A_551 = arith.muli %add3A_548, %mul3A_550 : vector<16xi32>
        %swap3A_552 = arith.constant 1 : i32
        %swap3A_553 = arith.index_cast %swap3A_552 : i32 to index
        %swap3A_554 = arith.constant 48 : index
        %swap3A_555 = tpu.vector_load %arg11[%swap3A_553, %swap3A_554] {strides = array<i32>} : memref<8x128xi32, #tpu.memory_space<vmem>>, vector<1x16xi32>,
        %swap3A_556 = vector.shape_cast %swap3A_555 : vector<1x16xi32> to vector<16xi32>
        %swap3A_557 = vector.shape_cast %mul3A_551 : vector<16xi32> to vector<1x16xi32>
        tpu.vector_store %arg11[%swap3A_553, %swap3A_554], %swap3A_557 {strides = array<i32>} : memref<8x128xi32, #tpu.memory_space<vmem>>, vector<1x16xi32>,
        %add3A_558 = arith.constant 128 : i32
        %add3A_559 = arith.addi %add3A_259, %add3A_558 : i32
        %add3A_560 = arith.constant 64 : i32
        %add3A_561 = arith.addi %add3A_559, %add3A_560 : i32
        %add3A_562 = vector.broadcast %add3A_561 : i32 to vector<16xi32>
        %add3A_563 = arith.addi %add3A_562, %iota3A : vector<16xi32>
        %and3A_564 = arith.constant 4095 : i32
        %and3A_565 = vector.broadcast %and3A_564 : i32 to vector<16xi32>
        %and3A_566 = arith.andi %add3A_563, %and3A_565 : vector<16xi32>
        %mul3A_567 = arith.constant 200 : i32
        %mul3A_568 = vector.broadcast %mul3A_567 : i32 to vector<16xi32>
        %mul3A_569 = arith.muli %and3A_566, %mul3A_568 : vector<16xi32>
        %shift_right_arithmetic3A_570 = arith.constant 12 : i32
        %shift_right_arithmetic3A_571 = vector.broadcast %shift_right_arithmetic3A_570 : i32 to vector<16xi32>
        %shift_right_arithmetic3A_572 = arith.shrsi %add3A_563, %shift_right_arithmetic3A_571 : vector<16xi32>
        %add3A_573 = arith.addi %mul3A_569, %shift_right_arithmetic3A_572 : vector<16xi32>
        %mul3A_574 = arith.constant 2 : i32
        %mul3A_575 = vector.broadcast %mul3A_574 : i32 to vector<16xi32>
        %mul3A_576 = arith.muli %add3A_573, %mul3A_575 : vector<16xi32>
        %swap3A_577 = arith.constant 1 : i32
        %swap3A_578 = arith.index_cast %swap3A_577 : i32 to index
        %swap3A_579 = arith.constant 64 : index
        %swap3A_580 = tpu.vector_load %arg11[%swap3A_578, %swap3A_579] {strides = array<i32>} : memref<8x128xi32, #tpu.memory_space<vmem>>, vector<1x16xi32>,
        %swap3A_581 = vector.shape_cast %swap3A_580 : vector<1x16xi32> to vector<16xi32>
        %swap3A_582 = vector.shape_cast %mul3A_576 : vector<16xi32> to vector<1x16xi32>
        tpu.vector_store %arg11[%swap3A_578, %swap3A_579], %swap3A_582 {strides = array<i32>} : memref<8x128xi32, #tpu.memory_space<vmem>>, vector<1x16xi32>,
        %add3A_583 = arith.constant 128 : i32
        %add3A_584 = arith.addi %add3A_259, %add3A_583 : i32
        %add3A_585 = arith.constant 80 : i32
        %add3A_586 = arith.addi %add3A_584, %add3A_585 : i32
        %add3A_587 = vector.broadcast %add3A_586 : i32 to vector<16xi32>
        %add3A_588 = arith.addi %add3A_587, %iota3A : vector<16xi32>
        %and3A_589 = arith.constant 4095 : i32
        %and3A_590 = vector.broadcast %and3A_589 : i32 to vector<16xi32>
        %and3A_591 = arith.andi %add3A_588, %and3A_590 : vector<16xi32>
        %mul3A_592 = arith.constant 200 : i32
        %mul3A_593 = vector.broadcast %mul3A_592 : i32 to vector<16xi32>
        %mul3A_594 = arith.muli %and3A_591, %mul3A_593 : vector<16xi32>
        %shift_right_arithmetic3A_595 = arith.constant 12 : i32
        %shift_right_arithmetic3A_596 = vector.broadcast %shift_right_arithmetic3A_595 : i32 to vector<16xi32>
        %shift_right_arithmetic3A_597 = arith.shrsi %add3A_588, %shift_right_arithmetic3A_596 : vector<16xi32>
        %add3A_598 = arith.addi %mul3A_594, %shift_right_arithmetic3A_597 : vector<16xi32>
        %mul3A_599 = arith.constant 2 : i32
        %mul3A_600 = vector.broadcast %mul3A_599 : i32 to vector<16xi32>
        %mul3A_601 = arith.muli %add3A_598, %mul3A_600 : vector<16xi32>
        %swap3A_602 = arith.constant 1 : i32
        %swap3A_603 = arith.index_cast %swap3A_602 : i32 to index
        %swap3A_604 = arith.constant 80 : index
        %swap3A_605 = tpu.vector_load %arg11[%swap3A_603, %swap3A_604] {strides = array<i32>} : memref<8x128xi32, #tpu.memory_space<vmem>>, vector<1x16xi32>,
        %swap3A_606 = vector.shape_cast %swap3A_605 : vector<1x16xi32> to vector<16xi32>
        %swap3A_607 = vector.shape_cast %mul3A_601 : vector<16xi32> to vector<1x16xi32>
        tpu.vector_store %arg11[%swap3A_603, %swap3A_604], %swap3A_607 {strides = array<i32>} : memref<8x128xi32, #tpu.memory_space<vmem>>, vector<1x16xi32>,
        %add3A_608 = arith.constant 128 : i32
        %add3A_609 = arith.addi %add3A_259, %add3A_608 : i32
        %add3A_610 = arith.constant 96 : i32
        %add3A_611 = arith.addi %add3A_609, %add3A_610 : i32
        %add3A_612 = vector.broadcast %add3A_611 : i32 to vector<16xi32>
        %add3A_613 = arith.addi %add3A_612, %iota3A : vector<16xi32>
        %and3A_614 = arith.constant 4095 : i32
        %and3A_615 = vector.broadcast %and3A_614 : i32 to vector<16xi32>
        %and3A_616 = arith.andi %add3A_613, %and3A_615 : vector<16xi32>
        %mul3A_617 = arith.constant 200 : i32
        %mul3A_618 = vector.broadcast %mul3A_617 : i32 to vector<16xi32>
        %mul3A_619 = arith.muli %and3A_616, %mul3A_618 : vector<16xi32>
        %shift_right_arithmetic3A_620 = arith.constant 12 : i32
        %shift_right_arithmetic3A_621 = vector.broadcast %shift_right_arithmetic3A_620 : i32 to vector<16xi32>
        %shift_right_arithmetic3A_622 = arith.shrsi %add3A_613, %shift_right_arithmetic3A_621 : vector<16xi32>
        %add3A_623 = arith.addi %mul3A_619, %shift_right_arithmetic3A_622 : vector<16xi32>
        %mul3A_624 = arith.constant 2 : i32
        %mul3A_625 = vector.broadcast %mul3A_624 : i32 to vector<16xi32>
        %mul3A_626 = arith.muli %add3A_623, %mul3A_625 : vector<16xi32>
        %swap3A_627 = arith.constant 1 : i32
        %swap3A_628 = arith.index_cast %swap3A_627 : i32 to index
        %swap3A_629 = arith.constant 96 : index
        %swap3A_630 = tpu.vector_load %arg11[%swap3A_628, %swap3A_629] {strides = array<i32>} : memref<8x128xi32, #tpu.memory_space<vmem>>, vector<1x16xi32>,
        %swap3A_631 = vector.shape_cast %swap3A_630 : vector<1x16xi32> to vector<16xi32>
        %swap3A_632 = vector.shape_cast %mul3A_626 : vector<16xi32> to vector<1x16xi32>
        tpu.vector_store %arg11[%swap3A_628, %swap3A_629], %swap3A_632 {strides = array<i32>} : memref<8x128xi32, #tpu.memory_space<vmem>>, vector<1x16xi32>,
        %add3A_633 = arith.constant 128 : i32
        %add3A_634 = arith.addi %add3A_259, %add3A_633 : i32
        %add3A_635 = arith.constant 112 : i32
        %add3A_636 = arith.addi %add3A_634, %add3A_635 : i32
        %add3A_637 = vector.broadcast %add3A_636 : i32 to vector<16xi32>
        %add3A_638 = arith.addi %add3A_637, %iota3A : vector<16xi32>
        %and3A_639 = arith.constant 4095 : i32
        %and3A_640 = vector.broadcast %and3A_639 : i32 to vector<16xi32>
        %and3A_641 = arith.andi %add3A_638, %and3A_640 : vector<16xi32>
        %mul3A_642 = arith.constant 200 : i32
        %mul3A_643 = vector.broadcast %mul3A_642 : i32 to vector<16xi32>
        %mul3A_644 = arith.muli %and3A_641, %mul3A_643 : vector<16xi32>
        %shift_right_arithmetic3A_645 = arith.constant 12 : i32
        %shift_right_arithmetic3A_646 = vector.broadcast %shift_right_arithmetic3A_645 : i32 to vector<16xi32>
        %shift_right_arithmetic3A_647 = arith.shrsi %add3A_638, %shift_right_arithmetic3A_646 : vector<16xi32>
        %add3A_648 = arith.addi %mul3A_644, %shift_right_arithmetic3A_647 : vector<16xi32>
        %mul3A_649 = arith.constant 2 : i32
        %mul3A_650 = vector.broadcast %mul3A_649 : i32 to vector<16xi32>
        %mul3A_651 = arith.muli %add3A_648, %mul3A_650 : vector<16xi32>
        %swap3A_652 = arith.constant 1 : i32
        %swap3A_653 = arith.index_cast %swap3A_652 : i32 to index
        %swap3A_654 = arith.constant 112 : index
        %swap3A_655 = tpu.vector_load %arg11[%swap3A_653, %swap3A_654] {strides = array<i32>} : memref<8x128xi32, #tpu.memory_space<vmem>>, vector<1x16xi32>,
        %swap3A_656 = vector.shape_cast %swap3A_655 : vector<1x16xi32> to vector<16xi32>
        %swap3A_657 = vector.shape_cast %mul3A_651 : vector<16xi32> to vector<1x16xi32>
        tpu.vector_store %arg11[%swap3A_653, %swap3A_654], %swap3A_657 {strides = array<i32>} : memref<8x128xi32, #tpu.memory_space<vmem>>, vector<1x16xi32>,
        %dma_start3A = arith.constant 0 : i32
        %dma_start3A_658 = arith.constant 0 : i32
        %dma_start3A_659 = arith.constant 0 : i32
        %dma_start3A_660 = arith.constant 0 : i32
        %dma_start3A_661 = tpu.memref_slice %arg12[%dma_start3A_659, %dma_start3A_660] : memref<256x64xf32, #tpu.memory_space<vmem>> -> memref<128x64xf32, #tpu.memory_space<vmem>>
        %dma_start3A_662 = arith.constant 0 : i32
        %dma_start3A_663 = tpu.memref_slice %arg11[%dma_start3A, %dma_start3A_662] : memref<8x128xi32, #tpu.memory_space<vmem>> -> memref<1x128xi32, #tpu.memory_space<vmem>>
        %dma_start3A_664 = tpu.memref_squeeze %dma_start3A_663 : memref<1x128xi32, #tpu.memory_space<vmem>> -> memref<128xi32, #tpu.memory_space<vmem>>
        %dma_start3A_665 = arith.constant 0 : i32
        %dma_start3A_666 = arith.constant 0 : i32
        %dma_start3A_667 = tpu.memref_slice %arg7[%dma_start3A_665, %dma_start3A_666] : memref<1638400x64xf32, #tpu.memory_space<hbm>> -> memref<1638400x64xf32, #tpu.memory_space<hbm>>
        %dma_start3A_668 = tpu.memref_slice %arg16[%dma_start3A_658] : memref<4x!tpu.dma_semaphore, #tpu.memory_space<semaphore_mem>> -> memref<1x!tpu.dma_semaphore, #tpu.memory_space<semaphore_mem>>
        %dma_start3A_669 = tpu.memref_squeeze %dma_start3A_668 : memref<1x!tpu.dma_semaphore, #tpu.memory_space<semaphore_mem>> -> memref<!tpu.dma_semaphore, #tpu.memory_space<semaphore_mem>>
        tpu.enqueue_indirect_dma source(%dma_start3A_661 : memref<128x64xf32, #tpu.memory_space<vmem>>) target(%dma_start3A_667 : memref<1638400x64xf32, #tpu.memory_space<hbm>>) offsets(%dma_start3A_664 : memref<128xi32, #tpu.memory_space<vmem>>) semaphore(%dma_start3A_669 : memref<!tpu.dma_semaphore, #tpu.memory_space<semaphore_mem>>)
        %dma_start3A_670 = arith.constant 1 : i32
        %dma_start3A_671 = arith.constant 0 : i32
        %dma_start3A_672 = arith.constant 128 : i32
        %dma_start3A_673 = arith.constant 0 : i32
        %dma_start3A_674 = tpu.memref_slice %arg12[%dma_start3A_672, %dma_start3A_673] : memref<256x64xf32, #tpu.memory_space<vmem>> -> memref<128x64xf32, #tpu.memory_space<vmem>>
        %dma_start3A_675 = arith.constant 0 : i32
        %dma_start3A_676 = tpu.memref_slice %arg11[%dma_start3A_670, %dma_start3A_675] : memref<8x128xi32, #tpu.memory_space<vmem>> -> memref<1x128xi32, #tpu.memory_space<vmem>>
        %dma_start3A_677 = tpu.memref_squeeze %dma_start3A_676 : memref<1x128xi32, #tpu.memory_space<vmem>> -> memref<128xi32, #tpu.memory_space<vmem>>
        %dma_start3A_678 = arith.constant 0 : i32
        %dma_start3A_679 = arith.constant 0 : i32
        %dma_start3A_680 = tpu.memref_slice %arg7[%dma_start3A_678, %dma_start3A_679] : memref<1638400x64xf32, #tpu.memory_space<hbm>> -> memref<1638400x64xf32, #tpu.memory_space<hbm>>
        %dma_start3A_681 = tpu.memref_slice %arg16[%dma_start3A_671] : memref<4x!tpu.dma_semaphore, #tpu.memory_space<semaphore_mem>> -> memref<1x!tpu.dma_semaphore, #tpu.memory_space<semaphore_mem>>
        %dma_start3A_682 = tpu.memref_squeeze %dma_start3A_681 : memref<1x!tpu.dma_semaphore, #tpu.memory_space<semaphore_mem>> -> memref<!tpu.dma_semaphore, #tpu.memory_space<semaphore_mem>>
        tpu.enqueue_indirect_dma source(%dma_start3A_674 : memref<128x64xf32, #tpu.memory_space<vmem>>) target(%dma_start3A_680 : memref<1638400x64xf32, #tpu.memory_space<hbm>>) offsets(%dma_start3A_677 : memref<128xi32, #tpu.memory_space<vmem>>) semaphore(%dma_start3A_682 : memref<!tpu.dma_semaphore, #tpu.memory_space<semaphore_mem>>)
      } else {
      }
      %ge3A_225 = arith.constant 2 : i32
      %ge3A_226 = arith.cmpi sge, %add3A_216, %ge3A_225 : i32
      %lt3A_227 = arith.constant 52 : i32
      %lt3A_228 = arith.cmpi slt, %add3A_216, %lt3A_227 : i32
      %and3A_229 = arith.andi %ge3A_226, %lt3A_228 : i1
      %convert_element_type3A_230 = arith.extui %and3A_229 : i1 to i32
      %cond3A_231 = arith.constant 0 : i32
      %cond3A_232 = arith.cmpi ne, %convert_element_type3A_230, %cond3A_231 : i32
      scf.if %cond3A_232 {
        %dma_wait3A_247 = arith.constant 1 : i32
        %dma_wait3A_248 = arith.constant 0 : i32
        %dma_wait3A_249 = arith.constant 0 : i32
        %dma_wait3A_250 = tpu.memref_slice %arg7[%dma_wait3A_248, %dma_wait3A_249] : memref<1638400x64xf32, #tpu.memory_space<hbm>> -> memref<256x64xf32, #tpu.memory_space<hbm>>
        %dma_wait3A_251 = tpu.memref_slice %arg16[%dma_wait3A_247] : memref<4x!tpu.dma_semaphore, #tpu.memory_space<semaphore_mem>> -> memref<1x!tpu.dma_semaphore, #tpu.memory_space<semaphore_mem>>
        %dma_wait3A_252 = tpu.memref_squeeze %dma_wait3A_251 : memref<1x!tpu.dma_semaphore, #tpu.memory_space<semaphore_mem>> -> memref<!tpu.dma_semaphore, #tpu.memory_space<semaphore_mem>>
        %dma_wait3A_253 = arith.constant 0 : i32
        %dma_wait3A_254 = arith.constant 0 : i32
        %dma_wait3A_255 = tpu.memref_slice %arg7[%dma_wait3A_253, %dma_wait3A_254] : memref<1638400x64xf32, #tpu.memory_space<hbm>> -> memref<256x64xf32, #tpu.memory_space<hbm>>
        tpu.wait_dma2 semaphore(%dma_wait3A_252 : memref<!tpu.dma_semaphore, #tpu.memory_space<semaphore_mem>>) src(%dma_wait3A_255 : memref<256x64xf32, #tpu.memory_space<hbm>>) dst(%arg13 : memref<256x64xf32, #tpu.memory_space<vmem>>)
        %sub3A = arith.constant 2 : i32
        %sub3A_256 = arith.subi %add3A_216, %sub3A : i32
        %mul3A_257 = arith.constant 2 : i32
        %mul3A_258 = arith.muli %sub3A_256, %mul3A_257 : i32
        %add3A_259 = arith.constant 0 : i32
        %add3A_260 = arith.addi %mul3A_258, %add3A_259 : i32
        %dma_start3A = arith.constant 1 : i32
        %dma_start3A_261 = arith.constant 0 : i32
        %dma_start3A_262 = arith.constant 0 : i32
        %dma_start3A_263 = tpu.memref_slice %arg13[%dma_start3A_261, %dma_start3A_262] : memref<256x64xf32, #tpu.memory_space<vmem>> -> memref<128x64xf32, #tpu.memory_space<vmem>>
        %dma_start3A_264 = arith.constant 0 : i32
        %dma_start3A_265 = tpu.memref_slice %arg10[%add3A_260, %dma_start3A_264] : memref<100x128xi32, #tpu.memory_space<vmem>> -> memref<1x128xi32, #tpu.memory_space<vmem>>
        %dma_start3A_266 = tpu.memref_squeeze %dma_start3A_265 : memref<1x128xi32, #tpu.memory_space<vmem>> -> memref<128xi32, #tpu.memory_space<vmem>>
        %dma_start3A_267 = arith.constant 0 : i32
        %dma_start3A_268 = arith.constant 0 : i32
        %dma_start3A_269 = tpu.memref_slice %arg6[%dma_start3A_267, %dma_start3A_268] : memref<600x64xf32, #tpu.memory_space<hbm>> -> memref<600x64xf32, #tpu.memory_space<hbm>>
        %dma_start3A_270 = tpu.memref_slice %arg16[%dma_start3A] : memref<4x!tpu.dma_semaphore, #tpu.memory_space<semaphore_mem>> -> memref<1x!tpu.dma_semaphore, #tpu.memory_space<semaphore_mem>>
        %dma_start3A_271 = tpu.memref_squeeze %dma_start3A_270 : memref<1x!tpu.dma_semaphore, #tpu.memory_space<semaphore_mem>> -> memref<!tpu.dma_semaphore, #tpu.memory_space<semaphore_mem>>
        tpu.enqueue_indirect_dma source(%dma_start3A_269 : memref<600x64xf32, #tpu.memory_space<hbm>>) target(%dma_start3A_263 : memref<128x64xf32, #tpu.memory_space<vmem>>) offsets(%dma_start3A_266 : memref<128xi32, #tpu.memory_space<vmem>>) semaphore(%dma_start3A_271 : memref<!tpu.dma_semaphore, #tpu.memory_space<semaphore_mem>>) {add = true}
        %sub3A_272 = arith.constant 2 : i32
        %sub3A_273 = arith.subi %add3A_216, %sub3A_272 : i32
        %mul3A_274 = arith.constant 2 : i32
        %mul3A_275 = arith.muli %sub3A_273, %mul3A_274 : i32
        %add3A_276 = arith.constant 1 : i32
        %add3A_277 = arith.addi %mul3A_275, %add3A_276 : i32
        %dma_start3A_278 = arith.constant 1 : i32
        %dma_start3A_279 = arith.constant 128 : i32
        %dma_start3A_280 = arith.constant 0 : i32
        %dma_start3A_281 = tpu.memref_slice %arg13[%dma_start3A_279, %dma_start3A_280] : memref<256x64xf32, #tpu.memory_space<vmem>> -> memref<128x64xf32, #tpu.memory_space<vmem>>
        %dma_start3A_282 = arith.constant 0 : i32
        %dma_start3A_283 = tpu.memref_slice %arg10[%add3A_277, %dma_start3A_282] : memref<100x128xi32, #tpu.memory_space<vmem>> -> memref<1x128xi32, #tpu.memory_space<vmem>>
        %dma_start3A_284 = tpu.memref_squeeze %dma_start3A_283 : memref<1x128xi32, #tpu.memory_space<vmem>> -> memref<128xi32, #tpu.memory_space<vmem>>
        %dma_start3A_285 = arith.constant 0 : i32
        %dma_start3A_286 = arith.constant 0 : i32
        %dma_start3A_287 = tpu.memref_slice %arg6[%dma_start3A_285, %dma_start3A_286] : memref<600x64xf32, #tpu.memory_space<hbm>> -> memref<600x64xf32, #tpu.memory_space<hbm>>
        %dma_start3A_288 = tpu.memref_slice %arg16[%dma_start3A_278] : memref<4x!tpu.dma_semaphore, #tpu.memory_space<semaphore_mem>> -> memref<1x!tpu.dma_semaphore, #tpu.memory_space<semaphore_mem>>
        %dma_start3A_289 = tpu.memref_squeeze %dma_start3A_288 : memref<1x!tpu.dma_semaphore, #tpu.memory_space<semaphore_mem>> -> memref<!tpu.dma_semaphore, #tpu.memory_space<semaphore_mem>>
        tpu.enqueue_indirect_dma source(%dma_start3A_287 : memref<600x64xf32, #tpu.memory_space<hbm>>) target(%dma_start3A_281 : memref<128x64xf32, #tpu.memory_space<vmem>>) offsets(%dma_start3A_284 : memref<128xi32, #tpu.memory_space<vmem>>) semaphore(%dma_start3A_289 : memref<!tpu.dma_semaphore, #tpu.memory_space<semaphore_mem>>) {add = true}
      } else {
      }
      %ge3A_233 = arith.constant 1 : i32
      %ge3A_234 = arith.cmpi sge, %add3A_216, %ge3A_233 : i32
      %lt3A_235 = arith.constant 51 : i32
      %lt3A_236 = arith.cmpi slt, %add3A_216, %lt3A_235 : i32
      %and3A_237 = arith.andi %ge3A_234, %lt3A_236 : i1
      %convert_element_type3A_238 = arith.extui %and3A_237 : i1 to i32
      %cond3A_239 = arith.constant 0 : i32
      %cond3A_240 = arith.cmpi ne, %convert_element_type3A_238, %cond3A_239 : i32
      scf.if %cond3A_240 {
        %dma_wait3A_247 = arith.constant 2 : i32
        %dma_wait3A_248 = arith.constant 0 : i32
        %dma_wait3A_249 = arith.constant 0 : i32
        %dma_wait3A_250 = tpu.memref_slice %arg7[%dma_wait3A_248, %dma_wait3A_249] : memref<1638400x64xf32, #tpu.memory_space<hbm>> -> memref<256x64xf32, #tpu.memory_space<hbm>>
        %dma_wait3A_251 = tpu.memref_slice %arg16[%dma_wait3A_247] : memref<4x!tpu.dma_semaphore, #tpu.memory_space<semaphore_mem>> -> memref<1x!tpu.dma_semaphore, #tpu.memory_space<semaphore_mem>>
        %dma_wait3A_252 = tpu.memref_squeeze %dma_wait3A_251 : memref<1x!tpu.dma_semaphore, #tpu.memory_space<semaphore_mem>> -> memref<!tpu.dma_semaphore, #tpu.memory_space<semaphore_mem>>
        %dma_wait3A_253 = arith.constant 0 : i32
        %dma_wait3A_254 = arith.constant 0 : i32
        %dma_wait3A_255 = tpu.memref_slice %arg7[%dma_wait3A_253, %dma_wait3A_254] : memref<1638400x64xf32, #tpu.memory_space<hbm>> -> memref<256x64xf32, #tpu.memory_space<hbm>>
        tpu.wait_dma2 semaphore(%dma_wait3A_252 : memref<!tpu.dma_semaphore, #tpu.memory_space<semaphore_mem>>) src(%dma_wait3A_255 : memref<256x64xf32, #tpu.memory_space<hbm>>) dst(%arg14 : memref<256x64xf32, #tpu.memory_space<vmem>>)
        %sub3A = arith.constant 1 : i32
        %sub3A_256 = arith.subi %add3A_216, %sub3A : i32
        %mul3A_257 = arith.constant 2 : i32
        %mul3A_258 = arith.muli %sub3A_256, %mul3A_257 : i32
        %add3A_259 = arith.constant 0 : i32
        %add3A_260 = arith.addi %mul3A_258, %add3A_259 : i32
        %dma_start3A = arith.constant 2 : i32
        %dma_start3A_261 = arith.constant 0 : i32
        %dma_start3A_262 = arith.constant 0 : i32
        %dma_start3A_263 = tpu.memref_slice %arg14[%dma_start3A_261, %dma_start3A_262] : memref<256x64xf32, #tpu.memory_space<vmem>> -> memref<128x64xf32, #tpu.memory_space<vmem>>
        %dma_start3A_264 = arith.constant 0 : i32
        %dma_start3A_265 = tpu.memref_slice %arg9[%add3A_260, %dma_start3A_264] : memref<100x128xi32, #tpu.memory_space<vmem>> -> memref<1x128xi32, #tpu.memory_space<vmem>>
        %dma_start3A_266 = tpu.memref_squeeze %dma_start3A_265 : memref<1x128xi32, #tpu.memory_space<vmem>> -> memref<128xi32, #tpu.memory_space<vmem>>
        %dma_start3A_267 = arith.constant 0 : i32
        %dma_start3A_268 = arith.constant 0 : i32
        %dma_start3A_269 = tpu.memref_slice %arg6[%dma_start3A_267, %dma_start3A_268] : memref<600x64xf32, #tpu.memory_space<hbm>> -> memref<600x64xf32, #tpu.memory_space<hbm>>
        %dma_start3A_270 = tpu.memref_slice %arg16[%dma_start3A] : memref<4x!tpu.dma_semaphore, #tpu.memory_space<semaphore_mem>> -> memref<1x!tpu.dma_semaphore, #tpu.memory_space<semaphore_mem>>
        %dma_start3A_271 = tpu.memref_squeeze %dma_start3A_270 : memref<1x!tpu.dma_semaphore, #tpu.memory_space<semaphore_mem>> -> memref<!tpu.dma_semaphore, #tpu.memory_space<semaphore_mem>>
        tpu.enqueue_indirect_dma source(%dma_start3A_269 : memref<600x64xf32, #tpu.memory_space<hbm>>) target(%dma_start3A_263 : memref<128x64xf32, #tpu.memory_space<vmem>>) offsets(%dma_start3A_266 : memref<128xi32, #tpu.memory_space<vmem>>) semaphore(%dma_start3A_271 : memref<!tpu.dma_semaphore, #tpu.memory_space<semaphore_mem>>) {add = true}
        %sub3A_272 = arith.constant 1 : i32
        %sub3A_273 = arith.subi %add3A_216, %sub3A_272 : i32
        %mul3A_274 = arith.constant 2 : i32
        %mul3A_275 = arith.muli %sub3A_273, %mul3A_274 : i32
        %add3A_276 = arith.constant 1 : i32
        %add3A_277 = arith.addi %mul3A_275, %add3A_276 : i32
        %dma_start3A_278 = arith.constant 2 : i32
        %dma_start3A_279 = arith.constant 128 : i32
        %dma_start3A_280 = arith.constant 0 : i32
        %dma_start3A_281 = tpu.memref_slice %arg14[%dma_start3A_279, %dma_start3A_280] : memref<256x64xf32, #tpu.memory_space<vmem>> -> memref<128x64xf32, #tpu.memory_space<vmem>>
        %dma_start3A_282 = arith.constant 0 : i32
        %dma_start3A_283 = tpu.memref_slice %arg9[%add3A_277, %dma_start3A_282] : memref<100x128xi32, #tpu.memory_space<vmem>> -> memref<1x128xi32, #tpu.memory_space<vmem>>
        %dma_start3A_284 = tpu.memref_squeeze %dma_start3A_283 : memref<1x128xi32, #tpu.memory_space<vmem>> -> memref<128xi32, #tpu.memory_space<vmem>>
        %dma_start3A_285 = arith.constant 0 : i32
        %dma_start3A_286 = arith.constant 0 : i32
        %dma_start3A_287 = tpu.memref_slice %arg6[%dma_start3A_285, %dma_start3A_286] : memref<600x64xf32, #tpu.memory_space<hbm>> -> memref<600x64xf32, #tpu.memory_space<hbm>>
        %dma_start3A_288 = tpu.memref_slice %arg16[%dma_start3A_278] : memref<4x!tpu.dma_semaphore, #tpu.memory_space<semaphore_mem>> -> memref<1x!tpu.dma_semaphore, #tpu.memory_space<semaphore_mem>>
        %dma_start3A_289 = tpu.memref_squeeze %dma_start3A_288 : memref<1x!tpu.dma_semaphore, #tpu.memory_space<semaphore_mem>> -> memref<!tpu.dma_semaphore, #tpu.memory_space<semaphore_mem>>
        tpu.enqueue_indirect_dma source(%dma_start3A_287 : memref<600x64xf32, #tpu.memory_space<hbm>>) target(%dma_start3A_281 : memref<128x64xf32, #tpu.memory_space<vmem>>) offsets(%dma_start3A_284 : memref<128xi32, #tpu.memory_space<vmem>>) semaphore(%dma_start3A_289 : memref<!tpu.dma_semaphore, #tpu.memory_space<semaphore_mem>>) {add = true}
      } else {
      }
      %lt3A_241 = arith.constant 50 : i32
      %lt3A_242 = arith.cmpi slt, %add3A_216, %lt3A_241 : i32
      %convert_element_type3A_243 = arith.extui %lt3A_242 : i1 to i32
      %cond3A_244 = arith.constant 0 : i32
      %cond3A_245 = arith.cmpi ne, %convert_element_type3A_243, %cond3A_244 : i32
      scf.if %cond3A_245 {
        %ge3A_247 = arith.constant 4 : i32
        %ge3A_248 = arith.cmpi sge, %add3A_216, %ge3A_247 : i32
        %convert_element_type3A_249 = arith.extui %ge3A_248 : i1 to i32
        %cond3A_250 = arith.constant 0 : i32
        %cond3A_251 = arith.cmpi ne, %convert_element_type3A_249, %cond3A_250 : i32
        scf.if %cond3A_251 {
          %dma_wait3A_283 = arith.constant 3 : i32
          %dma_wait3A_284 = arith.constant 0 : i32
          %dma_wait3A_285 = arith.constant 0 : i32
          %dma_wait3A_286 = tpu.memref_slice %arg7[%dma_wait3A_284, %dma_wait3A_285] : memref<1638400x64xf32, #tpu.memory_space<hbm>> -> memref<256x64xf32, #tpu.memory_space<hbm>>
          %dma_wait3A_287 = tpu.memref_slice %arg16[%dma_wait3A_283] : memref<4x!tpu.dma_semaphore, #tpu.memory_space<semaphore_mem>> -> memref<1x!tpu.dma_semaphore, #tpu.memory_space<semaphore_mem>>
          %dma_wait3A_288 = tpu.memref_squeeze %dma_wait3A_287 : memref<1x!tpu.dma_semaphore, #tpu.memory_space<semaphore_mem>> -> memref<!tpu.dma_semaphore, #tpu.memory_space<semaphore_mem>>
          %dma_wait3A_289 = arith.constant 0 : i32
          %dma_wait3A_290 = arith.constant 0 : i32
          %dma_wait3A_291 = tpu.memref_slice %arg7[%dma_wait3A_289, %dma_wait3A_290] : memref<1638400x64xf32, #tpu.memory_space<hbm>> -> memref<256x64xf32, #tpu.memory_space<hbm>>
          tpu.wait_dma2 semaphore(%dma_wait3A_288 : memref<!tpu.dma_semaphore, #tpu.memory_space<semaphore_mem>>) src(%dma_wait3A_291 : memref<256x64xf32, #tpu.memory_space<hbm>>) dst(%arg15 : memref<256x64xf32, #tpu.memory_space<vmem>>)
        } else {
        }
        %mul3A_252 = arith.constant 2 : i32
        %mul3A_253 = arith.muli %add3A_216, %mul3A_252 : i32
        %add3A_254 = arith.constant 0 : i32
        %add3A_255 = arith.addi %mul3A_253, %add3A_254 : i32
        %dma_start3A = arith.constant 3 : i32
        %dma_start3A_256 = arith.constant 0 : i32
        %dma_start3A_257 = arith.constant 0 : i32
        %dma_start3A_258 = tpu.memref_slice %arg15[%dma_start3A_256, %dma_start3A_257] : memref<256x64xf32, #tpu.memory_space<vmem>> -> memref<128x64xf32, #tpu.memory_space<vmem>>
        %dma_start3A_259 = arith.constant 0 : i32
        %dma_start3A_260 = tpu.memref_slice %arg8[%add3A_255, %dma_start3A_259] : memref<100x128xi32, #tpu.memory_space<vmem>> -> memref<1x128xi32, #tpu.memory_space<vmem>>
        %dma_start3A_261 = tpu.memref_squeeze %dma_start3A_260 : memref<1x128xi32, #tpu.memory_space<vmem>> -> memref<128xi32, #tpu.memory_space<vmem>>
        %dma_start3A_262 = arith.constant 0 : i32
        %dma_start3A_263 = arith.constant 0 : i32
        %dma_start3A_264 = tpu.memref_slice %arg5[%dma_start3A_262, %dma_start3A_263] : memref<100000x64xf32, #tpu.memory_space<hbm>> -> memref<100000x64xf32, #tpu.memory_space<hbm>>
        %dma_start3A_265 = tpu.memref_slice %arg16[%dma_start3A] : memref<4x!tpu.dma_semaphore, #tpu.memory_space<semaphore_mem>> -> memref<1x!tpu.dma_semaphore, #tpu.memory_space<semaphore_mem>>
        %dma_start3A_266 = tpu.memref_squeeze %dma_start3A_265 : memref<1x!tpu.dma_semaphore, #tpu.memory_space<semaphore_mem>> -> memref<!tpu.dma_semaphore, #tpu.memory_space<semaphore_mem>>
        tpu.enqueue_indirect_dma source(%dma_start3A_264 : memref<100000x64xf32, #tpu.memory_space<hbm>>) target(%dma_start3A_258 : memref<128x64xf32, #tpu.memory_space<vmem>>) offsets(%dma_start3A_261 : memref<128xi32, #tpu.memory_space<vmem>>) semaphore(%dma_start3A_266 : memref<!tpu.dma_semaphore, #tpu.memory_space<semaphore_mem>>)
        %mul3A_267 = arith.constant 2 : i32
        %mul3A_268 = arith.muli %add3A_216, %mul3A_267 : i32
        %add3A_269 = arith.constant 1 : i32
        %add3A_270 = arith.addi %mul3A_268, %add3A_269 : i32
        %dma_start3A_271 = arith.constant 3 : i32
        %dma_start3A_272 = arith.constant 128 : i32
        %dma_start3A_273 = arith.constant 0 : i32
        %dma_start3A_274 = tpu.memref_slice %arg15[%dma_start3A_272, %dma_start3A_273] : memref<256x64xf32, #tpu.memory_space<vmem>> -> memref<128x64xf32, #tpu.memory_space<vmem>>
        %dma_start3A_275 = arith.constant 0 : i32
        %dma_start3A_276 = tpu.memref_slice %arg8[%add3A_270, %dma_start3A_275] : memref<100x128xi32, #tpu.memory_space<vmem>> -> memref<1x128xi32, #tpu.memory_space<vmem>>
        %dma_start3A_277 = tpu.memref_squeeze %dma_start3A_276 : memref<1x128xi32, #tpu.memory_space<vmem>> -> memref<128xi32, #tpu.memory_space<vmem>>
        %dma_start3A_278 = arith.constant 0 : i32
        %dma_start3A_279 = arith.constant 0 : i32
        %dma_start3A_280 = tpu.memref_slice %arg5[%dma_start3A_278, %dma_start3A_279] : memref<100000x64xf32, #tpu.memory_space<hbm>> -> memref<100000x64xf32, #tpu.memory_space<hbm>>
        %dma_start3A_281 = tpu.memref_slice %arg16[%dma_start3A_271] : memref<4x!tpu.dma_semaphore, #tpu.memory_space<semaphore_mem>> -> memref<1x!tpu.dma_semaphore, #tpu.memory_space<semaphore_mem>>
        %dma_start3A_282 = tpu.memref_squeeze %dma_start3A_281 : memref<1x!tpu.dma_semaphore, #tpu.memory_space<semaphore_mem>> -> memref<!tpu.dma_semaphore, #tpu.memory_space<semaphore_mem>>
        tpu.enqueue_indirect_dma source(%dma_start3A_280 : memref<100000x64xf32, #tpu.memory_space<hbm>>) target(%dma_start3A_274 : memref<128x64xf32, #tpu.memory_space<vmem>>) offsets(%dma_start3A_277 : memref<128xi32, #tpu.memory_space<vmem>>) semaphore(%dma_start3A_282 : memref<!tpu.dma_semaphore, #tpu.memory_space<semaphore_mem>>)
      } else {
      }
      %scan3A_246 = arith.constant 0 : i32
      scf.yield %scan3A_246 : i32
    }
    %scan3A_80 = arith.constant 14 : i32
    %dma_wait3A_81 = arith.constant 0 : i32
    %dma_wait3A_82 = arith.constant 0 : i32
    %dma_wait3A_83 = arith.constant 0 : i32
    %dma_wait3A_84 = tpu.memref_slice %arg7[%dma_wait3A_82, %dma_wait3A_83] : memref<1638400x64xf32, #tpu.memory_space<hbm>> -> memref<256x64xf32, #tpu.memory_space<hbm>>
    %dma_wait3A_85 = tpu.memref_slice %arg16[%dma_wait3A_81] : memref<4x!tpu.dma_semaphore, #tpu.memory_space<semaphore_mem>> -> memref<1x!tpu.dma_semaphore, #tpu.memory_space<semaphore_mem>>
    %dma_wait3A_86 = tpu.memref_squeeze %dma_wait3A_85 : memref<1x!tpu.dma_semaphore, #tpu.memory_space<semaphore_mem>> -> memref<!tpu.dma_semaphore, #tpu.memory_space<semaphore_mem>>
    %dma_wait3A_87 = arith.constant 0 : i32
    %dma_wait3A_88 = arith.constant 0 : i32
    %dma_wait3A_89 = tpu.memref_slice %arg7[%dma_wait3A_87, %dma_wait3A_88] : memref<1638400x64xf32, #tpu.memory_space<hbm>> -> memref<256x64xf32, #tpu.memory_space<hbm>>
    tpu.wait_dma2 semaphore(%dma_wait3A_86 : memref<!tpu.dma_semaphore, #tpu.memory_space<semaphore_mem>>) src(%dma_wait3A_89 : memref<256x64xf32, #tpu.memory_space<hbm>>) dst(%arg12 : memref<256x64xf32, #tpu.memory_space<vmem>>)
    %dma_wait3A_90 = arith.constant 1 : i32
    %dma_wait3A_91 = arith.constant 0 : i32
    %dma_wait3A_92 = arith.constant 0 : i32
    %dma_wait3A_93 = tpu.memref_slice %arg7[%dma_wait3A_91, %dma_wait3A_92] : memref<1638400x64xf32, #tpu.memory_space<hbm>> -> memref<256x64xf32, #tpu.memory_space<hbm>>
    %dma_wait3A_94 = tpu.memref_slice %arg16[%dma_wait3A_90] : memref<4x!tpu.dma_semaphore, #tpu.memory_space<semaphore_mem>> -> memref<1x!tpu.dma_semaphore, #tpu.memory_space<semaphore_mem>>
    %dma_wait3A_95 = tpu.memref_squeeze %dma_wait3A_94 : memref<1x!tpu.dma_semaphore, #tpu.memory_space<semaphore_mem>> -> memref<!tpu.dma_semaphore, #tpu.memory_space<semaphore_mem>>
    %dma_wait3A_96 = arith.constant 0 : i32
    %dma_wait3A_97 = arith.constant 0 : i32
    %dma_wait3A_98 = tpu.memref_slice %arg7[%dma_wait3A_96, %dma_wait3A_97] : memref<1638400x64xf32, #tpu.memory_space<hbm>> -> memref<256x64xf32, #tpu.memory_space<hbm>>
    tpu.wait_dma2 semaphore(%dma_wait3A_95 : memref<!tpu.dma_semaphore, #tpu.memory_space<semaphore_mem>>) src(%dma_wait3A_98 : memref<256x64xf32, #tpu.memory_space<hbm>>) dst(%arg13 : memref<256x64xf32, #tpu.memory_space<vmem>>)
    %dma_wait3A_99 = arith.constant 2 : i32
    %dma_wait3A_100 = arith.constant 0 : i32
    %dma_wait3A_101 = arith.constant 0 : i32
    %dma_wait3A_102 = tpu.memref_slice %arg7[%dma_wait3A_100, %dma_wait3A_101] : memref<1638400x64xf32, #tpu.memory_space<hbm>> -> memref<256x64xf32, #tpu.memory_space<hbm>>
    %dma_wait3A_103 = tpu.memref_slice %arg16[%dma_wait3A_99] : memref<4x!tpu.dma_semaphore, #tpu.memory_space<semaphore_mem>> -> memref<1x!tpu.dma_semaphore, #tpu.memory_space<semaphore_mem>>
    %dma_wait3A_104 = tpu.memref_squeeze %dma_wait3A_103 : memref<1x!tpu.dma_semaphore, #tpu.memory_space<semaphore_mem>> -> memref<!tpu.dma_semaphore, #tpu.memory_space<semaphore_mem>>
    %dma_wait3A_105 = arith.constant 0 : i32
    %dma_wait3A_106 = arith.constant 0 : i32
    %dma_wait3A_107 = tpu.memref_slice %arg7[%dma_wait3A_105, %dma_wait3A_106] : memref<1638400x64xf32, #tpu.memory_space<hbm>> -> memref<256x64xf32, #tpu.memory_space<hbm>>
    tpu.wait_dma2 semaphore(%dma_wait3A_104 : memref<!tpu.dma_semaphore, #tpu.memory_space<semaphore_mem>>) src(%dma_wait3A_107 : memref<256x64xf32, #tpu.memory_space<hbm>>) dst(%arg14 : memref<256x64xf32, #tpu.memory_space<vmem>>)
    %dma_wait3A_108 = arith.constant 3 : i32
    %dma_wait3A_109 = arith.constant 0 : i32
    %dma_wait3A_110 = arith.constant 0 : i32
    %dma_wait3A_111 = tpu.memref_slice %arg7[%dma_wait3A_109, %dma_wait3A_110] : memref<1638400x64xf32, #tpu.memory_space<hbm>> -> memref<256x64xf32, #tpu.memory_space<hbm>>
    %dma_wait3A_112 = tpu.memref_slice %arg16[%dma_wait3A_108] : memref<4x!tpu.dma_semaphore, #tpu.memory_space<semaphore_mem>> -> memref<1x!tpu.dma_semaphore, #tpu.memory_space<semaphore_mem>>
    %dma_wait3A_113 = tpu.memref_squeeze %dma_wait3A_112 : memref<1x!tpu.dma_semaphore, #tpu.memory_space<semaphore_mem>> -> memref<!tpu.dma_semaphore, #tpu.memory_space<semaphore_mem>>
    %dma_wait3A_114 = arith.constant 0 : i32
    %dma_wait3A_115 = arith.constant 0 : i32
    %dma_wait3A_116 = tpu.memref_slice %arg7[%dma_wait3A_114, %dma_wait3A_115] : memref<1638400x64xf32, #tpu.memory_space<hbm>> -> memref<256x64xf32, #tpu.memory_space<hbm>>
    tpu.wait_dma2 semaphore(%dma_wait3A_113 : memref<!tpu.dma_semaphore, #tpu.memory_space<semaphore_mem>>) src(%dma_wait3A_116 : memref<256x64xf32, #tpu.memory_space<hbm>>) dst(%arg15 : memref<256x64xf32, #tpu.memory_space<vmem>>)
    return
  }
}

</mosaic_0001>

<sc_bundles>
// kernel: _run.3.cloned.1.call-start
scs
__scs_entry_jumppad:
0x0: {  	(pc) =	sbr.rel $0x88, $3  }
0x1: {  	(tag) =	ssettag $0x0;
	lr =	simm.s32 $0x1  }
0x2: {  	[smem:$0x3F9C] =	sst lr;
	_ =	strace $0xD0000000  }
0x3: {  	_ = 	snop  }
0x4: {  	_ = 	snop  }
0x5: {  	_ = 	snop  }
0x6: {  	_ = 	snop  }
0x7: {  	_ = 	snop  }
__scs_overlays_trampoline_lowered:
0x8: {  	[smem:$0x3FAB] =	sst s0  }
0x9: {  	[smem:$0x3FAC] =	sst s1  }
0xa: {  	[smem:$0x3FAD] =	sst s2  }
0xb: {  	[smem:$0x3FAE] =	sst s3  }
0xc: {  	[smem:$0x3FAF] =	sst s4  }
0xd: {  	[smem:$0x3FB0] =	sst s5  }
0xe: {  	[smem:$0x3FB1] =	sst s6  }
0xf: {  	[smem:$0x3FB2] =	sst s7  }
0x10: {  	[smem:$0x3FB3] =	sst s8  }
0x11: {  	[smem:$0x3FB4] =	sst s9;
	s0 =	simm.s32 @!p0 $0x0  }
0x12: {  	s1 =	sld [smem:$0x3F9A];
	s0 =	simm.s32 @p0 $0x1  }
0x13: {  	[smem:$0x3FB5] =	sst s0;
	s0 =	simm.s32 @!p1 $0x0  }
0x14: {  	s2 =	sld [smem:$0x3F99];
	s0 =	simm.s32 @p1 $0x1  }
0x15: {  	[smem:$0x3FB6] =	sst s0;
	s0 =	simm.s32 @!p2 $0x0  }
0x16: {  	s3 =	sld [smem:$0x3FDB];
	s0 =	simm.s32 @p2 $0x1  }
0x17: {  	s4 =	simm.s32 $0x1BF5;
	[smem:$0x3FB8] =	sst s0  }
0x18: {  	s0 =	sld [smem:$0x3F9B];
	_ =	swait.ge [sflag:s4], $0x0  }
0x19: {  	s7 =	sld [smem:$0x3F9C]  }
0x1a: {  	s8 =	sadd.s32 $0xFFFFE003, lr  }
0x1b: {  	s9 =	sadd.s32 $0xFFFFFEF7, lr;
	s5 =	simm.s32 $0xFFFFFFFF;
	p2 =	slt.u32 s8, $0xFFFFF086  }
0x1c: {  	p1 =	slt.u32 s9, $0xF7A;
	s5 =	simm.s32 @!p2 $0x0  }
0x1d: {  	s5 =	simm.s32 @p1 $0x1;
	p0 =	seq.s32 s7, s2  }
0x1e: {  	s7 =	smul.u32 @!p0 $0xF7A, s2;
	p2 =	seq.s32 @!p0 s5, $0x0  }
0x1f: {  	s9 =	smul.u32 $0xF7A, s1;
	s8 =	simm.s32 @!p0 $0x1BF5;
	p2 =	por !p2, p0  }
0x20: {  	[sflag:s8] =	ssyncset.s32 @!p0 $0xFFFFF086;
	s6 =	sadd.s32 @!p0 s3, s7;
	s7 =	simm.s32 @!p0 $0x108  }
0x21: {  	s3 =	sadd.s32 s3, s9;
	s6 =	sadd.s32 @!p0 $0x88, s6;
	s7 =	simm.s32 @p2 $0x1082  }
0x22: {  	[simem:s7], [sflag:s8] =	dma.local @!p0 [hbm:s6], $0xF7A  }
0x23: {  	s9 =	sor.u32 $0xD0000000, s2;
	s6 =	simm.s32 $0x108;
	_ =	swait.ge @!p0 [sflag:s8], $0x0  }
0x24: {  	s3 =	sadd.s32 $0x88, s3;
	s6 =	simm.s32 @!p1 $0x1082;
	[sflag:s4] =	ssyncset.s32 $0xFFFFF086  }
0x25: {  	[simem:s6], [sflag:s4] =	dma.local [hbm:s3], $0xF7A  }
0x26: {  	[smem:$0x3F9C] =	sst s1;
	(tag) =	ssettag s2;
	_ =	strace s9  }
0x27: {  	s1 =	sld [smem:$0x3FAC]  }
0x28: {  	s2 =	sld [smem:$0x3FAD]  }
0x29: {  	s4 =	sld [smem:$0x3FAF]  }
0x2a: {  	p0 =	seq.s32 s5, $0x0;
	s5 =	sld [smem:$0x3FB0]  }
0x2b: {  	s6 =	sld [smem:$0x3FB1]  }
0x2c: {  	s7 =	sld [smem:$0x3FB2]  }
0x2d: {  	s3 =	simm.s32 $0x108;
	s8 =	sld [smem:$0x3FB3]  }
0x2e: {  	s3 =	simm.s32 @!p0 $0x1082;
	s9 =	sld [smem:$0x3FB4]  }
0x2f: {  	lr =	sadd.s32 s0, s3;
	s0 =	sld [smem:$0x3FAB]  }
0x30: {  	s3 =	sld [smem:$0x3FAE]  }
0x31: {  	[smem:$0x3FB7] =	sst s10  }
0x32: {  	s10 =	sld [smem:$0x3FB5];
	_ =	sdelay $0x3  }
0x33: {  	p0 =	seq.s32 s10, $0x1;
	s10 =	sld [smem:$0x3FB7];
	_ =	sdelay $0x3  }
0x34: {  	[smem:$0x3FB7] =	sst s10  }
0x35: {  	s10 =	sld [smem:$0x3FB6];
	_ =	sdelay $0x3  }
0x36: {  	p1 =	seq.s32 s10, $0x1;
	s10 =	sld [smem:$0x3FB7];
	_ =	sdelay $0x3  }
0x37: {  	[smem:$0x3FB7] =	sst s10  }
0x38: {  	s10 =	sld [smem:$0x3FB8]  }
0x39: {  	_ = 	snop;
	(pc) =	sbr.ind lr, $3  }
0x3a: {  	_ = 	snop  }
0x3b: {  	_ = 	snop  }
0x3c: {  	p2 =	seq.s32 s10, $0x1;
	s10 =	sld [smem:$0x3FB7]  }
0x3d: {  	_ =	shalt  }
0x3e: {  	_ =	shalt  }
0x3f: {  	_ =	shalt  }
0x40: {  	_ =	shalt  }
0x41: {  	_ =	shalt  }
0x42: {  	_ =	shalt  }
0x43: {  	_ =	shalt  }
0x44: {  	_ =	shalt  }
0x45: {  	_ =	shalt  }
0x46: {  	_ =	shalt  }
0x47: {  	_ =	shalt  }
0x48: {  	_ =	shalt  }
0x49: {  	_ =	shalt  }
0x4a: {  	_ =	shalt  }
0x4b: {  	_ =	shalt  }
0x4c: {  	_ =	shalt  }
0x4d: {  	_ =	shalt  }
0x4e: {  	_ =	shalt  }
0x4f: {  	_ =	shalt  }
0x50: {  	_ =	shalt  }
0x51: {  	_ =	shalt  }
0x52: {  	_ =	shalt  }
0x53: {  	_ =	shalt  }
0x54: {  	_ =	shalt  }
0x55: {  	_ =	shalt  }
0x56: {  	_ =	shalt  }
0x57: {  	_ =	shalt  }
0x58: {  	_ =	shalt  }
0x59: {  	_ =	shalt  }
0x5a: {  	_ =	shalt  }
0x5b: {  	_ =	shalt  }
0x5c: {  	_ =	shalt  }
0x5d: {  	_ =	shalt  }
0x5e: {  	_ =	shalt  }
0x5f: {  	_ =	shalt  }
0x60: {  	_ =	shalt  }
0x61: {  	_ =	shalt  }
0x62: {  	_ =	shalt  }
0x63: {  	_ =	shalt  }
0x64: {  	_ =	shalt  }
0x65: {  	_ =	shalt  }
0x66: {  	_ =	shalt  }
0x67: {  	_ =	shalt  }
0x68: {  	_ =	shalt  }
0x69: {  	_ =	shalt  }
0x6a: {  	_ =	shalt  }
0x6b: {  	_ =	shalt  }
0x6c: {  	_ =	shalt  }
0x6d: {  	_ =	shalt  }
0x6e: {  	_ =	shalt  }
0x6f: {  	_ =	shalt  }
0x70: {  	_ =	shalt  }
0x71: {  	_ =	shalt  }
0x72: {  	_ =	shalt  }
0x73: {  	_ =	shalt  }
0x74: {  	_ =	shalt  }
0x75: {  	_ =	shalt  }
0x76: {  	_ =	shalt  }
0x77: {  	_ =	shalt  }
0x78: {  	_ =	shalt  }
0x79: {  	_ =	shalt  }
0x7a: {  	_ =	shalt  }
0x7b: {  	_ =	shalt  }
0x7c: {  	_ =	shalt  }
0x7d: {  	_ =	shalt  }
0x7e: {  	_ =	shalt  }
0x7f: {  	_ =	shalt  }
0x80: {  	_ =	shalt  }
0x81: {  	_ =	shalt  }
0x82: {  	_ =	shalt  }
0x83: {  	_ =	shalt  }
0x84: {  	_ =	shalt  }
0x85: {  	_ =	shalt  }
0x86: {  	_ =	shalt  }
0x87: {  	_ =	shalt  }
.Lfunc_end0:
.L_simem_size_0:
called_computation.1_lowered:
.L_overlay_start_0:
0x88: {  	s2 =	sld [smem:$0x3FD9]  }
0x89: {  	s3 =	sld [smem:$0x3FFE];
	_ =	sdelay $0x1  }
0x8a: {  	s1 =	srdreg.scid  }
0x8b: {  	s0 =	sand.u32 $0x1, s1  }
0x8c: {  	s17 =	sshll.u32 s0, $0xA;
	s2 =	sadd.s32 s3, s2  }
0x8d: {  	s2 =	sadd.s32 s2, s17  }
0x8e: {  	[smem:$0x3FC3] =	sst s2  }
0x8f: {  	_ = 	snop  }
0x90: {  	s2 =	sld [smem:$0x3FC9]  }
0x91: {  	s18 =	sld [smem:$0x3FC8]  }
0x92: {  	s4 =	sld [smem:$0x3FC7]  }
0x93: {  	s5 =	sld [smem:$0x3FD0];
	(tm) =	ssettm $0x1  }
0x94: {  	s6 =	sld [smem:$0x3FFB];
	_ =	sdelay $0x3  }
0x95: {  	_ =	strace s6  }
0x96: {  	s6 =	sld [smem:$0x3FFC];
	_ =	sdelay $0x3  }
0x97: {  	_ =	strace s6  }
0x98: {  	s6 =	sld [smem:$0x3FFD];
	_ =	sdelay $0x3  }
0x99: {  	_ =	strace s6  }
0x9a: {  	_ =	strace $0x8FFFFFFF  }
0x9b: {  	s19 =	sld [smem:$0x3FDB];
	_ =	sdelay $0x1  }
0x9c: {  	s7 =	simm.s32 $_scs_section_size  }
0x9d: {  	s8 =	simm.s32 $_size__tile_overlayer_lowered;
	s9 =	simm.s32 $_tile_overlayer_lowered  }
0x9e: {  	s22 =	simm.s32 $0x1BFF;
	s21 =	sshll.u32 s9, $0x1;
	s6 =	sadd.s32 s7, s19  }
0x9f: {  	s10 =	simm.s32 $0x0;
	s20 =	sshll.u32 s8, $0x1;
	s8 =	sadd.s32 s21, s6  }
0xa0: {  	[timem:s10], [sflag:s22] =	dma.local [hbm:s8], s20  }
0xa1: {  	_ =	swait.ge [sflag:s22], s20  }
0xa2: {  	s7 =	ssub.s32 $0x0, s20;
	[sflag:s22] =	ssyncset.done $0x0  }
0xa3: {  	[sflag:s22] =	ssyncadd.s32 s7;
	_ =	sdelay $0x1  }
0xa4: {  	s23 =	simm.s32 $0x1B8B  }
0xa5: {  	_ =	swait.ge [sflag:s23], $0x1  }
0xa6: {  	[sflag:s23] =	ssyncset.done $0x0  }
0xa7: {  	s25 =	simm.s32 $0x1B8E;
	s24 =	sld [smem:$0x3FFE];
	[sflag:s23] =	ssyncadd.s32 $0xFFFFFFFF  }
0xa8: {  	s26 =	simm.s32 $execute0_lowered;
	[smem:$0x3FD2] =	sst s25  }
0xa9: {  	s8 =	sshll.u32 s26, $0x1;
	_ =	strace $0x80000046;
	[dreg:$0x1] =	wrdreg $0xFFFFFFFF  }
0xaa: {  	s28 =	simm.s32 $_size_execute0_lowered;
	s6 =	sadd.s32 s6, s8;
	[dreg:$0x0] =	wrdreg $0x0  }
0xab: {  	s8 =	sshll.u32 s28, $0x1;
	[dreg:$0x2] =	wrdreg s6  }
0xac: {  	[dreg:$0x3] =	wrdreg s8  }
0xad: {  	[dreg:$0x4] =	wrdreg $0xC0  }
0xae: {  	_ =	task [dreg:s10], $0x5FFFF  }
0xaf: {  	[dreg:$0x1] =	wrdreg $0xFFFFFFFF  }
0xb0: {  	[dreg:$0x0] =	wrdreg $0x60  }
0xb1: {  	[dreg:$0x2] =	wrdreg s2  }
0xb2: {  	[dreg:$0x3] =	wrdreg s18  }
0xb3: {  	[dreg:$0x4] =	wrdreg s4  }
0xb4: {  	[dreg:$0x5] =	wrdreg s24  }
0xb5: {  	[dreg:$0x6] =	wrdreg s5  }
0xb6: {  	[dreg:$0x7] =	wrdreg $0x9  }
0xb7: {  	_ =	task.clear_ibuf [dreg:s10], $0x8FFFF;
	_ =	strace $0x90000046  }
0xb8: {  	s29 =	simm.s32 $0x9;
	_ =	strace $0x80000048  }
0xb9: {  	_ =	swait.ge [sflag:s29], $0x1  }
0xba: {  	[sflag:s29] =	ssyncadd.s32 $0xFFFFFFFF  }
0xbb: {  	_ =	strace $0x90000048  }
0xbc: {  	_ =	sfence  }
0xbd: {  	s30 =	sld [smem:$0x0];
	_ =	sdelay $0x2  }
0xbe: {  	s31 =	sshll.u32 s1, $0xD;
	s1 =	sshrl.u32 s1, $0x2  }
0xbf: {  	s3 =	sand.u32 $0x4000, s31;
	s1 =	sadd.s32 s1, s30  }
0xc0: {  	s0 =	sor.u32 s3, s0;
	s1 =	sshll.u32 s1, $0x11  }
0xc1: {  	s0 =	sor.u32 s1, s0  }
0xc2: {  	s0 =	sadd.s32 $0x8F2B, s0  }
0xc3: {  	[sflag:s0] =	ssyncadd.remote.s32 $0x1  }
0xc4: {  	_ =	sfence.sel $0xFFFF  }
0xc5: {  	[dreg:$0x0] =	wrdreg $0xFFFFFFFF;
	(pc) =	sbr.abs _section_cstart, $3  }
0xc6: {  	[dreg:$0x1] =	wrdreg $0xFFFFFFFF  }
0xc7: {  	_ =	task.clear_ibuf [dreg:s10], $0x2FFFF;
	_ =	strace $0x9FFFFFFF  }
0xc8: {  	(tm) =	ssettm $0x7FFFFFFF  }
0xc9: {  	_ =	shalt  }
tec
execute0_lowered:
.L_overlay_start_1:
0x0: {  	(tag) =	ssettag $0x1  }
0x1: {  	s0 =	rddreg [dreg:$0x0]  }
0x2: {  	s1 =	rddreg [dreg:$0x1]  }
0x3: {  	s3 =	rddreg [dreg:$0x2]  }
0x4: {  	s5 =	rddreg [dreg:$0x3]  }
0x5: {  	s2 =	rddreg [dreg:$0x4]  }
0x6: {  	s6 =	simm.s32 $0x0;
	s4 =	srdreg.scid;
	s11 =	stileid.u32  }
0x7: {  	s17 =	simm.s32 $0x2;
	s18 =	simm.s32 $0x80;
	s28 =	simm.s32 $0x11A00  }
0x8: {  	s29 =	simm.s32 $0x9880;
	s30 =	simm.s32 $0x13A00;
	s31 =	simm.s32 $0x4  }
0x9: {  	s15 =	simm.s32 $0x9980;
	s16 =	simm.s32 $0x17A00;
	[smem:$0x7FF] =	sst s6  }
0xa: {  	s20 =	sand.u32 $0x1, s4;
	s7 =	sshll.u32 s11, $0x1;
	s4 =	sadd.s32 $0x1C00, s5  }
0xb: {  	s5 =	sadd.s32 $0x800, s5;
	s22 =	smul.u32 $0xC800, s11;
	_ =	strace $0x80000047  }
0xc: {  	s7 =	sor.u32 s20, s7;
	s8 =	ssub.s32 $0x2, s20;
	s6 =	smul.u32 $0x6400, s20  }
0xd: {  	s9 =	smul.u32 $0xC80, s7;
	s7 =	sshllo.u32 s7, $0x1;
	s10 =	sshrl.u32 s8, $0x1  }
0xe: {  	s20 =	simm.s32 $0xDA00;
	s7 =	smul.u32 $0x640, s7;
	s8 =	ssub.s32 s8, s10  }
0xf: {  	s13 =	sadd.s32 s6, s22;
	s22 =	simm.s32 $0xFA00;
	s21 =	sadd.s32 s0, s9  }
0x10: {  	s6 =	simm.s32 $0x1;
	s23 =	sadd.s32 s1, s9;
	[dreg:$0x6] =	wrdreg s21  }
0x11: {  	s9 =	sadd.s32 s3, s9;
	s26 =	smax.u32 s8, $0x1;
	[dreg:$0x7] =	wrdreg s23  }
.Ltmp0:
0x12: {  	[dreg:$0x8] =	wrdreg s9;
	s0 =	sadd.s32 s0, s7;
	(pc) =	sbr.rel .LBB2_1-.Ltmp0, $4  }
0x13: {  	s24 =	sadd.s32 s1, s7;
	s25 =	sadd.s32 s3, s7;
	[dreg:$0xc] =	wrdreg s26  }
0x14: {  	s23 =	simm.s32 $0x9A00;
	s26 =	simm.s32 $0x9800;
	[dreg:$0x9] =	wrdreg s0  }
0x15: {  	s1 =	simm.s32 $0x15A00;
	s3 =	simm.s32 $0x0;
	[dreg:$0xa] =	wrdreg s24  }
0x16: {  	v0 =	vlaneseq.u32;
	[dreg:$0xb] =	wrdreg s25;
	s24 =	simm.s32 $0xBA00;
	s25 =	simm.s32 $0x3  }
.LBB2_45:
0x17: {  	_ =	swait.ge [sflag:s6], $0x4000  }
0x18: {  	[sflag:s6] =	ssyncset.done $0x0  }
0x19: {  	[sflag:s6] =	ssyncadd.s32 $0xFFFFC000  }
0x1a: {  	_ =	swait.ge [sflag:s17], $0x4000  }
0x1b: {  	[sflag:s17] =	ssyncset.done $0x0  }
0x1c: {  	[sflag:s17] =	ssyncadd.s32 $0xFFFFC000  }
0x1d: {  	_ =	swait.ge [sflag:s25], $0x4000  }
0x1e: {  	[sflag:s25] =	ssyncset.done $0x0  }
0x1f: {  	[sflag:s25] =	ssyncadd.s32 $0xFFFFC000  }
0x20: {  	_ =	swait.ge [sflag:s31], $0x4000  }
0x21: {  	s3 =	rddreg [dreg:$0xd]  }
0x22: {  	s0 =	rddreg [dreg:$0xc];
	s3 =	sadd.s32 $0x1, s3  }
0x23: {  	p0 =	sne.s32 s3, s0  }
.Ltmp1:
0x24: {  	_ = 	snop;
	(pc) =	sbr.rel @!p0 .LBB2_46-.Ltmp1, $3  }
0x25: {  	_ =	sdelay $0x1  }
0x26: {  	[sflag:s31] =	ssyncset.done $0x0  }
0x27: {  	[sflag:s31] =	ssyncadd.s32 $0xFFFFC000  }
.LBB2_1:
0x28: {  	[dreg:$0xd] =	wrdreg s3  }
0x29: {  	s0 =	simm.s32 $0x0;
	s12 =	rddreg [dreg:$0x6];
	s7 =	simm.s32 $0x5  }
0x2a: {  	[tilespmem:s0], [sflag:$0x5] =	stream.linear.gather [hbm4b:s12+s0], $0x3200, $0x38;
	[tilespmem:$0x19A00] =	vst v63  }
0x2b: {  	_ =	swait.ge [sflag:s7], $0x3200  }
0x2c: {  	[sflag:s7] =	ssyncset.done $0x0  }
0x2d: {  	s8 =	simm.s32 $0x3200;
	s14 =	rddreg [dreg:$0x7];
	[sflag:s7] =	ssyncadd.s32 $0xFFFFCE00  }
0x2e: {  	[tilespmem:s8], [sflag:$0x5] =	stream.linear.gather [hbm4b:s14+s0], $0x3200, $0x38;
	[tilespmem:$0x19A00] =	vst v63  }
0x2f: {  	_ =	swait.ge [sflag:s7], $0x3200  }
0x30: {  	s21 =	simm.s32 $0x6400;
	[sflag:s7] =	ssyncset.done $0x0  }
.Ltmp2:
0x31: {  	s19 =	rddreg [dreg:$0x8];
	[sflag:s7] =	ssyncadd.s32 $0xFFFFCE00;
	(pc) =	sbr.rel .LBB2_2-.Ltmp2, $4  }
0x32: {  	[tilespmem:s21], [sflag:$0x5] =	stream.linear.gather [hbm4b:s19+s0], $0x3200, $0x38;
	[tilespmem:$0x19A00] =	vst v63  }
0x33: {  	_ =	swait.ge [sflag:s7], $0x3200  }
0x34: {  	s10 =	simm.s32 $0x3;
	s11 =	simm.s32 $0x0;
	[sflag:s7] =	ssyncset.done $0x0  }
0x35: {  	s3 =	simm.s32 $0x0;
	s12 =	simm.s32 $0x0;
	[sflag:s7] =	ssyncadd.s32 $0xFFFFCE00  }
.LBB2_17:
0x36: {  	s21 =	simm.s32 $0x32;
	s14 =	simm.s32 $0x33  }
.LBB2_21:
0x37: {  	v1 =	vor.u32 s9, v0;
	s0 =	sadd.s32 $0x10, s9  }
0x38: {  	v2 =	vmov s9;
	s8 =	sadd.s32 $0x20, s9;
	s7 =	sadd.s32 $0x30, s9;
	v1 =	vand.u32 $0xC0F, v1;
	v3 =	vor.u32 s0, v0  }
0x39: {  	v2 =	vshrl.u32 v2, $0xC;
	v4 =	vor.u32 s8, v0;
	v5 =	vor.u32 s7, v0  }
0x3a: {  	v6 =	vmov s7;
	v1 =	vmul.u32 $0xC8, v1;
	v3 =	vand.u32 $0xC1F, v3  }
0x3b: {  	s7 =	sadd.s32 $0x50, s9;
	v4 =	vand.u32 $0xC2F, v4;
	v5 =	vand.u32 $0xC3F, v5;
	v6 =	vshrl.u32 v6, $0xC  }
0x3c: {  	v7 =	vor.u32 s7, v0;
	v46 =	vmov s7;
	v3 =	vmul.u32 $0xC8, v3  }
0x3d: {  	s7 =	sadd.s32 $0x70, s9;
	v4 =	vmul.u32 $0xC8, v4;
	v43 =	vmul.u32 $0xC8, v5;
	v7 =	vand.u32 $0xC5F, v7  }
0x3e: {  	v48 =	vor.u32 s7, v0;
	v49 =	vmov s7;
	s7 =	sadd.s32 $0x90, s9;
	v1 =	vadd.s32 v2, v1  }
0x3f: {  	v2 =	vmov s0;
	v7 =	vmul.u32 $0xC8, v7;
	v11 =	vor.u32 s7, v0  }
0x40: {  	v12 =	vmov s7;
	s7 =	sadd.s32 $0xB0, s9;
	v1 =	vshll.u32 v1, $0x1;
	v2 =	vshrl.u32 v2, $0xC  }
0x41: {  	v11 =	vand.u32 $0xC9F, v11;
	v12 =	vshrl.u32 v12, $0xC;
	v54 =	vor.u32 s7, v0  }
0x42: {  	v2 =	vadd.s32 v2, v3;
	v3 =	vmov s8;
	s8 =	sadd.s32 $0x40, s9;
	v51 =	vmul.u32 $0xC8, v11  }
0x43: {  	_ =	swait.ge [sflag:s6], $0x4000;
	v2 =	vshll.u32 v2, $0x1;
	v3 =	vshrl.u32 v3, $0xC;
	v44 =	vor.u32 s8, v0  }
0x44: {  	[sflag:s6] =	ssyncset.done $0x0;
	v45 =	vmov s8;
	s8 =	sadd.s32 $0x60, s9;
	v3 =	vadd.s32 v3, v4;
	v5 =	vand.u32 $0xC4F, v44  }
0x45: {  	[sflag:s6] =	ssyncadd.s32 $0xFFFFC000;
	v4 =	vadd.s32 v6, v43;
	v6 =	vshrl.u32 v45, $0xC;
	v8 =	vor.u32 s8, v0  }
0x46: {  	[tilespmem:$0x9600] =	vst v1;
	v9 =	vmov s8;
	v1 =	vadd.s32 v12, v51;
	v3 =	vshll.u32 v3, $0x1  }
0x47: {  	s8 =	sadd.s32 $0x80, s9;
	v5 =	vmul.u32 $0xC8, v5;
	v4 =	vshll.u32 v4, $0x1;
	v8 =	vand.u32 $0xC6F, v8  }
0x48: {  	v9 =	vshrl.u32 v9, $0xC;
	v10 =	vor.u32 s8, v0;
	v50 =	vmov s8  }
0x49: {  	s8 =	sadd.s32 $0xA0, s9;
	v1 =	vshll.u32 v1, $0x1;
	v47 =	vmul.u32 $0xC8, v8;
	v8 =	vand.u32 $0xC7F, v48  }
0x4a: {  	v10 =	vand.u32 $0xC8F, v10;
	v52 =	vor.u32 s8, v0;
	v53 =	vmov s8  }
0x4b: {  	[tilespmem:$0x9620] =	vst v3;
	v3 =	vmov s7;
	v5 =	vadd.s32 v6, v5;
	v6 =	vshrl.u32 v46, $0xC  }
0x4c: {  	s8 =	sadd.s32 $0xC0, s9;
	v8 =	vmul.u32 $0xC8, v8;
	v10 =	vmul.u32 $0xC8, v10;
	v11 =	vand.u32 $0xCAF, v52  }
0x4d: {  	[tilespmem:$0x9610] =	vst v2;
	s7 =	sadd.s32 $0xD0, s9;
	v2 =	vshrl.u32 v53, $0xC;
	v56 =	vor.u32 s8, v0;
	v3 =	vshrl.u32 v3, $0xC  }
0x4e: {  	v57 =	vmov s8;
	v59 =	vor.u32 s7, v0;
	v60 =	vmov s7  }
0x4f: {  	s8 =	sadd.s32 $0xE0, s9;
	v5 =	vshll.u32 v5, $0x1;
	v6 =	vadd.s32 v6, v7;
	v7 =	vadd.s32 v9, v47  }
0x50: {  	s7 =	sadd.s32 $0xF0, s9;
	v9 =	vshrl.u32 v49, $0xC;
	v11 =	vmul.u32 $0xC8, v11;
	v61 =	vor.u32 s8, v0  }
0x51: {  	v63 =	vor.u32 s7, v0;
	v6 =	vshll.u32 v6, $0x1;
	v7 =	vshll.u32 v7, $0x1  }
0x52: {  	v8 =	vadd.s32 v9, v8;
	v9 =	vshrl.u32 v50, $0xC;
	[tilespmem:$0x9640] =	vst v5;
	v5 =	vshrl.u32 v57, $0xC  }
0x53: {  	[tilespmem:$0x9630] =	vst v4;
	v62 =	vand.u32 $0xCEF, v61;
	v8 =	vshll.u32 v8, $0x1;
	v9 =	vadd.s32 v9, v10  }
0x54: {  	v2 =	vadd.s32 v2, v11;
	v10 =	vand.u32 $0xCBF, v54;
	[tilespmem:$0x9650] =	vst v6;
	v6 =	vand.u32 $0xCDF, v59  }
0x55: {  	[tilespmem:$0x9690] =	vst v1;
	v2 =	vshll.u32 v2, $0x1;
	v55 =	vmul.u32 $0xC8, v10;
	v10 =	vand.u32 $0xCCF, v56  }
0x56: {  	v9 =	vshll.u32 v9, $0x1;
	v58 =	vmul.u32 $0xC8, v10;
	[tilespmem:$0x96A0] =	vst v2;
	v2 =	vmov s8  }
0x57: {  	[tilespmem:$0x9660] =	vst v7;
	v6 =	vmul.u32 $0xC8, v6;
	v3 =	vadd.s32 v3, v55;
	v2 =	vshrl.u32 v2, $0xC  }
0x58: {  	[tilespmem:$0x9670] =	vst v8;
	v3 =	vshll.u32 v3, $0x1;
	v4 =	vadd.s32 v5, v58;
	v5 =	vshrl.u32 v60, $0xC  }
0x59: {  	[tilespmem:$0x9680] =	vst v9;
	v1 =	vadd.s32 v5, v6;
	v5 =	vmul.u32 $0xC8, v62;
	v6 =	vand.u32 $0xCFF, v63  }
0x5a: {  	v4 =	vshll.u32 v4, $0x1;
	[tilespmem:$0x96B0] =	vst v3;
	v3 =	vmov s7;
	v6 =	vmul.u32 $0xC8, v6  }
0x5b: {  	[tilespmem:$0x96C0] =	vst v4;
	v1 =	vshll.u32 v1, $0x1;
	v3 =	vshrl.u32 v3, $0xC;
	v2 =	vadd.s32 v2, v5  }
0x5c: {  	[tilespmem:$0x96D0] =	vst v1;
	v1 =	vadd.s32 v3, v6;
	v2 =	vshll.u32 v2, $0x1  }
0x5d: {  	[tilespmem:$0x96E0] =	vst v2;
	v1 =	vshll.u32 v1, $0x1  }
0x5e: {  	s7 =	simm.s32 $0x9600;
	[tilespmem:$0x96F0] =	vst v1  }
0x5f: {  	[hbm4b:s2+s18] =	stream.indirect.scatter [tilespmem:s23], [sflag:$0x1], $0x40, s7, s18, $0xb8;
	[tilespmem:$0x19A00] =	vst v63  }
0x60: {  	s8 =	simm.s32 $0x9680  }
0x61: {  	[hbm4b:s2+s18] =	stream.indirect.scatter [tilespmem:s24], [sflag:$0x1], $0x40, s8, s18, $0xb8;
	[tilespmem:$0x19A00] =	vst v63  }
0x62: {  	_ =	swait.ge [sflag:s17], $0x4000  }
0x63: {  	[sflag:s17] =	ssyncset.done $0x0  }
0x64: {  	p0 =	sgt.u32 s14, $0x32;
	s9 =	sadd.s32 $0x6500, s19;
	[sflag:s17] =	ssyncadd.s32 $0xFFFFC000  }
0x65: {  	[tilespmem:s20], [sflag:$0x2] =	stream.indirect.gather.add.f32 [hbm:s5], $0x40, s9, s18, $0xb8;
	[tilespmem:$0x19A00] =	vst v63  }
0x66: {  	s0 =	simm.s32 @!p0 $0x3;
	s19 =	sadd.s32 $0x6580, s19  }
0x67: {  	[tilespmem:s22], [sflag:$0x2] =	stream.indirect.gather.add.f32 [hbm:s5], $0x40, s19, s18, $0xb8;
	[tilespmem:$0x19A00] =	vst v63  }
0x68: {  	_ =	swait.ge @!p0 [sflag:s0], $0x4000  }
0x69: {  	s7 =	sshll.u32 @!p0 s21, $0x8;
	[sflag:s0] =	ssyncset.done @!p0 $0x0  }
0x6a: {  	p1 =	seq.s32 @!p0 s12, $0x0;
	[sflag:s0] =	ssyncadd.s32 @!p0 $0xFFFFC000;
	s0 =	sand.u32 @!p0 $0x3FFFFF00, s7  }
0x6b: {  	s8 =	simm.s32 @!p0 $0x80;
	s9 =	simm.s32 @!p0 $0x11A00;
	s7 =	sadd.s32 @!p0 $0x3200, s0  }
0x6c: {  	[tilespmem:s9], [sflag:$0x3] =	stream.indirect.gather.add.f32 @!p0 [hbm:s5], $0x40, s7, s8, $0xb8;
	[tilespmem:$0x19A00] =	vst v63  }
0x6d: {  	p1 =	por p1, p0;
	s0 =	sadd.s32 @!p0 $0x3280, s0;
	s7 =	simm.s32 @!p0 $0x13A00  }
0x6e: {  	[tilespmem:s7], [sflag:$0x3] =	stream.indirect.gather.add.f32 @!p0 [hbm:s5], $0x40, s0, s8, $0xb8;
	[tilespmem:$0x19A00] =	vst v63  }
0x6f: {  	s0 =	simm.s32 @!p1 $0x4  }
0x70: {  	_ =	swait.ge @!p1 [sflag:s0], $0x4000  }
0x71: {  	s7 =	sshll.u32 @!p0 s14, $0x8;
	[sflag:s0] =	ssyncset.done @!p1 $0x0  }
0x72: {  	[sflag:s0] =	ssyncadd.s32 @!p1 $0xFFFFC000;
	s0 =	sand.u32 @!p0 $0x3FFFFF00, s7;
	s7 =	simm.s32 @!p0 $0x15A00  }
0x73: {  	[tilespmem:s7], [sflag:$0x4] =	stream.indirect.gather @!p0 [hbm4b:s4+s8], $0x40, s0, s8, $0xb8;
	[tilespmem:$0x19A00] =	vst v63  }
0x74: {  	s0 =	sor.u32 @!p0 $0x80, s0;
	s7 =	simm.s32 @!p0 $0x17A00  }
0x75: {  	[tilespmem:s7], [sflag:$0x4] =	stream.indirect.gather @!p0 [hbm4b:s4+s8], $0x40, s0, s8, $0xb8;
	[tilespmem:$0x19A00] =	vst v63  }
.LBB2_22:
0x76: {  	s12 =	sadd.s32 $0x400, s12  }
0x77: {  	p0 =	sne.s32 s12, $0x3800  }
.Ltmp3:
0x78: {  	_ = 	snop;
	(pc) =	sbr.rel @!p0 .LBB2_23-.Ltmp3, $2  }
0x79: {  	_ =	sdelay $0x2  }
0x7a: {  	s3 =	sadd.s32 $0x1, s3;
	s11 =	sadd.s32 $0x1000, s11;
	s10 =	sadd.s32 $0x4, s10  }
.LBB2_2:
0x7b: {  	s9 =	sadd.s32 $0xFFFFFFF9, s10  }
0x7c: {  	p0 =	sgt.u32 s9, $0x31  }
.Ltmp4:
0x7d: {  	_ = 	snop;
	(pc) =	sbr.rel @p0 .LBB2_4-.Ltmp4, $2  }
0x7e: {  	_ =	sdelay $0x2  }
0x7f: {  	s9 =	sadd.s32 s12, s13  }
0x80: {  	s14 =	sadd.s32 $0xFFFFFD00, s9  }
0x81: {  	s19 =	sadd.s32 $0xFFFFFD10, s9;
	s0 =	sadd.s32 $0xFFFFFD20, s9;
	v1 =	vor.u32 s14, v0  }
0x82: {  	s7 =	sadd.s32 $0xFFFFFD30, s9;
	s8 =	sadd.s32 $0xFFFFFD40, s9;
	v2 =	vmov s14;
	v3 =	vor.u32 s19, v0;
	v4 =	vor.u32 s0, v0  }
0x83: {  	s21 =	sadd.s32 $0xFFFFFD60, s9;
	v5 =	vor.u32 s7, v0;
	v6 =	vmov s7;
	v40 =	vor.u32 s8, v0  }
0x84: {  	v41 =	vmov s8;
	v8 =	vor.u32 s21, v0;
	v9 =	vmov s21  }
0x85: {  	v1 =	vand.u32 $0xD0F, v1;
	v2 =	vshra.s32 v2, $0xC;
	v3 =	vand.u32 $0xFFF, v3  }
0x86: {  	s7 =	sadd.s32 $0xFFFFFD80, s9;
	v4 =	vand.u32 $0xFFF, v4;
	v5 =	vand.u32 $0xFFF, v5;
	v6 =	vshra.s32 v6, $0xC  }
0x87: {  	s8 =	sadd.s32 $0xFFFFFD90, s9;
	v8 =	vand.u32 $0xFFF, v8;
	v9 =	vshra.s32 v9, $0xC;
	v10 =	vor.u32 s7, v0  }
0x88: {  	s21 =	sadd.s32 $0xFFFFFDB0, s9;
	v46 =	vmov s7;
	v11 =	vor.u32 s8, v0;
	v12 =	vmov s8  }
0x89: {  	v50 =	vor.u32 s21, v0;
	v1 =	vmul.u32 $0xC8, v1;
	v3 =	vmul.u32 $0xC8, v3  }
0x8a: {  	v4 =	vmul.u32 $0xC8, v4;
	v39 =	vmul.u32 $0xC8, v5;
	v5 =	vand.u32 $0xFFF, v40  }
0x8b: {  	s7 =	sadd.s32 $0xFFFFFDD0, s9;
	v43 =	vmul.u32 $0xC8, v8;
	v10 =	vand.u32 $0xFFF, v10;
	v11 =	vand.u32 $0xFFF, v11  }
0x8c: {  	s8 =	sadd.s32 $0xFFFFFDE0, s9;
	v12 =	vshra.s32 v12, $0xC;
	v55 =	vor.u32 s7, v0;
	v56 =	vmov s7  }
0x8d: {  	v57 =	vmov s8;
	v58 =	vor.u32 s8, v0;
	v5 =	vmul.u32 $0xC8, v5  }
0x8e: {  	v10 =	vmul.u32 $0xC8, v10;
	v47 =	vmul.u32 $0xC8, v11;
	v59 =	vand.u32 $0xFFF, v58  }
0x8f: {  	_ =	swait.ge [sflag:s17], $0x4000;
	v1 =	vadd.s32 v2, v1;
	v2 =	vmov s19;
	s19 =	sadd.s32 $0xFFFFFD50, s9;
	v61 =	vmul.u32 $0xC8, v59  }
0x90: {  	[sflag:s17] =	ssyncset.done $0x0;
	v1 =	vshll.u32 v1, $0x1;
	v2 =	vshra.s32 v2, $0xC;
	v7 =	vor.u32 s19, v0  }
0x91: {  	[sflag:s17] =	ssyncadd.s32 $0xFFFFC000;
	v42 =	vmov s19;
	s19 =	sadd.s32 $0xFFFFFDA0, s9;
	v2 =	vadd.s32 v2, v3;
	v3 =	vmov s0  }
0x92: {  	v7 =	vand.u32 $0xFFF, v7;
	v48 =	vor.u32 s19, v0;
	[tilespmem:$0x9700] =	vst v1;
	v1 =	vadd.s32 v12, v47  }
0x93: {  	s0 =	sadd.s32 $0xFFFFFD70, s9;
	v49 =	vmov s19;
	v2 =	vshll.u32 v2, $0x1;
	v3 =	vshra.s32 v3, $0xC  }
0x94: {  	s19 =	sadd.s32 $0xFFFFFDF0, s9;
	v7 =	vmul.u32 $0xC8, v7;
	v44 =	vor.u32 s0, v0;
	v45 =	vmov s0  }
0x95: {  	v11 =	vand.u32 $0xFFF, v48;
	v1 =	vshll.u32 v1, $0x1;
	v60 =	vor.u32 s19, v0  }
0x96: {  	v63 =	vmov s19;
	v3 =	vadd.s32 v3, v4;
	v4 =	vadd.s32 v6, v39  }
0x97: {  	s0 =	sadd.s32 $0xFFFFFDC0, s9;
	v6 =	vshra.s32 v41, $0xC;
	v8 =	vand.u32 $0xFFF, v44;
	v11 =	vmul.u32 $0xC8, v11  }
0x98: {  	[tilespmem:$0x9710] =	vst v2;
	v2 =	vshra.s32 v49, $0xC;
	v52 =	vor.u32 s0, v0;
	v53 =	vmov s0  }
0x99: {  	v3 =	vshll.u32 v3, $0x1;
	v4 =	vshll.u32 v4, $0x1;
	v5 =	vadd.s32 v6, v5  }
0x9a: {  	v6 =	vshra.s32 v42, $0xC;
	v8 =	vmul.u32 $0xC8, v8;
	v5 =	vshll.u32 v5, $0x1  }
0x9b: {  	[tilespmem:$0x9790] =	vst v1;
	v6 =	vadd.s32 v6, v7;
	v7 =	vadd.s32 v9, v43;
	v9 =	vshra.s32 v45, $0xC  }
0x9c: {  	[tilespmem:$0x9720] =	vst v3;
	v2 =	vadd.s32 v2, v11;
	v3 =	vmov s21;
	v6 =	vshll.u32 v6, $0x1  }
0x9d: {  	[tilespmem:$0x9730] =	vst v4;
	v7 =	vshll.u32 v7, $0x1;
	v8 =	vadd.s32 v9, v8;
	v9 =	vshra.s32 v46, $0xC  }
0x9e: {  	v2 =	vshll.u32 v2, $0x1;
	[tilespmem:$0x9740] =	vst v5;
	v9 =	vadd.s32 v9, v10;
	v10 =	vand.u32 $0xFFF, v50  }
0x9f: {  	v3 =	vshra.s32 v3, $0xC;
	[tilespmem:$0x9750] =	vst v6;
	v51 =	vmul.u32 $0xC8, v10;
	v10 =	vand.u32 $0xFFF, v52  }
0xa0: {  	v5 =	vshra.s32 v53, $0xC;
	[tilespmem:$0x9760] =	vst v7;
	v6 =	vand.u32 $0xFFF, v55;
	v54 =	vmul.u32 $0xC8, v10  }
0xa1: {  	v8 =	vshll.u32 v8, $0x1;
	[tilespmem:$0x97A0] =	vst v2;
	v9 =	vshll.u32 v9, $0x1;
	v6 =	vmul.u32 $0xC8, v6  }
0xa2: {  	[tilespmem:$0x9770] =	vst v8;
	v3 =	vadd.s32 v3, v51;
	v4 =	vadd.s32 v5, v54;
	v5 =	vshra.s32 v56, $0xC  }
0xa3: {  	v62 =	vand.u32 $0xFFF, v60;
	[tilespmem:$0x9780] =	vst v9;
	v3 =	vshll.u32 v3, $0x1;
	v1 =	vadd.s32 v5, v6  }
0xa4: {  	v2 =	vshll.u32 v4, $0x1;
	[tilespmem:$0x97B0] =	vst v3;
	v3 =	vshra.s32 v57, $0xC;
	v5 =	vmul.u32 $0xC8, v62  }
0xa5: {  	[tilespmem:$0x97C0] =	vst v2;
	v2 =	vadd.s32 v3, v61;
	v1 =	vshll.u32 v1, $0x1;
	v3 =	vshra.s32 v63, $0xC  }
0xa6: {  	[tilespmem:$0x97D0] =	vst v1;
	v1 =	vadd.s32 v3, v5;
	v2 =	vshll.u32 v2, $0x1  }
0xa7: {  	[tilespmem:$0x97E0] =	vst v2;
	v1 =	vshll.u32 v1, $0x1  }
0xa8: {  	s0 =	simm.s32 $0x9700;
	[tilespmem:$0x97F0] =	vst v1  }
0xa9: {  	[hbm4b:s2+s18] =	stream.indirect.scatter [tilespmem:s20], [sflag:$0x2], $0x40, s0, s18, $0xb8;
	[tilespmem:$0x19A00] =	vst v63  }
0xaa: {  	s21 =	simm.s32 $0x9780  }
0xab: {  	[hbm4b:s2+s18] =	stream.indirect.scatter [tilespmem:s22], [sflag:$0x2], $0x40, s21, s18, $0xb8;
	[tilespmem:$0x19A00] =	vst v63  }
.LBB2_4:
0xac: {  	s14 =	sadd.s32 $0xFFFFFFFB, s10  }
0xad: {  	p0 =	sgt.u32 s14, $0x31  }
0xae: {  	s14 =	simm.s32 @!p0 $0x3  }
0xaf: {  	_ =	swait.ge @!p0 [sflag:s14], $0x4000  }
0xb0: {  	[sflag:s14] =	ssyncset.done @!p0 $0x0  }
0xb1: {  	[sflag:s14] =	ssyncadd.s32 @!p0 $0xFFFFC000;
	s14 =	sshra.s32 @!p0 s11, $0x2  }
0xb2: {  	s21 =	simm.s32 @!p0 $0x80;
	s7 =	simm.s32 @!p0 $0x11A00;
	s19 =	sadd.s32 @!p0 $0x6200, s14  }
0xb3: {  	[tilespmem:s7], [sflag:$0x3] =	stream.indirect.gather.add.f32 @!p0 [hbm:s5], $0x40, s19, s21, $0xb8;
	[tilespmem:$0x19A00] =	vst v63  }
0xb4: {  	s7 =	sadd.s32 @!p0 $0x6280, s14;
	s19 =	simm.s32 @!p0 $0x13A00  }
0xb5: {  	[tilespmem:s19], [sflag:$0x3] =	stream.indirect.gather.add.f32 @!p0 [hbm:s5], $0x40, s7, s21, $0xb8;
	[tilespmem:$0x19A00] =	vst v63  }
0xb6: {  	s7 =	simm.s32 @!p0 $0x4  }
0xb7: {  	_ =	swait.ge @!p0 [sflag:s7], $0x4000  }
0xb8: {  	[sflag:s7] =	ssyncset.done @!p0 $0x0  }
0xb9: {  	s19 =	simm.s32 @!p0 $0x15A00;
	[sflag:s7] =	ssyncadd.s32 @!p0 $0xFFFFC000;
	s7 =	sadd.s32 @!p0 $0x3100, s14  }
0xba: {  	[tilespmem:s19], [sflag:$0x4] =	stream.indirect.gather.add.f32 @!p0 [hbm:s5], $0x40, s7, s21, $0xb8;
	[tilespmem:$0x19A00] =	vst v63  }
0xbb: {  	s7 =	sadd.s32 @!p0 $0x3180, s14;
	s14 =	simm.s32 @!p0 $0x17A00  }
0xbc: {  	[tilespmem:s14], [sflag:$0x4] =	stream.indirect.gather.add.f32 @!p0 [hbm:s5], $0x40, s7, s21, $0xb8;
	[tilespmem:$0x19A00] =	vst v63  }
0xbd: {  	p0 =	seq.s32 s3, $0x0  }
.Ltmp5:
0xbe: {  	_ = 	snop;
	(pc) =	sbr.rel @p0 .LBB2_7-.Ltmp5, $1  }
0xbf: {  	_ =	sdelay $0x3  }
0xc0: {  	p1 =	seq.s32 s3, $0xD  }
.Ltmp6:
0xc1: {  	_ = 	snop;
	(pc) =	sbr.rel @p1 .LBB2_23-.Ltmp6, $1  }
0xc2: {  	_ =	sdelay $0x3  }
0xc3: {  	_ =	swait.ge [sflag:s6], $0x4000  }
0xc4: {  	[sflag:s6] =	ssyncset.done $0x0  }
0xc5: {  	[sflag:s6] =	ssyncadd.s32 $0xFFFFC000  }
.LBB2_7:
0xc6: {  	s14 =	sadd.s32 $0xFFFFFFFE, s10;
	p1 =	seq.s32 s12, $0x0  }
0xc7: {  	p2 =	sgt.u32 @!p1 s14, $0x34  }
0xc8: {  	p2 =	por p1, p2  }
.Ltmp7:
0xc9: {  	_ = 	snop;
	(pc) =	sbr.rel @p2 .LBB2_9-.Ltmp7, $4  }
0xca: {  	s19 =	sshra.s32 s11, $0x2  }
0xcb: {  	[tilespmem:s23], [sflag:$0x1] =	stream.indirect.gather [hbm4b:s4+s18], $0x40, s19, s18, $0xb8;
	[tilespmem:$0x19A00] =	vst v63  }
0xcc: {  	s7 =	sadd.s32 $0x80, s19  }
0xcd: {  	[tilespmem:s24], [sflag:$0x1] =	stream.indirect.gather [hbm4b:s4+s18], $0x40, s7, s18, $0xb8;
	[tilespmem:$0x19A00] =	vst v63  }
0xce: {  	s7 =	sadd.s32 $0xFFFFFE00, s9  }
0xcf: {  	s21 =	sadd.s32 $0xFFFFFE10, s9;
	s8 =	sadd.s32 $0xFFFFFE20, s9;
	v1 =	vor.u32 s7, v0  }
0xd0: {  	s0 =	sadd.s32 $0xFFFFFE40, s9;
	v2 =	vmov s7;
	v3 =	vor.u32 s21, v0;
	v4 =	vor.u32 s8, v0  }
0xd1: {  	v40 =	vor.u32 s0, v0;
	v41 =	vmov s0;
	v1 =	vand.u32 $0xE0F, v1  }
0xd2: {  	s0 =	sadd.s32 $0xFFFFFE70, s9;
	v2 =	vshra.s32 v2, $0xC;
	v3 =	vand.u32 $0xFFF, v3;
	v4 =	vand.u32 $0xFFF, v4  }
0xd3: {  	v44 =	vor.u32 s0, v0;
	v45 =	vmov s0;
	s0 =	sadd.s32 $0xFFFFFEA0, s9;
	v1 =	vmul.u32 $0xC8, v1  }
0xd4: {  	v3 =	vmul.u32 $0xC8, v3;
	v48 =	vor.u32 s0, v0;
	v49 =	vmov s0;
	s0 =	sadd.s32 $0xFFFFFED0, s9  }
0xd5: {  	v4 =	vmul.u32 $0xC8, v4;
	v55 =	vor.u32 s0, v0;
	v1 =	vadd.s32 v2, v1  }
0xd6: {  	v56 =	vmov s0;
	v2 =	vmov s21;
	s21 =	sadd.s32 $0xFFFFFE30, s9;
	v1 =	vshll.u32 v1, $0x1  }
0xd7: {  	v2 =	vshra.s32 v2, $0xC;
	v5 =	vor.u32 s21, v0;
	v6 =	vmov s21  }
0xd8: {  	s21 =	sadd.s32 $0xFFFFFE60, s9;
	v2 =	vadd.s32 v2, v3;
	v3 =	vmov s8;
	v5 =	vand.u32 $0xFFF, v5  }
0xd9: {  	v6 =	vshra.s32 v6, $0xC;
	v8 =	vor.u32 s21, v0;
	v9 =	vmov s21  }
0xda: {  	s8 =	sadd.s32 $0xFFFFFE50, s9;
	v2 =	vshll.u32 v2, $0x1;
	v3 =	vshra.s32 v3, $0xC;
	v39 =	vmul.u32 $0xC8, v5  }
0xdb: {  	s21 =	sadd.s32 $0xFFFFFE90, s9;
	v5 =	vand.u32 $0xFFF, v40;
	v7 =	vor.u32 s8, v0;
	v42 =	vmov s8  }
0xdc: {  	v8 =	vand.u32 $0xFFF, v8;
	v9 =	vshra.s32 v9, $0xC;
	v11 =	vor.u32 s21, v0  }
0xdd: {  	_ =	swait.ge [sflag:s25], $0x4000;
	v12 =	vmov s21;
	v3 =	vadd.s32 v3, v4;
	v5 =	vmul.u32 $0xC8, v5  }
0xde: {  	[sflag:s25] =	ssyncset.done $0x0;
	s8 =	sadd.s32 $0xFFFFFE80, s9;
	v7 =	vand.u32 $0xFFF, v7;
	v43 =	vmul.u32 $0xC8, v8;
	v8 =	vand.u32 $0xFFF, v44  }
0xdf: {  	[sflag:s25] =	ssyncadd.s32 $0xFFFFC000;
	s21 =	sadd.s32 $0xFFFFFEC0, s9;
	v10 =	vor.u32 s8, v0;
	v46 =	vmov s8;
	v11 =	vand.u32 $0xFFF, v11  }
0xe0: {  	v12 =	vshra.s32 v12, $0xC;
	[tilespmem:$0x9810] =	vst v2;
	v2 =	vshra.s32 v49, $0xC;
	v52 =	vor.u32 s21, v0  }
0xe1: {  	v53 =	vmov s21;
	v3 =	vshll.u32 v3, $0x1;
	v4 =	vadd.s32 v6, v39  }
0xe2: {  	v6 =	vshra.s32 v41, $0xC;
	v7 =	vmul.u32 $0xC8, v7;
	v8 =	vmul.u32 $0xC8, v8  }
0xe3: {  	s8 =	sadd.s32 $0xFFFFFEB0, s9;
	s21 =	sadd.s32 $0xFFFFFEF0, s9;
	v10 =	vand.u32 $0xFFF, v10;
	v47 =	vmul.u32 $0xC8, v11;
	v11 =	vand.u32 $0xFFF, v48  }
0xe4: {  	v50 =	vor.u32 s8, v0;
	v60 =	vor.u32 s21, v0;
	v63 =	vmov s21  }
0xe5: {  	v4 =	vshll.u32 v4, $0x1;
	v5 =	vadd.s32 v6, v5;
	v6 =	vshra.s32 v42, $0xC  }
0xe6: {  	v10 =	vmul.u32 $0xC8, v10;
	v11 =	vmul.u32 $0xC8, v11;
	[tilespmem:$0x9820] =	vst v3;
	v3 =	vmov s8  }
0xe7: {  	v62 =	vand.u32 $0xFFF, v60;
	v5 =	vshll.u32 v5, $0x1;
	v6 =	vadd.s32 v6, v7  }
0xe8: {  	[tilespmem:$0x9800] =	vst v1;
	s8 =	sadd.s32 $0xFFFFFEE0, s9;
	v7 =	vadd.s32 v9, v43;
	v9 =	vshra.s32 v45, $0xC;
	v1 =	vadd.s32 v12, v47  }
0xe9: {  	v3 =	vshra.s32 v3, $0xC;
	v57 =	vmov s8;
	v58 =	vor.u32 s8, v0  }
0xea: {  	[tilespmem:$0x9830] =	vst v4;
	v6 =	vshll.u32 v6, $0x1;
	v7 =	vshll.u32 v7, $0x1;
	v8 =	vadd.s32 v9, v8  }
0xeb: {  	v9 =	vshra.s32 v46, $0xC;
	v1 =	vshll.u32 v1, $0x1;
	v2 =	vadd.s32 v2, v11;
	[tilespmem:$0x9840] =	vst v5  }
0xec: {  	v5 =	vshra.s32 v53, $0xC;
	v9 =	vadd.s32 v9, v10;
	v10 =	vand.u32 $0xFFF, v50;
	[tilespmem:$0x9850] =	vst v6  }
0xed: {  	v59 =	vand.u32 $0xFFF, v58;
	[tilespmem:$0x9860] =	vst v7;
	v51 =	vmul.u32 $0xC8, v10;
	v10 =	vand.u32 $0xFFF, v52  }
0xee: {  	v8 =	vshll.u32 v8, $0x1;
	v6 =	vand.u32 $0xFFF, v55;
	[tilespmem:$0x9890] =	vst v1;
	v54 =	vmul.u32 $0xC8, v10  }
0xef: {  	v2 =	vshll.u32 v2, $0x1;
	v9 =	vshll.u32 v9, $0x1;
	[tilespmem:$0x9870] =	vst v8;
	v6 =	vmul.u32 $0xC8, v6  }
0xf0: {  	[tilespmem:$0x98A0] =	vst v2;
	v3 =	vadd.s32 v3, v51;
	v4 =	vadd.s32 v5, v54;
	v5 =	vshra.s32 v56, $0xC  }
0xf1: {  	v61 =	vmul.u32 $0xC8, v59;
	[tilespmem:$0x9880] =	vst v9;
	v3 =	vshll.u32 v3, $0x1;
	v1 =	vadd.s32 v5, v6  }
0xf2: {  	v2 =	vshll.u32 v4, $0x1;
	[tilespmem:$0x98B0] =	vst v3;
	v3 =	vshra.s32 v57, $0xC;
	v5 =	vmul.u32 $0xC8, v62  }
0xf3: {  	[tilespmem:$0x98C0] =	vst v2;
	v2 =	vadd.s32 v3, v61;
	v1 =	vshll.u32 v1, $0x1;
	v3 =	vshra.s32 v63, $0xC  }
0xf4: {  	[tilespmem:$0x98D0] =	vst v1;
	v1 =	vadd.s32 v3, v5;
	v2 =	vshll.u32 v2, $0x1  }
0xf5: {  	[tilespmem:$0x98E0] =	vst v2;
	v1 =	vshll.u32 v1, $0x1  }
0xf6: {  	[tilespmem:$0x98F0] =	vst v1  }
0xf7: {  	[hbm4b:s2+s18] =	stream.indirect.scatter [tilespmem:s28], [sflag:$0x3], $0x40, s26, s18, $0xb8;
	[tilespmem:$0x19A00] =	vst v63  }
0xf8: {  	_ = 	snop  }
0xf9: {  	[hbm4b:s2+s18] =	stream.indirect.scatter [tilespmem:s30], [sflag:$0x3], $0x40, s29, s18, $0xb8;
	[tilespmem:$0x19A00] =	vst v63  }
.LBB2_9:
0xfa: {  	p2 =	seq.s32 @!p0 s3, $0xD  }
0xfb: {  	p2 =	por p2, p0  }
0xfc: {  	s7 =	simm.s32 @!p2 $0x4  }
0xfd: {  	_ =	swait.ge @!p2 [sflag:s7], $0x4000  }
0xfe: {  	[sflag:s7] =	ssyncset.done @!p2 $0x0  }
0xff: {  	[sflag:s7] =	ssyncadd.s32 @!p2 $0xFFFFC000;
	s7 =	sshra.s32 @!p2 s11, $0x2  }
0x100: {  	s8 =	simm.s32 @!p2 $0x80;
	s0 =	simm.s32 @!p2 $0x15A00;
	s21 =	sadd.s32 @!p2 $0x6300, s7  }
0x101: {  	[tilespmem:s0], [sflag:$0x4] =	stream.indirect.gather.add.f32 @!p2 [hbm:s5], $0x40, s21, s8, $0xb8;
	[tilespmem:$0x19A00] =	vst v63  }
0x102: {  	s0 =	sadd.s32 @!p2 $0x6380, s7;
	s7 =	simm.s32 @!p2 $0x17A00  }
0x103: {  	[tilespmem:s7], [sflag:$0x4] =	stream.indirect.gather.add.f32 @!p2 [hbm:s5], $0x40, s0, s8, $0xb8;
	[tilespmem:$0x19A00] =	vst v63  }
0x104: {  	p2 =	sgt.u32 s14, $0x32  }
0x105: {  	s0 =	simm.s32 @!p2 $0x1  }
0x106: {  	_ =	swait.ge @!p2 [sflag:s0], $0x4000  }
0x107: {  	[sflag:s0] =	ssyncset.done @!p2 $0x0  }
.Ltmp8:
0x108: {  	[sflag:s0] =	ssyncadd.s32 @!p2 $0xFFFFC000;
	s0 =	sshra.s32 @!p2 s11, $0x2;
	(pc) =	sbr.rel @p0 .LBB2_12-.Ltmp8, $4  }
0x109: {  	s8 =	simm.s32 @!p2 $0x80;
	s14 =	simm.s32 @!p2 $0x9A00;
	s7 =	sadd.s32 @!p2 $0x3200, s0  }
0x10a: {  	[tilespmem:s14], [sflag:$0x1] =	stream.indirect.gather.add.f32 @!p2 [hbm:s5], $0x40, s7, s8, $0xb8;
	[tilespmem:$0x19A00] =	vst v63  }
0x10b: {  	s0 =	sadd.s32 @!p2 $0x3280, s0;
	s7 =	simm.s32 @!p2 $0xBA00  }
0x10c: {  	[tilespmem:s7], [sflag:$0x1] =	stream.indirect.gather.add.f32 @!p2 [hbm:s5], $0x40, s0, s8, $0xb8;
	[tilespmem:$0x19A00] =	vst v63  }
0x10d: {  	p2 =	seq.s32 s3, $0xD  }
.Ltmp9:
0x10e: {  	_ = 	snop;
	(pc) =	sbr.rel @p2 .LBB2_23-.Ltmp9, $1  }
0x10f: {  	_ =	sdelay $0x3  }
0x110: {  	_ =	swait.ge [sflag:s17], $0x4000  }
0x111: {  	[sflag:s17] =	ssyncset.done $0x0  }
0x112: {  	[sflag:s17] =	ssyncadd.s32 $0xFFFFC000  }
.LBB2_12:
0x113: {  	s0 =	sadd.s32 $0x100, s19  }
0x114: {  	[tilespmem:s20], [sflag:$0x2] =	stream.indirect.gather [hbm4b:s4+s18], $0x40, s0, s18, $0xb8;
	[tilespmem:$0x19A00] =	vst v63  }
0x115: {  	s21 =	sadd.s32 $0x180, s19  }
0x116: {  	[tilespmem:s22], [sflag:$0x2] =	stream.indirect.gather [hbm4b:s4+s18], $0x40, s21, s18, $0xb8;
	[tilespmem:$0x19A00] =	vst v63  }
0x117: {  	s21 =	sadd.s32 $0xFFFFFFFF, s10  }
0x118: {  	p2 =	sgt.u32 @!p1 s21, $0x34  }
0x119: {  	p1 =	por p1, p2  }
.Ltmp10:
0x11a: {  	_ = 	snop;
	(pc) =	sbr.rel @p1 .LBB2_14-.Ltmp10, $1  }
0x11b: {  	_ =	sdelay $0x3  }
0x11c: {  	s0 =	sadd.s32 $0xFFFFFF00, s9  }
0x11d: {  	s7 =	sadd.s32 $0xFFFFFF10, s9;
	s8 =	sadd.s32 $0xFFFFFF30, s9;
	v1 =	vor.u32 s0, v0  }
0x11e: {  	s14 =	sadd.s32 $0xFFFFFF40, s9;
	v2 =	vmov s0;
	v3 =	vor.u32 s7, v0;
	v5 =	vor.u32 s8, v0  }
0x11f: {  	v6 =	vmov s8;
	v40 =	vor.u32 s14, v0;
	v41 =	vmov s14  }
0x120: {  	s8 =	sadd.s32 $0xFFFFFF60, s9;
	v1 =	vand.u32 $0xF0F, v1;
	v2 =	vshra.s32 v2, $0xC;
	v3 =	vand.u32 $0xFFF, v3  }
0x121: {  	s14 =	sadd.s32 $0xFFFFFF70, s9;
	v5 =	vand.u32 $0xFFF, v5;
	v6 =	vshra.s32 v6, $0xC;
	v8 =	vor.u32 s8, v0  }
0x122: {  	v9 =	vmov s8;
	v44 =	vor.u32 s14, v0;
	v45 =	vmov s14  }
0x123: {  	v1 =	vmul.u32 $0xC8, v1;
	v3 =	vmul.u32 $0xC8, v3;
	v39 =	vmul.u32 $0xC8, v5  }
0x124: {  	s8 =	sadd.s32 $0xFFFFFF90, s9;
	s14 =	sadd.s32 $0xFFFFFFA0, s9;
	v5 =	vand.u32 $0xFFF, v40;
	v8 =	vand.u32 $0xFFF, v8;
	v9 =	vshra.s32 v9, $0xC  }
0x125: {  	v11 =	vor.u32 s8, v0;
	v12 =	vmov s8;
	v48 =	vor.u32 s14, v0  }
0x126: {  	v49 =	vmov s14;
	v5 =	vmul.u32 $0xC8, v5;
	v43 =	vmul.u32 $0xC8, v8  }
0x127: {  	s8 =	sadd.s32 $0xFFFFFFC0, s9;
	s14 =	sadd.s32 $0xFFFFFFD0, s9;
	v8 =	vand.u32 $0xFFF, v44;
	v11 =	vand.u32 $0xFFF, v11;
	v12 =	vshra.s32 v12, $0xC  }
0x128: {  	v52 =	vor.u32 s8, v0;
	v53 =	vmov s8;
	v55 =	vor.u32 s14, v0  }
0x129: {  	v56 =	vmov s14;
	v1 =	vadd.s32 v2, v1;
	v2 =	vmov s7  }
0x12a: {  	s8 =	sadd.s32 $0xFFFFFFF0, s9;
	v8 =	vmul.u32 $0xC8, v8;
	v47 =	vmul.u32 $0xC8, v11;
	v11 =	vand.u32 $0xFFF, v48  }
0x12b: {  	_ =	swait.ge [sflag:s31], $0x4000;
	s7 =	sadd.s32 $0xFFFFFF20, s9;
	v60 =	vor.u32 s8, v0;
	v63 =	vmov s8;
	v1 =	vshll.u32 v1, $0x1  }
0x12c: {  	[sflag:s31] =	ssyncset.done $0x0;
	v2 =	vshra.s32 v2, $0xC;
	v4 =	vor.u32 s7, v0;
	v11 =	vmul.u32 $0xC8, v11  }
0x12d: {  	[sflag:s31] =	ssyncadd.s32 $0xFFFFC000;
	v62 =	vand.u32 $0xFFF, v60;
	v2 =	vadd.s32 v2, v3;
	v3 =	vmov s7  }
0x12e: {  	v4 =	vand.u32 $0xFFF, v4;
	s7 =	sadd.s32 $0xFFFFFF50, s9;
	[tilespmem:$0x9900] =	vst v1;
	v1 =	vadd.s32 v12, v47;
	v2 =	vshll.u32 v2, $0x1  }
0x12f: {  	v4 =	vmul.u32 $0xC8, v4;
	v3 =	vshra.s32 v3, $0xC;
	v7 =	vor.u32 s7, v0  }
0x130: {  	v42 =	vmov s7;
	s7 =	sadd.s32 $0xFFFFFF80, s9;
	v1 =	vshll.u32 v1, $0x1;
	v7 =	vand.u32 $0xFFF, v7  }
0x131: {  	v10 =	vor.u32 s7, v0;
	v46 =	vmov s7;
	[tilespmem:$0x9910] =	vst v2;
	v2 =	vshra.s32 v49, $0xC  }
0x132: {  	s7 =	sadd.s32 $0xFFFFFFB0, s9;
	v3 =	vadd.s32 v3, v4;
	v4 =	vadd.s32 v6, v39;
	v6 =	vshra.s32 v41, $0xC  }
0x133: {  	v7 =	vmul.u32 $0xC8, v7;
	v10 =	vand.u32 $0xFFF, v10;
	v50 =	vor.u32 s7, v0  }
0x134: {  	v2 =	vadd.s32 v2, v11;
	v3 =	vshll.u32 v3, $0x1;
	v4 =	vshll.u32 v4, $0x1  }
0x135: {  	v5 =	vadd.s32 v6, v5;
	v6 =	vshra.s32 v42, $0xC;
	v10 =	vmul.u32 $0xC8, v10  }
0x136: {  	v2 =	vshll.u32 v2, $0x1;
	v5 =	vshll.u32 v5, $0x1;
	v6 =	vadd.s32 v6, v7  }
0x137: {  	v7 =	vadd.s32 v9, v43;
	v9 =	vshra.s32 v45, $0xC;
	[tilespmem:$0x9920] =	vst v3;
	v3 =	vmov s7  }
0x138: {  	[tilespmem:$0x9990] =	vst v1;
	v6 =	vshll.u32 v6, $0x1;
	v7 =	vshll.u32 v7, $0x1;
	v8 =	vadd.s32 v9, v8  }
0x139: {  	s7 =	sadd.s32 $0xFFFFFFE0, s9;
	v9 =	vshra.s32 v46, $0xC;
	[tilespmem:$0x9940] =	vst v5;
	v3 =	vshra.s32 v3, $0xC;
	v5 =	vshra.s32 v53, $0xC  }
0x13a: {  	[tilespmem:$0x9930] =	vst v4;
	v57 =	vmov s7;
	v9 =	vadd.s32 v9, v10;
	v10 =	vand.u32 $0xFFF, v50  }
0x13b: {  	[tilespmem:$0x99A0] =	vst v2;
	v58 =	vor.u32 s7, v0;
	v51 =	vmul.u32 $0xC8, v10;
	v10 =	vand.u32 $0xFFF, v52  }
0x13c: {  	v8 =	vshll.u32 v8, $0x1;
	[tilespmem:$0x9950] =	vst v6;
	v6 =	vand.u32 $0xFFF, v55;
	v54 =	vmul.u32 $0xC8, v10  }
0x13d: {  	[tilespmem:$0x9960] =	vst v7;
	v59 =	vand.u32 $0xFFF, v58;
	v9 =	vshll.u32 v9, $0x1;
	v6 =	vmul.u32 $0xC8, v6  }
0x13e: {  	[tilespmem:$0x9970] =	vst v8;
	v3 =	vadd.s32 v3, v51;
	v4 =	vadd.s32 v5, v54;
	v5 =	vshra.s32 v56, $0xC  }
0x13f: {  	v61 =	vmul.u32 $0xC8, v59;
	[tilespmem:$0x9980] =	vst v9;
	v3 =	vshll.u32 v3, $0x1;
	v1 =	vadd.s32 v5, v6  }
0x140: {  	v2 =	vshll.u32 v4, $0x1;
	[tilespmem:$0x99B0] =	vst v3;
	v3 =	vshra.s32 v57, $0xC;
	v5 =	vmul.u32 $0xC8, v62  }
0x141: {  	[tilespmem:$0x99C0] =	vst v2;
	v2 =	vadd.s32 v3, v61;
	v1 =	vshll.u32 v1, $0x1;
	v3 =	vshra.s32 v63, $0xC  }
0x142: {  	[tilespmem:$0x99D0] =	vst v1;
	v1 =	vadd.s32 v3, v5;
	v2 =	vshll.u32 v2, $0x1  }
0x143: {  	[tilespmem:$0x99E0] =	vst v2;
	v1 =	vshll.u32 v1, $0x1  }
0x144: {  	s14 =	simm.s32 $0x9900;
	[tilespmem:$0x99F0] =	vst v1  }
0x145: {  	[hbm4b:s2+s18] =	stream.indirect.scatter [tilespmem:s1], [sflag:$0x4], $0x40, s14, s18, $0xb8;
	[tilespmem:$0x19A00] =	vst v63  }
0x146: {  	_ = 	snop  }
0x147: {  	[hbm4b:s2+s18] =	stream.indirect.scatter [tilespmem:s16], [sflag:$0x4], $0x40, s15, s18, $0xb8;
	[tilespmem:$0x19A00] =	vst v63  }
.LBB2_14:
0x148: {  	p1 =	seq.s32 s12, $0x3400  }
0x149: {  	s0 =	simm.s32 @!p1 $0x1  }
0x14a: {  	_ =	swait.ge @!p1 [sflag:s0], $0x4000  }
0x14b: {  	[sflag:s0] =	ssyncset.done @!p1 $0x0  }
0x14c: {  	[sflag:s0] =	ssyncadd.s32 @!p1 $0xFFFFC000;
	s0 =	sshra.s32 @!p1 s11, $0x2  }
0x14d: {  	s8 =	simm.s32 @!p1 $0x80;
	s14 =	simm.s32 @!p1 $0x9A00;
	s7 =	sadd.s32 @!p1 $0x6400, s0  }
0x14e: {  	[tilespmem:s14], [sflag:$0x1] =	stream.indirect.gather.add.f32 @!p1 [hbm:s5], $0x40, s7, s8, $0xb8;
	[tilespmem:$0x19A00] =	vst v63  }
0x14f: {  	s0 =	sadd.s32 @!p1 $0x6480, s0;
	s7 =	simm.s32 @!p1 $0xBA00  }
0x150: {  	[tilespmem:s7], [sflag:$0x1] =	stream.indirect.gather.add.f32 @!p1 [hbm:s5], $0x40, s0, s8, $0xb8;
	[tilespmem:$0x19A00] =	vst v63  }
0x151: {  	p1 =	sgt.u32 s21, $0x32  }
.Ltmp11:
0x152: {  	_ = 	snop;
	(pc) =	sbr.rel @p1 .LBB2_20-.Ltmp11, $1  }
0x153: {  	_ =	sdelay $0x3  }
0x154: {  	_ =	swait.ge [sflag:s17], $0x4000  }
.Ltmp12:
0x155: {  	[sflag:s17] =	ssyncset.done $0x0;
	(pc) =	sbr.rel @p0 .LBB2_19-.Ltmp12, $4  }
0x156: {  	s0 =	sadd.s32 $0x3300, s19;
	[sflag:s17] =	ssyncadd.s32 $0xFFFFC000  }
0x157: {  	[tilespmem:s20], [sflag:$0x2] =	stream.indirect.gather.add.f32 [hbm:s5], $0x40, s0, s18, $0xb8;
	[tilespmem:$0x19A00] =	vst v63  }
0x158: {  	s14 =	sadd.s32 $0x3380, s19  }
0x159: {  	[tilespmem:s22], [sflag:$0x2] =	stream.indirect.gather.add.f32 [hbm:s5], $0x40, s14, s18, $0xb8;
	[tilespmem:$0x19A00] =	vst v63  }
0x15a: {  	p0 =	seq.s32 s3, $0xC  }
.Ltmp13:
0x15b: {  	_ = 	snop;
	(pc) =	sbr.rel @p0 .LBB2_17-.Ltmp13, $1  }
0x15c: {  	_ =	sdelay $0x3  }
0x15d: {  	_ =	swait.ge [sflag:s25], $0x4000  }
0x15e: {  	[sflag:s25] =	ssyncset.done $0x0  }
0x15f: {  	[sflag:s25] =	ssyncadd.s32 $0xFFFFC000  }
.LBB2_19:
0x160: {  	s0 =	sadd.s32 $0x200, s19  }
0x161: {  	[tilespmem:s28], [sflag:$0x3] =	stream.indirect.gather [hbm4b:s4+s18], $0x40, s0, s18, $0xb8;
	[tilespmem:$0x19A00] =	vst v63  }
0x162: {  	s14 =	sadd.s32 $0x280, s19  }
0x163: {  	[tilespmem:s30], [sflag:$0x3] =	stream.indirect.gather [hbm4b:s4+s18], $0x40, s14, s18, $0xb8;
	[tilespmem:$0x19A00] =	vst v63  }
.LBB2_20:
0x164: {  	p0 =	sgt.u32 s10, $0x34  }
.Ltmp14:
0x165: {  	_ = 	snop;
	(pc) =	sbr.rel @p0 .LBB2_22-.Ltmp14, $4  }
.Ltmp15:
0x166: {  	_ = 	snop;
	(pc) =	sbr.rel @!p0 .LBB2_21-.Ltmp15, $4  }
0x167: {  	_ = 	snop  }
0x168: {  	_ = 	snop  }
0x169: {  	s14 =	smov.u32 s10  }
0x16a: {  	_ = 	snop  }
.LBB2_23:
0x16b: {  	_ =	swait.ge [sflag:s6], $0x4000  }
0x16c: {  	[sflag:s6] =	ssyncset.done $0x0  }
0x16d: {  	[sflag:s6] =	ssyncadd.s32 $0xFFFFC000  }
0x16e: {  	_ =	swait.ge [sflag:s17], $0x4000  }
0x16f: {  	[sflag:s17] =	ssyncset.done $0x0  }
0x170: {  	s10 =	simm.s32 $0x3;
	[sflag:s17] =	ssyncadd.s32 $0xFFFFC000  }
0x171: {  	_ =	swait.ge [sflag:s10], $0x4000  }
0x172: {  	[sflag:s10] =	ssyncset.done $0x0  }
0x173: {  	[sflag:s10] =	ssyncadd.s32 $0xFFFFC000  }
0x174: {  	_ =	swait.ge [sflag:s31], $0x4000  }
0x175: {  	s11 =	simm.s32 $0x0;
	[sflag:s31] =	ssyncset.done $0x0  }
0x176: {  	s3 =	simm.s32 $0x5;
	s0 =	rddreg [dreg:$0x9];
	[sflag:s31] =	ssyncadd.s32 $0xFFFFC000  }
0x177: {  	[tilespmem:s11], [sflag:$0x5] =	stream.linear.gather [hbm4b:s0+s11], $0x3200, $0x38;
	[tilespmem:$0x19A00] =	vst v63  }
0x178: {  	_ =	swait.ge [sflag:s3], $0x3200  }
0x179: {  	[sflag:s3] =	ssyncset.done $0x0  }
0x17a: {  	s7 =	simm.s32 $0x3200;
	s14 =	rddreg [dreg:$0xa];
	[sflag:s3] =	ssyncadd.s32 $0xFFFFCE00  }
0x17b: {  	[tilespmem:s7], [sflag:$0x5] =	stream.linear.gather [hbm4b:s14+s11], $0x3200, $0x38;
	[tilespmem:$0x19A00] =	vst v63  }
0x17c: {  	_ =	swait.ge [sflag:s3], $0x3200  }
0x17d: {  	s21 =	simm.s32 $0x6400;
	[sflag:s3] =	ssyncset.done $0x0  }
.Ltmp16:
0x17e: {  	s19 =	rddreg [dreg:$0xb];
	[sflag:s3] =	ssyncadd.s32 $0xFFFFCE00;
	(pc) =	sbr.rel .LBB2_24-.Ltmp16, $4  }
0x17f: {  	[tilespmem:s21], [sflag:$0x5] =	stream.linear.gather [hbm4b:s19+s11], $0x3200, $0x38;
	[tilespmem:$0x19A00] =	vst v63  }
0x180: {  	_ =	swait.ge [sflag:s3], $0x3200  }
0x181: {  	[sflag:s3] =	ssyncset.done $0x0  }
0x182: {  	s12 =	simm.s32 $0x0;
	[sflag:s3] =	ssyncadd.s32 $0xFFFFCE00;
	s3 =	simm.s32 $0x0  }
.LBB2_39:
0x183: {  	s21 =	simm.s32 $0x32;
	s14 =	simm.s32 $0x33  }
.LBB2_43:
0x184: {  	s0 =	sadd.s32 $0x3200, s9  }
0x185: {  	s7 =	sadd.s32 $0x3210, s9;
	v1 =	vor.u32 s0, v0  }
0x186: {  	s8 =	sadd.s32 $0x3220, s9;
	v2 =	vmov s0;
	v3 =	vor.u32 s7, v0;
	v1 =	vand.u32 $0xE0F, v1  }
0x187: {  	v4 =	vor.u32 s8, v0;
	v3 =	vand.u32 $0xE1F, v3;
	v1 =	vmul.u32 $0xC8, v1  }
0x188: {  	v2 =	vshrl.u32 v2, $0xC;
	v4 =	vand.u32 $0xE2F, v4;
	v3 =	vmul.u32 $0xC8, v3  }
0x189: {  	v4 =	vmul.u32 $0xC8, v4;
	v1 =	vadd.s32 v2, v1;
	v2 =	vmov s7;
	s7 =	sadd.s32 $0x3230, s9  }
0x18a: {  	v1 =	vshll.u32 v1, $0x1;
	v2 =	vshrl.u32 v2, $0xC;
	v5 =	vor.u32 s7, v0  }
0x18b: {  	v6 =	vmov s7;
	s7 =	sadd.s32 $0x3250, s9;
	v2 =	vadd.s32 v2, v3;
	v3 =	vmov s8  }
0x18c: {  	v5 =	vand.u32 $0xE3F, v5;
	v6 =	vshrl.u32 v6, $0xC;
	v7 =	vor.u32 s7, v0  }
0x18d: {  	s8 =	sadd.s32 $0x3240, s9;
	v46 =	vmov s7;
	v2 =	vshll.u32 v2, $0x1;
	v3 =	vshrl.u32 v3, $0xC  }
0x18e: {  	s7 =	sadd.s32 $0x3270, s9;
	v43 =	vmul.u32 $0xC8, v5;
	v44 =	vor.u32 s8, v0;
	v45 =	vmov s8  }
0x18f: {  	v7 =	vand.u32 $0xE5F, v7;
	v48 =	vor.u32 s7, v0;
	v49 =	vmov s7  }
0x190: {  	s8 =	sadd.s32 $0x3260, s9;
	s7 =	sadd.s32 $0x3290, s9;
	v3 =	vadd.s32 v3, v4;
	v5 =	vand.u32 $0xE4F, v44;
	v7 =	vmul.u32 $0xC8, v7  }
0x191: {  	v8 =	vor.u32 s8, v0;
	v9 =	vmov s8;
	v11 =	vor.u32 s7, v0  }
0x192: {  	v12 =	vmov s7;
	v3 =	vshll.u32 v3, $0x1;
	v4 =	vadd.s32 v6, v43  }
0x193: {  	s8 =	sadd.s32 $0x3280, s9;
	v5 =	vmul.u32 $0xC8, v5;
	v6 =	vshrl.u32 v45, $0xC;
	v8 =	vand.u32 $0xE6F, v8  }
0x194: {  	s7 =	sadd.s32 $0x32B0, s9;
	v9 =	vshrl.u32 v9, $0xC;
	v10 =	vor.u32 s8, v0;
	v50 =	vmov s8  }
0x195: {  	_ =	swait.ge [sflag:s6], $0x4000;
	v11 =	vand.u32 $0xE9F, v11;
	v12 =	vshrl.u32 v12, $0xC;
	v54 =	vor.u32 s7, v0  }
0x196: {  	[sflag:s6] =	ssyncset.done $0x0;
	s8 =	sadd.s32 $0x32A0, s9;
	v4 =	vshll.u32 v4, $0x1;
	v47 =	vmul.u32 $0xC8, v8;
	v8 =	vand.u32 $0xE7F, v48  }
0x197: {  	[sflag:s6] =	ssyncadd.s32 $0xFFFFC000;
	v10 =	vand.u32 $0xE8F, v10;
	v51 =	vmul.u32 $0xC8, v11;
	v52 =	vor.u32 s8, v0  }
0x198: {  	v53 =	vmov s8;
	[tilespmem:$0x9620] =	vst v3;
	v3 =	vmov s7;
	v5 =	vadd.s32 v6, v5  }
0x199: {  	s8 =	sadd.s32 $0x32C0, s9;
	v6 =	vshrl.u32 v46, $0xC;
	v8 =	vmul.u32 $0xC8, v8;
	v10 =	vmul.u32 $0xC8, v10  }
0x19a: {  	[tilespmem:$0x9610] =	vst v2;
	s7 =	sadd.s32 $0x32D0, s9;
	v11 =	vand.u32 $0xEAF, v52;
	v2 =	vshrl.u32 v53, $0xC;
	v56 =	vor.u32 s8, v0  }
0x19b: {  	v3 =	vshrl.u32 v3, $0xC;
	v57 =	vmov s8;
	v59 =	vor.u32 s7, v0  }
0x19c: {  	v60 =	vmov s7;
	v5 =	vshll.u32 v5, $0x1;
	v6 =	vadd.s32 v6, v7  }
0x19d: {  	[tilespmem:$0x9600] =	vst v1;
	s8 =	sadd.s32 $0x32E0, s9;
	s9 =	sadd.s32 $0x32F0, s9;
	v7 =	vadd.s32 v9, v47;
	v9 =	vshrl.u32 v49, $0xC;
	v1 =	vadd.s32 v12, v51  }
0x19e: {  	v11 =	vmul.u32 $0xC8, v11;
	v61 =	vor.u32 s8, v0;
	v63 =	vor.u32 s9, v0  }
0x19f: {  	v6 =	vshll.u32 v6, $0x1;
	v7 =	vshll.u32 v7, $0x1;
	v8 =	vadd.s32 v9, v8  }
0x1a0: {  	v9 =	vshrl.u32 v50, $0xC;
	v1 =	vshll.u32 v1, $0x1;
	[tilespmem:$0x9640] =	vst v5;
	v5 =	vshrl.u32 v57, $0xC  }
0x1a1: {  	[tilespmem:$0x9630] =	vst v4;
	v62 =	vand.u32 $0xEEF, v61;
	v8 =	vshll.u32 v8, $0x1;
	v9 =	vadd.s32 v9, v10  }
0x1a2: {  	v2 =	vadd.s32 v2, v11;
	v10 =	vand.u32 $0xEBF, v54;
	[tilespmem:$0x9650] =	vst v6;
	v6 =	vand.u32 $0xEDF, v59  }
0x1a3: {  	[tilespmem:$0x9660] =	vst v7;
	v2 =	vshll.u32 v2, $0x1;
	v55 =	vmul.u32 $0xC8, v10;
	v10 =	vand.u32 $0xECF, v56  }
0x1a4: {  	v9 =	vshll.u32 v9, $0x1;
	v58 =	vmul.u32 $0xC8, v10;
	[tilespmem:$0x96A0] =	vst v2;
	v2 =	vmov s8  }
0x1a5: {  	[tilespmem:$0x9690] =	vst v1;
	v6 =	vmul.u32 $0xC8, v6;
	v3 =	vadd.s32 v3, v55;
	v2 =	vshrl.u32 v2, $0xC  }
0x1a6: {  	[tilespmem:$0x9670] =	vst v8;
	v3 =	vshll.u32 v3, $0x1;
	v4 =	vadd.s32 v5, v58;
	v5 =	vshrl.u32 v60, $0xC  }
0x1a7: {  	[tilespmem:$0x9680] =	vst v9;
	v1 =	vadd.s32 v5, v6;
	v5 =	vmul.u32 $0xC8, v62;
	v6 =	vand.u32 $0xEFF, v63  }
0x1a8: {  	v4 =	vshll.u32 v4, $0x1;
	[tilespmem:$0x96B0] =	vst v3;
	v3 =	vmov s9;
	v6 =	vmul.u32 $0xC8, v6  }
0x1a9: {  	[tilespmem:$0x96C0] =	vst v4;
	v1 =	vshll.u32 v1, $0x1;
	v3 =	vshrl.u32 v3, $0xC;
	v2 =	vadd.s32 v2, v5  }
0x1aa: {  	[tilespmem:$0x96D0] =	vst v1;
	v1 =	vadd.s32 v3, v6;
	v2 =	vshll.u32 v2, $0x1  }
0x1ab: {  	[tilespmem:$0x96E0] =	vst v2;
	v1 =	vshll.u32 v1, $0x1  }
0x1ac: {  	s7 =	simm.s32 $0x9600;
	[tilespmem:$0x96F0] =	vst v1  }
0x1ad: {  	[hbm4b:s2+s18] =	stream.indirect.scatter [tilespmem:s23], [sflag:$0x1], $0x40, s7, s18, $0xb8;
	[tilespmem:$0x19A00] =	vst v63  }
0x1ae: {  	s8 =	simm.s32 $0x9680  }
0x1af: {  	[hbm4b:s2+s18] =	stream.indirect.scatter [tilespmem:s24], [sflag:$0x1], $0x40, s8, s18, $0xb8;
	[tilespmem:$0x19A00] =	vst v63  }
0x1b0: {  	_ =	swait.ge [sflag:s17], $0x4000  }
0x1b1: {  	[sflag:s17] =	ssyncset.done $0x0  }
0x1b2: {  	p0 =	sgt.u32 s14, $0x32;
	s9 =	sadd.s32 $0x6500, s19;
	[sflag:s17] =	ssyncadd.s32 $0xFFFFC000  }
0x1b3: {  	[tilespmem:s20], [sflag:$0x2] =	stream.indirect.gather.add.f32 [hbm:s5], $0x40, s9, s18, $0xb8;
	[tilespmem:$0x19A00] =	vst v63  }
0x1b4: {  	s0 =	simm.s32 @!p0 $0x3;
	s19 =	sadd.s32 $0x6580, s19  }
0x1b5: {  	[tilespmem:s22], [sflag:$0x2] =	stream.indirect.gather.add.f32 [hbm:s5], $0x40, s19, s18, $0xb8;
	[tilespmem:$0x19A00] =	vst v63  }
0x1b6: {  	_ =	swait.ge @!p0 [sflag:s0], $0x4000  }
0x1b7: {  	s7 =	sshll.u32 @!p0 s21, $0x8;
	[sflag:s0] =	ssyncset.done @!p0 $0x0  }
0x1b8: {  	p1 =	seq.s32 @!p0 s12, $0x0;
	[sflag:s0] =	ssyncadd.s32 @!p0 $0xFFFFC000;
	s0 =	sand.u32 @!p0 $0x3FFFFF00, s7  }
0x1b9: {  	s8 =	simm.s32 @!p0 $0x80;
	s9 =	simm.s32 @!p0 $0x11A00;
	s7 =	sadd.s32 @!p0 $0x3200, s0  }
0x1ba: {  	[tilespmem:s9], [sflag:$0x3] =	stream.indirect.gather.add.f32 @!p0 [hbm:s5], $0x40, s7, s8, $0xb8;
	[tilespmem:$0x19A00] =	vst v63  }
0x1bb: {  	p1 =	por p1, p0;
	s0 =	sadd.s32 @!p0 $0x3280, s0;
	s7 =	simm.s32 @!p0 $0x13A00  }
0x1bc: {  	[tilespmem:s7], [sflag:$0x3] =	stream.indirect.gather.add.f32 @!p0 [hbm:s5], $0x40, s0, s8, $0xb8;
	[tilespmem:$0x19A00] =	vst v63  }
0x1bd: {  	s0 =	simm.s32 @!p1 $0x4  }
0x1be: {  	_ =	swait.ge @!p1 [sflag:s0], $0x4000  }
0x1bf: {  	s7 =	sshll.u32 @!p0 s14, $0x8;
	[sflag:s0] =	ssyncset.done @!p1 $0x0  }
0x1c0: {  	[sflag:s0] =	ssyncadd.s32 @!p1 $0xFFFFC000;
	s0 =	sand.u32 @!p0 $0x3FFFFF00, s7;
	s7 =	simm.s32 @!p0 $0x15A00  }
0x1c1: {  	[tilespmem:s7], [sflag:$0x4] =	stream.indirect.gather @!p0 [hbm4b:s4+s8], $0x40, s0, s8, $0xb8;
	[tilespmem:$0x19A00] =	vst v63  }
0x1c2: {  	s0 =	sor.u32 @!p0 $0x80, s0;
	s7 =	simm.s32 @!p0 $0x17A00  }
0x1c3: {  	[tilespmem:s7], [sflag:$0x4] =	stream.indirect.gather @!p0 [hbm4b:s4+s8], $0x40, s0, s8, $0xb8;
	[tilespmem:$0x19A00] =	vst v63  }
.LBB2_44:
0x1c4: {  	s12 =	sadd.s32 $0x400, s12  }
0x1c5: {  	p0 =	sne.s32 s12, $0x3800  }
.Ltmp17:
0x1c6: {  	_ = 	snop;
	(pc) =	sbr.rel @!p0 .LBB2_45-.Ltmp17, $2  }
0x1c7: {  	_ =	sdelay $0x2  }
0x1c8: {  	s3 =	sadd.s32 $0x1, s3;
	s11 =	sadd.s32 $0x1000, s11;
	s10 =	sadd.s32 $0x4, s10  }
.LBB2_24:
0x1c9: {  	s0 =	sadd.s32 $0xFFFFFFF9, s10  }
0x1ca: {  	p0 =	sgt.u32 s0, $0x31  }
.Ltmp18:
0x1cb: {  	_ = 	snop;
	(pc) =	sbr.rel @p0 .LBB2_26-.Ltmp18, $2  }
0x1cc: {  	_ =	sdelay $0x2  }
0x1cd: {  	s9 =	sadd.s32 s12, s13  }
0x1ce: {  	s0 =	sadd.s32 $0x2F00, s9  }
0x1cf: {  	s7 =	sadd.s32 $0x2F10, s9;
	s21 =	sadd.s32 $0x2F20, s9;
	v1 =	vor.u32 s0, v0  }
0x1d0: {  	s8 =	sadd.s32 $0x2F40, s9;
	s14 =	sadd.s32 $0x2F50, s9;
	v2 =	vmov s0;
	v3 =	vor.u32 s7, v0;
	v4 =	vor.u32 s21, v0  }
0x1d1: {  	s19 =	sadd.s32 $0x2F60, s9;
	v40 =	vor.u32 s8, v0;
	v41 =	vmov s8;
	v7 =	vor.u32 s14, v0  }
0x1d2: {  	v42 =	vmov s14;
	v8 =	vor.u32 s19, v0;
	v9 =	vmov s19  }
0x1d3: {  	v1 =	vand.u32 $0xF0F, v1;
	v2 =	vshra.s32 v2, $0xC;
	v3 =	vand.u32 $0xFFF, v3  }
0x1d4: {  	s8 =	sadd.s32 $0x2F90, s9;
	v4 =	vand.u32 $0xFFF, v4;
	v7 =	vand.u32 $0xFFF, v7;
	v8 =	vand.u32 $0xFFF, v8  }
0x1d5: {  	s14 =	sadd.s32 $0x2FA0, s9;
	s19 =	sadd.s32 $0x2FB0, s9;
	v9 =	vshra.s32 v9, $0xC;
	v11 =	vor.u32 s8, v0;
	v12 =	vmov s8  }
0x1d6: {  	v48 =	vor.u32 s14, v0;
	v49 =	vmov s14;
	v50 =	vor.u32 s19, v0  }
0x1d7: {  	v1 =	vmul.u32 $0xC8, v1;
	v3 =	vmul.u32 $0xC8, v3;
	v4 =	vmul.u32 $0xC8, v4  }
0x1d8: {  	s8 =	sadd.s32 $0x2FE0, s9;
	v7 =	vmul.u32 $0xC8, v7;
	v43 =	vmul.u32 $0xC8, v8;
	v11 =	vand.u32 $0xFFF, v11  }
0x1d9: {  	s14 =	sadd.s32 $0x2FF0, s9;
	v12 =	vshra.s32 v12, $0xC;
	v57 =	vmov s8;
	v58 =	vor.u32 s8, v0  }
0x1da: {  	v60 =	vor.u32 s14, v0;
	v63 =	vmov s14;
	v47 =	vmul.u32 $0xC8, v11  }
0x1db: {  	v11 =	vand.u32 $0xFFF, v48;
	v59 =	vand.u32 $0xFFF, v58;
	v62 =	vand.u32 $0xFFF, v60  }
0x1dc: {  	v1 =	vadd.s32 v2, v1;
	v2 =	vmov s7;
	s7 =	sadd.s32 $0x2F30, s9;
	v11 =	vmul.u32 $0xC8, v11  }
0x1dd: {  	_ =	swait.ge [sflag:s17], $0x4000;
	v1 =	vshll.u32 v1, $0x1;
	v2 =	vshra.s32 v2, $0xC;
	v5 =	vor.u32 s7, v0  }
0x1de: {  	[sflag:s17] =	ssyncset.done $0x0;
	v6 =	vmov s7;
	s7 =	sadd.s32 $0x2F80, s9;
	v2 =	vadd.s32 v2, v3;
	v3 =	vmov s21  }
0x1df: {  	[sflag:s17] =	ssyncadd.s32 $0xFFFFC000;
	v5 =	vand.u32 $0xFFF, v5;
	v6 =	vshra.s32 v6, $0xC;
	v10 =	vor.u32 s7, v0  }
0x1e0: {  	v46 =	vmov s7;
	[tilespmem:$0x9700] =	vst v1;
	v1 =	vadd.s32 v12, v47;
	v2 =	vshll.u32 v2, $0x1  }
0x1e1: {  	s21 =	sadd.s32 $0x2F70, s9;
	v3 =	vshra.s32 v3, $0xC;
	v39 =	vmul.u32 $0xC8, v5;
	v5 =	vand.u32 $0xFFF, v40  }
0x1e2: {  	s7 =	sadd.s32 $0x2FD0, s9;
	v44 =	vor.u32 s21, v0;
	v45 =	vmov s21;
	v10 =	vand.u32 $0xFFF, v10  }
0x1e3: {  	v1 =	vshll.u32 v1, $0x1;
	v55 =	vor.u32 s7, v0;
	v56 =	vmov s7  }
0x1e4: {  	s21 =	sadd.s32 $0x2FC0, s9;
	v3 =	vadd.s32 v3, v4;
	v5 =	vmul.u32 $0xC8, v5;
	v8 =	vand.u32 $0xFFF, v44  }
0x1e5: {  	v10 =	vmul.u32 $0xC8, v10;
	[tilespmem:$0x9710] =	vst v2;
	v2 =	vshra.s32 v49, $0xC;
	v52 =	vor.u32 s21, v0  }
0x1e6: {  	v53 =	vmov s21;
	v3 =	vshll.u32 v3, $0x1;
	v4 =	vadd.s32 v6, v39  }
0x1e7: {  	v6 =	vshra.s32 v41, $0xC;
	v8 =	vmul.u32 $0xC8, v8;
	v2 =	vadd.s32 v2, v11  }
0x1e8: {  	v4 =	vshll.u32 v4, $0x1;
	v5 =	vadd.s32 v6, v5;
	v6 =	vshra.s32 v42, $0xC  }
0x1e9: {  	[tilespmem:$0x9720] =	vst v3;
	v3 =	vmov s19;
	v2 =	vshll.u32 v2, $0x1;
	v5 =	vshll.u32 v5, $0x1  }
0x1ea: {  	[tilespmem:$0x9790] =	vst v1;
	v6 =	vadd.s32 v6, v7;
	v7 =	vadd.s32 v9, v43;
	v9 =	vshra.s32 v45, $0xC  }
0x1eb: {  	[tilespmem:$0x9730] =	vst v4;
	v3 =	vshra.s32 v3, $0xC;
	v8 =	vadd.s32 v9, v8;
	v9 =	vshra.s32 v46, $0xC  }
0x1ec: {  	[tilespmem:$0x97A0] =	vst v2;
	v6 =	vshll.u32 v6, $0x1;
	v9 =	vadd.s32 v9, v10;
	v10 =	vand.u32 $0xFFF, v50  }
0x1ed: {  	v7 =	vshll.u32 v7, $0x1;
	[tilespmem:$0x9740] =	vst v5;
	v51 =	vmul.u32 $0xC8, v10;
	v10 =	vand.u32 $0xFFF, v52  }
0x1ee: {  	v5 =	vshra.s32 v53, $0xC;
	[tilespmem:$0x9750] =	vst v6;
	v6 =	vand.u32 $0xFFF, v55;
	v54 =	vmul.u32 $0xC8, v10  }
0x1ef: {  	v8 =	vshll.u32 v8, $0x1;
	[tilespmem:$0x9760] =	vst v7;
	v9 =	vshll.u32 v9, $0x1;
	v6 =	vmul.u32 $0xC8, v6  }
0x1f0: {  	[tilespmem:$0x9770] =	vst v8;
	v3 =	vadd.s32 v3, v51;
	v4 =	vadd.s32 v5, v54;
	v5 =	vshra.s32 v56, $0xC  }
0x1f1: {  	v61 =	vmul.u32 $0xC8, v59;
	[tilespmem:$0x9780] =	vst v9;
	v3 =	vshll.u32 v3, $0x1;
	v1 =	vadd.s32 v5, v6  }
0x1f2: {  	v2 =	vshll.u32 v4, $0x1;
	[tilespmem:$0x97B0] =	vst v3;
	v3 =	vshra.s32 v57, $0xC;
	v5 =	vmul.u32 $0xC8, v62  }
0x1f3: {  	[tilespmem:$0x97C0] =	vst v2;
	v2 =	vadd.s32 v3, v61;
	v1 =	vshll.u32 v1, $0x1;
	v3 =	vshra.s32 v63, $0xC  }
0x1f4: {  	[tilespmem:$0x97D0] =	vst v1;
	v1 =	vadd.s32 v3, v5;
	v2 =	vshll.u32 v2, $0x1  }
0x1f5: {  	[tilespmem:$0x97E0] =	vst v2;
	v1 =	vshll.u32 v1, $0x1  }
0x1f6: {  	s19 =	simm.s32 $0x9700;
	[tilespmem:$0x97F0] =	vst v1  }
0x1f7: {  	[hbm4b:s2+s18] =	stream.indirect.scatter [tilespmem:s20], [sflag:$0x2], $0x40, s19, s18, $0xb8;
	[tilespmem:$0x19A00] =	vst v63  }
0x1f8: {  	s21 =	simm.s32 $0x9780  }
0x1f9: {  	[hbm4b:s2+s18] =	stream.indirect.scatter [tilespmem:s22], [sflag:$0x2], $0x40, s21, s18, $0xb8;
	[tilespmem:$0x19A00] =	vst v63  }
.LBB2_26:
0x1fa: {  	s0 =	sadd.s32 $0xFFFFFFFB, s10  }
0x1fb: {  	p0 =	sgt.u32 s0, $0x31  }
0x1fc: {  	s0 =	simm.s32 @!p0 $0x3  }
0x1fd: {  	_ =	swait.ge @!p0 [sflag:s0], $0x4000  }
0x1fe: {  	[sflag:s0] =	ssyncset.done @!p0 $0x0  }
0x1ff: {  	[sflag:s0] =	ssyncadd.s32 @!p0 $0xFFFFC000;
	s0 =	sshra.s32 @!p0 s11, $0x2  }
0x200: {  	s8 =	simm.s32 @!p0 $0x80;
	s14 =	simm.s32 @!p0 $0x11A00;
	s7 =	sadd.s32 @!p0 $0x6200, s0  }
0x201: {  	[tilespmem:s14], [sflag:$0x3] =	stream.indirect.gather.add.f32 @!p0 [hbm:s5], $0x40, s7, s8, $0xb8;
	[tilespmem:$0x19A00] =	vst v63  }
0x202: {  	s7 =	sadd.s32 @!p0 $0x6280, s0;
	s14 =	simm.s32 @!p0 $0x13A00  }
0x203: {  	[tilespmem:s14], [sflag:$0x3] =	stream.indirect.gather.add.f32 @!p0 [hbm:s5], $0x40, s7, s8, $0xb8;
	[tilespmem:$0x19A00] =	vst v63  }
0x204: {  	s7 =	simm.s32 @!p0 $0x4  }
0x205: {  	_ =	swait.ge @!p0 [sflag:s7], $0x4000  }
0x206: {  	[sflag:s7] =	ssyncset.done @!p0 $0x0  }
0x207: {  	s14 =	simm.s32 @!p0 $0x15A00;
	[sflag:s7] =	ssyncadd.s32 @!p0 $0xFFFFC000;
	s7 =	sadd.s32 @!p0 $0x3100, s0  }
0x208: {  	[tilespmem:s14], [sflag:$0x4] =	stream.indirect.gather.add.f32 @!p0 [hbm:s5], $0x40, s7, s8, $0xb8;
	[tilespmem:$0x19A00] =	vst v63  }
0x209: {  	s0 =	sadd.s32 @!p0 $0x3180, s0;
	s7 =	simm.s32 @!p0 $0x17A00  }
0x20a: {  	[tilespmem:s7], [sflag:$0x4] =	stream.indirect.gather.add.f32 @!p0 [hbm:s5], $0x40, s0, s8, $0xb8;
	[tilespmem:$0x19A00] =	vst v63  }
0x20b: {  	p0 =	seq.s32 s3, $0x0  }
.Ltmp19:
0x20c: {  	_ = 	snop;
	(pc) =	sbr.rel @p0 .LBB2_29-.Ltmp19, $1  }
0x20d: {  	_ =	sdelay $0x3  }
0x20e: {  	p1 =	seq.s32 s3, $0xD  }
.Ltmp20:
0x20f: {  	_ = 	snop;
	(pc) =	sbr.rel @p1 .LBB2_45-.Ltmp20, $1  }
0x210: {  	_ =	sdelay $0x3  }
0x211: {  	_ =	swait.ge [sflag:s6], $0x4000  }
0x212: {  	[sflag:s6] =	ssyncset.done $0x0  }
0x213: {  	[sflag:s6] =	ssyncadd.s32 $0xFFFFC000  }
.LBB2_29:
0x214: {  	s14 =	sadd.s32 $0xFFFFFFFE, s10;
	p1 =	seq.s32 s12, $0x0  }
0x215: {  	p2 =	sgt.u32 @!p1 s14, $0x34  }
0x216: {  	p2 =	por p1, p2  }
.Ltmp21:
0x217: {  	_ = 	snop;
	(pc) =	sbr.rel @p2 .LBB2_31-.Ltmp21, $4  }
0x218: {  	s19 =	sshra.s32 s11, $0x2  }
0x219: {  	[tilespmem:s23], [sflag:$0x1] =	stream.indirect.gather [hbm4b:s4+s18], $0x40, s19, s18, $0xb8;
	[tilespmem:$0x19A00] =	vst v63  }
0x21a: {  	s0 =	sadd.s32 $0x80, s19  }
0x21b: {  	[tilespmem:s24], [sflag:$0x1] =	stream.indirect.gather [hbm4b:s4+s18], $0x40, s0, s18, $0xb8;
	[tilespmem:$0x19A00] =	vst v63  }
0x21c: {  	s0 =	sadd.s32 $0x3000, s9  }
0x21d: {  	s7 =	sadd.s32 $0x3010, s9;
	s8 =	sadd.s32 $0x3020, s9;
	v1 =	vor.u32 s0, v0  }
0x21e: {  	s21 =	sadd.s32 $0x3030, s9;
	v2 =	vmov s0;
	v3 =	vor.u32 s7, v0;
	v4 =	vor.u32 s8, v0  }
0x21f: {  	v5 =	vor.u32 s21, v0;
	v6 =	vmov s21;
	v1 =	vand.u32 $0xC0F, v1  }
0x220: {  	s21 =	sadd.s32 $0x3060, s9;
	v2 =	vshrl.u32 v2, $0xC;
	v3 =	vand.u32 $0xFFF, v3;
	v4 =	vand.u32 $0xFFF, v4  }
0x221: {  	v5 =	vand.u32 $0xFFF, v5;
	v6 =	vshrl.u32 v6, $0xC;
	v8 =	vor.u32 s21, v0  }
0x222: {  	v9 =	vmov s21;
	v1 =	vmul.u32 $0xC8, v1;
	v3 =	vmul.u32 $0xC8, v3  }
0x223: {  	s21 =	sadd.s32 $0x3090, s9;
	v4 =	vmul.u32 $0xC8, v4;
	v39 =	vmul.u32 $0xC8, v5;
	v8 =	vand.u32 $0xFFF, v8  }
0x224: {  	v9 =	vshrl.u32 v9, $0xC;
	v11 =	vor.u32 s21, v0;
	v12 =	vmov s21  }
0x225: {  	s21 =	sadd.s32 $0x30C0, s9;
	v43 =	vmul.u32 $0xC8, v8;
	v11 =	vand.u32 $0xFFF, v11;
	v12 =	vshrl.u32 v12, $0xC  }
0x226: {  	v52 =	vor.u32 s21, v0;
	v53 =	vmov s21;
	s21 =	sadd.s32 $0x30F0, s9;
	v1 =	vadd.s32 v2, v1  }
0x227: {  	v2 =	vmov s7;
	v47 =	vmul.u32 $0xC8, v11;
	v60 =	vor.u32 s21, v0  }
0x228: {  	_ =	swait.ge [sflag:s25], $0x4000;
	s7 =	sadd.s32 $0x3040, s9;
	v63 =	vmov s21;
	v1 =	vshll.u32 v1, $0x1;
	v2 =	vshrl.u32 v2, $0xC  }
0x229: {  	[sflag:s25] =	ssyncset.done $0x0;
	v40 =	vor.u32 s7, v0;
	v41 =	vmov s7;
	v62 =	vand.u32 $0xFFF, v60  }
0x22a: {  	[sflag:s25] =	ssyncadd.s32 $0xFFFFC000;
	s7 =	sadd.s32 $0x3070, s9;
	v2 =	vadd.s32 v2, v3;
	v3 =	vmov s8;
	v5 =	vand.u32 $0xFFF, v40  }
0x22b: {  	v44 =	vor.u32 s7, v0;
	v45 =	vmov s7;
	[tilespmem:$0x9800] =	vst v1;
	v1 =	vadd.s32 v12, v47  }
0x22c: {  	s8 =	sadd.s32 $0x3050, s9;
	v2 =	vshll.u32 v2, $0x1;
	v3 =	vshrl.u32 v3, $0xC;
	v5 =	vmul.u32 $0xC8, v5  }
0x22d: {  	s7 =	sadd.s32 $0x30A0, s9;
	v7 =	vor.u32 s8, v0;
	v42 =	vmov s8;
	v8 =	vand.u32 $0xFFF, v44  }
0x22e: {  	v48 =	vor.u32 s7, v0;
	v49 =	vmov s7;
	v1 =	vshll.u32 v1, $0x1  }
0x22f: {  	s8 =	sadd.s32 $0x3080, s9;
	v3 =	vadd.s32 v3, v4;
	v4 =	vadd.s32 v6, v39;
	v6 =	vshrl.u32 v41, $0xC  }
0x230: {  	v7 =	vand.u32 $0xFFF, v7;
	v8 =	vmul.u32 $0xC8, v8;
	v10 =	vor.u32 s8, v0  }
0x231: {  	s7 =	sadd.s32 $0x30D0, s9;
	v46 =	vmov s8;
	v11 =	vand.u32 $0xFFF, v48;
	[tilespmem:$0x9810] =	vst v2;
	v2 =	vshrl.u32 v49, $0xC  }
0x232: {  	v55 =	vor.u32 s7, v0;
	v56 =	vmov s7;
	v3 =	vshll.u32 v3, $0x1  }
0x233: {  	v4 =	vshll.u32 v4, $0x1;
	v5 =	vadd.s32 v6, v5;
	v7 =	vmul.u32 $0xC8, v7  }
0x234: {  	s8 =	sadd.s32 $0x30B0, s9;
	v6 =	vshrl.u32 v42, $0xC;
	v10 =	vand.u32 $0xFFF, v10;
	v11 =	vmul.u32 $0xC8, v11  }
0x235: {  	v50 =	vor.u32 s8, v0;
	v5 =	vshll.u32 v5, $0x1;
	v10 =	vmul.u32 $0xC8, v10  }
0x236: {  	[tilespmem:$0x9820] =	vst v3;
	v3 =	vmov s8;
	v6 =	vadd.s32 v6, v7;
	v7 =	vadd.s32 v9, v43  }
0x237: {  	s8 =	sadd.s32 $0x30E0, s9;
	v9 =	vshrl.u32 v45, $0xC;
	v2 =	vadd.s32 v2, v11;
	v3 =	vshrl.u32 v3, $0xC  }
0x238: {  	[tilespmem:$0x9840] =	vst v5;
	v5 =	vshrl.u32 v53, $0xC;
	v57 =	vmov s8;
	v58 =	vor.u32 s8, v0  }
0x239: {  	[tilespmem:$0x9890] =	vst v1;
	v6 =	vshll.u32 v6, $0x1;
	v8 =	vadd.s32 v9, v8;
	v9 =	vshrl.u32 v46, $0xC  }
0x23a: {  	[tilespmem:$0x9830] =	vst v4;
	v7 =	vshll.u32 v7, $0x1;
	v9 =	vadd.s32 v9, v10;
	v10 =	vand.u32 $0xFFF, v50  }
0x23b: {  	v2 =	vshll.u32 v2, $0x1;
	[tilespmem:$0x9850] =	vst v6;
	v51 =	vmul.u32 $0xC8, v10;
	v10 =	vand.u32 $0xFFF, v52  }
0x23c: {  	v59 =	vand.u32 $0xFFF, v58;
	[tilespmem:$0x9860] =	vst v7;
	v6 =	vand.u32 $0xFFF, v55;
	v54 =	vmul.u32 $0xC8, v10  }
0x23d: {  	v8 =	vshll.u32 v8, $0x1;
	[tilespmem:$0x98A0] =	vst v2;
	v9 =	vshll.u32 v9, $0x1;
	v6 =	vmul.u32 $0xC8, v6  }
0x23e: {  	[tilespmem:$0x9870] =	vst v8;
	v3 =	vadd.s32 v3, v51;
	v4 =	vadd.s32 v5, v54;
	v5 =	vshrl.u32 v56, $0xC  }
0x23f: {  	v61 =	vmul.u32 $0xC8, v59;
	[tilespmem:$0x9880] =	vst v9;
	v3 =	vshll.u32 v3, $0x1;
	v1 =	vadd.s32 v5, v6  }
0x240: {  	v2 =	vshll.u32 v4, $0x1;
	[tilespmem:$0x98B0] =	vst v3;
	v3 =	vshrl.u32 v57, $0xC;
	v5 =	vmul.u32 $0xC8, v62  }
0x241: {  	[tilespmem:$0x98C0] =	vst v2;
	v2 =	vadd.s32 v3, v61;
	v1 =	vshll.u32 v1, $0x1;
	v3 =	vshrl.u32 v63, $0xC  }
0x242: {  	[tilespmem:$0x98D0] =	vst v1;
	v1 =	vadd.s32 v3, v5;
	v2 =	vshll.u32 v2, $0x1  }
0x243: {  	[tilespmem:$0x98E0] =	vst v2;
	v1 =	vshll.u32 v1, $0x1  }
0x244: {  	[tilespmem:$0x98F0] =	vst v1  }
0x245: {  	[hbm4b:s2+s18] =	stream.indirect.scatter [tilespmem:s28], [sflag:$0x3], $0x40, s26, s18, $0xb8;
	[tilespmem:$0x19A00] =	vst v63  }
0x246: {  	_ = 	snop  }
0x247: {  	[hbm4b:s2+s18] =	stream.indirect.scatter [tilespmem:s30], [sflag:$0x3], $0x40, s29, s18, $0xb8;
	[tilespmem:$0x19A00] =	vst v63  }
.LBB2_31:
0x248: {  	p2 =	seq.s32 @!p0 s3, $0xD  }
0x249: {  	p2 =	por p2, p0  }
0x24a: {  	s0 =	simm.s32 @!p2 $0x4  }
0x24b: {  	_ =	swait.ge @!p2 [sflag:s0], $0x4000  }
0x24c: {  	[sflag:s0] =	ssyncset.done @!p2 $0x0  }
0x24d: {  	[sflag:s0] =	ssyncadd.s32 @!p2 $0xFFFFC000;
	s0 =	sshra.s32 @!p2 s11, $0x2  }
0x24e: {  	s8 =	simm.s32 @!p2 $0x80;
	s21 =	simm.s32 @!p2 $0x15A00;
	s7 =	sadd.s32 @!p2 $0x6300, s0  }
0x24f: {  	[tilespmem:s21], [sflag:$0x4] =	stream.indirect.gather.add.f32 @!p2 [hbm:s5], $0x40, s7, s8, $0xb8;
	[tilespmem:$0x19A00] =	vst v63  }
0x250: {  	s0 =	sadd.s32 @!p2 $0x6380, s0;
	s7 =	simm.s32 @!p2 $0x17A00  }
0x251: {  	[tilespmem:s7], [sflag:$0x4] =	stream.indirect.gather.add.f32 @!p2 [hbm:s5], $0x40, s0, s8, $0xb8;
	[tilespmem:$0x19A00] =	vst v63  }
0x252: {  	p2 =	sgt.u32 s14, $0x32  }
0x253: {  	s0 =	simm.s32 @!p2 $0x1  }
0x254: {  	_ =	swait.ge @!p2 [sflag:s0], $0x4000  }
0x255: {  	[sflag:s0] =	ssyncset.done @!p2 $0x0  }
.Ltmp22:
0x256: {  	[sflag:s0] =	ssyncadd.s32 @!p2 $0xFFFFC000;
	s0 =	sshra.s32 @!p2 s11, $0x2;
	(pc) =	sbr.rel @p0 .LBB2_34-.Ltmp22, $4  }
0x257: {  	s8 =	simm.s32 @!p2 $0x80;
	s14 =	simm.s32 @!p2 $0x9A00;
	s7 =	sadd.s32 @!p2 $0x3200, s0  }
0x258: {  	[tilespmem:s14], [sflag:$0x1] =	stream.indirect.gather.add.f32 @!p2 [hbm:s5], $0x40, s7, s8, $0xb8;
	[tilespmem:$0x19A00] =	vst v63  }
0x259: {  	s0 =	sadd.s32 @!p2 $0x3280, s0;
	s7 =	simm.s32 @!p2 $0xBA00  }
0x25a: {  	[tilespmem:s7], [sflag:$0x1] =	stream.indirect.gather.add.f32 @!p2 [hbm:s5], $0x40, s0, s8, $0xb8;
	[tilespmem:$0x19A00] =	vst v63  }
0x25b: {  	p2 =	seq.s32 s3, $0xD  }
.Ltmp23:
0x25c: {  	_ = 	snop;
	(pc) =	sbr.rel @p2 .LBB2_45-.Ltmp23, $1  }
0x25d: {  	_ =	sdelay $0x3  }
0x25e: {  	_ =	swait.ge [sflag:s17], $0x4000  }
0x25f: {  	[sflag:s17] =	ssyncset.done $0x0  }
0x260: {  	[sflag:s17] =	ssyncadd.s32 $0xFFFFC000  }
.LBB2_34:
0x261: {  	s0 =	sadd.s32 $0x100, s19  }
0x262: {  	[tilespmem:s20], [sflag:$0x2] =	stream.indirect.gather [hbm4b:s4+s18], $0x40, s0, s18, $0xb8;
	[tilespmem:$0x19A00] =	vst v63  }
0x263: {  	s21 =	sadd.s32 $0x180, s19  }
0x264: {  	[tilespmem:s22], [sflag:$0x2] =	stream.indirect.gather [hbm4b:s4+s18], $0x40, s21, s18, $0xb8;
	[tilespmem:$0x19A00] =	vst v63  }
0x265: {  	s21 =	sadd.s32 $0xFFFFFFFF, s10  }
0x266: {  	p2 =	sgt.u32 @!p1 s21, $0x34  }
0x267: {  	p1 =	por p1, p2  }
.Ltmp24:
0x268: {  	_ = 	snop;
	(pc) =	sbr.rel @p1 .LBB2_36-.Ltmp24, $1  }
0x269: {  	_ =	sdelay $0x3  }
0x26a: {  	s0 =	sadd.s32 $0x3100, s9  }
0x26b: {  	s7 =	sadd.s32 $0x3110, s9;
	s8 =	sadd.s32 $0x3130, s9;
	v1 =	vor.u32 s0, v0  }
0x26c: {  	s14 =	sadd.s32 $0x3140, s9;
	v2 =	vmov s0;
	v3 =	vor.u32 s7, v0;
	v5 =	vor.u32 s8, v0  }
0x26d: {  	v6 =	vmov s8;
	v40 =	vor.u32 s14, v0;
	v41 =	vmov s14  }
0x26e: {  	s8 =	sadd.s32 $0x3160, s9;
	v1 =	vand.u32 $0xD0F, v1;
	v2 =	vshrl.u32 v2, $0xC;
	v3 =	vand.u32 $0xFFF, v3  }
0x26f: {  	s14 =	sadd.s32 $0x3170, s9;
	v5 =	vand.u32 $0xFFF, v5;
	v6 =	vshrl.u32 v6, $0xC;
	v8 =	vor.u32 s8, v0  }
0x270: {  	v9 =	vmov s8;
	v44 =	vor.u32 s14, v0;
	v45 =	vmov s14  }
0x271: {  	v1 =	vmul.u32 $0xC8, v1;
	v3 =	vmul.u32 $0xC8, v3;
	v39 =	vmul.u32 $0xC8, v5  }
0x272: {  	s8 =	sadd.s32 $0x3190, s9;
	s14 =	sadd.s32 $0x31A0, s9;
	v5 =	vand.u32 $0xFFF, v40;
	v8 =	vand.u32 $0xFFF, v8;
	v9 =	vshrl.u32 v9, $0xC  }
0x273: {  	v11 =	vor.u32 s8, v0;
	v12 =	vmov s8;
	v48 =	vor.u32 s14, v0  }
0x274: {  	v49 =	vmov s14;
	v5 =	vmul.u32 $0xC8, v5;
	v43 =	vmul.u32 $0xC8, v8  }
0x275: {  	s8 =	sadd.s32 $0x31C0, s9;
	s14 =	sadd.s32 $0x31D0, s9;
	v8 =	vand.u32 $0xFFF, v44;
	v11 =	vand.u32 $0xFFF, v11;
	v12 =	vshrl.u32 v12, $0xC  }
0x276: {  	v52 =	vor.u32 s8, v0;
	v53 =	vmov s8;
	v55 =	vor.u32 s14, v0  }
0x277: {  	v56 =	vmov s14;
	v1 =	vadd.s32 v2, v1;
	v2 =	vmov s7  }
0x278: {  	s8 =	sadd.s32 $0x31F0, s9;
	v8 =	vmul.u32 $0xC8, v8;
	v47 =	vmul.u32 $0xC8, v11;
	v11 =	vand.u32 $0xFFF, v48  }
0x279: {  	_ =	swait.ge [sflag:s31], $0x4000;
	s7 =	sadd.s32 $0x3120, s9;
	v60 =	vor.u32 s8, v0;
	v63 =	vmov s8;
	v1 =	vshll.u32 v1, $0x1  }
0x27a: {  	[sflag:s31] =	ssyncset.done $0x0;
	v2 =	vshrl.u32 v2, $0xC;
	v4 =	vor.u32 s7, v0;
	v11 =	vmul.u32 $0xC8, v11  }
0x27b: {  	[sflag:s31] =	ssyncadd.s32 $0xFFFFC000;
	v62 =	vand.u32 $0xFFF, v60;
	v2 =	vadd.s32 v2, v3;
	v3 =	vmov s7  }
0x27c: {  	v4 =	vand.u32 $0xFFF, v4;
	s7 =	sadd.s32 $0x3150, s9;
	[tilespmem:$0x9900] =	vst v1;
	v1 =	vadd.s32 v12, v47;
	v2 =	vshll.u32 v2, $0x1  }
0x27d: {  	v4 =	vmul.u32 $0xC8, v4;
	v3 =	vshrl.u32 v3, $0xC;
	v7 =	vor.u32 s7, v0  }
0x27e: {  	v42 =	vmov s7;
	s7 =	sadd.s32 $0x3180, s9;
	v1 =	vshll.u32 v1, $0x1;
	v7 =	vand.u32 $0xFFF, v7  }
0x27f: {  	v10 =	vor.u32 s7, v0;
	v46 =	vmov s7;
	[tilespmem:$0x9910] =	vst v2;
	v2 =	vshrl.u32 v49, $0xC  }
0x280: {  	s7 =	sadd.s32 $0x31B0, s9;
	v3 =	vadd.s32 v3, v4;
	v4 =	vadd.s32 v6, v39;
	v6 =	vshrl.u32 v41, $0xC  }
0x281: {  	v7 =	vmul.u32 $0xC8, v7;
	v10 =	vand.u32 $0xFFF, v10;
	v50 =	vor.u32 s7, v0  }
0x282: {  	v2 =	vadd.s32 v2, v11;
	v3 =	vshll.u32 v3, $0x1;
	v4 =	vshll.u32 v4, $0x1  }
0x283: {  	v5 =	vadd.s32 v6, v5;
	v6 =	vshrl.u32 v42, $0xC;
	v10 =	vmul.u32 $0xC8, v10  }
0x284: {  	v2 =	vshll.u32 v2, $0x1;
	v5 =	vshll.u32 v5, $0x1;
	v6 =	vadd.s32 v6, v7  }
0x285: {  	v7 =	vadd.s32 v9, v43;
	v9 =	vshrl.u32 v45, $0xC;
	[tilespmem:$0x9920] =	vst v3;
	v3 =	vmov s7  }
0x286: {  	[tilespmem:$0x9990] =	vst v1;
	v6 =	vshll.u32 v6, $0x1;
	v7 =	vshll.u32 v7, $0x1;
	v8 =	vadd.s32 v9, v8  }
0x287: {  	s7 =	sadd.s32 $0x31E0, s9;
	v9 =	vshrl.u32 v46, $0xC;
	[tilespmem:$0x9940] =	vst v5;
	v3 =	vshrl.u32 v3, $0xC;
	v5 =	vshrl.u32 v53, $0xC  }
0x288: {  	[tilespmem:$0x9930] =	vst v4;
	v57 =	vmov s7;
	v9 =	vadd.s32 v9, v10;
	v10 =	vand.u32 $0xFFF, v50  }
0x289: {  	[tilespmem:$0x99A0] =	vst v2;
	v58 =	vor.u32 s7, v0;
	v51 =	vmul.u32 $0xC8, v10;
	v10 =	vand.u32 $0xFFF, v52  }
0x28a: {  	v8 =	vshll.u32 v8, $0x1;
	[tilespmem:$0x9950] =	vst v6;
	v6 =	vand.u32 $0xFFF, v55;
	v54 =	vmul.u32 $0xC8, v10  }
0x28b: {  	[tilespmem:$0x9960] =	vst v7;
	v59 =	vand.u32 $0xFFF, v58;
	v9 =	vshll.u32 v9, $0x1;
	v6 =	vmul.u32 $0xC8, v6  }
0x28c: {  	[tilespmem:$0x9970] =	vst v8;
	v3 =	vadd.s32 v3, v51;
	v4 =	vadd.s32 v5, v54;
	v5 =	vshrl.u32 v56, $0xC  }
0x28d: {  	v61 =	vmul.u32 $0xC8, v59;
	[tilespmem:$0x9980] =	vst v9;
	v3 =	vshll.u32 v3, $0x1;
	v1 =	vadd.s32 v5, v6  }
0x28e: {  	v2 =	vshll.u32 v4, $0x1;
	[tilespmem:$0x99B0] =	vst v3;
	v3 =	vshrl.u32 v57, $0xC;
	v5 =	vmul.u32 $0xC8, v62  }
0x28f: {  	[tilespmem:$0x99C0] =	vst v2;
	v2 =	vadd.s32 v3, v61;
	v1 =	vshll.u32 v1, $0x1;
	v3 =	vshrl.u32 v63, $0xC  }
0x290: {  	[tilespmem:$0x99D0] =	vst v1;
	v1 =	vadd.s32 v3, v5;
	v2 =	vshll.u32 v2, $0x1  }
0x291: {  	[tilespmem:$0x99E0] =	vst v2;
	v1 =	vshll.u32 v1, $0x1  }
0x292: {  	s14 =	simm.s32 $0x9900;
	[tilespmem:$0x99F0] =	vst v1  }
0x293: {  	[hbm4b:s2+s18] =	stream.indirect.scatter [tilespmem:s1], [sflag:$0x4], $0x40, s14, s18, $0xb8;
	[tilespmem:$0x19A00] =	vst v63  }
0x294: {  	_ = 	snop  }
0x295: {  	[hbm4b:s2+s18] =	stream.indirect.scatter [tilespmem:s16], [sflag:$0x4], $0x40, s15, s18, $0xb8;
	[tilespmem:$0x19A00] =	vst v63  }
.LBB2_36:
0x296: {  	p1 =	seq.s32 s12, $0x3400  }
0x297: {  	s0 =	simm.s32 @!p1 $0x1  }
0x298: {  	_ =	swait.ge @!p1 [sflag:s0], $0x4000  }
0x299: {  	[sflag:s0] =	ssyncset.done @!p1 $0x0  }
0x29a: {  	[sflag:s0] =	ssyncadd.s32 @!p1 $0xFFFFC000;
	s0 =	sshra.s32 @!p1 s11, $0x2  }
0x29b: {  	s8 =	simm.s32 @!p1 $0x80;
	s14 =	simm.s32 @!p1 $0x9A00;
	s7 =	sadd.s32 @!p1 $0x6400, s0  }
0x29c: {  	[tilespmem:s14], [sflag:$0x1] =	stream.indirect.gather.add.f32 @!p1 [hbm:s5], $0x40, s7, s8, $0xb8;
	[tilespmem:$0x19A00] =	vst v63  }
0x29d: {  	s0 =	sadd.s32 @!p1 $0x6480, s0;
	s7 =	simm.s32 @!p1 $0xBA00  }
0x29e: {  	[tilespmem:s7], [sflag:$0x1] =	stream.indirect.gather.add.f32 @!p1 [hbm:s5], $0x40, s0, s8, $0xb8;
	[tilespmem:$0x19A00] =	vst v63  }
0x29f: {  	p1 =	sgt.u32 s21, $0x32  }
.Ltmp25:
0x2a0: {  	_ = 	snop;
	(pc) =	sbr.rel @p1 .LBB2_42-.Ltmp25, $1  }
0x2a1: {  	_ =	sdelay $0x3  }
0x2a2: {  	_ =	swait.ge [sflag:s17], $0x4000  }
.Ltmp26:
0x2a3: {  	[sflag:s17] =	ssyncset.done $0x0;
	(pc) =	sbr.rel @p0 .LBB2_41-.Ltmp26, $4  }
0x2a4: {  	s0 =	sadd.s32 $0x3300, s19;
	[sflag:s17] =	ssyncadd.s32 $0xFFFFC000  }
0x2a5: {  	[tilespmem:s20], [sflag:$0x2] =	stream.indirect.gather.add.f32 [hbm:s5], $0x40, s0, s18, $0xb8;
	[tilespmem:$0x19A00] =	vst v63  }
0x2a6: {  	s14 =	sadd.s32 $0x3380, s19  }
0x2a7: {  	[tilespmem:s22], [sflag:$0x2] =	stream.indirect.gather.add.f32 [hbm:s5], $0x40, s14, s18, $0xb8;
	[tilespmem:$0x19A00] =	vst v63  }
0x2a8: {  	p0 =	seq.s32 s3, $0xC  }
.Ltmp27:
0x2a9: {  	_ = 	snop;
	(pc) =	sbr.rel @p0 .LBB2_39-.Ltmp27, $1  }
0x2aa: {  	_ =	sdelay $0x3  }
0x2ab: {  	_ =	swait.ge [sflag:s25], $0x4000  }
0x2ac: {  	[sflag:s25] =	ssyncset.done $0x0  }
0x2ad: {  	[sflag:s25] =	ssyncadd.s32 $0xFFFFC000  }
.LBB2_41:
0x2ae: {  	s0 =	sadd.s32 $0x200, s19  }
0x2af: {  	[tilespmem:s28], [sflag:$0x3] =	stream.indirect.gather [hbm4b:s4+s18], $0x40, s0, s18, $0xb8;
	[tilespmem:$0x19A00] =	vst v63  }
0x2b0: {  	s14 =	sadd.s32 $0x280, s19  }
0x2b1: {  	[tilespmem:s30], [sflag:$0x3] =	stream.indirect.gather [hbm4b:s4+s18], $0x40, s14, s18, $0xb8;
	[tilespmem:$0x19A00] =	vst v63  }
.LBB2_42:
0x2b2: {  	p0 =	sgt.u32 s10, $0x34  }
.Ltmp28:
0x2b3: {  	_ = 	snop;
	(pc) =	sbr.rel @p0 .LBB2_44-.Ltmp28, $4  }
.Ltmp29:
0x2b4: {  	_ = 	snop;
	(pc) =	sbr.rel @!p0 .LBB2_43-.Ltmp29, $4  }
0x2b5: {  	_ = 	snop  }
0x2b6: {  	_ = 	snop  }
0x2b7: {  	s14 =	smov.u32 s10  }
0x2b8: {  	_ = 	snop  }
.LBB2_46:
0x2b9: {  	_ =	sfence.sel $0x180000  }
0x2ba: {  	[bflag:$0x0] =	sbarrier.arrive $0xFFFF  }
0x2bb: {  	_ =	strace $0x90000047  }
0x2bc: {  	s0 =	stileid.u32;
	[bflag:$0x2] =	sbarrier.arrive $0xFFFF  }
0x2bd: {  	p0 =	sne.s32 s0, $0x0;
	s0 =	rddreg [dreg:$0x5]  }
0x2be: {  	s0 =	sadd.s32 @!p0 $0x100000, s0  }
0x2bf: {  	[sflag:s0] =	ssyncadd.tile.s32 @!p0 $0x1;
	_ =	shalt  }
.Lfunc_end2:
_tile_overlayer_lowered:
.L_overlay_start_2:
0x2c0: {  	(tag) =	ssettag $0x2  }
0x2c1: {  	s0 =	rddreg [dreg:$0x0];
	s2 =	stileid.u32  }
0x2c2: {  	s1 =	rddreg [dreg:$0x1];
	p0 =	sne.s32 s2, $0x0  }
0x2c3: {  	s3 =	rddreg [dreg:$0x2];
	[bflag:$0x3] =	sbarrier.arrive $0xFFFF;
	s2 =	simm.s32 @!p0 $0x1C05  }
0x2c4: {  	[timem:s3], [sflag:s2] =	dma.local @!p0 [hbm:s0], s1  }
0x2c5: {  	s0 =	simm.s32 @!p0 $0x5  }
0x2c6: {  	_ =	swait.ge @!p0 [sflag:s0], s1  }
0x2c7: {  	s1 =	ssub.s32 @!p0 $0x0, s1;
	[sflag:s0] =	ssyncset.done @!p0 $0x0  }
0x2c8: {  	[sflag:s0] =	ssyncadd.s32 @!p0 s1  }
0x2c9: {  	[bflag:$0x3] =	sbarrier.arrive $0xFFFF  }
0x2ca: {  	_ =	shalt  }

// kernel: sparse-core-data-format-call.cloned.1.call-start
scs
called_computation_lowered:
.L_overlay_start_0:
0x0: {  	s2 =	sld [smem:$0x3FD9]  }
0x1: {  	s3 =	sld [smem:$0x3FFE];
	_ =	sdelay $0x1  }
0x2: {  	s1 =	srdreg.scid  }
0x3: {  	s0 =	sand.u32 $0x1, s1  }
0x4: {  	s18 =	sshll.u32 s0, $0xA;
	s2 =	sadd.s32 s3, s2  }
0x5: {  	s2 =	sadd.s32 s2, s18  }
0x6: {  	[smem:$0x3FC3] =	sst s2  }
0x7: {  	_ = 	snop  }
0x8: {  	s2 =	sld [smem:$0x3FD0];
	(tm) =	ssettm $0x1  }
0x9: {  	s19 =	sld [smem:$0x3FFB];
	_ =	sdelay $0x3  }
0xa: {  	_ =	strace s19  }
0xb: {  	s3 =	sld [smem:$0x3FFC];
	_ =	sdelay $0x3  }
0xc: {  	_ =	strace s3  }
0xd: {  	s3 =	sld [smem:$0x3FFD];
	_ =	sdelay $0x3  }
0xe: {  	_ =	strace s3  }
0xf: {  	_ =	strace $0x8FFFFFFF  }
0x10: {  	s20 =	sld [smem:$0x3FDB];
	_ =	sdelay $0x1  }
0x11: {  	s4 =	simm.s32 $_scs_section_size  }
0x12: {  	s5 =	simm.s32 $_size__tile_overlayer_lowered;
	s6 =	simm.s32 $_tile_overlayer_lowered  }
0x13: {  	s23 =	simm.s32 $0x1BFF;
	s22 =	sshll.u32 s6, $0x1;
	s3 =	sadd.s32 s4, s20  }
0x14: {  	s7 =	simm.s32 $0x0;
	s21 =	sshll.u32 s5, $0x1;
	s5 =	sadd.s32 s22, s3  }
0x15: {  	[timem:s7], [sflag:s23] =	dma.local [hbm:s5], s21  }
0x16: {  	_ =	swait.ge [sflag:s23], s21  }
0x17: {  	s4 =	ssub.s32 $0x0, s21;
	[sflag:s23] =	ssyncset.done $0x0  }
0x18: {  	[sflag:s23] =	ssyncadd.s32 s4;
	_ =	sdelay $0x1  }
0x19: {  	s24 =	simm.s32 $0x1B8B  }
0x1a: {  	_ =	swait.ge [sflag:s24], $0x1  }
0x1b: {  	[sflag:s24] =	ssyncset.done $0x0  }
0x1c: {  	s26 =	simm.s32 $0x1B8E;
	s25 =	sld [smem:$0x3FFE];
	[sflag:s24] =	ssyncadd.s32 $0xFFFFFFFF  }
0x1d: {  	s27 =	simm.s32 $execute0_lowered;
	[smem:$0x3FD2] =	sst s26  }
0x1e: {  	s5 =	sshll.u32 s27, $0x1;
	_ =	strace $0x80000049;
	[dreg:$0x1] =	wrdreg $0xFFFFFFFF  }
0x1f: {  	s28 =	simm.s32 $_size_execute0_lowered;
	s3 =	sadd.s32 s3, s5;
	[dreg:$0x0] =	wrdreg $0x0  }
0x20: {  	s5 =	sshll.u32 s28, $0x1;
	[dreg:$0x2] =	wrdreg s3  }
0x21: {  	[dreg:$0x3] =	wrdreg s5  }
0x22: {  	[dreg:$0x4] =	wrdreg $0xC0  }
0x23: {  	_ =	task [dreg:s7], $0x5FFFF  }
0x24: {  	[dreg:$0x1] =	wrdreg $0xFFFFFFFF  }
0x25: {  	[dreg:$0x0] =	wrdreg $0x60  }
0x26: {  	[dreg:$0x2] =	wrdreg s25  }
0x27: {  	[dreg:$0x3] =	wrdreg s2  }
0x28: {  	[dreg:$0x4] =	wrdreg $0x9  }
0x29: {  	_ =	task.clear_ibuf [dreg:s7], $0x5FFFF;
	_ =	strace $0x90000049  }
0x2a: {  	s29 =	simm.s32 $0x9;
	_ =	strace $0x8000004B  }
0x2b: {  	_ =	swait.ge [sflag:s29], $0x1  }
0x2c: {  	[sflag:s29] =	ssyncadd.s32 $0xFFFFFFFF  }
0x2d: {  	_ =	strace $0x9000004B  }
0x2e: {  	_ =	sfence  }
0x2f: {  	s30 =	sld [smem:$0x0];
	_ =	sdelay $0x2  }
0x30: {  	s31 =	sshll.u32 s1, $0xD;
	s1 =	sshrl.u32 s1, $0x2  }
0x31: {  	s3 =	sand.u32 $0x4000, s31;
	s1 =	sadd.s32 s1, s30  }
0x32: {  	s0 =	sor.u32 s3, s0;
	s1 =	sshll.u32 s1, $0x11  }
0x33: {  	s0 =	sor.u32 s1, s0  }
0x34: {  	s0 =	sadd.s32 $0x8F2B, s0  }
0x35: {  	[sflag:s0] =	ssyncadd.remote.s32 $0x1  }
0x36: {  	_ =	sfence.sel $0xFFFF  }
0x37: {  	[dreg:$0x0] =	wrdreg $0xFFFFFFFF;
	(pc) =	sbr.abs _section_cstart, $3  }
0x38: {  	[dreg:$0x1] =	wrdreg $0xFFFFFFFF  }
0x39: {  	_ =	task.clear_ibuf [dreg:s7], $0x2FFFF;
	_ =	strace $0x9FFFFFFF  }
0x3a: {  	(tm) =	ssettm $0x7FFFFFFF  }
0x3b: {  	_ =	shalt  }
tec
execute0_lowered:
.L_overlay_start_1:
0x0: {  	(tag) =	ssettag $0x1  }
0x1: {  	s0 =	srdreg.scid  }
0x2: {  	s1 =	sshll.u32 s0, $0x4  }
0x3: {  	s4 =	rddreg [dreg:$0x0];
	s0 =	stileid.u32;
	s1 =	sand.u32 $0x10, s1  }
0x4: {  	s2 =	rddreg [dreg:$0x1];
	s7 =	simm.s32 $0x1;
	s1 =	sor.u32 s0, s1  }
0x5: {  	s8 =	simm.s32 $0x2;
	s11 =	simm.s32 $0x0;
	s3 =	sshll.u32 s1, $0x7  }
0x6: {  	s10 =	simm.s32 $0x0;
	s4 =	sadd.s32 $0x800, s4;
	s6 =	ssub.s32 $0x190000, s3  }
.Ltmp0:
0x7: {  	s1 =	rddreg [dreg:$0x2];
	s5 =	sand.u32 $0xF80, s6;
	(pc) =	sbr.rel .LBB1_1-.Ltmp0, $4  }
0x8: {  	_ =	strace $0x8000004A;
	s9 =	smov.u32 s3;
	p0 =	sne.s32 s5, $0x0  }
0x9: {  	s6 =	sshrl.u32 s6, $0xC;
	s5 =	simm.s32 $0x1;
	s7 =	simm.s32 @!p0 $0x0  }
0xa: {  	[sflag:s5] =	ssyncpa.u1 $0x0;
	p0 =	por $0x0, $0x0;
	s6 =	sadd.s32 s7, s6  }
0xb: {  	[sflag:s8] =	ssyncpa.u1 $0x0;
	s8 =	simm.s32 $0xC80000;
	s7 =	sadd.s32 $0x1, s6  }
.LBB1_4:
0xc: {  	s14 =	sshll.u32 s11, $0x3  }
0xd: {  	s30 =	sand.u32 $0x7F, s11;
	s15 =	sand.u32 $0xFFFFFC00, s14  }
0xe: {  	s11 =	sor.u32 s30, s15  }
0xf: {  	s15 =	smulhi.u32 $0x51EB851F, s11  }
0x10: {  	s14 =	smulhi.u32 $0x51EB851F, s14  }
0x11: {  	s15 =	sshrl.u32 s15, $0x13  }
0x12: {  	s14 =	sshrl.u32 s14, $0x13;
	s15 =	smul.u32 $0x190000, s15  }
0x13: {  	s14 =	sand.u32 $0x3F, s14  }
0x14: {  	s14 =	smul.u32 $0x32000, s14;
	s11 =	ssub.s32 s11, s15  }
0x15: {  	[tilespmem:s13+$0x810 ss:$0x81] =	vst.msk $0xffff, v2;
	s15 =	sand.u32 $0x7, s11  }
0x16: {  	[tilespmem:s13+$0x1020 ss:$0x81] =	vst.msk $0xffff, v0;
	s14 =	sadd.s32 s2, s14;
	s11 =	sshrl.u32 s11, $0x3;
	s15 =	sshll.u32 s15, $0x12  }
0x17: {  	[tilespmem:s13+$0x0 ss:$0x81] =	vst.msk $0xffff, v1;
	s11 =	sadd.s32 s11, s14;
	s31 =	sor.u32 $0x400, s15  }
0x18: {  	[hbm4b:s11+s31] =	stream.strided.scatter [tilespmem:s12], [sflag:$0x2], $0x2000, s8, s31, $0x20;
	[tilespmem:$0x8080] =	vst v63  }
.LBB1_5:
0x19: {  	s13 =	sadd.s32 $0x1000, s9  }
0x1a: {  	p2 =	sgt.s32 s13, $0x18FFFF  }
0x1b: {  	s13 =	smov.u32 @p2 s3;
	p2 =	sne.s32 s10, s7  }
.Ltmp1:
0x1c: {  	p1 =	slt.u32 s10, $0x2;
	(pc) =	sbr.rel @!p2 .LBB1_6-.Ltmp1, $4  }
0x1d: {  	s12 =	simm.s32 @!p1 $0x2  }
0x1e: {  	s14 =	sadd.s32 $0x1, s10;
	_ =	swait.ge @!p1 [sflag:s12], $0x2000  }
0x1f: {  	s11 =	smov.u32 s9;
	p0 =	por !p0, !p0;
	[sflag:s12] =	ssyncset.done @!p1 $0x0  }
0x20: {  	s10 =	smov.u32 s14;
	s9 =	smov.u32 s13;
	[sflag:s12] =	ssyncadd.s32 @!p1 $0xFFFFE000  }
.LBB1_1:
0x21: {  	p1 =	sge.u32 s10, s6  }
0x22: {  	s12 =	sand.u32 @!p1 $0x1FFFFFF, s9  }
0x23: {  	s13 =	smulhi.u32 @!p1 $0x147AE15, s12;
	_ =	sdelay $0x1  }
0x24: {  	s13 =	sshrl.u32 @!p1 s13, $0xD  }
0x25: {  	s13 =	smul.u32 @!p1 $0x190000, s13;
	_ =	sdelay $0x1  }
0x26: {  	s31 =	sadd.s32 $0xFFFFFFFF, s10;
	s14 =	sxor.u32 @!p1 $0xFFFFFFFF, s10;
	s12 =	ssub.s32 @!p1 s12, s13  }
0x27: {  	s15 =	simm.s32 @!p1 $0x80;
	s14 =	sshll.u32 @!p1 s14, $0xD;
	s12 =	sshll.u32 @!p1 s12, $0x4  }
0x28: {  	s13 =	sand.u32 @!p1 $0x2000, s14;
	s14 =	simm.s32 @!p1 $0x40;
	s12 =	sadd.s32 @!p1 s4, s12  }
0x29: {  	[tilespmem:s13], [sflag:$0x1] =	stream.strided.gather @!p1 [hbm4b:s12+s14], $0x2000, s15, s14, $0x38;
	[tilespmem:$0x8080] =	vst v63  }
0x2a: {  	p1 =	sge.u32 s31, s6  }
.Ltmp2:
0x2b: {  	_ = 	snop;
	(pc) =	sbr.rel @p1 .LBB1_5-.Ltmp2, $1  }
0x2c: {  	_ =	sdelay $0x3  }
0x2d: {  	s12 =	simm.s32 $0x1  }
0x2e: {  	_ =	swait.ge [sflag:s5], $0x2000;
	s12 =	simm.s32 @!p0 $0x0  }
0x2f: {  	[sflag:s5] =	ssyncset.done $0x0;
	s13 =	sshll.u32 s12, $0xD  }
0x30: {  	[sflag:s5] =	ssyncadd.s32 $0xFFFFE000;
	s16 =	sor.u32 $0x20, s13  }
0x31: {  	s12 =	smul.u32 $0x8100, s12;
	v3 =	vld [tilespmem:s16+$0x10]  }
0x32: {  	s30 =	sand.u32 $0x1, s10;
	v2 =	vld [tilespmem:s16+$0xFFFFFFF0]  }
0x33: {  	s13 =	smul.u32 $0x8100, s30;
	s12 =	sshrl.u32 s12, $0x2;
	v0 =	vld [tilespmem:s16+$0x0]  }
0x34: {  	v1 =	vld [tilespmem:s16+$0xFFFFFFE0];
	s14 =	sor.u32 $0x4000, s12  }
0x35: {  	s31 =	sshrl.u32 s13, $0x2;
	s13 =	sadd.s32 $0x0, s14  }
0x36: {  	s15 =	simm.s32 $0x4;
	s16 =	sadd.s32 $0x40, s16;
	s12 =	sor.u32 $0x4000, s31;
	[tilespmem:s13+$0x1830 ss:$0x81] =	vst.msk $0xffff, v3  }
.LBB1_3:
0x37: {  	v3 =	vld [tilespmem:s16+$0x10];
	p1 =	sne.s32 s15, $0x1FC;
	[tilespmem:s13+$0x810 ss:$0x81] =	vst.msk $0xffff, v2;
	s17 =	smov.u32 s15;
	s15 =	sadd.s32 $0x4, s15  }
.Ltmp3:
0x38: {  	v2 =	vld [tilespmem:s16+$0xFFFFFFF0];
	[tilespmem:s13+$0x1020 ss:$0x81] =	vst.msk $0xffff, v0;
	(pc) =	sbr.rel @p1 .LBB1_3-.Ltmp3, $4  }
0x39: {  	v0 =	vld [tilespmem:s16+$0x0];
	[tilespmem:s13+$0x0 ss:$0x81] =	vst.msk $0xffff, v1  }
0x3a: {  	s13 =	sshra.s32 s17, $0x2;
	v1 =	vld [tilespmem:s16+$0xFFFFFFE0]  }
0x3b: {  	s13 =	sadd.s32 s13, s14  }
0x3c: {  	s16 =	sadd.s32 $0x40, s16;
	[tilespmem:s13+$0x1830 ss:$0x81] =	vst.msk $0xffff, v3  }
.Ltmp4:
0x3d: {  	_ = 	snop;
	(pc) =	sbr.rel .LBB1_4-.Ltmp4, $1  }
0x3e: {  	_ =	sdelay $0x3  }
.LBB1_6:
0x3f: {  	_ =	sfence.sel $0x180000  }
0x40: {  	s2 =	simm.s32 $0x1;
	[bflag:$0x0] =	sbarrier.arrive $0xFFFF  }
0x41: {  	s31 =	simm.s32 $0x2;
	[sflag:s2] =	ssyncpa.u1 $0x1  }
0x42: {  	[sflag:s31] =	ssyncpa.u1 $0x1  }
0x43: {  	p0 =	sne.s32 s0, $0x0;
	_ =	strace $0x9000004A  }
0x44: {  	s0 =	sadd.s32 @!p0 $0x100000, s1;
	[bflag:$0x2] =	sbarrier.arrive $0xFFFF  }
0x45: {  	[sflag:s0] =	ssyncadd.tile.s32 @!p0 $0x1;
	_ =	shalt  }
.Lfunc_end1:
_tile_overlayer_lowered:
.L_overlay_start_2:
0x46: {  	(tag) =	ssettag $0x2  }
0x47: {  	s0 =	rddreg [dreg:$0x0];
	s2 =	stileid.u32  }
0x48: {  	s1 =	rddreg [dreg:$0x1];
	p0 =	sne.s32 s2, $0x0  }
0x49: {  	s3 =	rddreg [dreg:$0x2];
	[bflag:$0x3] =	sbarrier.arrive $0xFFFF;
	s2 =	simm.s32 @!p0 $0x1C01  }
0x4a: {  	[timem:s3], [sflag:s2] =	dma.local @!p0 [hbm:s0], s1  }
0x4b: {  	s0 =	simm.s32 @!p0 $0x1  }
0x4c: {  	_ =	swait.ge @!p0 [sflag:s0], s1  }
0x4d: {  	s1 =	ssub.s32 @!p0 $0x0, s1;
	[sflag:s0] =	ssyncset.done @!p0 $0x0  }
0x4e: {  	[sflag:s0] =	ssyncadd.s32 @!p0 s1  }
0x4f: {  	[bflag:$0x3] =	sbarrier.arrive $0xFFFF  }
0x50: {  	_ =	shalt  }

</sc_bundles>
